<compile_context>
chip_gen: v7x
topology: tpu7x:2x2x1
jax: 0.10.2.dev20260603
libtpu: 0.0.44.dev20260713+nightly
codegen_flags: <defaults>
</compile_context>

<pallas_src>
import functools

import jax
import jax.numpy as jnp
from jax import lax
from jax.experimental import pallas as pl
from jax.experimental.pallas import tpu as pltpu
from jax.experimental.pallas import tpu_sc as plsc

_NUM_SEGMENTS = 100000
_LANE = 128
_NC = 2
_NS = 16
_NW = _NC * _NS
_KROWS = 16

_SP = ((_NUM_SEGMENTS + _NS * _LANE - 1) // (_NS * _LANE)) * (_NS * _LANE)
_STRIPE = _SP // _NS


def _make_sc_accumulate(rows_per_worker, nchunks):
    mesh = plsc.VectorSubcoreMesh(core_axis_name="c", subcore_axis_name="s")

    @functools.partial(
        pl.kernel,
        mesh=mesh,
        out_type=(
            jax.ShapeDtypeStruct((_NC, _SP), jnp.float32),
            jax.ShapeDtypeStruct((_NC, _SP), jnp.float32),
        ),
        scratch_types=[
            pltpu.VMEM((3, _KROWS, _LANE), jnp.float32),
            pltpu.VMEM((3, _KROWS, _LANE), jnp.int32),
            pltpu.VMEM((_LANE,), jnp.float32),
            pltpu.VMEM((_STRIPE,), jnp.float32),
            pltpu.VMEM_SHARED((_SP,), jnp.float32),
            pltpu.VMEM_SHARED((_SP,), jnp.float32),
            pltpu.SemaphoreType.DMA,
            pltpu.SemaphoreType.DMA,
            pltpu.SemaphoreType.DMA,
            pltpu.SemaphoreType.DMA,
            pltpu.SemaphoreType.DMA,
            pltpu.SemaphoreType.DMA,
        ],
    )
    def sc_k(e_hbm, id_hbm, psum_hbm, pcnt_hbm,
             ebuf, idbuf, ones, zbuf, sums_sh, cnts_sh,
             sem_l0, sem_l1, sem_l2, sem_s0, sem_s1, sem_s2):
        c = lax.axis_index("c")
        s = lax.axis_index("s")
        wid = s * _NC + c

        zero16 = jnp.zeros((16,), jnp.float32)
        for i in range(_LANE // 16):
            ones[pl.ds(i * 16, 16)] = zero16 + 1.0

        def zfill(i, carry):
            zbuf[pl.ds(i * 16, 16)] = zero16
            return carry

        lax.fori_loop(0, _STRIPE // 16, zfill, 0)
        pltpu.sync_copy(zbuf, sums_sh.at[pl.ds(s * _STRIPE, _STRIPE)])
        pltpu.sync_copy(zbuf, cnts_sh.at[pl.ds(s * _STRIPE, _STRIPE)])
        plsc.subcore_barrier()

        base = wid * rows_per_worker
        sem_l = (sem_l0, sem_l1, sem_l2)
        sem_s = (sem_s0, sem_s1, sem_s2)

        def start_loads(i, b):
            r0 = base + i * _KROWS
            pltpu.async_copy(e_hbm.at[pl.ds(r0, _KROWS)], ebuf.at[b], sem_l[b])
            pltpu.async_copy(id_hbm.at[pl.ds(r0, _KROWS)], idbuf.at[b], sem_l[b])

        def wait_loads(b):
            pltpu.make_async_copy(
                e_hbm.at[pl.ds(0, _KROWS)], ebuf.at[b], sem_l[b]).wait()
            pltpu.make_async_copy(
                id_hbm.at[pl.ds(0, _KROWS)], idbuf.at[b], sem_l[b]).wait()

        start_loads(0, 0)
        start_loads(1, 1)
        start_loads(2, 2)

        def drain_chunk(b):
            for j in range(_KROWS):
                pltpu.make_async_copy(
                    ebuf.at[b, j], sums_sh.at[idbuf.at[b, j]],
                    sem_s[b]).wait()
                pltpu.make_async_copy(
                    ones, cnts_sh.at[idbuf.at[b, j]], sem_s[b]).wait()

        def triple(k, carry):
            for b in range(3):
                i = k * 3 + b
                bp = (b + 2) % 3
                wait_loads(b)
                for j in range(_KROWS):
                    pltpu.async_copy(
                        ebuf.at[b, j], sums_sh.at[idbuf.at[b, j]], sem_s[b],
                        add=True)
                    pltpu.async_copy(
                        ones, cnts_sh.at[idbuf.at[b, j]], sem_s[b], add=True)

                @pl.when(i >= 1)
                def _():
                    drain_chunk(bp)

                @pl.when(jnp.logical_and(i >= 1, i + 2 < nchunks))
                def _():
                    start_loads(i + 2, bp)
            return carry

        lax.fori_loop(0, nchunks // 3, triple, 0)
        drain_chunk((nchunks - 1) % 3)
        plsc.subcore_barrier()

        sl = pl.ds(s * _STRIPE, _STRIPE)
        pltpu.sync_copy(sums_sh.at[sl], psum_hbm.at[c, sl])
        pltpu.sync_copy(cnts_sh.at[sl], pcnt_hbm.at[c, sl])

    return sc_k


def _tc_finalize(ps_ref, pc_ref, o_ref):
    total = ps_ref[0] + ps_ref[1]
    count = pc_ref[0] + pc_ref[1]
    o_ref[...] = total / jnp.maximum(count, 1.0)


def kernel(site_energy, segment_ids, num_crystals):
    n = site_energy.shape[0]
    flat = site_energy.reshape(n)

    block = _NW * _KROWS * _LANE * 3
    n_pad = ((n + block - 1) // block) * block
    pad = n_pad - n
    flat = jnp.pad(flat, (0, pad))
    ids = jnp.pad(segment_ids, (0, pad), constant_values=_NUM_SEGMENTS)

    rows = n_pad // _LANE
    rows_per_worker = rows // _NW
    nchunks = rows_per_worker // _KROWS

    e2d = flat.reshape(rows, _LANE)
    id2d = ids.reshape(rows, _LANE)

    psum, pcnt = _make_sc_accumulate(rows_per_worker, nchunks)(e2d, id2d)

    srows = _SP // _LANE
    mean2d = pl.pallas_call(
        _tc_finalize,
        out_shape=jax.ShapeDtypeStruct((srows, _LANE), jnp.float32),
    )(psum.reshape(_NC, srows, _LANE), pcnt.reshape(_NC, srows, _LANE))

    return mean2d.reshape(_SP)[:_NUM_SEGMENTS, None]

# --- scband reference (transcript-rebuilt; emitter-appended) ---
"""Pipeline reference for scband-variable-mean-pool-82712480186793 (READ-ONLY COPY).

The authoritative reference and input builder live on the scoring server;
editing this copy changes nothing except your own understanding.
"""

import jax, jax.numpy as jnp
import numpy as np

N = 6400000
NUM_CRYSTALS = 100000

def setup_inputs(seed: int = 0) -> dict:
    key = jax.random.key(seed)
    k1, k2 = jax.random.split(key)
    site_energy = jax.random.normal(k1, (N, 1), dtype=jnp.float32)
    segment_ids = jnp.sort(jax.random.randint(k2, (N,), 0, NUM_CRYSTALS, dtype=jnp.int32))
    return {"site_energy": site_energy, "segment_ids": segment_ids, "num_crystals": NUM_CRYSTALS}

def reference(site_energy, segment_ids, num_crystals):
    flat_E = site_energy.squeeze(-1)
    total_E = jax.ops.segment_sum(flat_E, segment_ids, num_segments=NUM_CRYSTALS)
    ones = jnp.ones_like(flat_E)
    counts = jax.ops.segment_sum(ones, segment_ids, num_segments=NUM_CRYSTALS)
    counts = counts + 0 * jnp.asarray(num_crystals, dtype=counts.dtype)
    mean_E = total_E / jnp.maximum(counts, 1.0)
    return mean_E[:, None]

if __name__ == "__main__":
    import jax
    _d = setup_inputs()
    print(jax.jit(kernel)(*tuple(_d.values())))

</pallas_src>

<mosaic_0001>
#map = affine_map<(d0, d1) -> (0, 0)>
module attributes {stable_mosaic.version = 14 : i64} {
  func.func @sc_k(%arg0: i32, %arg1: i32, %arg2: memref<50688x128xf32, #tpu.memory_space<hbm>>, %arg3: memref<50688x128xi32, #tpu.memory_space<hbm>>, %arg4: memref<2x100352xf32, #tpu.memory_space<hbm>>, %arg5: memref<2x100352xf32, #tpu.memory_space<hbm>>, %arg6: memref<3x16x128xf32, #tpu.memory_space<vmem>>, %arg7: memref<3x16x128xi32, #tpu.memory_space<vmem>>, %arg8: memref<128xf32, #tpu.memory_space<vmem>>, %arg9: memref<6272xf32, #tpu.memory_space<vmem>>, %arg10: memref<100352xf32, #tpu.memory_space<vmem_shared>>, %arg11: memref<100352xf32, #tpu.memory_space<vmem_shared>>, %arg12: memref<!tpu.dma_semaphore, #tpu.memory_space<semaphore_mem>>, %arg13: memref<!tpu.dma_semaphore, #tpu.memory_space<semaphore_mem>>, %arg14: memref<!tpu.dma_semaphore, #tpu.memory_space<semaphore_mem>>, %arg15: memref<!tpu.dma_semaphore, #tpu.memory_space<semaphore_mem>>, %arg16: memref<!tpu.dma_semaphore, #tpu.memory_space<semaphore_mem>>, %arg17: memref<!tpu.dma_semaphore, #tpu.memory_space<semaphore_mem>>) attributes {dimension_semantics = [#tpu.dimension_semantics<core_parallel>, #tpu.dimension_semantics<subcore_parallel>], iteration_bounds = array<i64: 2, 16>, scalar_prefetch = 0 : i64, scratch_operands = 12 : i64, tpu.core_type = #tpu.core_type<sc_vector_subcore>, window_params = [{transform_indices = #map}, {transform_indices = #map}, {transform_indices = #map}, {transform_indices = #map}]} {
    %mul3A = arith.constant 2 : i32
    %mul3A_0 = arith.muli %arg1, %mul3A : i32
    %add3A = arith.addi %mul3A_0, %arg0 : i32
    %broadcast_in_dim3A = arith.constant 0.000000e+00 : f32
    %broadcast_in_dim3A_1 = vector.broadcast %broadcast_in_dim3A : f32 to vector<16xf32>
    %add3A_2 = arith.constant 1.000000e+00 : f32
    %add3A_3 = vector.broadcast %add3A_2 : f32 to vector<16xf32>
    %add3A_4 = arith.addf %broadcast_in_dim3A_1, %add3A_3 : vector<16xf32>
    %swap3A = arith.constant 0 : index
    %swap3A_5 = tpu.vector_load %arg8[%swap3A] {strides = array<i32>} : memref<128xf32, #tpu.memory_space<vmem>>, vector<16xf32>,
    %swap3A_6 = vector.shape_cast %swap3A_5 : vector<16xf32> to vector<16xf32>
    %swap3A_7 = vector.shape_cast %add3A_4 : vector<16xf32> to vector<16xf32>
    tpu.vector_store %arg8[%swap3A], %swap3A_7 {strides = array<i32>} : memref<128xf32, #tpu.memory_space<vmem>>, vector<16xf32>,
    %add3A_8 = arith.constant 1.000000e+00 : f32
    %add3A_9 = vector.broadcast %add3A_8 : f32 to vector<16xf32>
    %add3A_10 = arith.addf %broadcast_in_dim3A_1, %add3A_9 : vector<16xf32>
    %swap3A_11 = arith.constant 16 : index
    %swap3A_12 = tpu.vector_load %arg8[%swap3A_11] {strides = array<i32>} : memref<128xf32, #tpu.memory_space<vmem>>, vector<16xf32>,
    %swap3A_13 = vector.shape_cast %swap3A_12 : vector<16xf32> to vector<16xf32>
    %swap3A_14 = vector.shape_cast %add3A_10 : vector<16xf32> to vector<16xf32>
    tpu.vector_store %arg8[%swap3A_11], %swap3A_14 {strides = array<i32>} : memref<128xf32, #tpu.memory_space<vmem>>, vector<16xf32>,
    %add3A_15 = arith.constant 1.000000e+00 : f32
    %add3A_16 = vector.broadcast %add3A_15 : f32 to vector<16xf32>
    %add3A_17 = arith.addf %broadcast_in_dim3A_1, %add3A_16 : vector<16xf32>
    %swap3A_18 = arith.constant 32 : index
    %swap3A_19 = tpu.vector_load %arg8[%swap3A_18] {strides = array<i32>} : memref<128xf32, #tpu.memory_space<vmem>>, vector<16xf32>,
    %swap3A_20 = vector.shape_cast %swap3A_19 : vector<16xf32> to vector<16xf32>
    %swap3A_21 = vector.shape_cast %add3A_17 : vector<16xf32> to vector<16xf32>
    tpu.vector_store %arg8[%swap3A_18], %swap3A_21 {strides = array<i32>} : memref<128xf32, #tpu.memory_space<vmem>>, vector<16xf32>,
    %add3A_22 = arith.constant 1.000000e+00 : f32
    %add3A_23 = vector.broadcast %add3A_22 : f32 to vector<16xf32>
    %add3A_24 = arith.addf %broadcast_in_dim3A_1, %add3A_23 : vector<16xf32>
    %swap3A_25 = arith.constant 48 : index
    %swap3A_26 = tpu.vector_load %arg8[%swap3A_25] {strides = array<i32>} : memref<128xf32, #tpu.memory_space<vmem>>, vector<16xf32>,
    %swap3A_27 = vector.shape_cast %swap3A_26 : vector<16xf32> to vector<16xf32>
    %swap3A_28 = vector.shape_cast %add3A_24 : vector<16xf32> to vector<16xf32>
    tpu.vector_store %arg8[%swap3A_25], %swap3A_28 {strides = array<i32>} : memref<128xf32, #tpu.memory_space<vmem>>, vector<16xf32>,
    %add3A_29 = arith.constant 1.000000e+00 : f32
    %add3A_30 = vector.broadcast %add3A_29 : f32 to vector<16xf32>
    %add3A_31 = arith.addf %broadcast_in_dim3A_1, %add3A_30 : vector<16xf32>
    %swap3A_32 = arith.constant 64 : index
    %swap3A_33 = tpu.vector_load %arg8[%swap3A_32] {strides = array<i32>} : memref<128xf32, #tpu.memory_space<vmem>>, vector<16xf32>,
    %swap3A_34 = vector.shape_cast %swap3A_33 : vector<16xf32> to vector<16xf32>
    %swap3A_35 = vector.shape_cast %add3A_31 : vector<16xf32> to vector<16xf32>
    tpu.vector_store %arg8[%swap3A_32], %swap3A_35 {strides = array<i32>} : memref<128xf32, #tpu.memory_space<vmem>>, vector<16xf32>,
    %add3A_36 = arith.constant 1.000000e+00 : f32
    %add3A_37 = vector.broadcast %add3A_36 : f32 to vector<16xf32>
    %add3A_38 = arith.addf %broadcast_in_dim3A_1, %add3A_37 : vector<16xf32>
    %swap3A_39 = arith.constant 80 : index
    %swap3A_40 = tpu.vector_load %arg8[%swap3A_39] {strides = array<i32>} : memref<128xf32, #tpu.memory_space<vmem>>, vector<16xf32>,
    %swap3A_41 = vector.shape_cast %swap3A_40 : vector<16xf32> to vector<16xf32>
    %swap3A_42 = vector.shape_cast %add3A_38 : vector<16xf32> to vector<16xf32>
    tpu.vector_store %arg8[%swap3A_39], %swap3A_42 {strides = array<i32>} : memref<128xf32, #tpu.memory_space<vmem>>, vector<16xf32>,
    %add3A_43 = arith.constant 1.000000e+00 : f32
    %add3A_44 = vector.broadcast %add3A_43 : f32 to vector<16xf32>
    %add3A_45 = arith.addf %broadcast_in_dim3A_1, %add3A_44 : vector<16xf32>
    %swap3A_46 = arith.constant 96 : index
    %swap3A_47 = tpu.vector_load %arg8[%swap3A_46] {strides = array<i32>} : memref<128xf32, #tpu.memory_space<vmem>>, vector<16xf32>,
    %swap3A_48 = vector.shape_cast %swap3A_47 : vector<16xf32> to vector<16xf32>
    %swap3A_49 = vector.shape_cast %add3A_45 : vector<16xf32> to vector<16xf32>
    tpu.vector_store %arg8[%swap3A_46], %swap3A_49 {strides = array<i32>} : memref<128xf32, #tpu.memory_space<vmem>>, vector<16xf32>,
    %add3A_50 = arith.constant 1.000000e+00 : f32
    %add3A_51 = vector.broadcast %add3A_50 : f32 to vector<16xf32>
    %add3A_52 = arith.addf %broadcast_in_dim3A_1, %add3A_51 : vector<16xf32>
    %swap3A_53 = arith.constant 112 : index
    %swap3A_54 = tpu.vector_load %arg8[%swap3A_53] {strides = array<i32>} : memref<128xf32, #tpu.memory_space<vmem>>, vector<16xf32>,
    %swap3A_55 = vector.shape_cast %swap3A_54 : vector<16xf32> to vector<16xf32>
    %swap3A_56 = vector.shape_cast %add3A_52 : vector<16xf32> to vector<16xf32>
    tpu.vector_store %arg8[%swap3A_53], %swap3A_56 {strides = array<i32>} : memref<128xf32, #tpu.memory_space<vmem>>, vector<16xf32>,
    %scan3A = arith.constant 0 : i32
    %scan3A_57 = arith.constant 0 : i32
    %scan3A_58 = arith.constant 392 : i32
    %scan3A_59 = arith.addi %scan3A_57, %scan3A_58 : i32
    %scan3A_60 = arith.constant 1 : i32
    scf.for %scan3A_463 = %scan3A_57 to %scan3A_59 step %scan3A_60  : i32 {
      %mul3A_464 = arith.constant 16 : i32
      %mul3A_465 = arith.muli %scan3A_463, %mul3A_464 : i32
      %swap3A_466 = arith.index_cast %mul3A_465 : i32 to index
      %swap3A_467 = tpu.vector_load %arg9[%swap3A_466] {strides = array<i32>} : memref<6272xf32, #tpu.memory_space<vmem>>, vector<16xf32>,
      %swap3A_468 = vector.shape_cast %swap3A_467 : vector<16xf32> to vector<16xf32>
      %swap3A_469 = vector.shape_cast %broadcast_in_dim3A_1 : vector<16xf32> to vector<16xf32>
      tpu.vector_store %arg9[%swap3A_466], %swap3A_469 {strides = array<i32>} : memref<6272xf32, #tpu.memory_space<vmem>>, vector<16xf32>,
    }
    %scan3A_61 = arith.constant 392 : i32
    %mul3A_62 = arith.constant 6272 : i32
    %mul3A_63 = arith.muli %arg1, %mul3A_62 : i32
    "tpu.region"() ({
      %run_scoped3A = tpu.sem_alloc : memref<!tpu.dma_semaphore, #tpu.memory_space<semaphore_mem>>
      %dma_start3A_463 = tpu.memref_slice %arg10[%mul3A_63] : memref<100352xf32, #tpu.memory_space<vmem_shared>> -> memref<6272xf32, #tpu.memory_space<vmem_shared>>
      %dma_start3A_464 = tpu.memref_slice %arg10[%mul3A_63] : memref<100352xf32, #tpu.memory_space<vmem_shared>> -> memref<6272xf32, #tpu.memory_space<vmem_shared>>
      tpu.enqueue_dma source(%arg9 : memref<6272xf32, #tpu.memory_space<vmem>>) target(%dma_start3A_464 : memref<6272xf32, #tpu.memory_space<vmem_shared>>) target_semaphore(%run_scoped3A : memref<!tpu.dma_semaphore, #tpu.memory_space<semaphore_mem>>)
      %dma_wait3A_465 = tpu.memref_slice %arg10[%mul3A_63] : memref<100352xf32, #tpu.memory_space<vmem_shared>> -> memref<6272xf32, #tpu.memory_space<vmem_shared>>
      %dma_wait3A_466 = tpu.memref_slice %arg10[%mul3A_63] : memref<100352xf32, #tpu.memory_space<vmem_shared>> -> memref<6272xf32, #tpu.memory_space<vmem_shared>>
      tpu.wait_dma2 semaphore(%run_scoped3A : memref<!tpu.dma_semaphore, #tpu.memory_space<semaphore_mem>>) src(%arg9 : memref<6272xf32, #tpu.memory_space<vmem>>) dst(%dma_wait3A_466 : memref<6272xf32, #tpu.memory_space<vmem_shared>>)
      tpu.yield
    }) : () -> ()
    %mul3A_64 = arith.constant 6272 : i32
    %mul3A_65 = arith.muli %arg1, %mul3A_64 : i32
    "tpu.region"() ({
      %run_scoped3A = tpu.sem_alloc : memref<!tpu.dma_semaphore, #tpu.memory_space<semaphore_mem>>
      %dma_start3A_463 = tpu.memref_slice %arg11[%mul3A_65] : memref<100352xf32, #tpu.memory_space<vmem_shared>> -> memref<6272xf32, #tpu.memory_space<vmem_shared>>
      %dma_start3A_464 = tpu.memref_slice %arg11[%mul3A_65] : memref<100352xf32, #tpu.memory_space<vmem_shared>> -> memref<6272xf32, #tpu.memory_space<vmem_shared>>
      tpu.enqueue_dma source(%arg9 : memref<6272xf32, #tpu.memory_space<vmem>>) target(%dma_start3A_464 : memref<6272xf32, #tpu.memory_space<vmem_shared>>) target_semaphore(%run_scoped3A : memref<!tpu.dma_semaphore, #tpu.memory_space<semaphore_mem>>)
      %dma_wait3A_465 = tpu.memref_slice %arg11[%mul3A_65] : memref<100352xf32, #tpu.memory_space<vmem_shared>> -> memref<6272xf32, #tpu.memory_space<vmem_shared>>
      %dma_wait3A_466 = tpu.memref_slice %arg11[%mul3A_65] : memref<100352xf32, #tpu.memory_space<vmem_shared>> -> memref<6272xf32, #tpu.memory_space<vmem_shared>>
      tpu.wait_dma2 semaphore(%run_scoped3A : memref<!tpu.dma_semaphore, #tpu.memory_space<semaphore_mem>>) src(%arg9 : memref<6272xf32, #tpu.memory_space<vmem>>) dst(%dma_wait3A_466 : memref<6272xf32, #tpu.memory_space<vmem_shared>>)
      tpu.yield
    }) : () -> ()
    %barrier3A = arith.constant 0 : index
    tpu.barrier barrier_id(%barrier3A)
    %mul3A_66 = arith.constant 1584 : i32
    %mul3A_67 = arith.muli %add3A, %mul3A_66 : i32
    %add3A_68 = arith.constant 0 : i32
    %add3A_69 = arith.addi %mul3A_67, %add3A_68 : i32
    %dma_start3A = arith.constant 0 : i32
    %dma_start3A_70 = arith.constant 0 : i32
    %dma_start3A_71 = arith.constant 0 : i32
    %dma_start3A_72 = tpu.memref_slice %arg6[%dma_start3A, %dma_start3A_70, %dma_start3A_71] : memref<3x16x128xf32, #tpu.memory_space<vmem>> -> memref<1x16x128xf32, #tpu.memory_space<vmem>>
    %dma_start3A_73 = tpu.memref_squeeze %dma_start3A_72 : memref<1x16x128xf32, #tpu.memory_space<vmem>> -> memref<16x128xf32, #tpu.memory_space<vmem>>
    %dma_start3A_74 = arith.constant 0 : i32
    %dma_start3A_75 = tpu.memref_slice %arg2[%add3A_69, %dma_start3A_74] : memref<50688x128xf32, #tpu.memory_space<hbm>> -> memref<16x128xf32, #tpu.memory_space<hbm>>
    %dma_start3A_76 = arith.constant 0 : i32
    %dma_start3A_77 = arith.constant 0 : i32
    %dma_start3A_78 = tpu.memref_slice %arg6[%dma_start3A, %dma_start3A_76, %dma_start3A_77] : memref<3x16x128xf32, #tpu.memory_space<vmem>> -> memref<1x16x128xf32, #tpu.memory_space<vmem>>
    %dma_start3A_79 = tpu.memref_squeeze %dma_start3A_78 : memref<1x16x128xf32, #tpu.memory_space<vmem>> -> memref<16x128xf32, #tpu.memory_space<vmem>>
    %dma_start3A_80 = arith.constant 0 : i32
    %dma_start3A_81 = tpu.memref_slice %arg2[%add3A_69, %dma_start3A_80] : memref<50688x128xf32, #tpu.memory_space<hbm>> -> memref<16x128xf32, #tpu.memory_space<hbm>>
    tpu.enqueue_dma source(%dma_start3A_81 : memref<16x128xf32, #tpu.memory_space<hbm>>) target(%dma_start3A_79 : memref<16x128xf32, #tpu.memory_space<vmem>>) target_semaphore(%arg12 : memref<!tpu.dma_semaphore, #tpu.memory_space<semaphore_mem>>)
    %dma_start3A_82 = arith.constant 0 : i32
    %dma_start3A_83 = arith.constant 0 : i32
    %dma_start3A_84 = arith.constant 0 : i32
    %dma_start3A_85 = tpu.memref_slice %arg7[%dma_start3A_82, %dma_start3A_83, %dma_start3A_84] : memref<3x16x128xi32, #tpu.memory_space<vmem>> -> memref<1x16x128xi32, #tpu.memory_space<vmem>>
    %dma_start3A_86 = tpu.memref_squeeze %dma_start3A_85 : memref<1x16x128xi32, #tpu.memory_space<vmem>> -> memref<16x128xi32, #tpu.memory_space<vmem>>
    %dma_start3A_87 = arith.constant 0 : i32
    %dma_start3A_88 = tpu.memref_slice %arg3[%add3A_69, %dma_start3A_87] : memref<50688x128xi32, #tpu.memory_space<hbm>> -> memref<16x128xi32, #tpu.memory_space<hbm>>
    %dma_start3A_89 = arith.constant 0 : i32
    %dma_start3A_90 = arith.constant 0 : i32
    %dma_start3A_91 = tpu.memref_slice %arg7[%dma_start3A_82, %dma_start3A_89, %dma_start3A_90] : memref<3x16x128xi32, #tpu.memory_space<vmem>> -> memref<1x16x128xi32, #tpu.memory_space<vmem>>
    %dma_start3A_92 = tpu.memref_squeeze %dma_start3A_91 : memref<1x16x128xi32, #tpu.memory_space<vmem>> -> memref<16x128xi32, #tpu.memory_space<vmem>>
    %dma_start3A_93 = arith.constant 0 : i32
    %dma_start3A_94 = tpu.memref_slice %arg3[%add3A_69, %dma_start3A_93] : memref<50688x128xi32, #tpu.memory_space<hbm>> -> memref<16x128xi32, #tpu.memory_space<hbm>>
    tpu.enqueue_dma source(%dma_start3A_94 : memref<16x128xi32, #tpu.memory_space<hbm>>) target(%dma_start3A_92 : memref<16x128xi32, #tpu.memory_space<vmem>>) target_semaphore(%arg12 : memref<!tpu.dma_semaphore, #tpu.memory_space<semaphore_mem>>)
    %add3A_95 = arith.constant 16 : i32
    %add3A_96 = arith.addi %mul3A_67, %add3A_95 : i32
    %dma_start3A_97 = arith.constant 1 : i32
    %dma_start3A_98 = arith.constant 0 : i32
    %dma_start3A_99 = arith.constant 0 : i32
    %dma_start3A_100 = tpu.memref_slice %arg6[%dma_start3A_97, %dma_start3A_98, %dma_start3A_99] : memref<3x16x128xf32, #tpu.memory_space<vmem>> -> memref<1x16x128xf32, #tpu.memory_space<vmem>>
    %dma_start3A_101 = tpu.memref_squeeze %dma_start3A_100 : memref<1x16x128xf32, #tpu.memory_space<vmem>> -> memref<16x128xf32, #tpu.memory_space<vmem>>
    %dma_start3A_102 = arith.constant 0 : i32
    %dma_start3A_103 = tpu.memref_slice %arg2[%add3A_96, %dma_start3A_102] : memref<50688x128xf32, #tpu.memory_space<hbm>> -> memref<16x128xf32, #tpu.memory_space<hbm>>
    %dma_start3A_104 = arith.constant 0 : i32
    %dma_start3A_105 = arith.constant 0 : i32
    %dma_start3A_106 = tpu.memref_slice %arg6[%dma_start3A_97, %dma_start3A_104, %dma_start3A_105] : memref<3x16x128xf32, #tpu.memory_space<vmem>> -> memref<1x16x128xf32, #tpu.memory_space<vmem>>
    %dma_start3A_107 = tpu.memref_squeeze %dma_start3A_106 : memref<1x16x128xf32, #tpu.memory_space<vmem>> -> memref<16x128xf32, #tpu.memory_space<vmem>>
    %dma_start3A_108 = arith.constant 0 : i32
    %dma_start3A_109 = tpu.memref_slice %arg2[%add3A_96, %dma_start3A_108] : memref<50688x128xf32, #tpu.memory_space<hbm>> -> memref<16x128xf32, #tpu.memory_space<hbm>>
    tpu.enqueue_dma source(%dma_start3A_109 : memref<16x128xf32, #tpu.memory_space<hbm>>) target(%dma_start3A_107 : memref<16x128xf32, #tpu.memory_space<vmem>>) target_semaphore(%arg13 : memref<!tpu.dma_semaphore, #tpu.memory_space<semaphore_mem>>)
    %dma_start3A_110 = arith.constant 1 : i32
    %dma_start3A_111 = arith.constant 0 : i32
    %dma_start3A_112 = arith.constant 0 : i32
    %dma_start3A_113 = tpu.memref_slice %arg7[%dma_start3A_110, %dma_start3A_111, %dma_start3A_112] : memref<3x16x128xi32, #tpu.memory_space<vmem>> -> memref<1x16x128xi32, #tpu.memory_space<vmem>>
    %dma_start3A_114 = tpu.memref_squeeze %dma_start3A_113 : memref<1x16x128xi32, #tpu.memory_space<vmem>> -> memref<16x128xi32, #tpu.memory_space<vmem>>
    %dma_start3A_115 = arith.constant 0 : i32
    %dma_start3A_116 = tpu.memref_slice %arg3[%add3A_96, %dma_start3A_115] : memref<50688x128xi32, #tpu.memory_space<hbm>> -> memref<16x128xi32, #tpu.memory_space<hbm>>
    %dma_start3A_117 = arith.constant 0 : i32
    %dma_start3A_118 = arith.constant 0 : i32
    %dma_start3A_119 = tpu.memref_slice %arg7[%dma_start3A_110, %dma_start3A_117, %dma_start3A_118] : memref<3x16x128xi32, #tpu.memory_space<vmem>> -> memref<1x16x128xi32, #tpu.memory_space<vmem>>
    %dma_start3A_120 = tpu.memref_squeeze %dma_start3A_119 : memref<1x16x128xi32, #tpu.memory_space<vmem>> -> memref<16x128xi32, #tpu.memory_space<vmem>>
    %dma_start3A_121 = arith.constant 0 : i32
    %dma_start3A_122 = tpu.memref_slice %arg3[%add3A_96, %dma_start3A_121] : memref<50688x128xi32, #tpu.memory_space<hbm>> -> memref<16x128xi32, #tpu.memory_space<hbm>>
    tpu.enqueue_dma source(%dma_start3A_122 : memref<16x128xi32, #tpu.memory_space<hbm>>) target(%dma_start3A_120 : memref<16x128xi32, #tpu.memory_space<vmem>>) target_semaphore(%arg13 : memref<!tpu.dma_semaphore, #tpu.memory_space<semaphore_mem>>)
    %add3A_123 = arith.constant 32 : i32
    %add3A_124 = arith.addi %mul3A_67, %add3A_123 : i32
    %dma_start3A_125 = arith.constant 2 : i32
    %dma_start3A_126 = arith.constant 0 : i32
    %dma_start3A_127 = arith.constant 0 : i32
    %dma_start3A_128 = tpu.memref_slice %arg6[%dma_start3A_125, %dma_start3A_126, %dma_start3A_127] : memref<3x16x128xf32, #tpu.memory_space<vmem>> -> memref<1x16x128xf32, #tpu.memory_space<vmem>>
    %dma_start3A_129 = tpu.memref_squeeze %dma_start3A_128 : memref<1x16x128xf32, #tpu.memory_space<vmem>> -> memref<16x128xf32, #tpu.memory_space<vmem>>
    %dma_start3A_130 = arith.constant 0 : i32
    %dma_start3A_131 = tpu.memref_slice %arg2[%add3A_124, %dma_start3A_130] : memref<50688x128xf32, #tpu.memory_space<hbm>> -> memref<16x128xf32, #tpu.memory_space<hbm>>
    %dma_start3A_132 = arith.constant 0 : i32
    %dma_start3A_133 = arith.constant 0 : i32
    %dma_start3A_134 = tpu.memref_slice %arg6[%dma_start3A_125, %dma_start3A_132, %dma_start3A_133] : memref<3x16x128xf32, #tpu.memory_space<vmem>> -> memref<1x16x128xf32, #tpu.memory_space<vmem>>
    %dma_start3A_135 = tpu.memref_squeeze %dma_start3A_134 : memref<1x16x128xf32, #tpu.memory_space<vmem>> -> memref<16x128xf32, #tpu.memory_space<vmem>>
    %dma_start3A_136 = arith.constant 0 : i32
    %dma_start3A_137 = tpu.memref_slice %arg2[%add3A_124, %dma_start3A_136] : memref<50688x128xf32, #tpu.memory_space<hbm>> -> memref<16x128xf32, #tpu.memory_space<hbm>>
    tpu.enqueue_dma source(%dma_start3A_137 : memref<16x128xf32, #tpu.memory_space<hbm>>) target(%dma_start3A_135 : memref<16x128xf32, #tpu.memory_space<vmem>>) target_semaphore(%arg14 : memref<!tpu.dma_semaphore, #tpu.memory_space<semaphore_mem>>)
    %dma_start3A_138 = arith.constant 2 : i32
    %dma_start3A_139 = arith.constant 0 : i32
    %dma_start3A_140 = arith.constant 0 : i32
    %dma_start3A_141 = tpu.memref_slice %arg7[%dma_start3A_138, %dma_start3A_139, %dma_start3A_140] : memref<3x16x128xi32, #tpu.memory_space<vmem>> -> memref<1x16x128xi32, #tpu.memory_space<vmem>>
    %dma_start3A_142 = tpu.memref_squeeze %dma_start3A_141 : memref<1x16x128xi32, #tpu.memory_space<vmem>> -> memref<16x128xi32, #tpu.memory_space<vmem>>
    %dma_start3A_143 = arith.constant 0 : i32
    %dma_start3A_144 = tpu.memref_slice %arg3[%add3A_124, %dma_start3A_143] : memref<50688x128xi32, #tpu.memory_space<hbm>> -> memref<16x128xi32, #tpu.memory_space<hbm>>
    %dma_start3A_145 = arith.constant 0 : i32
    %dma_start3A_146 = arith.constant 0 : i32
    %dma_start3A_147 = tpu.memref_slice %arg7[%dma_start3A_138, %dma_start3A_145, %dma_start3A_146] : memref<3x16x128xi32, #tpu.memory_space<vmem>> -> memref<1x16x128xi32, #tpu.memory_space<vmem>>
    %dma_start3A_148 = tpu.memref_squeeze %dma_start3A_147 : memref<1x16x128xi32, #tpu.memory_space<vmem>> -> memref<16x128xi32, #tpu.memory_space<vmem>>
    %dma_start3A_149 = arith.constant 0 : i32
    %dma_start3A_150 = tpu.memref_slice %arg3[%add3A_124, %dma_start3A_149] : memref<50688x128xi32, #tpu.memory_space<hbm>> -> memref<16x128xi32, #tpu.memory_space<hbm>>
    tpu.enqueue_dma source(%dma_start3A_150 : memref<16x128xi32, #tpu.memory_space<hbm>>) target(%dma_start3A_148 : memref<16x128xi32, #tpu.memory_space<vmem>>) target_semaphore(%arg14 : memref<!tpu.dma_semaphore, #tpu.memory_space<semaphore_mem>>)
    %scan3A_151 = arith.constant 0 : i32
    %scan3A_152 = arith.constant 0 : i32
    %scan3A_153 = arith.constant 33 : i32
    %scan3A_154 = arith.addi %scan3A_152, %scan3A_153 : i32
    %scan3A_155 = arith.constant 1 : i32
    scf.for %scan3A_463 = %scan3A_152 to %scan3A_154 step %scan3A_155  : i32 {
      %mul3A_464 = arith.constant 3 : i32
      %mul3A_465 = arith.muli %scan3A_463, %mul3A_464 : i32
      %add3A_466 = arith.constant 0 : i32
      %add3A_467 = arith.addi %mul3A_465, %add3A_466 : i32
      %dma_wait3A_468 = arith.constant 0 : i32
      %dma_wait3A_469 = arith.constant 0 : i32
      %dma_wait3A_470 = arith.constant 0 : i32
      %dma_wait3A_471 = tpu.memref_slice %arg6[%dma_wait3A_468, %dma_wait3A_469, %dma_wait3A_470] : memref<3x16x128xf32, #tpu.memory_space<vmem>> -> memref<1x16x128xf32, #tpu.memory_space<vmem>>
      %dma_wait3A_472 = tpu.memref_squeeze %dma_wait3A_471 : memref<1x16x128xf32, #tpu.memory_space<vmem>> -> memref<16x128xf32, #tpu.memory_space<vmem>>
      %dma_wait3A_473 = arith.constant 0 : i32
      %dma_wait3A_474 = arith.constant 0 : i32
      %dma_wait3A_475 = tpu.memref_slice %arg2[%dma_wait3A_473, %dma_wait3A_474] : memref<50688x128xf32, #tpu.memory_space<hbm>> -> memref<16x128xf32, #tpu.memory_space<hbm>>
      %dma_wait3A_476 = arith.constant 0 : i32
      %dma_wait3A_477 = arith.constant 0 : i32
      %dma_wait3A_478 = tpu.memref_slice %arg6[%dma_wait3A_468, %dma_wait3A_476, %dma_wait3A_477] : memref<3x16x128xf32, #tpu.memory_space<vmem>> -> memref<1x16x128xf32, #tpu.memory_space<vmem>>
      %dma_wait3A_479 = tpu.memref_squeeze %dma_wait3A_478 : memref<1x16x128xf32, #tpu.memory_space<vmem>> -> memref<16x128xf32, #tpu.memory_space<vmem>>
      %dma_wait3A_480 = arith.constant 0 : i32
      %dma_wait3A_481 = arith.constant 0 : i32
      %dma_wait3A_482 = tpu.memref_slice %arg2[%dma_wait3A_480, %dma_wait3A_481] : memref<50688x128xf32, #tpu.memory_space<hbm>> -> memref<16x128xf32, #tpu.memory_space<hbm>>
      tpu.wait_dma2 semaphore(%arg12 : memref<!tpu.dma_semaphore, #tpu.memory_space<semaphore_mem>>) src(%dma_wait3A_482 : memref<16x128xf32, #tpu.memory_space<hbm>>) dst(%dma_wait3A_479 : memref<16x128xf32, #tpu.memory_space<vmem>>)
      %dma_wait3A_483 = arith.constant 0 : i32
      %dma_wait3A_484 = arith.constant 0 : i32
      %dma_wait3A_485 = arith.constant 0 : i32
      %dma_wait3A_486 = tpu.memref_slice %arg7[%dma_wait3A_483, %dma_wait3A_484, %dma_wait3A_485] : memref<3x16x128xi32, #tpu.memory_space<vmem>> -> memref<1x16x128xi32, #tpu.memory_space<vmem>>
      %dma_wait3A_487 = tpu.memref_squeeze %dma_wait3A_486 : memref<1x16x128xi32, #tpu.memory_space<vmem>> -> memref<16x128xi32, #tpu.memory_space<vmem>>
      %dma_wait3A_488 = arith.constant 0 : i32
      %dma_wait3A_489 = arith.constant 0 : i32
      %dma_wait3A_490 = tpu.memref_slice %arg3[%dma_wait3A_488, %dma_wait3A_489] : memref<50688x128xi32, #tpu.memory_space<hbm>> -> memref<16x128xi32, #tpu.memory_space<hbm>>
      %dma_wait3A_491 = arith.constant 0 : i32
      %dma_wait3A_492 = arith.constant 0 : i32
      %dma_wait3A_493 = tpu.memref_slice %arg7[%dma_wait3A_483, %dma_wait3A_491, %dma_wait3A_492] : memref<3x16x128xi32, #tpu.memory_space<vmem>> -> memref<1x16x128xi32, #tpu.memory_space<vmem>>
      %dma_wait3A_494 = tpu.memref_squeeze %dma_wait3A_493 : memref<1x16x128xi32, #tpu.memory_space<vmem>> -> memref<16x128xi32, #tpu.memory_space<vmem>>
      %dma_wait3A_495 = arith.constant 0 : i32
      %dma_wait3A_496 = arith.constant 0 : i32
      %dma_wait3A_497 = tpu.memref_slice %arg3[%dma_wait3A_495, %dma_wait3A_496] : memref<50688x128xi32, #tpu.memory_space<hbm>> -> memref<16x128xi32, #tpu.memory_space<hbm>>
      tpu.wait_dma2 semaphore(%arg12 : memref<!tpu.dma_semaphore, #tpu.memory_space<semaphore_mem>>) src(%dma_wait3A_497 : memref<16x128xi32, #tpu.memory_space<hbm>>) dst(%dma_wait3A_494 : memref<16x128xi32, #tpu.memory_space<vmem>>)
      %dma_start3A_498 = arith.constant 0 : i32
      %dma_start3A_499 = arith.constant 0 : i32
      %dma_start3A_500 = arith.constant 0 : i32
      %dma_start3A_501 = arith.constant 0 : i32
      %dma_start3A_502 = arith.constant 0 : i32
      %dma_start3A_503 = tpu.memref_slice %arg6[%dma_start3A_498, %dma_start3A_499, %dma_start3A_502] : memref<3x16x128xf32, #tpu.memory_space<vmem>> -> memref<1x1x128xf32, #tpu.memory_space<vmem>>
      %dma_start3A_504 = tpu.memref_squeeze %dma_start3A_503 : memref<1x1x128xf32, #tpu.memory_space<vmem>> -> memref<128xf32, #tpu.memory_space<vmem>>
      %dma_start3A_505 = arith.constant 0 : i32
      %dma_start3A_506 = tpu.memref_slice %arg7[%dma_start3A_500, %dma_start3A_501, %dma_start3A_505] : memref<3x16x128xi32, #tpu.memory_space<vmem>> -> memref<1x1x128xi32, #tpu.memory_space<vmem>>
      %dma_start3A_507 = tpu.memref_squeeze %dma_start3A_506 : memref<1x1x128xi32, #tpu.memory_space<vmem>> -> memref<128xi32, #tpu.memory_space<vmem>>
      %dma_start3A_508 = arith.constant 0 : i32
      %dma_start3A_509 = tpu.memref_slice %arg10[%dma_start3A_508] : memref<100352xf32, #tpu.memory_space<vmem_shared>> -> memref<100352xf32, #tpu.memory_space<vmem_shared>>
      tpu.enqueue_indirect_dma source(%dma_start3A_504 : memref<128xf32, #tpu.memory_space<vmem>>) target(%dma_start3A_509 : memref<100352xf32, #tpu.memory_space<vmem_shared>>) offsets(%dma_start3A_507 : memref<128xi32, #tpu.memory_space<vmem>>) semaphore(%arg15 : memref<!tpu.dma_semaphore, #tpu.memory_space<semaphore_mem>>) {add = true}
      %dma_start3A_510 = arith.constant 0 : i32
      %dma_start3A_511 = arith.constant 0 : i32
      %dma_start3A_512 = arith.constant 0 : i32
      %dma_start3A_513 = tpu.memref_slice %arg7[%dma_start3A_510, %dma_start3A_511, %dma_start3A_512] : memref<3x16x128xi32, #tpu.memory_space<vmem>> -> memref<1x1x128xi32, #tpu.memory_space<vmem>>
      %dma_start3A_514 = tpu.memref_squeeze %dma_start3A_513 : memref<1x1x128xi32, #tpu.memory_space<vmem>> -> memref<128xi32, #tpu.memory_space<vmem>>
      %dma_start3A_515 = arith.constant 0 : i32
      %dma_start3A_516 = tpu.memref_slice %arg11[%dma_start3A_515] : memref<100352xf32, #tpu.memory_space<vmem_shared>> -> memref<100352xf32, #tpu.memory_space<vmem_shared>>
      tpu.enqueue_indirect_dma source(%arg8 : memref<128xf32, #tpu.memory_space<vmem>>) target(%dma_start3A_516 : memref<100352xf32, #tpu.memory_space<vmem_shared>>) offsets(%dma_start3A_514 : memref<128xi32, #tpu.memory_space<vmem>>) semaphore(%arg15 : memref<!tpu.dma_semaphore, #tpu.memory_space<semaphore_mem>>) {add = true}
      %dma_start3A_517 = arith.constant 0 : i32
      %dma_start3A_518 = arith.constant 1 : i32
      %dma_start3A_519 = arith.constant 0 : i32
      %dma_start3A_520 = arith.constant 1 : i32
      %dma_start3A_521 = arith.constant 0 : i32
      %dma_start3A_522 = tpu.memref_slice %arg6[%dma_start3A_517, %dma_start3A_518, %dma_start3A_521] : memref<3x16x128xf32, #tpu.memory_space<vmem>> -> memref<1x1x128xf32, #tpu.memory_space<vmem>>
      %dma_start3A_523 = tpu.memref_squeeze %dma_start3A_522 : memref<1x1x128xf32, #tpu.memory_space<vmem>> -> memref<128xf32, #tpu.memory_space<vmem>>
      %dma_start3A_524 = arith.constant 0 : i32
      %dma_start3A_525 = tpu.memref_slice %arg7[%dma_start3A_519, %dma_start3A_520, %dma_start3A_524] : memref<3x16x128xi32, #tpu.memory_space<vmem>> -> memref<1x1x128xi32, #tpu.memory_space<vmem>>
      %dma_start3A_526 = tpu.memref_squeeze %dma_start3A_525 : memref<1x1x128xi32, #tpu.memory_space<vmem>> -> memref<128xi32, #tpu.memory_space<vmem>>
      %dma_start3A_527 = arith.constant 0 : i32
      %dma_start3A_528 = tpu.memref_slice %arg10[%dma_start3A_527] : memref<100352xf32, #tpu.memory_space<vmem_shared>> -> memref<100352xf32, #tpu.memory_space<vmem_shared>>
      tpu.enqueue_indirect_dma source(%dma_start3A_523 : memref<128xf32, #tpu.memory_space<vmem>>) target(%dma_start3A_528 : memref<100352xf32, #tpu.memory_space<vmem_shared>>) offsets(%dma_start3A_526 : memref<128xi32, #tpu.memory_space<vmem>>) semaphore(%arg15 : memref<!tpu.dma_semaphore, #tpu.memory_space<semaphore_mem>>) {add = true}
      %dma_start3A_529 = arith.constant 0 : i32
      %dma_start3A_530 = arith.constant 1 : i32
      %dma_start3A_531 = arith.constant 0 : i32
      %dma_start3A_532 = tpu.memref_slice %arg7[%dma_start3A_529, %dma_start3A_530, %dma_start3A_531] : memref<3x16x128xi32, #tpu.memory_space<vmem>> -> memref<1x1x128xi32, #tpu.memory_space<vmem>>
      %dma_start3A_533 = tpu.memref_squeeze %dma_start3A_532 : memref<1x1x128xi32, #tpu.memory_space<vmem>> -> memref<128xi32, #tpu.memory_space<vmem>>
      %dma_start3A_534 = arith.constant 0 : i32
      %dma_start3A_535 = tpu.memref_slice %arg11[%dma_start3A_534] : memref<100352xf32, #tpu.memory_space<vmem_shared>> -> memref<100352xf32, #tpu.memory_space<vmem_shared>>
      tpu.enqueue_indirect_dma source(%arg8 : memref<128xf32, #tpu.memory_space<vmem>>) target(%dma_start3A_535 : memref<100352xf32, #tpu.memory_space<vmem_shared>>) offsets(%dma_start3A_533 : memref<128xi32, #tpu.memory_space<vmem>>) semaphore(%arg15 : memref<!tpu.dma_semaphore, #tpu.memory_space<semaphore_mem>>) {add = true}
      %dma_start3A_536 = arith.constant 0 : i32
      %dma_start3A_537 = arith.constant 2 : i32
      %dma_start3A_538 = arith.constant 0 : i32
      %dma_start3A_539 = arith.constant 2 : i32
      %dma_start3A_540 = arith.constant 0 : i32
      %dma_start3A_541 = tpu.memref_slice %arg6[%dma_start3A_536, %dma_start3A_537, %dma_start3A_540] : memref<3x16x128xf32, #tpu.memory_space<vmem>> -> memref<1x1x128xf32, #tpu.memory_space<vmem>>
      %dma_start3A_542 = tpu.memref_squeeze %dma_start3A_541 : memref<1x1x128xf32, #tpu.memory_space<vmem>> -> memref<128xf32, #tpu.memory_space<vmem>>
      %dma_start3A_543 = arith.constant 0 : i32
      %dma_start3A_544 = tpu.memref_slice %arg7[%dma_start3A_538, %dma_start3A_539, %dma_start3A_543] : memref<3x16x128xi32, #tpu.memory_space<vmem>> -> memref<1x1x128xi32, #tpu.memory_space<vmem>>
      %dma_start3A_545 = tpu.memref_squeeze %dma_start3A_544 : memref<1x1x128xi32, #tpu.memory_space<vmem>> -> memref<128xi32, #tpu.memory_space<vmem>>
      %dma_start3A_546 = arith.constant 0 : i32
      %dma_start3A_547 = tpu.memref_slice %arg10[%dma_start3A_546] : memref<100352xf32, #tpu.memory_space<vmem_shared>> -> memref<100352xf32, #tpu.memory_space<vmem_shared>>
      tpu.enqueue_indirect_dma source(%dma_start3A_542 : memref<128xf32, #tpu.memory_space<vmem>>) target(%dma_start3A_547 : memref<100352xf32, #tpu.memory_space<vmem_shared>>) offsets(%dma_start3A_545 : memref<128xi32, #tpu.memory_space<vmem>>) semaphore(%arg15 : memref<!tpu.dma_semaphore, #tpu.memory_space<semaphore_mem>>) {add = true}
      %dma_start3A_548 = arith.constant 0 : i32
      %dma_start3A_549 = arith.constant 2 : i32
      %dma_start3A_550 = arith.constant 0 : i32
      %dma_start3A_551 = tpu.memref_slice %arg7[%dma_start3A_548, %dma_start3A_549, %dma_start3A_550] : memref<3x16x128xi32, #tpu.memory_space<vmem>> -> memref<1x1x128xi32, #tpu.memory_space<vmem>>
      %dma_start3A_552 = tpu.memref_squeeze %dma_start3A_551 : memref<1x1x128xi32, #tpu.memory_space<vmem>> -> memref<128xi32, #tpu.memory_space<vmem>>
      %dma_start3A_553 = arith.constant 0 : i32
      %dma_start3A_554 = tpu.memref_slice %arg11[%dma_start3A_553] : memref<100352xf32, #tpu.memory_space<vmem_shared>> -> memref<100352xf32, #tpu.memory_space<vmem_shared>>
      tpu.enqueue_indirect_dma source(%arg8 : memref<128xf32, #tpu.memory_space<vmem>>) target(%dma_start3A_554 : memref<100352xf32, #tpu.memory_space<vmem_shared>>) offsets(%dma_start3A_552 : memref<128xi32, #tpu.memory_space<vmem>>) semaphore(%arg15 : memref<!tpu.dma_semaphore, #tpu.memory_space<semaphore_mem>>) {add = true}
      %dma_start3A_555 = arith.constant 0 : i32
      %dma_start3A_556 = arith.constant 3 : i32
      %dma_start3A_557 = arith.constant 0 : i32
      %dma_start3A_558 = arith.constant 3 : i32
      %dma_start3A_559 = arith.constant 0 : i32
      %dma_start3A_560 = tpu.memref_slice %arg6[%dma_start3A_555, %dma_start3A_556, %dma_start3A_559] : memref<3x16x128xf32, #tpu.memory_space<vmem>> -> memref<1x1x128xf32, #tpu.memory_space<vmem>>
      %dma_start3A_561 = tpu.memref_squeeze %dma_start3A_560 : memref<1x1x128xf32, #tpu.memory_space<vmem>> -> memref<128xf32, #tpu.memory_space<vmem>>
      %dma_start3A_562 = arith.constant 0 : i32
      %dma_start3A_563 = tpu.memref_slice %arg7[%dma_start3A_557, %dma_start3A_558, %dma_start3A_562] : memref<3x16x128xi32, #tpu.memory_space<vmem>> -> memref<1x1x128xi32, #tpu.memory_space<vmem>>
      %dma_start3A_564 = tpu.memref_squeeze %dma_start3A_563 : memref<1x1x128xi32, #tpu.memory_space<vmem>> -> memref<128xi32, #tpu.memory_space<vmem>>
      %dma_start3A_565 = arith.constant 0 : i32
      %dma_start3A_566 = tpu.memref_slice %arg10[%dma_start3A_565] : memref<100352xf32, #tpu.memory_space<vmem_shared>> -> memref<100352xf32, #tpu.memory_space<vmem_shared>>
      tpu.enqueue_indirect_dma source(%dma_start3A_561 : memref<128xf32, #tpu.memory_space<vmem>>) target(%dma_start3A_566 : memref<100352xf32, #tpu.memory_space<vmem_shared>>) offsets(%dma_start3A_564 : memref<128xi32, #tpu.memory_space<vmem>>) semaphore(%arg15 : memref<!tpu.dma_semaphore, #tpu.memory_space<semaphore_mem>>) {add = true}
      %dma_start3A_567 = arith.constant 0 : i32
      %dma_start3A_568 = arith.constant 3 : i32
      %dma_start3A_569 = arith.constant 0 : i32
      %dma_start3A_570 = tpu.memref_slice %arg7[%dma_start3A_567, %dma_start3A_568, %dma_start3A_569] : memref<3x16x128xi32, #tpu.memory_space<vmem>> -> memref<1x1x128xi32, #tpu.memory_space<vmem>>
      %dma_start3A_571 = tpu.memref_squeeze %dma_start3A_570 : memref<1x1x128xi32, #tpu.memory_space<vmem>> -> memref<128xi32, #tpu.memory_space<vmem>>
      %dma_start3A_572 = arith.constant 0 : i32
      %dma_start3A_573 = tpu.memref_slice %arg11[%dma_start3A_572] : memref<100352xf32, #tpu.memory_space<vmem_shared>> -> memref<100352xf32, #tpu.memory_space<vmem_shared>>
      tpu.enqueue_indirect_dma source(%arg8 : memref<128xf32, #tpu.memory_space<vmem>>) target(%dma_start3A_573 : memref<100352xf32, #tpu.memory_space<vmem_shared>>) offsets(%dma_start3A_571 : memref<128xi32, #tpu.memory_space<vmem>>) semaphore(%arg15 : memref<!tpu.dma_semaphore, #tpu.memory_space<semaphore_mem>>) {add = true}
      %dma_start3A_574 = arith.constant 0 : i32
      %dma_start3A_575 = arith.constant 4 : i32
      %dma_start3A_576 = arith.constant 0 : i32
      %dma_start3A_577 = arith.constant 4 : i32
      %dma_start3A_578 = arith.constant 0 : i32
      %dma_start3A_579 = tpu.memref_slice %arg6[%dma_start3A_574, %dma_start3A_575, %dma_start3A_578] : memref<3x16x128xf32, #tpu.memory_space<vmem>> -> memref<1x1x128xf32, #tpu.memory_space<vmem>>
      %dma_start3A_580 = tpu.memref_squeeze %dma_start3A_579 : memref<1x1x128xf32, #tpu.memory_space<vmem>> -> memref<128xf32, #tpu.memory_space<vmem>>
      %dma_start3A_581 = arith.constant 0 : i32
      %dma_start3A_582 = tpu.memref_slice %arg7[%dma_start3A_576, %dma_start3A_577, %dma_start3A_581] : memref<3x16x128xi32, #tpu.memory_space<vmem>> -> memref<1x1x128xi32, #tpu.memory_space<vmem>>
      %dma_start3A_583 = tpu.memref_squeeze %dma_start3A_582 : memref<1x1x128xi32, #tpu.memory_space<vmem>> -> memref<128xi32, #tpu.memory_space<vmem>>
      %dma_start3A_584 = arith.constant 0 : i32
      %dma_start3A_585 = tpu.memref_slice %arg10[%dma_start3A_584] : memref<100352xf32, #tpu.memory_space<vmem_shared>> -> memref<100352xf32, #tpu.memory_space<vmem_shared>>
      tpu.enqueue_indirect_dma source(%dma_start3A_580 : memref<128xf32, #tpu.memory_space<vmem>>) target(%dma_start3A_585 : memref<100352xf32, #tpu.memory_space<vmem_shared>>) offsets(%dma_start3A_583 : memref<128xi32, #tpu.memory_space<vmem>>) semaphore(%arg15 : memref<!tpu.dma_semaphore, #tpu.memory_space<semaphore_mem>>) {add = true}
      %dma_start3A_586 = arith.constant 0 : i32
      %dma_start3A_587 = arith.constant 4 : i32
      %dma_start3A_588 = arith.constant 0 : i32
      %dma_start3A_589 = tpu.memref_slice %arg7[%dma_start3A_586, %dma_start3A_587, %dma_start3A_588] : memref<3x16x128xi32, #tpu.memory_space<vmem>> -> memref<1x1x128xi32, #tpu.memory_space<vmem>>
      %dma_start3A_590 = tpu.memref_squeeze %dma_start3A_589 : memref<1x1x128xi32, #tpu.memory_space<vmem>> -> memref<128xi32, #tpu.memory_space<vmem>>
      %dma_start3A_591 = arith.constant 0 : i32
      %dma_start3A_592 = tpu.memref_slice %arg11[%dma_start3A_591] : memref<100352xf32, #tpu.memory_space<vmem_shared>> -> memref<100352xf32, #tpu.memory_space<vmem_shared>>
      tpu.enqueue_indirect_dma source(%arg8 : memref<128xf32, #tpu.memory_space<vmem>>) target(%dma_start3A_592 : memref<100352xf32, #tpu.memory_space<vmem_shared>>) offsets(%dma_start3A_590 : memref<128xi32, #tpu.memory_space<vmem>>) semaphore(%arg15 : memref<!tpu.dma_semaphore, #tpu.memory_space<semaphore_mem>>) {add = true}
      %dma_start3A_593 = arith.constant 0 : i32
      %dma_start3A_594 = arith.constant 5 : i32
      %dma_start3A_595 = arith.constant 0 : i32
      %dma_start3A_596 = arith.constant 5 : i32
      %dma_start3A_597 = arith.constant 0 : i32
      %dma_start3A_598 = tpu.memref_slice %arg6[%dma_start3A_593, %dma_start3A_594, %dma_start3A_597] : memref<3x16x128xf32, #tpu.memory_space<vmem>> -> memref<1x1x128xf32, #tpu.memory_space<vmem>>
      %dma_start3A_599 = tpu.memref_squeeze %dma_start3A_598 : memref<1x1x128xf32, #tpu.memory_space<vmem>> -> memref<128xf32, #tpu.memory_space<vmem>>
      %dma_start3A_600 = arith.constant 0 : i32
      %dma_start3A_601 = tpu.memref_slice %arg7[%dma_start3A_595, %dma_start3A_596, %dma_start3A_600] : memref<3x16x128xi32, #tpu.memory_space<vmem>> -> memref<1x1x128xi32, #tpu.memory_space<vmem>>
      %dma_start3A_602 = tpu.memref_squeeze %dma_start3A_601 : memref<1x1x128xi32, #tpu.memory_space<vmem>> -> memref<128xi32, #tpu.memory_space<vmem>>
      %dma_start3A_603 = arith.constant 0 : i32
      %dma_start3A_604 = tpu.memref_slice %arg10[%dma_start3A_603] : memref<100352xf32, #tpu.memory_space<vmem_shared>> -> memref<100352xf32, #tpu.memory_space<vmem_shared>>
      tpu.enqueue_indirect_dma source(%dma_start3A_599 : memref<128xf32, #tpu.memory_space<vmem>>) target(%dma_start3A_604 : memref<100352xf32, #tpu.memory_space<vmem_shared>>) offsets(%dma_start3A_602 : memref<128xi32, #tpu.memory_space<vmem>>) semaphore(%arg15 : memref<!tpu.dma_semaphore, #tpu.memory_space<semaphore_mem>>) {add = true}
      %dma_start3A_605 = arith.constant 0 : i32
      %dma_start3A_606 = arith.constant 5 : i32
      %dma_start3A_607 = arith.constant 0 : i32
      %dma_start3A_608 = tpu.memref_slice %arg7[%dma_start3A_605, %dma_start3A_606, %dma_start3A_607] : memref<3x16x128xi32, #tpu.memory_space<vmem>> -> memref<1x1x128xi32, #tpu.memory_space<vmem>>
      %dma_start3A_609 = tpu.memref_squeeze %dma_start3A_608 : memref<1x1x128xi32, #tpu.memory_space<vmem>> -> memref<128xi32, #tpu.memory_space<vmem>>
      %dma_start3A_610 = arith.constant 0 : i32
      %dma_start3A_611 = tpu.memref_slice %arg11[%dma_start3A_610] : memref<100352xf32, #tpu.memory_space<vmem_shared>> -> memref<100352xf32, #tpu.memory_space<vmem_shared>>
      tpu.enqueue_indirect_dma source(%arg8 : memref<128xf32, #tpu.memory_space<vmem>>) target(%dma_start3A_611 : memref<100352xf32, #tpu.memory_space<vmem_shared>>) offsets(%dma_start3A_609 : memref<128xi32, #tpu.memory_space<vmem>>) semaphore(%arg15 : memref<!tpu.dma_semaphore, #tpu.memory_space<semaphore_mem>>) {add = true}
      %dma_start3A_612 = arith.constant 0 : i32
      %dma_start3A_613 = arith.constant 6 : i32
      %dma_start3A_614 = arith.constant 0 : i32
      %dma_start3A_615 = arith.constant 6 : i32
      %dma_start3A_616 = arith.constant 0 : i32
      %dma_start3A_617 = tpu.memref_slice %arg6[%dma_start3A_612, %dma_start3A_613, %dma_start3A_616] : memref<3x16x128xf32, #tpu.memory_space<vmem>> -> memref<1x1x128xf32, #tpu.memory_space<vmem>>
      %dma_start3A_618 = tpu.memref_squeeze %dma_start3A_617 : memref<1x1x128xf32, #tpu.memory_space<vmem>> -> memref<128xf32, #tpu.memory_space<vmem>>
      %dma_start3A_619 = arith.constant 0 : i32
      %dma_start3A_620 = tpu.memref_slice %arg7[%dma_start3A_614, %dma_start3A_615, %dma_start3A_619] : memref<3x16x128xi32, #tpu.memory_space<vmem>> -> memref<1x1x128xi32, #tpu.memory_space<vmem>>
      %dma_start3A_621 = tpu.memref_squeeze %dma_start3A_620 : memref<1x1x128xi32, #tpu.memory_space<vmem>> -> memref<128xi32, #tpu.memory_space<vmem>>
      %dma_start3A_622 = arith.constant 0 : i32
      %dma_start3A_623 = tpu.memref_slice %arg10[%dma_start3A_622] : memref<100352xf32, #tpu.memory_space<vmem_shared>> -> memref<100352xf32, #tpu.memory_space<vmem_shared>>
      tpu.enqueue_indirect_dma source(%dma_start3A_618 : memref<128xf32, #tpu.memory_space<vmem>>) target(%dma_start3A_623 : memref<100352xf32, #tpu.memory_space<vmem_shared>>) offsets(%dma_start3A_621 : memref<128xi32, #tpu.memory_space<vmem>>) semaphore(%arg15 : memref<!tpu.dma_semaphore, #tpu.memory_space<semaphore_mem>>) {add = true}
      %dma_start3A_624 = arith.constant 0 : i32
      %dma_start3A_625 = arith.constant 6 : i32
      %dma_start3A_626 = arith.constant 0 : i32
      %dma_start3A_627 = tpu.memref_slice %arg7[%dma_start3A_624, %dma_start3A_625, %dma_start3A_626] : memref<3x16x128xi32, #tpu.memory_space<vmem>> -> memref<1x1x128xi32, #tpu.memory_space<vmem>>
      %dma_start3A_628 = tpu.memref_squeeze %dma_start3A_627 : memref<1x1x128xi32, #tpu.memory_space<vmem>> -> memref<128xi32, #tpu.memory_space<vmem>>
      %dma_start3A_629 = arith.constant 0 : i32
      %dma_start3A_630 = tpu.memref_slice %arg11[%dma_start3A_629] : memref<100352xf32, #tpu.memory_space<vmem_shared>> -> memref<100352xf32, #tpu.memory_space<vmem_shared>>
      tpu.enqueue_indirect_dma source(%arg8 : memref<128xf32, #tpu.memory_space<vmem>>) target(%dma_start3A_630 : memref<100352xf32, #tpu.memory_space<vmem_shared>>) offsets(%dma_start3A_628 : memref<128xi32, #tpu.memory_space<vmem>>) semaphore(%arg15 : memref<!tpu.dma_semaphore, #tpu.memory_space<semaphore_mem>>) {add = true}
      %dma_start3A_631 = arith.constant 0 : i32
      %dma_start3A_632 = arith.constant 7 : i32
      %dma_start3A_633 = arith.constant 0 : i32
      %dma_start3A_634 = arith.constant 7 : i32
      %dma_start3A_635 = arith.constant 0 : i32
      %dma_start3A_636 = tpu.memref_slice %arg6[%dma_start3A_631, %dma_start3A_632, %dma_start3A_635] : memref<3x16x128xf32, #tpu.memory_space<vmem>> -> memref<1x1x128xf32, #tpu.memory_space<vmem>>
      %dma_start3A_637 = tpu.memref_squeeze %dma_start3A_636 : memref<1x1x128xf32, #tpu.memory_space<vmem>> -> memref<128xf32, #tpu.memory_space<vmem>>
      %dma_start3A_638 = arith.constant 0 : i32
      %dma_start3A_639 = tpu.memref_slice %arg7[%dma_start3A_633, %dma_start3A_634, %dma_start3A_638] : memref<3x16x128xi32, #tpu.memory_space<vmem>> -> memref<1x1x128xi32, #tpu.memory_space<vmem>>
      %dma_start3A_640 = tpu.memref_squeeze %dma_start3A_639 : memref<1x1x128xi32, #tpu.memory_space<vmem>> -> memref<128xi32, #tpu.memory_space<vmem>>
      %dma_start3A_641 = arith.constant 0 : i32
      %dma_start3A_642 = tpu.memref_slice %arg10[%dma_start3A_641] : memref<100352xf32, #tpu.memory_space<vmem_shared>> -> memref<100352xf32, #tpu.memory_space<vmem_shared>>
      tpu.enqueue_indirect_dma source(%dma_start3A_637 : memref<128xf32, #tpu.memory_space<vmem>>) target(%dma_start3A_642 : memref<100352xf32, #tpu.memory_space<vmem_shared>>) offsets(%dma_start3A_640 : memref<128xi32, #tpu.memory_space<vmem>>) semaphore(%arg15 : memref<!tpu.dma_semaphore, #tpu.memory_space<semaphore_mem>>) {add = true}
      %dma_start3A_643 = arith.constant 0 : i32
      %dma_start3A_644 = arith.constant 7 : i32
      %dma_start3A_645 = arith.constant 0 : i32
      %dma_start3A_646 = tpu.memref_slice %arg7[%dma_start3A_643, %dma_start3A_644, %dma_start3A_645] : memref<3x16x128xi32, #tpu.memory_space<vmem>> -> memref<1x1x128xi32, #tpu.memory_space<vmem>>
      %dma_start3A_647 = tpu.memref_squeeze %dma_start3A_646 : memref<1x1x128xi32, #tpu.memory_space<vmem>> -> memref<128xi32, #tpu.memory_space<vmem>>
      %dma_start3A_648 = arith.constant 0 : i32
      %dma_start3A_649 = tpu.memref_slice %arg11[%dma_start3A_648] : memref<100352xf32, #tpu.memory_space<vmem_shared>> -> memref<100352xf32, #tpu.memory_space<vmem_shared>>
      tpu.enqueue_indirect_dma source(%arg8 : memref<128xf32, #tpu.memory_space<vmem>>) target(%dma_start3A_649 : memref<100352xf32, #tpu.memory_space<vmem_shared>>) offsets(%dma_start3A_647 : memref<128xi32, #tpu.memory_space<vmem>>) semaphore(%arg15 : memref<!tpu.dma_semaphore, #tpu.memory_space<semaphore_mem>>) {add = true}
      %dma_start3A_650 = arith.constant 0 : i32
      %dma_start3A_651 = arith.constant 8 : i32
      %dma_start3A_652 = arith.constant 0 : i32
      %dma_start3A_653 = arith.constant 8 : i32
      %dma_start3A_654 = arith.constant 0 : i32
      %dma_start3A_655 = tpu.memref_slice %arg6[%dma_start3A_650, %dma_start3A_651, %dma_start3A_654] : memref<3x16x128xf32, #tpu.memory_space<vmem>> -> memref<1x1x128xf32, #tpu.memory_space<vmem>>
      %dma_start3A_656 = tpu.memref_squeeze %dma_start3A_655 : memref<1x1x128xf32, #tpu.memory_space<vmem>> -> memref<128xf32, #tpu.memory_space<vmem>>
      %dma_start3A_657 = arith.constant 0 : i32
      %dma_start3A_658 = tpu.memref_slice %arg7[%dma_start3A_652, %dma_start3A_653, %dma_start3A_657] : memref<3x16x128xi32, #tpu.memory_space<vmem>> -> memref<1x1x128xi32, #tpu.memory_space<vmem>>
      %dma_start3A_659 = tpu.memref_squeeze %dma_start3A_658 : memref<1x1x128xi32, #tpu.memory_space<vmem>> -> memref<128xi32, #tpu.memory_space<vmem>>
      %dma_start3A_660 = arith.constant 0 : i32
      %dma_start3A_661 = tpu.memref_slice %arg10[%dma_start3A_660] : memref<100352xf32, #tpu.memory_space<vmem_shared>> -> memref<100352xf32, #tpu.memory_space<vmem_shared>>
      tpu.enqueue_indirect_dma source(%dma_start3A_656 : memref<128xf32, #tpu.memory_space<vmem>>) target(%dma_start3A_661 : memref<100352xf32, #tpu.memory_space<vmem_shared>>) offsets(%dma_start3A_659 : memref<128xi32, #tpu.memory_space<vmem>>) semaphore(%arg15 : memref<!tpu.dma_semaphore, #tpu.memory_space<semaphore_mem>>) {add = true}
      %dma_start3A_662 = arith.constant 0 : i32
      %dma_start3A_663 = arith.constant 8 : i32
      %dma_start3A_664 = arith.constant 0 : i32
      %dma_start3A_665 = tpu.memref_slice %arg7[%dma_start3A_662, %dma_start3A_663, %dma_start3A_664] : memref<3x16x128xi32, #tpu.memory_space<vmem>> -> memref<1x1x128xi32, #tpu.memory_space<vmem>>
      %dma_start3A_666 = tpu.memref_squeeze %dma_start3A_665 : memref<1x1x128xi32, #tpu.memory_space<vmem>> -> memref<128xi32, #tpu.memory_space<vmem>>
      %dma_start3A_667 = arith.constant 0 : i32
      %dma_start3A_668 = tpu.memref_slice %arg11[%dma_start3A_667] : memref<100352xf32, #tpu.memory_space<vmem_shared>> -> memref<100352xf32, #tpu.memory_space<vmem_shared>>
      tpu.enqueue_indirect_dma source(%arg8 : memref<128xf32, #tpu.memory_space<vmem>>) target(%dma_start3A_668 : memref<100352xf32, #tpu.memory_space<vmem_shared>>) offsets(%dma_start3A_666 : memref<128xi32, #tpu.memory_space<vmem>>) semaphore(%arg15 : memref<!tpu.dma_semaphore, #tpu.memory_space<semaphore_mem>>) {add = true}
      %dma_start3A_669 = arith.constant 0 : i32
      %dma_start3A_670 = arith.constant 9 : i32
      %dma_start3A_671 = arith.constant 0 : i32
      %dma_start3A_672 = arith.constant 9 : i32
      %dma_start3A_673 = arith.constant 0 : i32
      %dma_start3A_674 = tpu.memref_slice %arg6[%dma_start3A_669, %dma_start3A_670, %dma_start3A_673] : memref<3x16x128xf32, #tpu.memory_space<vmem>> -> memref<1x1x128xf32, #tpu.memory_space<vmem>>
      %dma_start3A_675 = tpu.memref_squeeze %dma_start3A_674 : memref<1x1x128xf32, #tpu.memory_space<vmem>> -> memref<128xf32, #tpu.memory_space<vmem>>
      %dma_start3A_676 = arith.constant 0 : i32
      %dma_start3A_677 = tpu.memref_slice %arg7[%dma_start3A_671, %dma_start3A_672, %dma_start3A_676] : memref<3x16x128xi32, #tpu.memory_space<vmem>> -> memref<1x1x128xi32, #tpu.memory_space<vmem>>
      %dma_start3A_678 = tpu.memref_squeeze %dma_start3A_677 : memref<1x1x128xi32, #tpu.memory_space<vmem>> -> memref<128xi32, #tpu.memory_space<vmem>>
      %dma_start3A_679 = arith.constant 0 : i32
      %dma_start3A_680 = tpu.memref_slice %arg10[%dma_start3A_679] : memref<100352xf32, #tpu.memory_space<vmem_shared>> -> memref<100352xf32, #tpu.memory_space<vmem_shared>>
      tpu.enqueue_indirect_dma source(%dma_start3A_675 : memref<128xf32, #tpu.memory_space<vmem>>) target(%dma_start3A_680 : memref<100352xf32, #tpu.memory_space<vmem_shared>>) offsets(%dma_start3A_678 : memref<128xi32, #tpu.memory_space<vmem>>) semaphore(%arg15 : memref<!tpu.dma_semaphore, #tpu.memory_space<semaphore_mem>>) {add = true}
      %dma_start3A_681 = arith.constant 0 : i32
      %dma_start3A_682 = arith.constant 9 : i32
      %dma_start3A_683 = arith.constant 0 : i32
      %dma_start3A_684 = tpu.memref_slice %arg7[%dma_start3A_681, %dma_start3A_682, %dma_start3A_683] : memref<3x16x128xi32, #tpu.memory_space<vmem>> -> memref<1x1x128xi32, #tpu.memory_space<vmem>>
      %dma_start3A_685 = tpu.memref_squeeze %dma_start3A_684 : memref<1x1x128xi32, #tpu.memory_space<vmem>> -> memref<128xi32, #tpu.memory_space<vmem>>
      %dma_start3A_686 = arith.constant 0 : i32
      %dma_start3A_687 = tpu.memref_slice %arg11[%dma_start3A_686] : memref<100352xf32, #tpu.memory_space<vmem_shared>> -> memref<100352xf32, #tpu.memory_space<vmem_shared>>
      tpu.enqueue_indirect_dma source(%arg8 : memref<128xf32, #tpu.memory_space<vmem>>) target(%dma_start3A_687 : memref<100352xf32, #tpu.memory_space<vmem_shared>>) offsets(%dma_start3A_685 : memref<128xi32, #tpu.memory_space<vmem>>) semaphore(%arg15 : memref<!tpu.dma_semaphore, #tpu.memory_space<semaphore_mem>>) {add = true}
      %dma_start3A_688 = arith.constant 0 : i32
      %dma_start3A_689 = arith.constant 10 : i32
      %dma_start3A_690 = arith.constant 0 : i32
      %dma_start3A_691 = arith.constant 10 : i32
      %dma_start3A_692 = arith.constant 0 : i32
      %dma_start3A_693 = tpu.memref_slice %arg6[%dma_start3A_688, %dma_start3A_689, %dma_start3A_692] : memref<3x16x128xf32, #tpu.memory_space<vmem>> -> memref<1x1x128xf32, #tpu.memory_space<vmem>>
      %dma_start3A_694 = tpu.memref_squeeze %dma_start3A_693 : memref<1x1x128xf32, #tpu.memory_space<vmem>> -> memref<128xf32, #tpu.memory_space<vmem>>
      %dma_start3A_695 = arith.constant 0 : i32
      %dma_start3A_696 = tpu.memref_slice %arg7[%dma_start3A_690, %dma_start3A_691, %dma_start3A_695] : memref<3x16x128xi32, #tpu.memory_space<vmem>> -> memref<1x1x128xi32, #tpu.memory_space<vmem>>
      %dma_start3A_697 = tpu.memref_squeeze %dma_start3A_696 : memref<1x1x128xi32, #tpu.memory_space<vmem>> -> memref<128xi32, #tpu.memory_space<vmem>>
      %dma_start3A_698 = arith.constant 0 : i32
      %dma_start3A_699 = tpu.memref_slice %arg10[%dma_start3A_698] : memref<100352xf32, #tpu.memory_space<vmem_shared>> -> memref<100352xf32, #tpu.memory_space<vmem_shared>>
      tpu.enqueue_indirect_dma source(%dma_start3A_694 : memref<128xf32, #tpu.memory_space<vmem>>) target(%dma_start3A_699 : memref<100352xf32, #tpu.memory_space<vmem_shared>>) offsets(%dma_start3A_697 : memref<128xi32, #tpu.memory_space<vmem>>) semaphore(%arg15 : memref<!tpu.dma_semaphore, #tpu.memory_space<semaphore_mem>>) {add = true}
      %dma_start3A_700 = arith.constant 0 : i32
      %dma_start3A_701 = arith.constant 10 : i32
      %dma_start3A_702 = arith.constant 0 : i32
      %dma_start3A_703 = tpu.memref_slice %arg7[%dma_start3A_700, %dma_start3A_701, %dma_start3A_702] : memref<3x16x128xi32, #tpu.memory_space<vmem>> -> memref<1x1x128xi32, #tpu.memory_space<vmem>>
      %dma_start3A_704 = tpu.memref_squeeze %dma_start3A_703 : memref<1x1x128xi32, #tpu.memory_space<vmem>> -> memref<128xi32, #tpu.memory_space<vmem>>
      %dma_start3A_705 = arith.constant 0 : i32
      %dma_start3A_706 = tpu.memref_slice %arg11[%dma_start3A_705] : memref<100352xf32, #tpu.memory_space<vmem_shared>> -> memref<100352xf32, #tpu.memory_space<vmem_shared>>
      tpu.enqueue_indirect_dma source(%arg8 : memref<128xf32, #tpu.memory_space<vmem>>) target(%dma_start3A_706 : memref<100352xf32, #tpu.memory_space<vmem_shared>>) offsets(%dma_start3A_704 : memref<128xi32, #tpu.memory_space<vmem>>) semaphore(%arg15 : memref<!tpu.dma_semaphore, #tpu.memory_space<semaphore_mem>>) {add = true}
      %dma_start3A_707 = arith.constant 0 : i32
      %dma_start3A_708 = arith.constant 11 : i32
      %dma_start3A_709 = arith.constant 0 : i32
      %dma_start3A_710 = arith.constant 11 : i32
      %dma_start3A_711 = arith.constant 0 : i32
      %dma_start3A_712 = tpu.memref_slice %arg6[%dma_start3A_707, %dma_start3A_708, %dma_start3A_711] : memref<3x16x128xf32, #tpu.memory_space<vmem>> -> memref<1x1x128xf32, #tpu.memory_space<vmem>>
      %dma_start3A_713 = tpu.memref_squeeze %dma_start3A_712 : memref<1x1x128xf32, #tpu.memory_space<vmem>> -> memref<128xf32, #tpu.memory_space<vmem>>
      %dma_start3A_714 = arith.constant 0 : i32
      %dma_start3A_715 = tpu.memref_slice %arg7[%dma_start3A_709, %dma_start3A_710, %dma_start3A_714] : memref<3x16x128xi32, #tpu.memory_space<vmem>> -> memref<1x1x128xi32, #tpu.memory_space<vmem>>
      %dma_start3A_716 = tpu.memref_squeeze %dma_start3A_715 : memref<1x1x128xi32, #tpu.memory_space<vmem>> -> memref<128xi32, #tpu.memory_space<vmem>>
      %dma_start3A_717 = arith.constant 0 : i32
      %dma_start3A_718 = tpu.memref_slice %arg10[%dma_start3A_717] : memref<100352xf32, #tpu.memory_space<vmem_shared>> -> memref<100352xf32, #tpu.memory_space<vmem_shared>>
      tpu.enqueue_indirect_dma source(%dma_start3A_713 : memref<128xf32, #tpu.memory_space<vmem>>) target(%dma_start3A_718 : memref<100352xf32, #tpu.memory_space<vmem_shared>>) offsets(%dma_start3A_716 : memref<128xi32, #tpu.memory_space<vmem>>) semaphore(%arg15 : memref<!tpu.dma_semaphore, #tpu.memory_space<semaphore_mem>>) {add = true}
      %dma_start3A_719 = arith.constant 0 : i32
      %dma_start3A_720 = arith.constant 11 : i32
      %dma_start3A_721 = arith.constant 0 : i32
      %dma_start3A_722 = tpu.memref_slice %arg7[%dma_start3A_719, %dma_start3A_720, %dma_start3A_721] : memref<3x16x128xi32, #tpu.memory_space<vmem>> -> memref<1x1x128xi32, #tpu.memory_space<vmem>>
      %dma_start3A_723 = tpu.memref_squeeze %dma_start3A_722 : memref<1x1x128xi32, #tpu.memory_space<vmem>> -> memref<128xi32, #tpu.memory_space<vmem>>
      %dma_start3A_724 = arith.constant 0 : i32
      %dma_start3A_725 = tpu.memref_slice %arg11[%dma_start3A_724] : memref<100352xf32, #tpu.memory_space<vmem_shared>> -> memref<100352xf32, #tpu.memory_space<vmem_shared>>
      tpu.enqueue_indirect_dma source(%arg8 : memref<128xf32, #tpu.memory_space<vmem>>) target(%dma_start3A_725 : memref<100352xf32, #tpu.memory_space<vmem_shared>>) offsets(%dma_start3A_723 : memref<128xi32, #tpu.memory_space<vmem>>) semaphore(%arg15 : memref<!tpu.dma_semaphore, #tpu.memory_space<semaphore_mem>>) {add = true}
      %dma_start3A_726 = arith.constant 0 : i32
      %dma_start3A_727 = arith.constant 12 : i32
      %dma_start3A_728 = arith.constant 0 : i32
      %dma_start3A_729 = arith.constant 12 : i32
      %dma_start3A_730 = arith.constant 0 : i32
      %dma_start3A_731 = tpu.memref_slice %arg6[%dma_start3A_726, %dma_start3A_727, %dma_start3A_730] : memref<3x16x128xf32, #tpu.memory_space<vmem>> -> memref<1x1x128xf32, #tpu.memory_space<vmem>>
      %dma_start3A_732 = tpu.memref_squeeze %dma_start3A_731 : memref<1x1x128xf32, #tpu.memory_space<vmem>> -> memref<128xf32, #tpu.memory_space<vmem>>
      %dma_start3A_733 = arith.constant 0 : i32
      %dma_start3A_734 = tpu.memref_slice %arg7[%dma_start3A_728, %dma_start3A_729, %dma_start3A_733] : memref<3x16x128xi32, #tpu.memory_space<vmem>> -> memref<1x1x128xi32, #tpu.memory_space<vmem>>
      %dma_start3A_735 = tpu.memref_squeeze %dma_start3A_734 : memref<1x1x128xi32, #tpu.memory_space<vmem>> -> memref<128xi32, #tpu.memory_space<vmem>>
      %dma_start3A_736 = arith.constant 0 : i32
      %dma_start3A_737 = tpu.memref_slice %arg10[%dma_start3A_736] : memref<100352xf32, #tpu.memory_space<vmem_shared>> -> memref<100352xf32, #tpu.memory_space<vmem_shared>>
      tpu.enqueue_indirect_dma source(%dma_start3A_732 : memref<128xf32, #tpu.memory_space<vmem>>) target(%dma_start3A_737 : memref<100352xf32, #tpu.memory_space<vmem_shared>>) offsets(%dma_start3A_735 : memref<128xi32, #tpu.memory_space<vmem>>) semaphore(%arg15 : memref<!tpu.dma_semaphore, #tpu.memory_space<semaphore_mem>>) {add = true}
      %dma_start3A_738 = arith.constant 0 : i32
      %dma_start3A_739 = arith.constant 12 : i32
      %dma_start3A_740 = arith.constant 0 : i32
      %dma_start3A_741 = tpu.memref_slice %arg7[%dma_start3A_738, %dma_start3A_739, %dma_start3A_740] : memref<3x16x128xi32, #tpu.memory_space<vmem>> -> memref<1x1x128xi32, #tpu.memory_space<vmem>>
      %dma_start3A_742 = tpu.memref_squeeze %dma_start3A_741 : memref<1x1x128xi32, #tpu.memory_space<vmem>> -> memref<128xi32, #tpu.memory_space<vmem>>
      %dma_start3A_743 = arith.constant 0 : i32
      %dma_start3A_744 = tpu.memref_slice %arg11[%dma_start3A_743] : memref<100352xf32, #tpu.memory_space<vmem_shared>> -> memref<100352xf32, #tpu.memory_space<vmem_shared>>
      tpu.enqueue_indirect_dma source(%arg8 : memref<128xf32, #tpu.memory_space<vmem>>) target(%dma_start3A_744 : memref<100352xf32, #tpu.memory_space<vmem_shared>>) offsets(%dma_start3A_742 : memref<128xi32, #tpu.memory_space<vmem>>) semaphore(%arg15 : memref<!tpu.dma_semaphore, #tpu.memory_space<semaphore_mem>>) {add = true}
      %dma_start3A_745 = arith.constant 0 : i32
      %dma_start3A_746 = arith.constant 13 : i32
      %dma_start3A_747 = arith.constant 0 : i32
      %dma_start3A_748 = arith.constant 13 : i32
      %dma_start3A_749 = arith.constant 0 : i32
      %dma_start3A_750 = tpu.memref_slice %arg6[%dma_start3A_745, %dma_start3A_746, %dma_start3A_749] : memref<3x16x128xf32, #tpu.memory_space<vmem>> -> memref<1x1x128xf32, #tpu.memory_space<vmem>>
      %dma_start3A_751 = tpu.memref_squeeze %dma_start3A_750 : memref<1x1x128xf32, #tpu.memory_space<vmem>> -> memref<128xf32, #tpu.memory_space<vmem>>
      %dma_start3A_752 = arith.constant 0 : i32
      %dma_start3A_753 = tpu.memref_slice %arg7[%dma_start3A_747, %dma_start3A_748, %dma_start3A_752] : memref<3x16x128xi32, #tpu.memory_space<vmem>> -> memref<1x1x128xi32, #tpu.memory_space<vmem>>
      %dma_start3A_754 = tpu.memref_squeeze %dma_start3A_753 : memref<1x1x128xi32, #tpu.memory_space<vmem>> -> memref<128xi32, #tpu.memory_space<vmem>>
      %dma_start3A_755 = arith.constant 0 : i32
      %dma_start3A_756 = tpu.memref_slice %arg10[%dma_start3A_755] : memref<100352xf32, #tpu.memory_space<vmem_shared>> -> memref<100352xf32, #tpu.memory_space<vmem_shared>>
      tpu.enqueue_indirect_dma source(%dma_start3A_751 : memref<128xf32, #tpu.memory_space<vmem>>) target(%dma_start3A_756 : memref<100352xf32, #tpu.memory_space<vmem_shared>>) offsets(%dma_start3A_754 : memref<128xi32, #tpu.memory_space<vmem>>) semaphore(%arg15 : memref<!tpu.dma_semaphore, #tpu.memory_space<semaphore_mem>>) {add = true}
      %dma_start3A_757 = arith.constant 0 : i32
      %dma_start3A_758 = arith.constant 13 : i32
      %dma_start3A_759 = arith.constant 0 : i32
      %dma_start3A_760 = tpu.memref_slice %arg7[%dma_start3A_757, %dma_start3A_758, %dma_start3A_759] : memref<3x16x128xi32, #tpu.memory_space<vmem>> -> memref<1x1x128xi32, #tpu.memory_space<vmem>>
      %dma_start3A_761 = tpu.memref_squeeze %dma_start3A_760 : memref<1x1x128xi32, #tpu.memory_space<vmem>> -> memref<128xi32, #tpu.memory_space<vmem>>
      %dma_start3A_762 = arith.constant 0 : i32
      %dma_start3A_763 = tpu.memref_slice %arg11[%dma_start3A_762] : memref<100352xf32, #tpu.memory_space<vmem_shared>> -> memref<100352xf32, #tpu.memory_space<vmem_shared>>
      tpu.enqueue_indirect_dma source(%arg8 : memref<128xf32, #tpu.memory_space<vmem>>) target(%dma_start3A_763 : memref<100352xf32, #tpu.memory_space<vmem_shared>>) offsets(%dma_start3A_761 : memref<128xi32, #tpu.memory_space<vmem>>) semaphore(%arg15 : memref<!tpu.dma_semaphore, #tpu.memory_space<semaphore_mem>>) {add = true}
      %dma_start3A_764 = arith.constant 0 : i32
      %dma_start3A_765 = arith.constant 14 : i32
      %dma_start3A_766 = arith.constant 0 : i32
      %dma_start3A_767 = arith.constant 14 : i32
      %dma_start3A_768 = arith.constant 0 : i32
      %dma_start3A_769 = tpu.memref_slice %arg6[%dma_start3A_764, %dma_start3A_765, %dma_start3A_768] : memref<3x16x128xf32, #tpu.memory_space<vmem>> -> memref<1x1x128xf32, #tpu.memory_space<vmem>>
      %dma_start3A_770 = tpu.memref_squeeze %dma_start3A_769 : memref<1x1x128xf32, #tpu.memory_space<vmem>> -> memref<128xf32, #tpu.memory_space<vmem>>
      %dma_start3A_771 = arith.constant 0 : i32
      %dma_start3A_772 = tpu.memref_slice %arg7[%dma_start3A_766, %dma_start3A_767, %dma_start3A_771] : memref<3x16x128xi32, #tpu.memory_space<vmem>> -> memref<1x1x128xi32, #tpu.memory_space<vmem>>
      %dma_start3A_773 = tpu.memref_squeeze %dma_start3A_772 : memref<1x1x128xi32, #tpu.memory_space<vmem>> -> memref<128xi32, #tpu.memory_space<vmem>>
      %dma_start3A_774 = arith.constant 0 : i32
      %dma_start3A_775 = tpu.memref_slice %arg10[%dma_start3A_774] : memref<100352xf32, #tpu.memory_space<vmem_shared>> -> memref<100352xf32, #tpu.memory_space<vmem_shared>>
      tpu.enqueue_indirect_dma source(%dma_start3A_770 : memref<128xf32, #tpu.memory_space<vmem>>) target(%dma_start3A_775 : memref<100352xf32, #tpu.memory_space<vmem_shared>>) offsets(%dma_start3A_773 : memref<128xi32, #tpu.memory_space<vmem>>) semaphore(%arg15 : memref<!tpu.dma_semaphore, #tpu.memory_space<semaphore_mem>>) {add = true}
      %dma_start3A_776 = arith.constant 0 : i32
      %dma_start3A_777 = arith.constant 14 : i32
      %dma_start3A_778 = arith.constant 0 : i32
      %dma_start3A_779 = tpu.memref_slice %arg7[%dma_start3A_776, %dma_start3A_777, %dma_start3A_778] : memref<3x16x128xi32, #tpu.memory_space<vmem>> -> memref<1x1x128xi32, #tpu.memory_space<vmem>>
      %dma_start3A_780 = tpu.memref_squeeze %dma_start3A_779 : memref<1x1x128xi32, #tpu.memory_space<vmem>> -> memref<128xi32, #tpu.memory_space<vmem>>
      %dma_start3A_781 = arith.constant 0 : i32
      %dma_start3A_782 = tpu.memref_slice %arg11[%dma_start3A_781] : memref<100352xf32, #tpu.memory_space<vmem_shared>> -> memref<100352xf32, #tpu.memory_space<vmem_shared>>
      tpu.enqueue_indirect_dma source(%arg8 : memref<128xf32, #tpu.memory_space<vmem>>) target(%dma_start3A_782 : memref<100352xf32, #tpu.memory_space<vmem_shared>>) offsets(%dma_start3A_780 : memref<128xi32, #tpu.memory_space<vmem>>) semaphore(%arg15 : memref<!tpu.dma_semaphore, #tpu.memory_space<semaphore_mem>>) {add = true}
      %dma_start3A_783 = arith.constant 0 : i32
      %dma_start3A_784 = arith.constant 15 : i32
      %dma_start3A_785 = arith.constant 0 : i32
      %dma_start3A_786 = arith.constant 15 : i32
      %dma_start3A_787 = arith.constant 0 : i32
      %dma_start3A_788 = tpu.memref_slice %arg6[%dma_start3A_783, %dma_start3A_784, %dma_start3A_787] : memref<3x16x128xf32, #tpu.memory_space<vmem>> -> memref<1x1x128xf32, #tpu.memory_space<vmem>>
      %dma_start3A_789 = tpu.memref_squeeze %dma_start3A_788 : memref<1x1x128xf32, #tpu.memory_space<vmem>> -> memref<128xf32, #tpu.memory_space<vmem>>
      %dma_start3A_790 = arith.constant 0 : i32
      %dma_start3A_791 = tpu.memref_slice %arg7[%dma_start3A_785, %dma_start3A_786, %dma_start3A_790] : memref<3x16x128xi32, #tpu.memory_space<vmem>> -> memref<1x1x128xi32, #tpu.memory_space<vmem>>
      %dma_start3A_792 = tpu.memref_squeeze %dma_start3A_791 : memref<1x1x128xi32, #tpu.memory_space<vmem>> -> memref<128xi32, #tpu.memory_space<vmem>>
      %dma_start3A_793 = arith.constant 0 : i32
      %dma_start3A_794 = tpu.memref_slice %arg10[%dma_start3A_793] : memref<100352xf32, #tpu.memory_space<vmem_shared>> -> memref<100352xf32, #tpu.memory_space<vmem_shared>>
      tpu.enqueue_indirect_dma source(%dma_start3A_789 : memref<128xf32, #tpu.memory_space<vmem>>) target(%dma_start3A_794 : memref<100352xf32, #tpu.memory_space<vmem_shared>>) offsets(%dma_start3A_792 : memref<128xi32, #tpu.memory_space<vmem>>) semaphore(%arg15 : memref<!tpu.dma_semaphore, #tpu.memory_space<semaphore_mem>>) {add = true}
      %dma_start3A_795 = arith.constant 0 : i32
      %dma_start3A_796 = arith.constant 15 : i32
      %dma_start3A_797 = arith.constant 0 : i32
      %dma_start3A_798 = tpu.memref_slice %arg7[%dma_start3A_795, %dma_start3A_796, %dma_start3A_797] : memref<3x16x128xi32, #tpu.memory_space<vmem>> -> memref<1x1x128xi32, #tpu.memory_space<vmem>>
      %dma_start3A_799 = tpu.memref_squeeze %dma_start3A_798 : memref<1x1x128xi32, #tpu.memory_space<vmem>> -> memref<128xi32, #tpu.memory_space<vmem>>
      %dma_start3A_800 = arith.constant 0 : i32
      %dma_start3A_801 = tpu.memref_slice %arg11[%dma_start3A_800] : memref<100352xf32, #tpu.memory_space<vmem_shared>> -> memref<100352xf32, #tpu.memory_space<vmem_shared>>
      tpu.enqueue_indirect_dma source(%arg8 : memref<128xf32, #tpu.memory_space<vmem>>) target(%dma_start3A_801 : memref<100352xf32, #tpu.memory_space<vmem_shared>>) offsets(%dma_start3A_799 : memref<128xi32, #tpu.memory_space<vmem>>) semaphore(%arg15 : memref<!tpu.dma_semaphore, #tpu.memory_space<semaphore_mem>>) {add = true}
      %ge3A = arith.constant 1 : i32
      %ge3A_802 = arith.cmpi sge, %add3A_467, %ge3A : i32
      %convert_element_type3A = arith.extui %ge3A_802 : i1 to i32
      %cond3A = arith.constant 0 : i32
      %cond3A_803 = arith.cmpi ne, %convert_element_type3A, %cond3A : i32
      scf.if %cond3A_803 {
        %dma_wait3A_1518 = arith.constant 2 : i32
        %dma_wait3A_1519 = arith.constant 0 : i32
        %dma_wait3A_1520 = arith.constant 2 : i32
        %dma_wait3A_1521 = arith.constant 0 : i32
        %dma_wait3A_1522 = arith.constant 0 : i32
        %dma_wait3A_1523 = tpu.memref_slice %arg6[%dma_wait3A_1518, %dma_wait3A_1519, %dma_wait3A_1522] : memref<3x16x128xf32, #tpu.memory_space<vmem>> -> memref<1x1x128xf32, #tpu.memory_space<vmem>>
        %dma_wait3A_1524 = tpu.memref_squeeze %dma_wait3A_1523 : memref<1x1x128xf32, #tpu.memory_space<vmem>> -> memref<128xf32, #tpu.memory_space<vmem>>
        %dma_wait3A_1525 = arith.constant 0 : i32
        %dma_wait3A_1526 = tpu.memref_slice %arg7[%dma_wait3A_1520, %dma_wait3A_1521, %dma_wait3A_1525] : memref<3x16x128xi32, #tpu.memory_space<vmem>> -> memref<1x1x128xi32, #tpu.memory_space<vmem>>
        %dma_wait3A_1527 = tpu.memref_squeeze %dma_wait3A_1526 : memref<1x1x128xi32, #tpu.memory_space<vmem>> -> memref<128xi32, #tpu.memory_space<vmem>>
        %dma_wait3A_1528 = arith.constant 0 : i32
        %dma_wait3A_1529 = tpu.memref_slice %arg10[%dma_wait3A_1528] : memref<100352xf32, #tpu.memory_space<vmem_shared>> -> memref<100352xf32, #tpu.memory_space<vmem_shared>>
        tpu.wait_indirect_dma semaphore(%arg17 : memref<!tpu.dma_semaphore, #tpu.memory_space<semaphore_mem>>) src(%dma_wait3A_1524 : memref<128xf32, #tpu.memory_space<vmem>>) dst(%dma_wait3A_1529 : memref<100352xf32, #tpu.memory_space<vmem_shared>>)
        %dma_wait3A_1530 = arith.constant 2 : i32
        %dma_wait3A_1531 = arith.constant 0 : i32
        %dma_wait3A_1532 = arith.constant 0 : i32
        %dma_wait3A_1533 = tpu.memref_slice %arg7[%dma_wait3A_1530, %dma_wait3A_1531, %dma_wait3A_1532] : memref<3x16x128xi32, #tpu.memory_space<vmem>> -> memref<1x1x128xi32, #tpu.memory_space<vmem>>
        %dma_wait3A_1534 = tpu.memref_squeeze %dma_wait3A_1533 : memref<1x1x128xi32, #tpu.memory_space<vmem>> -> memref<128xi32, #tpu.memory_space<vmem>>
        %dma_wait3A_1535 = arith.constant 0 : i32
        %dma_wait3A_1536 = tpu.memref_slice %arg11[%dma_wait3A_1535] : memref<100352xf32, #tpu.memory_space<vmem_shared>> -> memref<100352xf32, #tpu.memory_space<vmem_shared>>
        tpu.wait_indirect_dma semaphore(%arg17 : memref<!tpu.dma_semaphore, #tpu.memory_space<semaphore_mem>>) src(%arg8 : memref<128xf32, #tpu.memory_space<vmem>>) dst(%dma_wait3A_1536 : memref<100352xf32, #tpu.memory_space<vmem_shared>>)
        %dma_wait3A_1537 = arith.constant 2 : i32
        %dma_wait3A_1538 = arith.constant 1 : i32
        %dma_wait3A_1539 = arith.constant 2 : i32
        %dma_wait3A_1540 = arith.constant 1 : i32
        %dma_wait3A_1541 = arith.constant 0 : i32
        %dma_wait3A_1542 = tpu.memref_slice %arg6[%dma_wait3A_1537, %dma_wait3A_1538, %dma_wait3A_1541] : memref<3x16x128xf32, #tpu.memory_space<vmem>> -> memref<1x1x128xf32, #tpu.memory_space<vmem>>
        %dma_wait3A_1543 = tpu.memref_squeeze %dma_wait3A_1542 : memref<1x1x128xf32, #tpu.memory_space<vmem>> -> memref<128xf32, #tpu.memory_space<vmem>>
        %dma_wait3A_1544 = arith.constant 0 : i32
        %dma_wait3A_1545 = tpu.memref_slice %arg7[%dma_wait3A_1539, %dma_wait3A_1540, %dma_wait3A_1544] : memref<3x16x128xi32, #tpu.memory_space<vmem>> -> memref<1x1x128xi32, #tpu.memory_space<vmem>>
        %dma_wait3A_1546 = tpu.memref_squeeze %dma_wait3A_1545 : memref<1x1x128xi32, #tpu.memory_space<vmem>> -> memref<128xi32, #tpu.memory_space<vmem>>
        %dma_wait3A_1547 = arith.constant 0 : i32
        %dma_wait3A_1548 = tpu.memref_slice %arg10[%dma_wait3A_1547] : memref<100352xf32, #tpu.memory_space<vmem_shared>> -> memref<100352xf32, #tpu.memory_space<vmem_shared>>
        tpu.wait_indirect_dma semaphore(%arg17 : memref<!tpu.dma_semaphore, #tpu.memory_space<semaphore_mem>>) src(%dma_wait3A_1543 : memref<128xf32, #tpu.memory_space<vmem>>) dst(%dma_wait3A_1548 : memref<100352xf32, #tpu.memory_space<vmem_shared>>)
        %dma_wait3A_1549 = arith.constant 2 : i32
        %dma_wait3A_1550 = arith.constant 1 : i32
        %dma_wait3A_1551 = arith.constant 0 : i32
        %dma_wait3A_1552 = tpu.memref_slice %arg7[%dma_wait3A_1549, %dma_wait3A_1550, %dma_wait3A_1551] : memref<3x16x128xi32, #tpu.memory_space<vmem>> -> memref<1x1x128xi32, #tpu.memory_space<vmem>>
        %dma_wait3A_1553 = tpu.memref_squeeze %dma_wait3A_1552 : memref<1x1x128xi32, #tpu.memory_space<vmem>> -> memref<128xi32, #tpu.memory_space<vmem>>
        %dma_wait3A_1554 = arith.constant 0 : i32
        %dma_wait3A_1555 = tpu.memref_slice %arg11[%dma_wait3A_1554] : memref<100352xf32, #tpu.memory_space<vmem_shared>> -> memref<100352xf32, #tpu.memory_space<vmem_shared>>
        tpu.wait_indirect_dma semaphore(%arg17 : memref<!tpu.dma_semaphore, #tpu.memory_space<semaphore_mem>>) src(%arg8 : memref<128xf32, #tpu.memory_space<vmem>>) dst(%dma_wait3A_1555 : memref<100352xf32, #tpu.memory_space<vmem_shared>>)
        %dma_wait3A_1556 = arith.constant 2 : i32
        %dma_wait3A_1557 = arith.constant 2 : i32
        %dma_wait3A_1558 = arith.constant 2 : i32
        %dma_wait3A_1559 = arith.constant 2 : i32
        %dma_wait3A_1560 = arith.constant 0 : i32
        %dma_wait3A_1561 = tpu.memref_slice %arg6[%dma_wait3A_1556, %dma_wait3A_1557, %dma_wait3A_1560] : memref<3x16x128xf32, #tpu.memory_space<vmem>> -> memref<1x1x128xf32, #tpu.memory_space<vmem>>
        %dma_wait3A_1562 = tpu.memref_squeeze %dma_wait3A_1561 : memref<1x1x128xf32, #tpu.memory_space<vmem>> -> memref<128xf32, #tpu.memory_space<vmem>>
        %dma_wait3A_1563 = arith.constant 0 : i32
        %dma_wait3A_1564 = tpu.memref_slice %arg7[%dma_wait3A_1558, %dma_wait3A_1559, %dma_wait3A_1563] : memref<3x16x128xi32, #tpu.memory_space<vmem>> -> memref<1x1x128xi32, #tpu.memory_space<vmem>>
        %dma_wait3A_1565 = tpu.memref_squeeze %dma_wait3A_1564 : memref<1x1x128xi32, #tpu.memory_space<vmem>> -> memref<128xi32, #tpu.memory_space<vmem>>
        %dma_wait3A_1566 = arith.constant 0 : i32
        %dma_wait3A_1567 = tpu.memref_slice %arg10[%dma_wait3A_1566] : memref<100352xf32, #tpu.memory_space<vmem_shared>> -> memref<100352xf32, #tpu.memory_space<vmem_shared>>
        tpu.wait_indirect_dma semaphore(%arg17 : memref<!tpu.dma_semaphore, #tpu.memory_space<semaphore_mem>>) src(%dma_wait3A_1562 : memref<128xf32, #tpu.memory_space<vmem>>) dst(%dma_wait3A_1567 : memref<100352xf32, #tpu.memory_space<vmem_shared>>)
        %dma_wait3A_1568 = arith.constant 2 : i32
        %dma_wait3A_1569 = arith.constant 2 : i32
        %dma_wait3A_1570 = arith.constant 0 : i32
        %dma_wait3A_1571 = tpu.memref_slice %arg7[%dma_wait3A_1568, %dma_wait3A_1569, %dma_wait3A_1570] : memref<3x16x128xi32, #tpu.memory_space<vmem>> -> memref<1x1x128xi32, #tpu.memory_space<vmem>>
        %dma_wait3A_1572 = tpu.memref_squeeze %dma_wait3A_1571 : memref<1x1x128xi32, #tpu.memory_space<vmem>> -> memref<128xi32, #tpu.memory_space<vmem>>
        %dma_wait3A_1573 = arith.constant 0 : i32
        %dma_wait3A_1574 = tpu.memref_slice %arg11[%dma_wait3A_1573] : memref<100352xf32, #tpu.memory_space<vmem_shared>> -> memref<100352xf32, #tpu.memory_space<vmem_shared>>
        tpu.wait_indirect_dma semaphore(%arg17 : memref<!tpu.dma_semaphore, #tpu.memory_space<semaphore_mem>>) src(%arg8 : memref<128xf32, #tpu.memory_space<vmem>>) dst(%dma_wait3A_1574 : memref<100352xf32, #tpu.memory_space<vmem_shared>>)
        %dma_wait3A_1575 = arith.constant 2 : i32
        %dma_wait3A_1576 = arith.constant 3 : i32
        %dma_wait3A_1577 = arith.constant 2 : i32
        %dma_wait3A_1578 = arith.constant 3 : i32
        %dma_wait3A_1579 = arith.constant 0 : i32
        %dma_wait3A_1580 = tpu.memref_slice %arg6[%dma_wait3A_1575, %dma_wait3A_1576, %dma_wait3A_1579] : memref<3x16x128xf32, #tpu.memory_space<vmem>> -> memref<1x1x128xf32, #tpu.memory_space<vmem>>
        %dma_wait3A_1581 = tpu.memref_squeeze %dma_wait3A_1580 : memref<1x1x128xf32, #tpu.memory_space<vmem>> -> memref<128xf32, #tpu.memory_space<vmem>>
        %dma_wait3A_1582 = arith.constant 0 : i32
        %dma_wait3A_1583 = tpu.memref_slice %arg7[%dma_wait3A_1577, %dma_wait3A_1578, %dma_wait3A_1582] : memref<3x16x128xi32, #tpu.memory_space<vmem>> -> memref<1x1x128xi32, #tpu.memory_space<vmem>>
        %dma_wait3A_1584 = tpu.memref_squeeze %dma_wait3A_1583 : memref<1x1x128xi32, #tpu.memory_space<vmem>> -> memref<128xi32, #tpu.memory_space<vmem>>
        %dma_wait3A_1585 = arith.constant 0 : i32
        %dma_wait3A_1586 = tpu.memref_slice %arg10[%dma_wait3A_1585] : memref<100352xf32, #tpu.memory_space<vmem_shared>> -> memref<100352xf32, #tpu.memory_space<vmem_shared>>
        tpu.wait_indirect_dma semaphore(%arg17 : memref<!tpu.dma_semaphore, #tpu.memory_space<semaphore_mem>>) src(%dma_wait3A_1581 : memref<128xf32, #tpu.memory_space<vmem>>) dst(%dma_wait3A_1586 : memref<100352xf32, #tpu.memory_space<vmem_shared>>)
        %dma_wait3A_1587 = arith.constant 2 : i32
        %dma_wait3A_1588 = arith.constant 3 : i32
        %dma_wait3A_1589 = arith.constant 0 : i32
        %dma_wait3A_1590 = tpu.memref_slice %arg7[%dma_wait3A_1587, %dma_wait3A_1588, %dma_wait3A_1589] : memref<3x16x128xi32, #tpu.memory_space<vmem>> -> memref<1x1x128xi32, #tpu.memory_space<vmem>>
        %dma_wait3A_1591 = tpu.memref_squeeze %dma_wait3A_1590 : memref<1x1x128xi32, #tpu.memory_space<vmem>> -> memref<128xi32, #tpu.memory_space<vmem>>
        %dma_wait3A_1592 = arith.constant 0 : i32
        %dma_wait3A_1593 = tpu.memref_slice %arg11[%dma_wait3A_1592] : memref<100352xf32, #tpu.memory_space<vmem_shared>> -> memref<100352xf32, #tpu.memory_space<vmem_shared>>
        tpu.wait_indirect_dma semaphore(%arg17 : memref<!tpu.dma_semaphore, #tpu.memory_space<semaphore_mem>>) src(%arg8 : memref<128xf32, #tpu.memory_space<vmem>>) dst(%dma_wait3A_1593 : memref<100352xf32, #tpu.memory_space<vmem_shared>>)
        %dma_wait3A_1594 = arith.constant 2 : i32
        %dma_wait3A_1595 = arith.constant 4 : i32
        %dma_wait3A_1596 = arith.constant 2 : i32
        %dma_wait3A_1597 = arith.constant 4 : i32
        %dma_wait3A_1598 = arith.constant 0 : i32
        %dma_wait3A_1599 = tpu.memref_slice %arg6[%dma_wait3A_1594, %dma_wait3A_1595, %dma_wait3A_1598] : memref<3x16x128xf32, #tpu.memory_space<vmem>> -> memref<1x1x128xf32, #tpu.memory_space<vmem>>
        %dma_wait3A_1600 = tpu.memref_squeeze %dma_wait3A_1599 : memref<1x1x128xf32, #tpu.memory_space<vmem>> -> memref<128xf32, #tpu.memory_space<vmem>>
        %dma_wait3A_1601 = arith.constant 0 : i32
        %dma_wait3A_1602 = tpu.memref_slice %arg7[%dma_wait3A_1596, %dma_wait3A_1597, %dma_wait3A_1601] : memref<3x16x128xi32, #tpu.memory_space<vmem>> -> memref<1x1x128xi32, #tpu.memory_space<vmem>>
        %dma_wait3A_1603 = tpu.memref_squeeze %dma_wait3A_1602 : memref<1x1x128xi32, #tpu.memory_space<vmem>> -> memref<128xi32, #tpu.memory_space<vmem>>
        %dma_wait3A_1604 = arith.constant 0 : i32
        %dma_wait3A_1605 = tpu.memref_slice %arg10[%dma_wait3A_1604] : memref<100352xf32, #tpu.memory_space<vmem_shared>> -> memref<100352xf32, #tpu.memory_space<vmem_shared>>
        tpu.wait_indirect_dma semaphore(%arg17 : memref<!tpu.dma_semaphore, #tpu.memory_space<semaphore_mem>>) src(%dma_wait3A_1600 : memref<128xf32, #tpu.memory_space<vmem>>) dst(%dma_wait3A_1605 : memref<100352xf32, #tpu.memory_space<vmem_shared>>)
        %dma_wait3A_1606 = arith.constant 2 : i32
        %dma_wait3A_1607 = arith.constant 4 : i32
        %dma_wait3A_1608 = arith.constant 0 : i32
        %dma_wait3A_1609 = tpu.memref_slice %arg7[%dma_wait3A_1606, %dma_wait3A_1607, %dma_wait3A_1608] : memref<3x16x128xi32, #tpu.memory_space<vmem>> -> memref<1x1x128xi32, #tpu.memory_space<vmem>>
        %dma_wait3A_1610 = tpu.memref_squeeze %dma_wait3A_1609 : memref<1x1x128xi32, #tpu.memory_space<vmem>> -> memref<128xi32, #tpu.memory_space<vmem>>
        %dma_wait3A_1611 = arith.constant 0 : i32
        %dma_wait3A_1612 = tpu.memref_slice %arg11[%dma_wait3A_1611] : memref<100352xf32, #tpu.memory_space<vmem_shared>> -> memref<100352xf32, #tpu.memory_space<vmem_shared>>
        tpu.wait_indirect_dma semaphore(%arg17 : memref<!tpu.dma_semaphore, #tpu.memory_space<semaphore_mem>>) src(%arg8 : memref<128xf32, #tpu.memory_space<vmem>>) dst(%dma_wait3A_1612 : memref<100352xf32, #tpu.memory_space<vmem_shared>>)
        %dma_wait3A_1613 = arith.constant 2 : i32
        %dma_wait3A_1614 = arith.constant 5 : i32
        %dma_wait3A_1615 = arith.constant 2 : i32
        %dma_wait3A_1616 = arith.constant 5 : i32
        %dma_wait3A_1617 = arith.constant 0 : i32
        %dma_wait3A_1618 = tpu.memref_slice %arg6[%dma_wait3A_1613, %dma_wait3A_1614, %dma_wait3A_1617] : memref<3x16x128xf32, #tpu.memory_space<vmem>> -> memref<1x1x128xf32, #tpu.memory_space<vmem>>
        %dma_wait3A_1619 = tpu.memref_squeeze %dma_wait3A_1618 : memref<1x1x128xf32, #tpu.memory_space<vmem>> -> memref<128xf32, #tpu.memory_space<vmem>>
        %dma_wait3A_1620 = arith.constant 0 : i32
        %dma_wait3A_1621 = tpu.memref_slice %arg7[%dma_wait3A_1615, %dma_wait3A_1616, %dma_wait3A_1620] : memref<3x16x128xi32, #tpu.memory_space<vmem>> -> memref<1x1x128xi32, #tpu.memory_space<vmem>>
        %dma_wait3A_1622 = tpu.memref_squeeze %dma_wait3A_1621 : memref<1x1x128xi32, #tpu.memory_space<vmem>> -> memref<128xi32, #tpu.memory_space<vmem>>
        %dma_wait3A_1623 = arith.constant 0 : i32
        %dma_wait3A_1624 = tpu.memref_slice %arg10[%dma_wait3A_1623] : memref<100352xf32, #tpu.memory_space<vmem_shared>> -> memref<100352xf32, #tpu.memory_space<vmem_shared>>
        tpu.wait_indirect_dma semaphore(%arg17 : memref<!tpu.dma_semaphore, #tpu.memory_space<semaphore_mem>>) src(%dma_wait3A_1619 : memref<128xf32, #tpu.memory_space<vmem>>) dst(%dma_wait3A_1624 : memref<100352xf32, #tpu.memory_space<vmem_shared>>)
        %dma_wait3A_1625 = arith.constant 2 : i32
        %dma_wait3A_1626 = arith.constant 5 : i32
        %dma_wait3A_1627 = arith.constant 0 : i32
        %dma_wait3A_1628 = tpu.memref_slice %arg7[%dma_wait3A_1625, %dma_wait3A_1626, %dma_wait3A_1627] : memref<3x16x128xi32, #tpu.memory_space<vmem>> -> memref<1x1x128xi32, #tpu.memory_space<vmem>>
        %dma_wait3A_1629 = tpu.memref_squeeze %dma_wait3A_1628 : memref<1x1x128xi32, #tpu.memory_space<vmem>> -> memref<128xi32, #tpu.memory_space<vmem>>
        %dma_wait3A_1630 = arith.constant 0 : i32
        %dma_wait3A_1631 = tpu.memref_slice %arg11[%dma_wait3A_1630] : memref<100352xf32, #tpu.memory_space<vmem_shared>> -> memref<100352xf32, #tpu.memory_space<vmem_shared>>
        tpu.wait_indirect_dma semaphore(%arg17 : memref<!tpu.dma_semaphore, #tpu.memory_space<semaphore_mem>>) src(%arg8 : memref<128xf32, #tpu.memory_space<vmem>>) dst(%dma_wait3A_1631 : memref<100352xf32, #tpu.memory_space<vmem_shared>>)
        %dma_wait3A_1632 = arith.constant 2 : i32
        %dma_wait3A_1633 = arith.constant 6 : i32
        %dma_wait3A_1634 = arith.constant 2 : i32
        %dma_wait3A_1635 = arith.constant 6 : i32
        %dma_wait3A_1636 = arith.constant 0 : i32
        %dma_wait3A_1637 = tpu.memref_slice %arg6[%dma_wait3A_1632, %dma_wait3A_1633, %dma_wait3A_1636] : memref<3x16x128xf32, #tpu.memory_space<vmem>> -> memref<1x1x128xf32, #tpu.memory_space<vmem>>
        %dma_wait3A_1638 = tpu.memref_squeeze %dma_wait3A_1637 : memref<1x1x128xf32, #tpu.memory_space<vmem>> -> memref<128xf32, #tpu.memory_space<vmem>>
        %dma_wait3A_1639 = arith.constant 0 : i32
        %dma_wait3A_1640 = tpu.memref_slice %arg7[%dma_wait3A_1634, %dma_wait3A_1635, %dma_wait3A_1639] : memref<3x16x128xi32, #tpu.memory_space<vmem>> -> memref<1x1x128xi32, #tpu.memory_space<vmem>>
        %dma_wait3A_1641 = tpu.memref_squeeze %dma_wait3A_1640 : memref<1x1x128xi32, #tpu.memory_space<vmem>> -> memref<128xi32, #tpu.memory_space<vmem>>
        %dma_wait3A_1642 = arith.constant 0 : i32
        %dma_wait3A_1643 = tpu.memref_slice %arg10[%dma_wait3A_1642] : memref<100352xf32, #tpu.memory_space<vmem_shared>> -> memref<100352xf32, #tpu.memory_space<vmem_shared>>
        tpu.wait_indirect_dma semaphore(%arg17 : memref<!tpu.dma_semaphore, #tpu.memory_space<semaphore_mem>>) src(%dma_wait3A_1638 : memref<128xf32, #tpu.memory_space<vmem>>) dst(%dma_wait3A_1643 : memref<100352xf32, #tpu.memory_space<vmem_shared>>)
        %dma_wait3A_1644 = arith.constant 2 : i32
        %dma_wait3A_1645 = arith.constant 6 : i32
        %dma_wait3A_1646 = arith.constant 0 : i32
        %dma_wait3A_1647 = tpu.memref_slice %arg7[%dma_wait3A_1644, %dma_wait3A_1645, %dma_wait3A_1646] : memref<3x16x128xi32, #tpu.memory_space<vmem>> -> memref<1x1x128xi32, #tpu.memory_space<vmem>>
        %dma_wait3A_1648 = tpu.memref_squeeze %dma_wait3A_1647 : memref<1x1x128xi32, #tpu.memory_space<vmem>> -> memref<128xi32, #tpu.memory_space<vmem>>
        %dma_wait3A_1649 = arith.constant 0 : i32
        %dma_wait3A_1650 = tpu.memref_slice %arg11[%dma_wait3A_1649] : memref<100352xf32, #tpu.memory_space<vmem_shared>> -> memref<100352xf32, #tpu.memory_space<vmem_shared>>
        tpu.wait_indirect_dma semaphore(%arg17 : memref<!tpu.dma_semaphore, #tpu.memory_space<semaphore_mem>>) src(%arg8 : memref<128xf32, #tpu.memory_space<vmem>>) dst(%dma_wait3A_1650 : memref<100352xf32, #tpu.memory_space<vmem_shared>>)
        %dma_wait3A_1651 = arith.constant 2 : i32
        %dma_wait3A_1652 = arith.constant 7 : i32
        %dma_wait3A_1653 = arith.constant 2 : i32
        %dma_wait3A_1654 = arith.constant 7 : i32
        %dma_wait3A_1655 = arith.constant 0 : i32
        %dma_wait3A_1656 = tpu.memref_slice %arg6[%dma_wait3A_1651, %dma_wait3A_1652, %dma_wait3A_1655] : memref<3x16x128xf32, #tpu.memory_space<vmem>> -> memref<1x1x128xf32, #tpu.memory_space<vmem>>
        %dma_wait3A_1657 = tpu.memref_squeeze %dma_wait3A_1656 : memref<1x1x128xf32, #tpu.memory_space<vmem>> -> memref<128xf32, #tpu.memory_space<vmem>>
        %dma_wait3A_1658 = arith.constant 0 : i32
        %dma_wait3A_1659 = tpu.memref_slice %arg7[%dma_wait3A_1653, %dma_wait3A_1654, %dma_wait3A_1658] : memref<3x16x128xi32, #tpu.memory_space<vmem>> -> memref<1x1x128xi32, #tpu.memory_space<vmem>>
        %dma_wait3A_1660 = tpu.memref_squeeze %dma_wait3A_1659 : memref<1x1x128xi32, #tpu.memory_space<vmem>> -> memref<128xi32, #tpu.memory_space<vmem>>
        %dma_wait3A_1661 = arith.constant 0 : i32
        %dma_wait3A_1662 = tpu.memref_slice %arg10[%dma_wait3A_1661] : memref<100352xf32, #tpu.memory_space<vmem_shared>> -> memref<100352xf32, #tpu.memory_space<vmem_shared>>
        tpu.wait_indirect_dma semaphore(%arg17 : memref<!tpu.dma_semaphore, #tpu.memory_space<semaphore_mem>>) src(%dma_wait3A_1657 : memref<128xf32, #tpu.memory_space<vmem>>) dst(%dma_wait3A_1662 : memref<100352xf32, #tpu.memory_space<vmem_shared>>)
        %dma_wait3A_1663 = arith.constant 2 : i32
        %dma_wait3A_1664 = arith.constant 7 : i32
        %dma_wait3A_1665 = arith.constant 0 : i32
        %dma_wait3A_1666 = tpu.memref_slice %arg7[%dma_wait3A_1663, %dma_wait3A_1664, %dma_wait3A_1665] : memref<3x16x128xi32, #tpu.memory_space<vmem>> -> memref<1x1x128xi32, #tpu.memory_space<vmem>>
        %dma_wait3A_1667 = tpu.memref_squeeze %dma_wait3A_1666 : memref<1x1x128xi32, #tpu.memory_space<vmem>> -> memref<128xi32, #tpu.memory_space<vmem>>
        %dma_wait3A_1668 = arith.constant 0 : i32
        %dma_wait3A_1669 = tpu.memref_slice %arg11[%dma_wait3A_1668] : memref<100352xf32, #tpu.memory_space<vmem_shared>> -> memref<100352xf32, #tpu.memory_space<vmem_shared>>
        tpu.wait_indirect_dma semaphore(%arg17 : memref<!tpu.dma_semaphore, #tpu.memory_space<semaphore_mem>>) src(%arg8 : memref<128xf32, #tpu.memory_space<vmem>>) dst(%dma_wait3A_1669 : memref<100352xf32, #tpu.memory_space<vmem_shared>>)
        %dma_wait3A_1670 = arith.constant 2 : i32
        %dma_wait3A_1671 = arith.constant 8 : i32
        %dma_wait3A_1672 = arith.constant 2 : i32
        %dma_wait3A_1673 = arith.constant 8 : i32
        %dma_wait3A_1674 = arith.constant 0 : i32
        %dma_wait3A_1675 = tpu.memref_slice %arg6[%dma_wait3A_1670, %dma_wait3A_1671, %dma_wait3A_1674] : memref<3x16x128xf32, #tpu.memory_space<vmem>> -> memref<1x1x128xf32, #tpu.memory_space<vmem>>
        %dma_wait3A_1676 = tpu.memref_squeeze %dma_wait3A_1675 : memref<1x1x128xf32, #tpu.memory_space<vmem>> -> memref<128xf32, #tpu.memory_space<vmem>>
        %dma_wait3A_1677 = arith.constant 0 : i32
        %dma_wait3A_1678 = tpu.memref_slice %arg7[%dma_wait3A_1672, %dma_wait3A_1673, %dma_wait3A_1677] : memref<3x16x128xi32, #tpu.memory_space<vmem>> -> memref<1x1x128xi32, #tpu.memory_space<vmem>>
        %dma_wait3A_1679 = tpu.memref_squeeze %dma_wait3A_1678 : memref<1x1x128xi32, #tpu.memory_space<vmem>> -> memref<128xi32, #tpu.memory_space<vmem>>
        %dma_wait3A_1680 = arith.constant 0 : i32
        %dma_wait3A_1681 = tpu.memref_slice %arg10[%dma_wait3A_1680] : memref<100352xf32, #tpu.memory_space<vmem_shared>> -> memref<100352xf32, #tpu.memory_space<vmem_shared>>
        tpu.wait_indirect_dma semaphore(%arg17 : memref<!tpu.dma_semaphore, #tpu.memory_space<semaphore_mem>>) src(%dma_wait3A_1676 : memref<128xf32, #tpu.memory_space<vmem>>) dst(%dma_wait3A_1681 : memref<100352xf32, #tpu.memory_space<vmem_shared>>)
        %dma_wait3A_1682 = arith.constant 2 : i32
        %dma_wait3A_1683 = arith.constant 8 : i32
        %dma_wait3A_1684 = arith.constant 0 : i32
        %dma_wait3A_1685 = tpu.memref_slice %arg7[%dma_wait3A_1682, %dma_wait3A_1683, %dma_wait3A_1684] : memref<3x16x128xi32, #tpu.memory_space<vmem>> -> memref<1x1x128xi32, #tpu.memory_space<vmem>>
        %dma_wait3A_1686 = tpu.memref_squeeze %dma_wait3A_1685 : memref<1x1x128xi32, #tpu.memory_space<vmem>> -> memref<128xi32, #tpu.memory_space<vmem>>
        %dma_wait3A_1687 = arith.constant 0 : i32
        %dma_wait3A_1688 = tpu.memref_slice %arg11[%dma_wait3A_1687] : memref<100352xf32, #tpu.memory_space<vmem_shared>> -> memref<100352xf32, #tpu.memory_space<vmem_shared>>
        tpu.wait_indirect_dma semaphore(%arg17 : memref<!tpu.dma_semaphore, #tpu.memory_space<semaphore_mem>>) src(%arg8 : memref<128xf32, #tpu.memory_space<vmem>>) dst(%dma_wait3A_1688 : memref<100352xf32, #tpu.memory_space<vmem_shared>>)
        %dma_wait3A_1689 = arith.constant 2 : i32
        %dma_wait3A_1690 = arith.constant 9 : i32
        %dma_wait3A_1691 = arith.constant 2 : i32
        %dma_wait3A_1692 = arith.constant 9 : i32
        %dma_wait3A_1693 = arith.constant 0 : i32
        %dma_wait3A_1694 = tpu.memref_slice %arg6[%dma_wait3A_1689, %dma_wait3A_1690, %dma_wait3A_1693] : memref<3x16x128xf32, #tpu.memory_space<vmem>> -> memref<1x1x128xf32, #tpu.memory_space<vmem>>
        %dma_wait3A_1695 = tpu.memref_squeeze %dma_wait3A_1694 : memref<1x1x128xf32, #tpu.memory_space<vmem>> -> memref<128xf32, #tpu.memory_space<vmem>>
        %dma_wait3A_1696 = arith.constant 0 : i32
        %dma_wait3A_1697 = tpu.memref_slice %arg7[%dma_wait3A_1691, %dma_wait3A_1692, %dma_wait3A_1696] : memref<3x16x128xi32, #tpu.memory_space<vmem>> -> memref<1x1x128xi32, #tpu.memory_space<vmem>>
        %dma_wait3A_1698 = tpu.memref_squeeze %dma_wait3A_1697 : memref<1x1x128xi32, #tpu.memory_space<vmem>> -> memref<128xi32, #tpu.memory_space<vmem>>
        %dma_wait3A_1699 = arith.constant 0 : i32
        %dma_wait3A_1700 = tpu.memref_slice %arg10[%dma_wait3A_1699] : memref<100352xf32, #tpu.memory_space<vmem_shared>> -> memref<100352xf32, #tpu.memory_space<vmem_shared>>
        tpu.wait_indirect_dma semaphore(%arg17 : memref<!tpu.dma_semaphore, #tpu.memory_space<semaphore_mem>>) src(%dma_wait3A_1695 : memref<128xf32, #tpu.memory_space<vmem>>) dst(%dma_wait3A_1700 : memref<100352xf32, #tpu.memory_space<vmem_shared>>)
        %dma_wait3A_1701 = arith.constant 2 : i32
        %dma_wait3A_1702 = arith.constant 9 : i32
        %dma_wait3A_1703 = arith.constant 0 : i32
        %dma_wait3A_1704 = tpu.memref_slice %arg7[%dma_wait3A_1701, %dma_wait3A_1702, %dma_wait3A_1703] : memref<3x16x128xi32, #tpu.memory_space<vmem>> -> memref<1x1x128xi32, #tpu.memory_space<vmem>>
        %dma_wait3A_1705 = tpu.memref_squeeze %dma_wait3A_1704 : memref<1x1x128xi32, #tpu.memory_space<vmem>> -> memref<128xi32, #tpu.memory_space<vmem>>
        %dma_wait3A_1706 = arith.constant 0 : i32
        %dma_wait3A_1707 = tpu.memref_slice %arg11[%dma_wait3A_1706] : memref<100352xf32, #tpu.memory_space<vmem_shared>> -> memref<100352xf32, #tpu.memory_space<vmem_shared>>
        tpu.wait_indirect_dma semaphore(%arg17 : memref<!tpu.dma_semaphore, #tpu.memory_space<semaphore_mem>>) src(%arg8 : memref<128xf32, #tpu.memory_space<vmem>>) dst(%dma_wait3A_1707 : memref<100352xf32, #tpu.memory_space<vmem_shared>>)
        %dma_wait3A_1708 = arith.constant 2 : i32
        %dma_wait3A_1709 = arith.constant 10 : i32
        %dma_wait3A_1710 = arith.constant 2 : i32
        %dma_wait3A_1711 = arith.constant 10 : i32
        %dma_wait3A_1712 = arith.constant 0 : i32
        %dma_wait3A_1713 = tpu.memref_slice %arg6[%dma_wait3A_1708, %dma_wait3A_1709, %dma_wait3A_1712] : memref<3x16x128xf32, #tpu.memory_space<vmem>> -> memref<1x1x128xf32, #tpu.memory_space<vmem>>
        %dma_wait3A_1714 = tpu.memref_squeeze %dma_wait3A_1713 : memref<1x1x128xf32, #tpu.memory_space<vmem>> -> memref<128xf32, #tpu.memory_space<vmem>>
        %dma_wait3A_1715 = arith.constant 0 : i32
        %dma_wait3A_1716 = tpu.memref_slice %arg7[%dma_wait3A_1710, %dma_wait3A_1711, %dma_wait3A_1715] : memref<3x16x128xi32, #tpu.memory_space<vmem>> -> memref<1x1x128xi32, #tpu.memory_space<vmem>>
        %dma_wait3A_1717 = tpu.memref_squeeze %dma_wait3A_1716 : memref<1x1x128xi32, #tpu.memory_space<vmem>> -> memref<128xi32, #tpu.memory_space<vmem>>
        %dma_wait3A_1718 = arith.constant 0 : i32
        %dma_wait3A_1719 = tpu.memref_slice %arg10[%dma_wait3A_1718] : memref<100352xf32, #tpu.memory_space<vmem_shared>> -> memref<100352xf32, #tpu.memory_space<vmem_shared>>
        tpu.wait_indirect_dma semaphore(%arg17 : memref<!tpu.dma_semaphore, #tpu.memory_space<semaphore_mem>>) src(%dma_wait3A_1714 : memref<128xf32, #tpu.memory_space<vmem>>) dst(%dma_wait3A_1719 : memref<100352xf32, #tpu.memory_space<vmem_shared>>)
        %dma_wait3A_1720 = arith.constant 2 : i32
        %dma_wait3A_1721 = arith.constant 10 : i32
        %dma_wait3A_1722 = arith.constant 0 : i32
        %dma_wait3A_1723 = tpu.memref_slice %arg7[%dma_wait3A_1720, %dma_wait3A_1721, %dma_wait3A_1722] : memref<3x16x128xi32, #tpu.memory_space<vmem>> -> memref<1x1x128xi32, #tpu.memory_space<vmem>>
        %dma_wait3A_1724 = tpu.memref_squeeze %dma_wait3A_1723 : memref<1x1x128xi32, #tpu.memory_space<vmem>> -> memref<128xi32, #tpu.memory_space<vmem>>
        %dma_wait3A_1725 = arith.constant 0 : i32
        %dma_wait3A_1726 = tpu.memref_slice %arg11[%dma_wait3A_1725] : memref<100352xf32, #tpu.memory_space<vmem_shared>> -> memref<100352xf32, #tpu.memory_space<vmem_shared>>
        tpu.wait_indirect_dma semaphore(%arg17 : memref<!tpu.dma_semaphore, #tpu.memory_space<semaphore_mem>>) src(%arg8 : memref<128xf32, #tpu.memory_space<vmem>>) dst(%dma_wait3A_1726 : memref<100352xf32, #tpu.memory_space<vmem_shared>>)
        %dma_wait3A_1727 = arith.constant 2 : i32
        %dma_wait3A_1728 = arith.constant 11 : i32
        %dma_wait3A_1729 = arith.constant 2 : i32
        %dma_wait3A_1730 = arith.constant 11 : i32
        %dma_wait3A_1731 = arith.constant 0 : i32
        %dma_wait3A_1732 = tpu.memref_slice %arg6[%dma_wait3A_1727, %dma_wait3A_1728, %dma_wait3A_1731] : memref<3x16x128xf32, #tpu.memory_space<vmem>> -> memref<1x1x128xf32, #tpu.memory_space<vmem>>
        %dma_wait3A_1733 = tpu.memref_squeeze %dma_wait3A_1732 : memref<1x1x128xf32, #tpu.memory_space<vmem>> -> memref<128xf32, #tpu.memory_space<vmem>>
        %dma_wait3A_1734 = arith.constant 0 : i32
        %dma_wait3A_1735 = tpu.memref_slice %arg7[%dma_wait3A_1729, %dma_wait3A_1730, %dma_wait3A_1734] : memref<3x16x128xi32, #tpu.memory_space<vmem>> -> memref<1x1x128xi32, #tpu.memory_space<vmem>>
        %dma_wait3A_1736 = tpu.memref_squeeze %dma_wait3A_1735 : memref<1x1x128xi32, #tpu.memory_space<vmem>> -> memref<128xi32, #tpu.memory_space<vmem>>
        %dma_wait3A_1737 = arith.constant 0 : i32
        %dma_wait3A_1738 = tpu.memref_slice %arg10[%dma_wait3A_1737] : memref<100352xf32, #tpu.memory_space<vmem_shared>> -> memref<100352xf32, #tpu.memory_space<vmem_shared>>
        tpu.wait_indirect_dma semaphore(%arg17 : memref<!tpu.dma_semaphore, #tpu.memory_space<semaphore_mem>>) src(%dma_wait3A_1733 : memref<128xf32, #tpu.memory_space<vmem>>) dst(%dma_wait3A_1738 : memref<100352xf32, #tpu.memory_space<vmem_shared>>)
        %dma_wait3A_1739 = arith.constant 2 : i32
        %dma_wait3A_1740 = arith.constant 11 : i32
        %dma_wait3A_1741 = arith.constant 0 : i32
        %dma_wait3A_1742 = tpu.memref_slice %arg7[%dma_wait3A_1739, %dma_wait3A_1740, %dma_wait3A_1741] : memref<3x16x128xi32, #tpu.memory_space<vmem>> -> memref<1x1x128xi32, #tpu.memory_space<vmem>>
        %dma_wait3A_1743 = tpu.memref_squeeze %dma_wait3A_1742 : memref<1x1x128xi32, #tpu.memory_space<vmem>> -> memref<128xi32, #tpu.memory_space<vmem>>
        %dma_wait3A_1744 = arith.constant 0 : i32
        %dma_wait3A_1745 = tpu.memref_slice %arg11[%dma_wait3A_1744] : memref<100352xf32, #tpu.memory_space<vmem_shared>> -> memref<100352xf32, #tpu.memory_space<vmem_shared>>
        tpu.wait_indirect_dma semaphore(%arg17 : memref<!tpu.dma_semaphore, #tpu.memory_space<semaphore_mem>>) src(%arg8 : memref<128xf32, #tpu.memory_space<vmem>>) dst(%dma_wait3A_1745 : memref<100352xf32, #tpu.memory_space<vmem_shared>>)
        %dma_wait3A_1746 = arith.constant 2 : i32
        %dma_wait3A_1747 = arith.constant 12 : i32
        %dma_wait3A_1748 = arith.constant 2 : i32
        %dma_wait3A_1749 = arith.constant 12 : i32
        %dma_wait3A_1750 = arith.constant 0 : i32
        %dma_wait3A_1751 = tpu.memref_slice %arg6[%dma_wait3A_1746, %dma_wait3A_1747, %dma_wait3A_1750] : memref<3x16x128xf32, #tpu.memory_space<vmem>> -> memref<1x1x128xf32, #tpu.memory_space<vmem>>
        %dma_wait3A_1752 = tpu.memref_squeeze %dma_wait3A_1751 : memref<1x1x128xf32, #tpu.memory_space<vmem>> -> memref<128xf32, #tpu.memory_space<vmem>>
        %dma_wait3A_1753 = arith.constant 0 : i32
        %dma_wait3A_1754 = tpu.memref_slice %arg7[%dma_wait3A_1748, %dma_wait3A_1749, %dma_wait3A_1753] : memref<3x16x128xi32, #tpu.memory_space<vmem>> -> memref<1x1x128xi32, #tpu.memory_space<vmem>>
        %dma_wait3A_1755 = tpu.memref_squeeze %dma_wait3A_1754 : memref<1x1x128xi32, #tpu.memory_space<vmem>> -> memref<128xi32, #tpu.memory_space<vmem>>
        %dma_wait3A_1756 = arith.constant 0 : i32
        %dma_wait3A_1757 = tpu.memref_slice %arg10[%dma_wait3A_1756] : memref<100352xf32, #tpu.memory_space<vmem_shared>> -> memref<100352xf32, #tpu.memory_space<vmem_shared>>
        tpu.wait_indirect_dma semaphore(%arg17 : memref<!tpu.dma_semaphore, #tpu.memory_space<semaphore_mem>>) src(%dma_wait3A_1752 : memref<128xf32, #tpu.memory_space<vmem>>) dst(%dma_wait3A_1757 : memref<100352xf32, #tpu.memory_space<vmem_shared>>)
        %dma_wait3A_1758 = arith.constant 2 : i32
        %dma_wait3A_1759 = arith.constant 12 : i32
        %dma_wait3A_1760 = arith.constant 0 : i32
        %dma_wait3A_1761 = tpu.memref_slice %arg7[%dma_wait3A_1758, %dma_wait3A_1759, %dma_wait3A_1760] : memref<3x16x128xi32, #tpu.memory_space<vmem>> -> memref<1x1x128xi32, #tpu.memory_space<vmem>>
        %dma_wait3A_1762 = tpu.memref_squeeze %dma_wait3A_1761 : memref<1x1x128xi32, #tpu.memory_space<vmem>> -> memref<128xi32, #tpu.memory_space<vmem>>
        %dma_wait3A_1763 = arith.constant 0 : i32
        %dma_wait3A_1764 = tpu.memref_slice %arg11[%dma_wait3A_1763] : memref<100352xf32, #tpu.memory_space<vmem_shared>> -> memref<100352xf32, #tpu.memory_space<vmem_shared>>
        tpu.wait_indirect_dma semaphore(%arg17 : memref<!tpu.dma_semaphore, #tpu.memory_space<semaphore_mem>>) src(%arg8 : memref<128xf32, #tpu.memory_space<vmem>>) dst(%dma_wait3A_1764 : memref<100352xf32, #tpu.memory_space<vmem_shared>>)
        %dma_wait3A_1765 = arith.constant 2 : i32
        %dma_wait3A_1766 = arith.constant 13 : i32
        %dma_wait3A_1767 = arith.constant 2 : i32
        %dma_wait3A_1768 = arith.constant 13 : i32
        %dma_wait3A_1769 = arith.constant 0 : i32
        %dma_wait3A_1770 = tpu.memref_slice %arg6[%dma_wait3A_1765, %dma_wait3A_1766, %dma_wait3A_1769] : memref<3x16x128xf32, #tpu.memory_space<vmem>> -> memref<1x1x128xf32, #tpu.memory_space<vmem>>
        %dma_wait3A_1771 = tpu.memref_squeeze %dma_wait3A_1770 : memref<1x1x128xf32, #tpu.memory_space<vmem>> -> memref<128xf32, #tpu.memory_space<vmem>>
        %dma_wait3A_1772 = arith.constant 0 : i32
        %dma_wait3A_1773 = tpu.memref_slice %arg7[%dma_wait3A_1767, %dma_wait3A_1768, %dma_wait3A_1772] : memref<3x16x128xi32, #tpu.memory_space<vmem>> -> memref<1x1x128xi32, #tpu.memory_space<vmem>>
        %dma_wait3A_1774 = tpu.memref_squeeze %dma_wait3A_1773 : memref<1x1x128xi32, #tpu.memory_space<vmem>> -> memref<128xi32, #tpu.memory_space<vmem>>
        %dma_wait3A_1775 = arith.constant 0 : i32
        %dma_wait3A_1776 = tpu.memref_slice %arg10[%dma_wait3A_1775] : memref<100352xf32, #tpu.memory_space<vmem_shared>> -> memref<100352xf32, #tpu.memory_space<vmem_shared>>
        tpu.wait_indirect_dma semaphore(%arg17 : memref<!tpu.dma_semaphore, #tpu.memory_space<semaphore_mem>>) src(%dma_wait3A_1771 : memref<128xf32, #tpu.memory_space<vmem>>) dst(%dma_wait3A_1776 : memref<100352xf32, #tpu.memory_space<vmem_shared>>)
        %dma_wait3A_1777 = arith.constant 2 : i32
        %dma_wait3A_1778 = arith.constant 13 : i32
        %dma_wait3A_1779 = arith.constant 0 : i32
        %dma_wait3A_1780 = tpu.memref_slice %arg7[%dma_wait3A_1777, %dma_wait3A_1778, %dma_wait3A_1779] : memref<3x16x128xi32, #tpu.memory_space<vmem>> -> memref<1x1x128xi32, #tpu.memory_space<vmem>>
        %dma_wait3A_1781 = tpu.memref_squeeze %dma_wait3A_1780 : memref<1x1x128xi32, #tpu.memory_space<vmem>> -> memref<128xi32, #tpu.memory_space<vmem>>
        %dma_wait3A_1782 = arith.constant 0 : i32
        %dma_wait3A_1783 = tpu.memref_slice %arg11[%dma_wait3A_1782] : memref<100352xf32, #tpu.memory_space<vmem_shared>> -> memref<100352xf32, #tpu.memory_space<vmem_shared>>
        tpu.wait_indirect_dma semaphore(%arg17 : memref<!tpu.dma_semaphore, #tpu.memory_space<semaphore_mem>>) src(%arg8 : memref<128xf32, #tpu.memory_space<vmem>>) dst(%dma_wait3A_1783 : memref<100352xf32, #tpu.memory_space<vmem_shared>>)
        %dma_wait3A_1784 = arith.constant 2 : i32
        %dma_wait3A_1785 = arith.constant 14 : i32
        %dma_wait3A_1786 = arith.constant 2 : i32
        %dma_wait3A_1787 = arith.constant 14 : i32
        %dma_wait3A_1788 = arith.constant 0 : i32
        %dma_wait3A_1789 = tpu.memref_slice %arg6[%dma_wait3A_1784, %dma_wait3A_1785, %dma_wait3A_1788] : memref<3x16x128xf32, #tpu.memory_space<vmem>> -> memref<1x1x128xf32, #tpu.memory_space<vmem>>
        %dma_wait3A_1790 = tpu.memref_squeeze %dma_wait3A_1789 : memref<1x1x128xf32, #tpu.memory_space<vmem>> -> memref<128xf32, #tpu.memory_space<vmem>>
        %dma_wait3A_1791 = arith.constant 0 : i32
        %dma_wait3A_1792 = tpu.memref_slice %arg7[%dma_wait3A_1786, %dma_wait3A_1787, %dma_wait3A_1791] : memref<3x16x128xi32, #tpu.memory_space<vmem>> -> memref<1x1x128xi32, #tpu.memory_space<vmem>>
        %dma_wait3A_1793 = tpu.memref_squeeze %dma_wait3A_1792 : memref<1x1x128xi32, #tpu.memory_space<vmem>> -> memref<128xi32, #tpu.memory_space<vmem>>
        %dma_wait3A_1794 = arith.constant 0 : i32
        %dma_wait3A_1795 = tpu.memref_slice %arg10[%dma_wait3A_1794] : memref<100352xf32, #tpu.memory_space<vmem_shared>> -> memref<100352xf32, #tpu.memory_space<vmem_shared>>
        tpu.wait_indirect_dma semaphore(%arg17 : memref<!tpu.dma_semaphore, #tpu.memory_space<semaphore_mem>>) src(%dma_wait3A_1790 : memref<128xf32, #tpu.memory_space<vmem>>) dst(%dma_wait3A_1795 : memref<100352xf32, #tpu.memory_space<vmem_shared>>)
        %dma_wait3A_1796 = arith.constant 2 : i32
        %dma_wait3A_1797 = arith.constant 14 : i32
        %dma_wait3A_1798 = arith.constant 0 : i32
        %dma_wait3A_1799 = tpu.memref_slice %arg7[%dma_wait3A_1796, %dma_wait3A_1797, %dma_wait3A_1798] : memref<3x16x128xi32, #tpu.memory_space<vmem>> -> memref<1x1x128xi32, #tpu.memory_space<vmem>>
        %dma_wait3A_1800 = tpu.memref_squeeze %dma_wait3A_1799 : memref<1x1x128xi32, #tpu.memory_space<vmem>> -> memref<128xi32, #tpu.memory_space<vmem>>
        %dma_wait3A_1801 = arith.constant 0 : i32
        %dma_wait3A_1802 = tpu.memref_slice %arg11[%dma_wait3A_1801] : memref<100352xf32, #tpu.memory_space<vmem_shared>> -> memref<100352xf32, #tpu.memory_space<vmem_shared>>
        tpu.wait_indirect_dma semaphore(%arg17 : memref<!tpu.dma_semaphore, #tpu.memory_space<semaphore_mem>>) src(%arg8 : memref<128xf32, #tpu.memory_space<vmem>>) dst(%dma_wait3A_1802 : memref<100352xf32, #tpu.memory_space<vmem_shared>>)
        %dma_wait3A_1803 = arith.constant 2 : i32
        %dma_wait3A_1804 = arith.constant 15 : i32
        %dma_wait3A_1805 = arith.constant 2 : i32
        %dma_wait3A_1806 = arith.constant 15 : i32
        %dma_wait3A_1807 = arith.constant 0 : i32
        %dma_wait3A_1808 = tpu.memref_slice %arg6[%dma_wait3A_1803, %dma_wait3A_1804, %dma_wait3A_1807] : memref<3x16x128xf32, #tpu.memory_space<vmem>> -> memref<1x1x128xf32, #tpu.memory_space<vmem>>
        %dma_wait3A_1809 = tpu.memref_squeeze %dma_wait3A_1808 : memref<1x1x128xf32, #tpu.memory_space<vmem>> -> memref<128xf32, #tpu.memory_space<vmem>>
        %dma_wait3A_1810 = arith.constant 0 : i32
        %dma_wait3A_1811 = tpu.memref_slice %arg7[%dma_wait3A_1805, %dma_wait3A_1806, %dma_wait3A_1810] : memref<3x16x128xi32, #tpu.memory_space<vmem>> -> memref<1x1x128xi32, #tpu.memory_space<vmem>>
        %dma_wait3A_1812 = tpu.memref_squeeze %dma_wait3A_1811 : memref<1x1x128xi32, #tpu.memory_space<vmem>> -> memref<128xi32, #tpu.memory_space<vmem>>
        %dma_wait3A_1813 = arith.constant 0 : i32
        %dma_wait3A_1814 = tpu.memref_slice %arg10[%dma_wait3A_1813] : memref<100352xf32, #tpu.memory_space<vmem_shared>> -> memref<100352xf32, #tpu.memory_space<vmem_shared>>
        tpu.wait_indirect_dma semaphore(%arg17 : memref<!tpu.dma_semaphore, #tpu.memory_space<semaphore_mem>>) src(%dma_wait3A_1809 : memref<128xf32, #tpu.memory_space<vmem>>) dst(%dma_wait3A_1814 : memref<100352xf32, #tpu.memory_space<vmem_shared>>)
        %dma_wait3A_1815 = arith.constant 2 : i32
        %dma_wait3A_1816 = arith.constant 15 : i32
        %dma_wait3A_1817 = arith.constant 0 : i32
        %dma_wait3A_1818 = tpu.memref_slice %arg7[%dma_wait3A_1815, %dma_wait3A_1816, %dma_wait3A_1817] : memref<3x16x128xi32, #tpu.memory_space<vmem>> -> memref<1x1x128xi32, #tpu.memory_space<vmem>>
        %dma_wait3A_1819 = tpu.memref_squeeze %dma_wait3A_1818 : memref<1x1x128xi32, #tpu.memory_space<vmem>> -> memref<128xi32, #tpu.memory_space<vmem>>
        %dma_wait3A_1820 = arith.constant 0 : i32
        %dma_wait3A_1821 = tpu.memref_slice %arg11[%dma_wait3A_1820] : memref<100352xf32, #tpu.memory_space<vmem_shared>> -> memref<100352xf32, #tpu.memory_space<vmem_shared>>
        tpu.wait_indirect_dma semaphore(%arg17 : memref<!tpu.dma_semaphore, #tpu.memory_space<semaphore_mem>>) src(%arg8 : memref<128xf32, #tpu.memory_space<vmem>>) dst(%dma_wait3A_1821 : memref<100352xf32, #tpu.memory_space<vmem_shared>>)
      } else {
      }
      %ge3A_804 = arith.constant 1 : i32
      %ge3A_805 = arith.cmpi sge, %add3A_467, %ge3A_804 : i32
      %add3A_806 = arith.constant 2 : i32
      %add3A_807 = arith.addi %add3A_467, %add3A_806 : i32
      %lt3A = arith.constant 99 : i32
      %lt3A_808 = arith.cmpi slt, %add3A_807, %lt3A : i32
      %and3A = arith.andi %ge3A_805, %lt3A_808 : i1
      %convert_element_type3A_809 = arith.extui %and3A : i1 to i32
      %cond3A_810 = arith.constant 0 : i32
      %cond3A_811 = arith.cmpi ne, %convert_element_type3A_809, %cond3A_810 : i32
      scf.if %cond3A_811 {
        %add3A_1518 = arith.constant 2 : i32
        %add3A_1519 = arith.addi %add3A_467, %add3A_1518 : i32
        %mul3A_1520 = arith.constant 16 : i32
        %mul3A_1521 = arith.muli %add3A_1519, %mul3A_1520 : i32
        %add3A_1522 = arith.addi %mul3A_67, %mul3A_1521 : i32
        %dma_start3A_1523 = arith.constant 2 : i32
        %dma_start3A_1524 = arith.constant 0 : i32
        %dma_start3A_1525 = arith.constant 0 : i32
        %dma_start3A_1526 = tpu.memref_slice %arg6[%dma_start3A_1523, %dma_start3A_1524, %dma_start3A_1525] : memref<3x16x128xf32, #tpu.memory_space<vmem>> -> memref<1x16x128xf32, #tpu.memory_space<vmem>>
        %dma_start3A_1527 = tpu.memref_squeeze %dma_start3A_1526 : memref<1x16x128xf32, #tpu.memory_space<vmem>> -> memref<16x128xf32, #tpu.memory_space<vmem>>
        %dma_start3A_1528 = arith.constant 0 : i32
        %dma_start3A_1529 = tpu.memref_slice %arg2[%add3A_1522, %dma_start3A_1528] : memref<50688x128xf32, #tpu.memory_space<hbm>> -> memref<16x128xf32, #tpu.memory_space<hbm>>
        %dma_start3A_1530 = arith.constant 0 : i32
        %dma_start3A_1531 = arith.constant 0 : i32
        %dma_start3A_1532 = tpu.memref_slice %arg6[%dma_start3A_1523, %dma_start3A_1530, %dma_start3A_1531] : memref<3x16x128xf32, #tpu.memory_space<vmem>> -> memref<1x16x128xf32, #tpu.memory_space<vmem>>
        %dma_start3A_1533 = tpu.memref_squeeze %dma_start3A_1532 : memref<1x16x128xf32, #tpu.memory_space<vmem>> -> memref<16x128xf32, #tpu.memory_space<vmem>>
        %dma_start3A_1534 = arith.constant 0 : i32
        %dma_start3A_1535 = tpu.memref_slice %arg2[%add3A_1522, %dma_start3A_1534] : memref<50688x128xf32, #tpu.memory_space<hbm>> -> memref<16x128xf32, #tpu.memory_space<hbm>>
        tpu.enqueue_dma source(%dma_start3A_1535 : memref<16x128xf32, #tpu.memory_space<hbm>>) target(%dma_start3A_1533 : memref<16x128xf32, #tpu.memory_space<vmem>>) target_semaphore(%arg14 : memref<!tpu.dma_semaphore, #tpu.memory_space<semaphore_mem>>)
        %dma_start3A_1536 = arith.constant 2 : i32
        %dma_start3A_1537 = arith.constant 0 : i32
        %dma_start3A_1538 = arith.constant 0 : i32
        %dma_start3A_1539 = tpu.memref_slice %arg7[%dma_start3A_1536, %dma_start3A_1537, %dma_start3A_1538] : memref<3x16x128xi32, #tpu.memory_space<vmem>> -> memref<1x16x128xi32, #tpu.memory_space<vmem>>
        %dma_start3A_1540 = tpu.memref_squeeze %dma_start3A_1539 : memref<1x16x128xi32, #tpu.memory_space<vmem>> -> memref<16x128xi32, #tpu.memory_space<vmem>>
        %dma_start3A_1541 = arith.constant 0 : i32
        %dma_start3A_1542 = tpu.memref_slice %arg3[%add3A_1522, %dma_start3A_1541] : memref<50688x128xi32, #tpu.memory_space<hbm>> -> memref<16x128xi32, #tpu.memory_space<hbm>>
        %dma_start3A_1543 = arith.constant 0 : i32
        %dma_start3A_1544 = arith.constant 0 : i32
        %dma_start3A_1545 = tpu.memref_slice %arg7[%dma_start3A_1536, %dma_start3A_1543, %dma_start3A_1544] : memref<3x16x128xi32, #tpu.memory_space<vmem>> -> memref<1x16x128xi32, #tpu.memory_space<vmem>>
        %dma_start3A_1546 = tpu.memref_squeeze %dma_start3A_1545 : memref<1x16x128xi32, #tpu.memory_space<vmem>> -> memref<16x128xi32, #tpu.memory_space<vmem>>
        %dma_start3A_1547 = arith.constant 0 : i32
        %dma_start3A_1548 = tpu.memref_slice %arg3[%add3A_1522, %dma_start3A_1547] : memref<50688x128xi32, #tpu.memory_space<hbm>> -> memref<16x128xi32, #tpu.memory_space<hbm>>
        tpu.enqueue_dma source(%dma_start3A_1548 : memref<16x128xi32, #tpu.memory_space<hbm>>) target(%dma_start3A_1546 : memref<16x128xi32, #tpu.memory_space<vmem>>) target_semaphore(%arg14 : memref<!tpu.dma_semaphore, #tpu.memory_space<semaphore_mem>>)
      } else {
      }
      %mul3A_812 = arith.constant 3 : i32
      %mul3A_813 = arith.muli %scan3A_463, %mul3A_812 : i32
      %add3A_814 = arith.constant 1 : i32
      %add3A_815 = arith.addi %mul3A_813, %add3A_814 : i32
      %dma_wait3A_816 = arith.constant 1 : i32
      %dma_wait3A_817 = arith.constant 0 : i32
      %dma_wait3A_818 = arith.constant 0 : i32
      %dma_wait3A_819 = tpu.memref_slice %arg6[%dma_wait3A_816, %dma_wait3A_817, %dma_wait3A_818] : memref<3x16x128xf32, #tpu.memory_space<vmem>> -> memref<1x16x128xf32, #tpu.memory_space<vmem>>
      %dma_wait3A_820 = tpu.memref_squeeze %dma_wait3A_819 : memref<1x16x128xf32, #tpu.memory_space<vmem>> -> memref<16x128xf32, #tpu.memory_space<vmem>>
      %dma_wait3A_821 = arith.constant 0 : i32
      %dma_wait3A_822 = arith.constant 0 : i32
      %dma_wait3A_823 = tpu.memref_slice %arg2[%dma_wait3A_821, %dma_wait3A_822] : memref<50688x128xf32, #tpu.memory_space<hbm>> -> memref<16x128xf32, #tpu.memory_space<hbm>>
      %dma_wait3A_824 = arith.constant 0 : i32
      %dma_wait3A_825 = arith.constant 0 : i32
      %dma_wait3A_826 = tpu.memref_slice %arg6[%dma_wait3A_816, %dma_wait3A_824, %dma_wait3A_825] : memref<3x16x128xf32, #tpu.memory_space<vmem>> -> memref<1x16x128xf32, #tpu.memory_space<vmem>>
      %dma_wait3A_827 = tpu.memref_squeeze %dma_wait3A_826 : memref<1x16x128xf32, #tpu.memory_space<vmem>> -> memref<16x128xf32, #tpu.memory_space<vmem>>
      %dma_wait3A_828 = arith.constant 0 : i32
      %dma_wait3A_829 = arith.constant 0 : i32
      %dma_wait3A_830 = tpu.memref_slice %arg2[%dma_wait3A_828, %dma_wait3A_829] : memref<50688x128xf32, #tpu.memory_space<hbm>> -> memref<16x128xf32, #tpu.memory_space<hbm>>
      tpu.wait_dma2 semaphore(%arg13 : memref<!tpu.dma_semaphore, #tpu.memory_space<semaphore_mem>>) src(%dma_wait3A_830 : memref<16x128xf32, #tpu.memory_space<hbm>>) dst(%dma_wait3A_827 : memref<16x128xf32, #tpu.memory_space<vmem>>)
      %dma_wait3A_831 = arith.constant 1 : i32
      %dma_wait3A_832 = arith.constant 0 : i32
      %dma_wait3A_833 = arith.constant 0 : i32
      %dma_wait3A_834 = tpu.memref_slice %arg7[%dma_wait3A_831, %dma_wait3A_832, %dma_wait3A_833] : memref<3x16x128xi32, #tpu.memory_space<vmem>> -> memref<1x16x128xi32, #tpu.memory_space<vmem>>
      %dma_wait3A_835 = tpu.memref_squeeze %dma_wait3A_834 : memref<1x16x128xi32, #tpu.memory_space<vmem>> -> memref<16x128xi32, #tpu.memory_space<vmem>>
      %dma_wait3A_836 = arith.constant 0 : i32
      %dma_wait3A_837 = arith.constant 0 : i32
      %dma_wait3A_838 = tpu.memref_slice %arg3[%dma_wait3A_836, %dma_wait3A_837] : memref<50688x128xi32, #tpu.memory_space<hbm>> -> memref<16x128xi32, #tpu.memory_space<hbm>>
      %dma_wait3A_839 = arith.constant 0 : i32
      %dma_wait3A_840 = arith.constant 0 : i32
      %dma_wait3A_841 = tpu.memref_slice %arg7[%dma_wait3A_831, %dma_wait3A_839, %dma_wait3A_840] : memref<3x16x128xi32, #tpu.memory_space<vmem>> -> memref<1x16x128xi32, #tpu.memory_space<vmem>>
      %dma_wait3A_842 = tpu.memref_squeeze %dma_wait3A_841 : memref<1x16x128xi32, #tpu.memory_space<vmem>> -> memref<16x128xi32, #tpu.memory_space<vmem>>
      %dma_wait3A_843 = arith.constant 0 : i32
      %dma_wait3A_844 = arith.constant 0 : i32
      %dma_wait3A_845 = tpu.memref_slice %arg3[%dma_wait3A_843, %dma_wait3A_844] : memref<50688x128xi32, #tpu.memory_space<hbm>> -> memref<16x128xi32, #tpu.memory_space<hbm>>
      tpu.wait_dma2 semaphore(%arg13 : memref<!tpu.dma_semaphore, #tpu.memory_space<semaphore_mem>>) src(%dma_wait3A_845 : memref<16x128xi32, #tpu.memory_space<hbm>>) dst(%dma_wait3A_842 : memref<16x128xi32, #tpu.memory_space<vmem>>)
      %dma_start3A_846 = arith.constant 1 : i32
      %dma_start3A_847 = arith.constant 0 : i32
      %dma_start3A_848 = arith.constant 1 : i32
      %dma_start3A_849 = arith.constant 0 : i32
      %dma_start3A_850 = arith.constant 0 : i32
      %dma_start3A_851 = tpu.memref_slice %arg6[%dma_start3A_846, %dma_start3A_847, %dma_start3A_850] : memref<3x16x128xf32, #tpu.memory_space<vmem>> -> memref<1x1x128xf32, #tpu.memory_space<vmem>>
      %dma_start3A_852 = tpu.memref_squeeze %dma_start3A_851 : memref<1x1x128xf32, #tpu.memory_space<vmem>> -> memref<128xf32, #tpu.memory_space<vmem>>
      %dma_start3A_853 = arith.constant 0 : i32
      %dma_start3A_854 = tpu.memref_slice %arg7[%dma_start3A_848, %dma_start3A_849, %dma_start3A_853] : memref<3x16x128xi32, #tpu.memory_space<vmem>> -> memref<1x1x128xi32, #tpu.memory_space<vmem>>
      %dma_start3A_855 = tpu.memref_squeeze %dma_start3A_854 : memref<1x1x128xi32, #tpu.memory_space<vmem>> -> memref<128xi32, #tpu.memory_space<vmem>>
      %dma_start3A_856 = arith.constant 0 : i32
      %dma_start3A_857 = tpu.memref_slice %arg10[%dma_start3A_856] : memref<100352xf32, #tpu.memory_space<vmem_shared>> -> memref<100352xf32, #tpu.memory_space<vmem_shared>>
      tpu.enqueue_indirect_dma source(%dma_start3A_852 : memref<128xf32, #tpu.memory_space<vmem>>) target(%dma_start3A_857 : memref<100352xf32, #tpu.memory_space<vmem_shared>>) offsets(%dma_start3A_855 : memref<128xi32, #tpu.memory_space<vmem>>) semaphore(%arg16 : memref<!tpu.dma_semaphore, #tpu.memory_space<semaphore_mem>>) {add = true}
      %dma_start3A_858 = arith.constant 1 : i32
      %dma_start3A_859 = arith.constant 0 : i32
      %dma_start3A_860 = arith.constant 0 : i32
      %dma_start3A_861 = tpu.memref_slice %arg7[%dma_start3A_858, %dma_start3A_859, %dma_start3A_860] : memref<3x16x128xi32, #tpu.memory_space<vmem>> -> memref<1x1x128xi32, #tpu.memory_space<vmem>>
      %dma_start3A_862 = tpu.memref_squeeze %dma_start3A_861 : memref<1x1x128xi32, #tpu.memory_space<vmem>> -> memref<128xi32, #tpu.memory_space<vmem>>
      %dma_start3A_863 = arith.constant 0 : i32
      %dma_start3A_864 = tpu.memref_slice %arg11[%dma_start3A_863] : memref<100352xf32, #tpu.memory_space<vmem_shared>> -> memref<100352xf32, #tpu.memory_space<vmem_shared>>
      tpu.enqueue_indirect_dma source(%arg8 : memref<128xf32, #tpu.memory_space<vmem>>) target(%dma_start3A_864 : memref<100352xf32, #tpu.memory_space<vmem_shared>>) offsets(%dma_start3A_862 : memref<128xi32, #tpu.memory_space<vmem>>) semaphore(%arg16 : memref<!tpu.dma_semaphore, #tpu.memory_space<semaphore_mem>>) {add = true}
      %dma_start3A_865 = arith.constant 1 : i32
      %dma_start3A_866 = arith.constant 1 : i32
      %dma_start3A_867 = arith.constant 1 : i32
      %dma_start3A_868 = arith.constant 1 : i32
      %dma_start3A_869 = arith.constant 0 : i32
      %dma_start3A_870 = tpu.memref_slice %arg6[%dma_start3A_865, %dma_start3A_866, %dma_start3A_869] : memref<3x16x128xf32, #tpu.memory_space<vmem>> -> memref<1x1x128xf32, #tpu.memory_space<vmem>>
      %dma_start3A_871 = tpu.memref_squeeze %dma_start3A_870 : memref<1x1x128xf32, #tpu.memory_space<vmem>> -> memref<128xf32, #tpu.memory_space<vmem>>
      %dma_start3A_872 = arith.constant 0 : i32
      %dma_start3A_873 = tpu.memref_slice %arg7[%dma_start3A_867, %dma_start3A_868, %dma_start3A_872] : memref<3x16x128xi32, #tpu.memory_space<vmem>> -> memref<1x1x128xi32, #tpu.memory_space<vmem>>
      %dma_start3A_874 = tpu.memref_squeeze %dma_start3A_873 : memref<1x1x128xi32, #tpu.memory_space<vmem>> -> memref<128xi32, #tpu.memory_space<vmem>>
      %dma_start3A_875 = arith.constant 0 : i32
      %dma_start3A_876 = tpu.memref_slice %arg10[%dma_start3A_875] : memref<100352xf32, #tpu.memory_space<vmem_shared>> -> memref<100352xf32, #tpu.memory_space<vmem_shared>>
      tpu.enqueue_indirect_dma source(%dma_start3A_871 : memref<128xf32, #tpu.memory_space<vmem>>) target(%dma_start3A_876 : memref<100352xf32, #tpu.memory_space<vmem_shared>>) offsets(%dma_start3A_874 : memref<128xi32, #tpu.memory_space<vmem>>) semaphore(%arg16 : memref<!tpu.dma_semaphore, #tpu.memory_space<semaphore_mem>>) {add = true}
      %dma_start3A_877 = arith.constant 1 : i32
      %dma_start3A_878 = arith.constant 1 : i32
      %dma_start3A_879 = arith.constant 0 : i32
      %dma_start3A_880 = tpu.memref_slice %arg7[%dma_start3A_877, %dma_start3A_878, %dma_start3A_879] : memref<3x16x128xi32, #tpu.memory_space<vmem>> -> memref<1x1x128xi32, #tpu.memory_space<vmem>>
      %dma_start3A_881 = tpu.memref_squeeze %dma_start3A_880 : memref<1x1x128xi32, #tpu.memory_space<vmem>> -> memref<128xi32, #tpu.memory_space<vmem>>
      %dma_start3A_882 = arith.constant 0 : i32
      %dma_start3A_883 = tpu.memref_slice %arg11[%dma_start3A_882] : memref<100352xf32, #tpu.memory_space<vmem_shared>> -> memref<100352xf32, #tpu.memory_space<vmem_shared>>
      tpu.enqueue_indirect_dma source(%arg8 : memref<128xf32, #tpu.memory_space<vmem>>) target(%dma_start3A_883 : memref<100352xf32, #tpu.memory_space<vmem_shared>>) offsets(%dma_start3A_881 : memref<128xi32, #tpu.memory_space<vmem>>) semaphore(%arg16 : memref<!tpu.dma_semaphore, #tpu.memory_space<semaphore_mem>>) {add = true}
      %dma_start3A_884 = arith.constant 1 : i32
      %dma_start3A_885 = arith.constant 2 : i32
      %dma_start3A_886 = arith.constant 1 : i32
      %dma_start3A_887 = arith.constant 2 : i32
      %dma_start3A_888 = arith.constant 0 : i32
      %dma_start3A_889 = tpu.memref_slice %arg6[%dma_start3A_884, %dma_start3A_885, %dma_start3A_888] : memref<3x16x128xf32, #tpu.memory_space<vmem>> -> memref<1x1x128xf32, #tpu.memory_space<vmem>>
      %dma_start3A_890 = tpu.memref_squeeze %dma_start3A_889 : memref<1x1x128xf32, #tpu.memory_space<vmem>> -> memref<128xf32, #tpu.memory_space<vmem>>
      %dma_start3A_891 = arith.constant 0 : i32
      %dma_start3A_892 = tpu.memref_slice %arg7[%dma_start3A_886, %dma_start3A_887, %dma_start3A_891] : memref<3x16x128xi32, #tpu.memory_space<vmem>> -> memref<1x1x128xi32, #tpu.memory_space<vmem>>
      %dma_start3A_893 = tpu.memref_squeeze %dma_start3A_892 : memref<1x1x128xi32, #tpu.memory_space<vmem>> -> memref<128xi32, #tpu.memory_space<vmem>>
      %dma_start3A_894 = arith.constant 0 : i32
      %dma_start3A_895 = tpu.memref_slice %arg10[%dma_start3A_894] : memref<100352xf32, #tpu.memory_space<vmem_shared>> -> memref<100352xf32, #tpu.memory_space<vmem_shared>>
      tpu.enqueue_indirect_dma source(%dma_start3A_890 : memref<128xf32, #tpu.memory_space<vmem>>) target(%dma_start3A_895 : memref<100352xf32, #tpu.memory_space<vmem_shared>>) offsets(%dma_start3A_893 : memref<128xi32, #tpu.memory_space<vmem>>) semaphore(%arg16 : memref<!tpu.dma_semaphore, #tpu.memory_space<semaphore_mem>>) {add = true}
      %dma_start3A_896 = arith.constant 1 : i32
      %dma_start3A_897 = arith.constant 2 : i32
      %dma_start3A_898 = arith.constant 0 : i32
      %dma_start3A_899 = tpu.memref_slice %arg7[%dma_start3A_896, %dma_start3A_897, %dma_start3A_898] : memref<3x16x128xi32, #tpu.memory_space<vmem>> -> memref<1x1x128xi32, #tpu.memory_space<vmem>>
      %dma_start3A_900 = tpu.memref_squeeze %dma_start3A_899 : memref<1x1x128xi32, #tpu.memory_space<vmem>> -> memref<128xi32, #tpu.memory_space<vmem>>
      %dma_start3A_901 = arith.constant 0 : i32
      %dma_start3A_902 = tpu.memref_slice %arg11[%dma_start3A_901] : memref<100352xf32, #tpu.memory_space<vmem_shared>> -> memref<100352xf32, #tpu.memory_space<vmem_shared>>
      tpu.enqueue_indirect_dma source(%arg8 : memref<128xf32, #tpu.memory_space<vmem>>) target(%dma_start3A_902 : memref<100352xf32, #tpu.memory_space<vmem_shared>>) offsets(%dma_start3A_900 : memref<128xi32, #tpu.memory_space<vmem>>) semaphore(%arg16 : memref<!tpu.dma_semaphore, #tpu.memory_space<semaphore_mem>>) {add = true}
      %dma_start3A_903 = arith.constant 1 : i32
      %dma_start3A_904 = arith.constant 3 : i32
      %dma_start3A_905 = arith.constant 1 : i32
      %dma_start3A_906 = arith.constant 3 : i32
      %dma_start3A_907 = arith.constant 0 : i32
      %dma_start3A_908 = tpu.memref_slice %arg6[%dma_start3A_903, %dma_start3A_904, %dma_start3A_907] : memref<3x16x128xf32, #tpu.memory_space<vmem>> -> memref<1x1x128xf32, #tpu.memory_space<vmem>>
      %dma_start3A_909 = tpu.memref_squeeze %dma_start3A_908 : memref<1x1x128xf32, #tpu.memory_space<vmem>> -> memref<128xf32, #tpu.memory_space<vmem>>
      %dma_start3A_910 = arith.constant 0 : i32
      %dma_start3A_911 = tpu.memref_slice %arg7[%dma_start3A_905, %dma_start3A_906, %dma_start3A_910] : memref<3x16x128xi32, #tpu.memory_space<vmem>> -> memref<1x1x128xi32, #tpu.memory_space<vmem>>
      %dma_start3A_912 = tpu.memref_squeeze %dma_start3A_911 : memref<1x1x128xi32, #tpu.memory_space<vmem>> -> memref<128xi32, #tpu.memory_space<vmem>>
      %dma_start3A_913 = arith.constant 0 : i32
      %dma_start3A_914 = tpu.memref_slice %arg10[%dma_start3A_913] : memref<100352xf32, #tpu.memory_space<vmem_shared>> -> memref<100352xf32, #tpu.memory_space<vmem_shared>>
      tpu.enqueue_indirect_dma source(%dma_start3A_909 : memref<128xf32, #tpu.memory_space<vmem>>) target(%dma_start3A_914 : memref<100352xf32, #tpu.memory_space<vmem_shared>>) offsets(%dma_start3A_912 : memref<128xi32, #tpu.memory_space<vmem>>) semaphore(%arg16 : memref<!tpu.dma_semaphore, #tpu.memory_space<semaphore_mem>>) {add = true}
      %dma_start3A_915 = arith.constant 1 : i32
      %dma_start3A_916 = arith.constant 3 : i32
      %dma_start3A_917 = arith.constant 0 : i32
      %dma_start3A_918 = tpu.memref_slice %arg7[%dma_start3A_915, %dma_start3A_916, %dma_start3A_917] : memref<3x16x128xi32, #tpu.memory_space<vmem>> -> memref<1x1x128xi32, #tpu.memory_space<vmem>>
      %dma_start3A_919 = tpu.memref_squeeze %dma_start3A_918 : memref<1x1x128xi32, #tpu.memory_space<vmem>> -> memref<128xi32, #tpu.memory_space<vmem>>
      %dma_start3A_920 = arith.constant 0 : i32
      %dma_start3A_921 = tpu.memref_slice %arg11[%dma_start3A_920] : memref<100352xf32, #tpu.memory_space<vmem_shared>> -> memref<100352xf32, #tpu.memory_space<vmem_shared>>
      tpu.enqueue_indirect_dma source(%arg8 : memref<128xf32, #tpu.memory_space<vmem>>) target(%dma_start3A_921 : memref<100352xf32, #tpu.memory_space<vmem_shared>>) offsets(%dma_start3A_919 : memref<128xi32, #tpu.memory_space<vmem>>) semaphore(%arg16 : memref<!tpu.dma_semaphore, #tpu.memory_space<semaphore_mem>>) {add = true}
      %dma_start3A_922 = arith.constant 1 : i32
      %dma_start3A_923 = arith.constant 4 : i32
      %dma_start3A_924 = arith.constant 1 : i32
      %dma_start3A_925 = arith.constant 4 : i32
      %dma_start3A_926 = arith.constant 0 : i32
      %dma_start3A_927 = tpu.memref_slice %arg6[%dma_start3A_922, %dma_start3A_923, %dma_start3A_926] : memref<3x16x128xf32, #tpu.memory_space<vmem>> -> memref<1x1x128xf32, #tpu.memory_space<vmem>>
      %dma_start3A_928 = tpu.memref_squeeze %dma_start3A_927 : memref<1x1x128xf32, #tpu.memory_space<vmem>> -> memref<128xf32, #tpu.memory_space<vmem>>
      %dma_start3A_929 = arith.constant 0 : i32
      %dma_start3A_930 = tpu.memref_slice %arg7[%dma_start3A_924, %dma_start3A_925, %dma_start3A_929] : memref<3x16x128xi32, #tpu.memory_space<vmem>> -> memref<1x1x128xi32, #tpu.memory_space<vmem>>
      %dma_start3A_931 = tpu.memref_squeeze %dma_start3A_930 : memref<1x1x128xi32, #tpu.memory_space<vmem>> -> memref<128xi32, #tpu.memory_space<vmem>>
      %dma_start3A_932 = arith.constant 0 : i32
      %dma_start3A_933 = tpu.memref_slice %arg10[%dma_start3A_932] : memref<100352xf32, #tpu.memory_space<vmem_shared>> -> memref<100352xf32, #tpu.memory_space<vmem_shared>>
      tpu.enqueue_indirect_dma source(%dma_start3A_928 : memref<128xf32, #tpu.memory_space<vmem>>) target(%dma_start3A_933 : memref<100352xf32, #tpu.memory_space<vmem_shared>>) offsets(%dma_start3A_931 : memref<128xi32, #tpu.memory_space<vmem>>) semaphore(%arg16 : memref<!tpu.dma_semaphore, #tpu.memory_space<semaphore_mem>>) {add = true}
      %dma_start3A_934 = arith.constant 1 : i32
      %dma_start3A_935 = arith.constant 4 : i32
      %dma_start3A_936 = arith.constant 0 : i32
      %dma_start3A_937 = tpu.memref_slice %arg7[%dma_start3A_934, %dma_start3A_935, %dma_start3A_936] : memref<3x16x128xi32, #tpu.memory_space<vmem>> -> memref<1x1x128xi32, #tpu.memory_space<vmem>>
      %dma_start3A_938 = tpu.memref_squeeze %dma_start3A_937 : memref<1x1x128xi32, #tpu.memory_space<vmem>> -> memref<128xi32, #tpu.memory_space<vmem>>
      %dma_start3A_939 = arith.constant 0 : i32
      %dma_start3A_940 = tpu.memref_slice %arg11[%dma_start3A_939] : memref<100352xf32, #tpu.memory_space<vmem_shared>> -> memref<100352xf32, #tpu.memory_space<vmem_shared>>
      tpu.enqueue_indirect_dma source(%arg8 : memref<128xf32, #tpu.memory_space<vmem>>) target(%dma_start3A_940 : memref<100352xf32, #tpu.memory_space<vmem_shared>>) offsets(%dma_start3A_938 : memref<128xi32, #tpu.memory_space<vmem>>) semaphore(%arg16 : memref<!tpu.dma_semaphore, #tpu.memory_space<semaphore_mem>>) {add = true}
      %dma_start3A_941 = arith.constant 1 : i32
      %dma_start3A_942 = arith.constant 5 : i32
      %dma_start3A_943 = arith.constant 1 : i32
      %dma_start3A_944 = arith.constant 5 : i32
      %dma_start3A_945 = arith.constant 0 : i32
      %dma_start3A_946 = tpu.memref_slice %arg6[%dma_start3A_941, %dma_start3A_942, %dma_start3A_945] : memref<3x16x128xf32, #tpu.memory_space<vmem>> -> memref<1x1x128xf32, #tpu.memory_space<vmem>>
      %dma_start3A_947 = tpu.memref_squeeze %dma_start3A_946 : memref<1x1x128xf32, #tpu.memory_space<vmem>> -> memref<128xf32, #tpu.memory_space<vmem>>
      %dma_start3A_948 = arith.constant 0 : i32
      %dma_start3A_949 = tpu.memref_slice %arg7[%dma_start3A_943, %dma_start3A_944, %dma_start3A_948] : memref<3x16x128xi32, #tpu.memory_space<vmem>> -> memref<1x1x128xi32, #tpu.memory_space<vmem>>
      %dma_start3A_950 = tpu.memref_squeeze %dma_start3A_949 : memref<1x1x128xi32, #tpu.memory_space<vmem>> -> memref<128xi32, #tpu.memory_space<vmem>>
      %dma_start3A_951 = arith.constant 0 : i32
      %dma_start3A_952 = tpu.memref_slice %arg10[%dma_start3A_951] : memref<100352xf32, #tpu.memory_space<vmem_shared>> -> memref<100352xf32, #tpu.memory_space<vmem_shared>>
      tpu.enqueue_indirect_dma source(%dma_start3A_947 : memref<128xf32, #tpu.memory_space<vmem>>) target(%dma_start3A_952 : memref<100352xf32, #tpu.memory_space<vmem_shared>>) offsets(%dma_start3A_950 : memref<128xi32, #tpu.memory_space<vmem>>) semaphore(%arg16 : memref<!tpu.dma_semaphore, #tpu.memory_space<semaphore_mem>>) {add = true}
      %dma_start3A_953 = arith.constant 1 : i32
      %dma_start3A_954 = arith.constant 5 : i32
      %dma_start3A_955 = arith.constant 0 : i32
      %dma_start3A_956 = tpu.memref_slice %arg7[%dma_start3A_953, %dma_start3A_954, %dma_start3A_955] : memref<3x16x128xi32, #tpu.memory_space<vmem>> -> memref<1x1x128xi32, #tpu.memory_space<vmem>>
      %dma_start3A_957 = tpu.memref_squeeze %dma_start3A_956 : memref<1x1x128xi32, #tpu.memory_space<vmem>> -> memref<128xi32, #tpu.memory_space<vmem>>
      %dma_start3A_958 = arith.constant 0 : i32
      %dma_start3A_959 = tpu.memref_slice %arg11[%dma_start3A_958] : memref<100352xf32, #tpu.memory_space<vmem_shared>> -> memref<100352xf32, #tpu.memory_space<vmem_shared>>
      tpu.enqueue_indirect_dma source(%arg8 : memref<128xf32, #tpu.memory_space<vmem>>) target(%dma_start3A_959 : memref<100352xf32, #tpu.memory_space<vmem_shared>>) offsets(%dma_start3A_957 : memref<128xi32, #tpu.memory_space<vmem>>) semaphore(%arg16 : memref<!tpu.dma_semaphore, #tpu.memory_space<semaphore_mem>>) {add = true}
      %dma_start3A_960 = arith.constant 1 : i32
      %dma_start3A_961 = arith.constant 6 : i32
      %dma_start3A_962 = arith.constant 1 : i32
      %dma_start3A_963 = arith.constant 6 : i32
      %dma_start3A_964 = arith.constant 0 : i32
      %dma_start3A_965 = tpu.memref_slice %arg6[%dma_start3A_960, %dma_start3A_961, %dma_start3A_964] : memref<3x16x128xf32, #tpu.memory_space<vmem>> -> memref<1x1x128xf32, #tpu.memory_space<vmem>>
      %dma_start3A_966 = tpu.memref_squeeze %dma_start3A_965 : memref<1x1x128xf32, #tpu.memory_space<vmem>> -> memref<128xf32, #tpu.memory_space<vmem>>
      %dma_start3A_967 = arith.constant 0 : i32
      %dma_start3A_968 = tpu.memref_slice %arg7[%dma_start3A_962, %dma_start3A_963, %dma_start3A_967] : memref<3x16x128xi32, #tpu.memory_space<vmem>> -> memref<1x1x128xi32, #tpu.memory_space<vmem>>
      %dma_start3A_969 = tpu.memref_squeeze %dma_start3A_968 : memref<1x1x128xi32, #tpu.memory_space<vmem>> -> memref<128xi32, #tpu.memory_space<vmem>>
      %dma_start3A_970 = arith.constant 0 : i32
      %dma_start3A_971 = tpu.memref_slice %arg10[%dma_start3A_970] : memref<100352xf32, #tpu.memory_space<vmem_shared>> -> memref<100352xf32, #tpu.memory_space<vmem_shared>>
      tpu.enqueue_indirect_dma source(%dma_start3A_966 : memref<128xf32, #tpu.memory_space<vmem>>) target(%dma_start3A_971 : memref<100352xf32, #tpu.memory_space<vmem_shared>>) offsets(%dma_start3A_969 : memref<128xi32, #tpu.memory_space<vmem>>) semaphore(%arg16 : memref<!tpu.dma_semaphore, #tpu.memory_space<semaphore_mem>>) {add = true}
      %dma_start3A_972 = arith.constant 1 : i32
      %dma_start3A_973 = arith.constant 6 : i32
      %dma_start3A_974 = arith.constant 0 : i32
      %dma_start3A_975 = tpu.memref_slice %arg7[%dma_start3A_972, %dma_start3A_973, %dma_start3A_974] : memref<3x16x128xi32, #tpu.memory_space<vmem>> -> memref<1x1x128xi32, #tpu.memory_space<vmem>>
      %dma_start3A_976 = tpu.memref_squeeze %dma_start3A_975 : memref<1x1x128xi32, #tpu.memory_space<vmem>> -> memref<128xi32, #tpu.memory_space<vmem>>
      %dma_start3A_977 = arith.constant 0 : i32
      %dma_start3A_978 = tpu.memref_slice %arg11[%dma_start3A_977] : memref<100352xf32, #tpu.memory_space<vmem_shared>> -> memref<100352xf32, #tpu.memory_space<vmem_shared>>
      tpu.enqueue_indirect_dma source(%arg8 : memref<128xf32, #tpu.memory_space<vmem>>) target(%dma_start3A_978 : memref<100352xf32, #tpu.memory_space<vmem_shared>>) offsets(%dma_start3A_976 : memref<128xi32, #tpu.memory_space<vmem>>) semaphore(%arg16 : memref<!tpu.dma_semaphore, #tpu.memory_space<semaphore_mem>>) {add = true}
      %dma_start3A_979 = arith.constant 1 : i32
      %dma_start3A_980 = arith.constant 7 : i32
      %dma_start3A_981 = arith.constant 1 : i32
      %dma_start3A_982 = arith.constant 7 : i32
      %dma_start3A_983 = arith.constant 0 : i32
      %dma_start3A_984 = tpu.memref_slice %arg6[%dma_start3A_979, %dma_start3A_980, %dma_start3A_983] : memref<3x16x128xf32, #tpu.memory_space<vmem>> -> memref<1x1x128xf32, #tpu.memory_space<vmem>>
      %dma_start3A_985 = tpu.memref_squeeze %dma_start3A_984 : memref<1x1x128xf32, #tpu.memory_space<vmem>> -> memref<128xf32, #tpu.memory_space<vmem>>
      %dma_start3A_986 = arith.constant 0 : i32
      %dma_start3A_987 = tpu.memref_slice %arg7[%dma_start3A_981, %dma_start3A_982, %dma_start3A_986] : memref<3x16x128xi32, #tpu.memory_space<vmem>> -> memref<1x1x128xi32, #tpu.memory_space<vmem>>
      %dma_start3A_988 = tpu.memref_squeeze %dma_start3A_987 : memref<1x1x128xi32, #tpu.memory_space<vmem>> -> memref<128xi32, #tpu.memory_space<vmem>>
      %dma_start3A_989 = arith.constant 0 : i32
      %dma_start3A_990 = tpu.memref_slice %arg10[%dma_start3A_989] : memref<100352xf32, #tpu.memory_space<vmem_shared>> -> memref<100352xf32, #tpu.memory_space<vmem_shared>>
      tpu.enqueue_indirect_dma source(%dma_start3A_985 : memref<128xf32, #tpu.memory_space<vmem>>) target(%dma_start3A_990 : memref<100352xf32, #tpu.memory_space<vmem_shared>>) offsets(%dma_start3A_988 : memref<128xi32, #tpu.memory_space<vmem>>) semaphore(%arg16 : memref<!tpu.dma_semaphore, #tpu.memory_space<semaphore_mem>>) {add = true}
      %dma_start3A_991 = arith.constant 1 : i32
      %dma_start3A_992 = arith.constant 7 : i32
      %dma_start3A_993 = arith.constant 0 : i32
      %dma_start3A_994 = tpu.memref_slice %arg7[%dma_start3A_991, %dma_start3A_992, %dma_start3A_993] : memref<3x16x128xi32, #tpu.memory_space<vmem>> -> memref<1x1x128xi32, #tpu.memory_space<vmem>>
      %dma_start3A_995 = tpu.memref_squeeze %dma_start3A_994 : memref<1x1x128xi32, #tpu.memory_space<vmem>> -> memref<128xi32, #tpu.memory_space<vmem>>
      %dma_start3A_996 = arith.constant 0 : i32
      %dma_start3A_997 = tpu.memref_slice %arg11[%dma_start3A_996] : memref<100352xf32, #tpu.memory_space<vmem_shared>> -> memref<100352xf32, #tpu.memory_space<vmem_shared>>
      tpu.enqueue_indirect_dma source(%arg8 : memref<128xf32, #tpu.memory_space<vmem>>) target(%dma_start3A_997 : memref<100352xf32, #tpu.memory_space<vmem_shared>>) offsets(%dma_start3A_995 : memref<128xi32, #tpu.memory_space<vmem>>) semaphore(%arg16 : memref<!tpu.dma_semaphore, #tpu.memory_space<semaphore_mem>>) {add = true}
      %dma_start3A_998 = arith.constant 1 : i32
      %dma_start3A_999 = arith.constant 8 : i32
      %dma_start3A_1000 = arith.constant 1 : i32
      %dma_start3A_1001 = arith.constant 8 : i32
      %dma_start3A_1002 = arith.constant 0 : i32
      %dma_start3A_1003 = tpu.memref_slice %arg6[%dma_start3A_998, %dma_start3A_999, %dma_start3A_1002] : memref<3x16x128xf32, #tpu.memory_space<vmem>> -> memref<1x1x128xf32, #tpu.memory_space<vmem>>
      %dma_start3A_1004 = tpu.memref_squeeze %dma_start3A_1003 : memref<1x1x128xf32, #tpu.memory_space<vmem>> -> memref<128xf32, #tpu.memory_space<vmem>>
      %dma_start3A_1005 = arith.constant 0 : i32
      %dma_start3A_1006 = tpu.memref_slice %arg7[%dma_start3A_1000, %dma_start3A_1001, %dma_start3A_1005] : memref<3x16x128xi32, #tpu.memory_space<vmem>> -> memref<1x1x128xi32, #tpu.memory_space<vmem>>
      %dma_start3A_1007 = tpu.memref_squeeze %dma_start3A_1006 : memref<1x1x128xi32, #tpu.memory_space<vmem>> -> memref<128xi32, #tpu.memory_space<vmem>>
      %dma_start3A_1008 = arith.constant 0 : i32
      %dma_start3A_1009 = tpu.memref_slice %arg10[%dma_start3A_1008] : memref<100352xf32, #tpu.memory_space<vmem_shared>> -> memref<100352xf32, #tpu.memory_space<vmem_shared>>
      tpu.enqueue_indirect_dma source(%dma_start3A_1004 : memref<128xf32, #tpu.memory_space<vmem>>) target(%dma_start3A_1009 : memref<100352xf32, #tpu.memory_space<vmem_shared>>) offsets(%dma_start3A_1007 : memref<128xi32, #tpu.memory_space<vmem>>) semaphore(%arg16 : memref<!tpu.dma_semaphore, #tpu.memory_space<semaphore_mem>>) {add = true}
      %dma_start3A_1010 = arith.constant 1 : i32
      %dma_start3A_1011 = arith.constant 8 : i32
      %dma_start3A_1012 = arith.constant 0 : i32
      %dma_start3A_1013 = tpu.memref_slice %arg7[%dma_start3A_1010, %dma_start3A_1011, %dma_start3A_1012] : memref<3x16x128xi32, #tpu.memory_space<vmem>> -> memref<1x1x128xi32, #tpu.memory_space<vmem>>
      %dma_start3A_1014 = tpu.memref_squeeze %dma_start3A_1013 : memref<1x1x128xi32, #tpu.memory_space<vmem>> -> memref<128xi32, #tpu.memory_space<vmem>>
      %dma_start3A_1015 = arith.constant 0 : i32
      %dma_start3A_1016 = tpu.memref_slice %arg11[%dma_start3A_1015] : memref<100352xf32, #tpu.memory_space<vmem_shared>> -> memref<100352xf32, #tpu.memory_space<vmem_shared>>
      tpu.enqueue_indirect_dma source(%arg8 : memref<128xf32, #tpu.memory_space<vmem>>) target(%dma_start3A_1016 : memref<100352xf32, #tpu.memory_space<vmem_shared>>) offsets(%dma_start3A_1014 : memref<128xi32, #tpu.memory_space<vmem>>) semaphore(%arg16 : memref<!tpu.dma_semaphore, #tpu.memory_space<semaphore_mem>>) {add = true}
      %dma_start3A_1017 = arith.constant 1 : i32
      %dma_start3A_1018 = arith.constant 9 : i32
      %dma_start3A_1019 = arith.constant 1 : i32
      %dma_start3A_1020 = arith.constant 9 : i32
      %dma_start3A_1021 = arith.constant 0 : i32
      %dma_start3A_1022 = tpu.memref_slice %arg6[%dma_start3A_1017, %dma_start3A_1018, %dma_start3A_1021] : memref<3x16x128xf32, #tpu.memory_space<vmem>> -> memref<1x1x128xf32, #tpu.memory_space<vmem>>
      %dma_start3A_1023 = tpu.memref_squeeze %dma_start3A_1022 : memref<1x1x128xf32, #tpu.memory_space<vmem>> -> memref<128xf32, #tpu.memory_space<vmem>>
      %dma_start3A_1024 = arith.constant 0 : i32
      %dma_start3A_1025 = tpu.memref_slice %arg7[%dma_start3A_1019, %dma_start3A_1020, %dma_start3A_1024] : memref<3x16x128xi32, #tpu.memory_space<vmem>> -> memref<1x1x128xi32, #tpu.memory_space<vmem>>
      %dma_start3A_1026 = tpu.memref_squeeze %dma_start3A_1025 : memref<1x1x128xi32, #tpu.memory_space<vmem>> -> memref<128xi32, #tpu.memory_space<vmem>>
      %dma_start3A_1027 = arith.constant 0 : i32
      %dma_start3A_1028 = tpu.memref_slice %arg10[%dma_start3A_1027] : memref<100352xf32, #tpu.memory_space<vmem_shared>> -> memref<100352xf32, #tpu.memory_space<vmem_shared>>
      tpu.enqueue_indirect_dma source(%dma_start3A_1023 : memref<128xf32, #tpu.memory_space<vmem>>) target(%dma_start3A_1028 : memref<100352xf32, #tpu.memory_space<vmem_shared>>) offsets(%dma_start3A_1026 : memref<128xi32, #tpu.memory_space<vmem>>) semaphore(%arg16 : memref<!tpu.dma_semaphore, #tpu.memory_space<semaphore_mem>>) {add = true}
      %dma_start3A_1029 = arith.constant 1 : i32
      %dma_start3A_1030 = arith.constant 9 : i32
      %dma_start3A_1031 = arith.constant 0 : i32
      %dma_start3A_1032 = tpu.memref_slice %arg7[%dma_start3A_1029, %dma_start3A_1030, %dma_start3A_1031] : memref<3x16x128xi32, #tpu.memory_space<vmem>> -> memref<1x1x128xi32, #tpu.memory_space<vmem>>
      %dma_start3A_1033 = tpu.memref_squeeze %dma_start3A_1032 : memref<1x1x128xi32, #tpu.memory_space<vmem>> -> memref<128xi32, #tpu.memory_space<vmem>>
      %dma_start3A_1034 = arith.constant 0 : i32
      %dma_start3A_1035 = tpu.memref_slice %arg11[%dma_start3A_1034] : memref<100352xf32, #tpu.memory_space<vmem_shared>> -> memref<100352xf32, #tpu.memory_space<vmem_shared>>
      tpu.enqueue_indirect_dma source(%arg8 : memref<128xf32, #tpu.memory_space<vmem>>) target(%dma_start3A_1035 : memref<100352xf32, #tpu.memory_space<vmem_shared>>) offsets(%dma_start3A_1033 : memref<128xi32, #tpu.memory_space<vmem>>) semaphore(%arg16 : memref<!tpu.dma_semaphore, #tpu.memory_space<semaphore_mem>>) {add = true}
      %dma_start3A_1036 = arith.constant 1 : i32
      %dma_start3A_1037 = arith.constant 10 : i32
      %dma_start3A_1038 = arith.constant 1 : i32
      %dma_start3A_1039 = arith.constant 10 : i32
      %dma_start3A_1040 = arith.constant 0 : i32
      %dma_start3A_1041 = tpu.memref_slice %arg6[%dma_start3A_1036, %dma_start3A_1037, %dma_start3A_1040] : memref<3x16x128xf32, #tpu.memory_space<vmem>> -> memref<1x1x128xf32, #tpu.memory_space<vmem>>
      %dma_start3A_1042 = tpu.memref_squeeze %dma_start3A_1041 : memref<1x1x128xf32, #tpu.memory_space<vmem>> -> memref<128xf32, #tpu.memory_space<vmem>>
      %dma_start3A_1043 = arith.constant 0 : i32
      %dma_start3A_1044 = tpu.memref_slice %arg7[%dma_start3A_1038, %dma_start3A_1039, %dma_start3A_1043] : memref<3x16x128xi32, #tpu.memory_space<vmem>> -> memref<1x1x128xi32, #tpu.memory_space<vmem>>
      %dma_start3A_1045 = tpu.memref_squeeze %dma_start3A_1044 : memref<1x1x128xi32, #tpu.memory_space<vmem>> -> memref<128xi32, #tpu.memory_space<vmem>>
      %dma_start3A_1046 = arith.constant 0 : i32
      %dma_start3A_1047 = tpu.memref_slice %arg10[%dma_start3A_1046] : memref<100352xf32, #tpu.memory_space<vmem_shared>> -> memref<100352xf32, #tpu.memory_space<vmem_shared>>
      tpu.enqueue_indirect_dma source(%dma_start3A_1042 : memref<128xf32, #tpu.memory_space<vmem>>) target(%dma_start3A_1047 : memref<100352xf32, #tpu.memory_space<vmem_shared>>) offsets(%dma_start3A_1045 : memref<128xi32, #tpu.memory_space<vmem>>) semaphore(%arg16 : memref<!tpu.dma_semaphore, #tpu.memory_space<semaphore_mem>>) {add = true}
      %dma_start3A_1048 = arith.constant 1 : i32
      %dma_start3A_1049 = arith.constant 10 : i32
      %dma_start3A_1050 = arith.constant 0 : i32
      %dma_start3A_1051 = tpu.memref_slice %arg7[%dma_start3A_1048, %dma_start3A_1049, %dma_start3A_1050] : memref<3x16x128xi32, #tpu.memory_space<vmem>> -> memref<1x1x128xi32, #tpu.memory_space<vmem>>
      %dma_start3A_1052 = tpu.memref_squeeze %dma_start3A_1051 : memref<1x1x128xi32, #tpu.memory_space<vmem>> -> memref<128xi32, #tpu.memory_space<vmem>>
      %dma_start3A_1053 = arith.constant 0 : i32
      %dma_start3A_1054 = tpu.memref_slice %arg11[%dma_start3A_1053] : memref<100352xf32, #tpu.memory_space<vmem_shared>> -> memref<100352xf32, #tpu.memory_space<vmem_shared>>
      tpu.enqueue_indirect_dma source(%arg8 : memref<128xf32, #tpu.memory_space<vmem>>) target(%dma_start3A_1054 : memref<100352xf32, #tpu.memory_space<vmem_shared>>) offsets(%dma_start3A_1052 : memref<128xi32, #tpu.memory_space<vmem>>) semaphore(%arg16 : memref<!tpu.dma_semaphore, #tpu.memory_space<semaphore_mem>>) {add = true}
      %dma_start3A_1055 = arith.constant 1 : i32
      %dma_start3A_1056 = arith.constant 11 : i32
      %dma_start3A_1057 = arith.constant 1 : i32
      %dma_start3A_1058 = arith.constant 11 : i32
      %dma_start3A_1059 = arith.constant 0 : i32
      %dma_start3A_1060 = tpu.memref_slice %arg6[%dma_start3A_1055, %dma_start3A_1056, %dma_start3A_1059] : memref<3x16x128xf32, #tpu.memory_space<vmem>> -> memref<1x1x128xf32, #tpu.memory_space<vmem>>
      %dma_start3A_1061 = tpu.memref_squeeze %dma_start3A_1060 : memref<1x1x128xf32, #tpu.memory_space<vmem>> -> memref<128xf32, #tpu.memory_space<vmem>>
      %dma_start3A_1062 = arith.constant 0 : i32
      %dma_start3A_1063 = tpu.memref_slice %arg7[%dma_start3A_1057, %dma_start3A_1058, %dma_start3A_1062] : memref<3x16x128xi32, #tpu.memory_space<vmem>> -> memref<1x1x128xi32, #tpu.memory_space<vmem>>
      %dma_start3A_1064 = tpu.memref_squeeze %dma_start3A_1063 : memref<1x1x128xi32, #tpu.memory_space<vmem>> -> memref<128xi32, #tpu.memory_space<vmem>>
      %dma_start3A_1065 = arith.constant 0 : i32
      %dma_start3A_1066 = tpu.memref_slice %arg10[%dma_start3A_1065] : memref<100352xf32, #tpu.memory_space<vmem_shared>> -> memref<100352xf32, #tpu.memory_space<vmem_shared>>
      tpu.enqueue_indirect_dma source(%dma_start3A_1061 : memref<128xf32, #tpu.memory_space<vmem>>) target(%dma_start3A_1066 : memref<100352xf32, #tpu.memory_space<vmem_shared>>) offsets(%dma_start3A_1064 : memref<128xi32, #tpu.memory_space<vmem>>) semaphore(%arg16 : memref<!tpu.dma_semaphore, #tpu.memory_space<semaphore_mem>>) {add = true}
      %dma_start3A_1067 = arith.constant 1 : i32
      %dma_start3A_1068 = arith.constant 11 : i32
      %dma_start3A_1069 = arith.constant 0 : i32
      %dma_start3A_1070 = tpu.memref_slice %arg7[%dma_start3A_1067, %dma_start3A_1068, %dma_start3A_1069] : memref<3x16x128xi32, #tpu.memory_space<vmem>> -> memref<1x1x128xi32, #tpu.memory_space<vmem>>
      %dma_start3A_1071 = tpu.memref_squeeze %dma_start3A_1070 : memref<1x1x128xi32, #tpu.memory_space<vmem>> -> memref<128xi32, #tpu.memory_space<vmem>>
      %dma_start3A_1072 = arith.constant 0 : i32
      %dma_start3A_1073 = tpu.memref_slice %arg11[%dma_start3A_1072] : memref<100352xf32, #tpu.memory_space<vmem_shared>> -> memref<100352xf32, #tpu.memory_space<vmem_shared>>
      tpu.enqueue_indirect_dma source(%arg8 : memref<128xf32, #tpu.memory_space<vmem>>) target(%dma_start3A_1073 : memref<100352xf32, #tpu.memory_space<vmem_shared>>) offsets(%dma_start3A_1071 : memref<128xi32, #tpu.memory_space<vmem>>) semaphore(%arg16 : memref<!tpu.dma_semaphore, #tpu.memory_space<semaphore_mem>>) {add = true}
      %dma_start3A_1074 = arith.constant 1 : i32
      %dma_start3A_1075 = arith.constant 12 : i32
      %dma_start3A_1076 = arith.constant 1 : i32
      %dma_start3A_1077 = arith.constant 12 : i32
      %dma_start3A_1078 = arith.constant 0 : i32
      %dma_start3A_1079 = tpu.memref_slice %arg6[%dma_start3A_1074, %dma_start3A_1075, %dma_start3A_1078] : memref<3x16x128xf32, #tpu.memory_space<vmem>> -> memref<1x1x128xf32, #tpu.memory_space<vmem>>
      %dma_start3A_1080 = tpu.memref_squeeze %dma_start3A_1079 : memref<1x1x128xf32, #tpu.memory_space<vmem>> -> memref<128xf32, #tpu.memory_space<vmem>>
      %dma_start3A_1081 = arith.constant 0 : i32
      %dma_start3A_1082 = tpu.memref_slice %arg7[%dma_start3A_1076, %dma_start3A_1077, %dma_start3A_1081] : memref<3x16x128xi32, #tpu.memory_space<vmem>> -> memref<1x1x128xi32, #tpu.memory_space<vmem>>
      %dma_start3A_1083 = tpu.memref_squeeze %dma_start3A_1082 : memref<1x1x128xi32, #tpu.memory_space<vmem>> -> memref<128xi32, #tpu.memory_space<vmem>>
      %dma_start3A_1084 = arith.constant 0 : i32
      %dma_start3A_1085 = tpu.memref_slice %arg10[%dma_start3A_1084] : memref<100352xf32, #tpu.memory_space<vmem_shared>> -> memref<100352xf32, #tpu.memory_space<vmem_shared>>
      tpu.enqueue_indirect_dma source(%dma_start3A_1080 : memref<128xf32, #tpu.memory_space<vmem>>) target(%dma_start3A_1085 : memref<100352xf32, #tpu.memory_space<vmem_shared>>) offsets(%dma_start3A_1083 : memref<128xi32, #tpu.memory_space<vmem>>) semaphore(%arg16 : memref<!tpu.dma_semaphore, #tpu.memory_space<semaphore_mem>>) {add = true}
      %dma_start3A_1086 = arith.constant 1 : i32
      %dma_start3A_1087 = arith.constant 12 : i32
      %dma_start3A_1088 = arith.constant 0 : i32
      %dma_start3A_1089 = tpu.memref_slice %arg7[%dma_start3A_1086, %dma_start3A_1087, %dma_start3A_1088] : memref<3x16x128xi32, #tpu.memory_space<vmem>> -> memref<1x1x128xi32, #tpu.memory_space<vmem>>
      %dma_start3A_1090 = tpu.memref_squeeze %dma_start3A_1089 : memref<1x1x128xi32, #tpu.memory_space<vmem>> -> memref<128xi32, #tpu.memory_space<vmem>>
      %dma_start3A_1091 = arith.constant 0 : i32
      %dma_start3A_1092 = tpu.memref_slice %arg11[%dma_start3A_1091] : memref<100352xf32, #tpu.memory_space<vmem_shared>> -> memref<100352xf32, #tpu.memory_space<vmem_shared>>
      tpu.enqueue_indirect_dma source(%arg8 : memref<128xf32, #tpu.memory_space<vmem>>) target(%dma_start3A_1092 : memref<100352xf32, #tpu.memory_space<vmem_shared>>) offsets(%dma_start3A_1090 : memref<128xi32, #tpu.memory_space<vmem>>) semaphore(%arg16 : memref<!tpu.dma_semaphore, #tpu.memory_space<semaphore_mem>>) {add = true}
      %dma_start3A_1093 = arith.constant 1 : i32
      %dma_start3A_1094 = arith.constant 13 : i32
      %dma_start3A_1095 = arith.constant 1 : i32
      %dma_start3A_1096 = arith.constant 13 : i32
      %dma_start3A_1097 = arith.constant 0 : i32
      %dma_start3A_1098 = tpu.memref_slice %arg6[%dma_start3A_1093, %dma_start3A_1094, %dma_start3A_1097] : memref<3x16x128xf32, #tpu.memory_space<vmem>> -> memref<1x1x128xf32, #tpu.memory_space<vmem>>
      %dma_start3A_1099 = tpu.memref_squeeze %dma_start3A_1098 : memref<1x1x128xf32, #tpu.memory_space<vmem>> -> memref<128xf32, #tpu.memory_space<vmem>>
      %dma_start3A_1100 = arith.constant 0 : i32
      %dma_start3A_1101 = tpu.memref_slice %arg7[%dma_start3A_1095, %dma_start3A_1096, %dma_start3A_1100] : memref<3x16x128xi32, #tpu.memory_space<vmem>> -> memref<1x1x128xi32, #tpu.memory_space<vmem>>
      %dma_start3A_1102 = tpu.memref_squeeze %dma_start3A_1101 : memref<1x1x128xi32, #tpu.memory_space<vmem>> -> memref<128xi32, #tpu.memory_space<vmem>>
      %dma_start3A_1103 = arith.constant 0 : i32
      %dma_start3A_1104 = tpu.memref_slice %arg10[%dma_start3A_1103] : memref<100352xf32, #tpu.memory_space<vmem_shared>> -> memref<100352xf32, #tpu.memory_space<vmem_shared>>
      tpu.enqueue_indirect_dma source(%dma_start3A_1099 : memref<128xf32, #tpu.memory_space<vmem>>) target(%dma_start3A_1104 : memref<100352xf32, #tpu.memory_space<vmem_shared>>) offsets(%dma_start3A_1102 : memref<128xi32, #tpu.memory_space<vmem>>) semaphore(%arg16 : memref<!tpu.dma_semaphore, #tpu.memory_space<semaphore_mem>>) {add = true}
      %dma_start3A_1105 = arith.constant 1 : i32
      %dma_start3A_1106 = arith.constant 13 : i32
      %dma_start3A_1107 = arith.constant 0 : i32
      %dma_start3A_1108 = tpu.memref_slice %arg7[%dma_start3A_1105, %dma_start3A_1106, %dma_start3A_1107] : memref<3x16x128xi32, #tpu.memory_space<vmem>> -> memref<1x1x128xi32, #tpu.memory_space<vmem>>
      %dma_start3A_1109 = tpu.memref_squeeze %dma_start3A_1108 : memref<1x1x128xi32, #tpu.memory_space<vmem>> -> memref<128xi32, #tpu.memory_space<vmem>>
      %dma_start3A_1110 = arith.constant 0 : i32
      %dma_start3A_1111 = tpu.memref_slice %arg11[%dma_start3A_1110] : memref<100352xf32, #tpu.memory_space<vmem_shared>> -> memref<100352xf32, #tpu.memory_space<vmem_shared>>
      tpu.enqueue_indirect_dma source(%arg8 : memref<128xf32, #tpu.memory_space<vmem>>) target(%dma_start3A_1111 : memref<100352xf32, #tpu.memory_space<vmem_shared>>) offsets(%dma_start3A_1109 : memref<128xi32, #tpu.memory_space<vmem>>) semaphore(%arg16 : memref<!tpu.dma_semaphore, #tpu.memory_space<semaphore_mem>>) {add = true}
      %dma_start3A_1112 = arith.constant 1 : i32
      %dma_start3A_1113 = arith.constant 14 : i32
      %dma_start3A_1114 = arith.constant 1 : i32
      %dma_start3A_1115 = arith.constant 14 : i32
      %dma_start3A_1116 = arith.constant 0 : i32
      %dma_start3A_1117 = tpu.memref_slice %arg6[%dma_start3A_1112, %dma_start3A_1113, %dma_start3A_1116] : memref<3x16x128xf32, #tpu.memory_space<vmem>> -> memref<1x1x128xf32, #tpu.memory_space<vmem>>
      %dma_start3A_1118 = tpu.memref_squeeze %dma_start3A_1117 : memref<1x1x128xf32, #tpu.memory_space<vmem>> -> memref<128xf32, #tpu.memory_space<vmem>>
      %dma_start3A_1119 = arith.constant 0 : i32
      %dma_start3A_1120 = tpu.memref_slice %arg7[%dma_start3A_1114, %dma_start3A_1115, %dma_start3A_1119] : memref<3x16x128xi32, #tpu.memory_space<vmem>> -> memref<1x1x128xi32, #tpu.memory_space<vmem>>
      %dma_start3A_1121 = tpu.memref_squeeze %dma_start3A_1120 : memref<1x1x128xi32, #tpu.memory_space<vmem>> -> memref<128xi32, #tpu.memory_space<vmem>>
      %dma_start3A_1122 = arith.constant 0 : i32
      %dma_start3A_1123 = tpu.memref_slice %arg10[%dma_start3A_1122] : memref<100352xf32, #tpu.memory_space<vmem_shared>> -> memref<100352xf32, #tpu.memory_space<vmem_shared>>
      tpu.enqueue_indirect_dma source(%dma_start3A_1118 : memref<128xf32, #tpu.memory_space<vmem>>) target(%dma_start3A_1123 : memref<100352xf32, #tpu.memory_space<vmem_shared>>) offsets(%dma_start3A_1121 : memref<128xi32, #tpu.memory_space<vmem>>) semaphore(%arg16 : memref<!tpu.dma_semaphore, #tpu.memory_space<semaphore_mem>>) {add = true}
      %dma_start3A_1124 = arith.constant 1 : i32
      %dma_start3A_1125 = arith.constant 14 : i32
      %dma_start3A_1126 = arith.constant 0 : i32
      %dma_start3A_1127 = tpu.memref_slice %arg7[%dma_start3A_1124, %dma_start3A_1125, %dma_start3A_1126] : memref<3x16x128xi32, #tpu.memory_space<vmem>> -> memref<1x1x128xi32, #tpu.memory_space<vmem>>
      %dma_start3A_1128 = tpu.memref_squeeze %dma_start3A_1127 : memref<1x1x128xi32, #tpu.memory_space<vmem>> -> memref<128xi32, #tpu.memory_space<vmem>>
      %dma_start3A_1129 = arith.constant 0 : i32
      %dma_start3A_1130 = tpu.memref_slice %arg11[%dma_start3A_1129] : memref<100352xf32, #tpu.memory_space<vmem_shared>> -> memref<100352xf32, #tpu.memory_space<vmem_shared>>
      tpu.enqueue_indirect_dma source(%arg8 : memref<128xf32, #tpu.memory_space<vmem>>) target(%dma_start3A_1130 : memref<100352xf32, #tpu.memory_space<vmem_shared>>) offsets(%dma_start3A_1128 : memref<128xi32, #tpu.memory_space<vmem>>) semaphore(%arg16 : memref<!tpu.dma_semaphore, #tpu.memory_space<semaphore_mem>>) {add = true}
      %dma_start3A_1131 = arith.constant 1 : i32
      %dma_start3A_1132 = arith.constant 15 : i32
      %dma_start3A_1133 = arith.constant 1 : i32
      %dma_start3A_1134 = arith.constant 15 : i32
      %dma_start3A_1135 = arith.constant 0 : i32
      %dma_start3A_1136 = tpu.memref_slice %arg6[%dma_start3A_1131, %dma_start3A_1132, %dma_start3A_1135] : memref<3x16x128xf32, #tpu.memory_space<vmem>> -> memref<1x1x128xf32, #tpu.memory_space<vmem>>
      %dma_start3A_1137 = tpu.memref_squeeze %dma_start3A_1136 : memref<1x1x128xf32, #tpu.memory_space<vmem>> -> memref<128xf32, #tpu.memory_space<vmem>>
      %dma_start3A_1138 = arith.constant 0 : i32
      %dma_start3A_1139 = tpu.memref_slice %arg7[%dma_start3A_1133, %dma_start3A_1134, %dma_start3A_1138] : memref<3x16x128xi32, #tpu.memory_space<vmem>> -> memref<1x1x128xi32, #tpu.memory_space<vmem>>
      %dma_start3A_1140 = tpu.memref_squeeze %dma_start3A_1139 : memref<1x1x128xi32, #tpu.memory_space<vmem>> -> memref<128xi32, #tpu.memory_space<vmem>>
      %dma_start3A_1141 = arith.constant 0 : i32
      %dma_start3A_1142 = tpu.memref_slice %arg10[%dma_start3A_1141] : memref<100352xf32, #tpu.memory_space<vmem_shared>> -> memref<100352xf32, #tpu.memory_space<vmem_shared>>
      tpu.enqueue_indirect_dma source(%dma_start3A_1137 : memref<128xf32, #tpu.memory_space<vmem>>) target(%dma_start3A_1142 : memref<100352xf32, #tpu.memory_space<vmem_shared>>) offsets(%dma_start3A_1140 : memref<128xi32, #tpu.memory_space<vmem>>) semaphore(%arg16 : memref<!tpu.dma_semaphore, #tpu.memory_space<semaphore_mem>>) {add = true}
      %dma_start3A_1143 = arith.constant 1 : i32
      %dma_start3A_1144 = arith.constant 15 : i32
      %dma_start3A_1145 = arith.constant 0 : i32
      %dma_start3A_1146 = tpu.memref_slice %arg7[%dma_start3A_1143, %dma_start3A_1144, %dma_start3A_1145] : memref<3x16x128xi32, #tpu.memory_space<vmem>> -> memref<1x1x128xi32, #tpu.memory_space<vmem>>
      %dma_start3A_1147 = tpu.memref_squeeze %dma_start3A_1146 : memref<1x1x128xi32, #tpu.memory_space<vmem>> -> memref<128xi32, #tpu.memory_space<vmem>>
      %dma_start3A_1148 = arith.constant 0 : i32
      %dma_start3A_1149 = tpu.memref_slice %arg11[%dma_start3A_1148] : memref<100352xf32, #tpu.memory_space<vmem_shared>> -> memref<100352xf32, #tpu.memory_space<vmem_shared>>
      tpu.enqueue_indirect_dma source(%arg8 : memref<128xf32, #tpu.memory_space<vmem>>) target(%dma_start3A_1149 : memref<100352xf32, #tpu.memory_space<vmem_shared>>) offsets(%dma_start3A_1147 : memref<128xi32, #tpu.memory_space<vmem>>) semaphore(%arg16 : memref<!tpu.dma_semaphore, #tpu.memory_space<semaphore_mem>>) {add = true}
      %ge3A_1150 = arith.constant 1 : i32
      %ge3A_1151 = arith.cmpi sge, %add3A_815, %ge3A_1150 : i32
      %convert_element_type3A_1152 = arith.extui %ge3A_1151 : i1 to i32
      %cond3A_1153 = arith.constant 0 : i32
      %cond3A_1154 = arith.cmpi ne, %convert_element_type3A_1152, %cond3A_1153 : i32
      scf.if %cond3A_1154 {
        %dma_wait3A_1518 = arith.constant 0 : i32
        %dma_wait3A_1519 = arith.constant 0 : i32
        %dma_wait3A_1520 = arith.constant 0 : i32
        %dma_wait3A_1521 = arith.constant 0 : i32
        %dma_wait3A_1522 = arith.constant 0 : i32
        %dma_wait3A_1523 = tpu.memref_slice %arg6[%dma_wait3A_1518, %dma_wait3A_1519, %dma_wait3A_1522] : memref<3x16x128xf32, #tpu.memory_space<vmem>> -> memref<1x1x128xf32, #tpu.memory_space<vmem>>
        %dma_wait3A_1524 = tpu.memref_squeeze %dma_wait3A_1523 : memref<1x1x128xf32, #tpu.memory_space<vmem>> -> memref<128xf32, #tpu.memory_space<vmem>>
        %dma_wait3A_1525 = arith.constant 0 : i32
        %dma_wait3A_1526 = tpu.memref_slice %arg7[%dma_wait3A_1520, %dma_wait3A_1521, %dma_wait3A_1525] : memref<3x16x128xi32, #tpu.memory_space<vmem>> -> memref<1x1x128xi32, #tpu.memory_space<vmem>>
        %dma_wait3A_1527 = tpu.memref_squeeze %dma_wait3A_1526 : memref<1x1x128xi32, #tpu.memory_space<vmem>> -> memref<128xi32, #tpu.memory_space<vmem>>
        %dma_wait3A_1528 = arith.constant 0 : i32
        %dma_wait3A_1529 = tpu.memref_slice %arg10[%dma_wait3A_1528] : memref<100352xf32, #tpu.memory_space<vmem_shared>> -> memref<100352xf32, #tpu.memory_space<vmem_shared>>
        tpu.wait_indirect_dma semaphore(%arg15 : memref<!tpu.dma_semaphore, #tpu.memory_space<semaphore_mem>>) src(%dma_wait3A_1524 : memref<128xf32, #tpu.memory_space<vmem>>) dst(%dma_wait3A_1529 : memref<100352xf32, #tpu.memory_space<vmem_shared>>)
        %dma_wait3A_1530 = arith.constant 0 : i32
        %dma_wait3A_1531 = arith.constant 0 : i32
        %dma_wait3A_1532 = arith.constant 0 : i32
        %dma_wait3A_1533 = tpu.memref_slice %arg7[%dma_wait3A_1530, %dma_wait3A_1531, %dma_wait3A_1532] : memref<3x16x128xi32, #tpu.memory_space<vmem>> -> memref<1x1x128xi32, #tpu.memory_space<vmem>>
        %dma_wait3A_1534 = tpu.memref_squeeze %dma_wait3A_1533 : memref<1x1x128xi32, #tpu.memory_space<vmem>> -> memref<128xi32, #tpu.memory_space<vmem>>
        %dma_wait3A_1535 = arith.constant 0 : i32
        %dma_wait3A_1536 = tpu.memref_slice %arg11[%dma_wait3A_1535] : memref<100352xf32, #tpu.memory_space<vmem_shared>> -> memref<100352xf32, #tpu.memory_space<vmem_shared>>
        tpu.wait_indirect_dma semaphore(%arg15 : memref<!tpu.dma_semaphore, #tpu.memory_space<semaphore_mem>>) src(%arg8 : memref<128xf32, #tpu.memory_space<vmem>>) dst(%dma_wait3A_1536 : memref<100352xf32, #tpu.memory_space<vmem_shared>>)
        %dma_wait3A_1537 = arith.constant 0 : i32
        %dma_wait3A_1538 = arith.constant 1 : i32
        %dma_wait3A_1539 = arith.constant 0 : i32
        %dma_wait3A_1540 = arith.constant 1 : i32
        %dma_wait3A_1541 = arith.constant 0 : i32
        %dma_wait3A_1542 = tpu.memref_slice %arg6[%dma_wait3A_1537, %dma_wait3A_1538, %dma_wait3A_1541] : memref<3x16x128xf32, #tpu.memory_space<vmem>> -> memref<1x1x128xf32, #tpu.memory_space<vmem>>
        %dma_wait3A_1543 = tpu.memref_squeeze %dma_wait3A_1542 : memref<1x1x128xf32, #tpu.memory_space<vmem>> -> memref<128xf32, #tpu.memory_space<vmem>>
        %dma_wait3A_1544 = arith.constant 0 : i32
        %dma_wait3A_1545 = tpu.memref_slice %arg7[%dma_wait3A_1539, %dma_wait3A_1540, %dma_wait3A_1544] : memref<3x16x128xi32, #tpu.memory_space<vmem>> -> memref<1x1x128xi32, #tpu.memory_space<vmem>>
        %dma_wait3A_1546 = tpu.memref_squeeze %dma_wait3A_1545 : memref<1x1x128xi32, #tpu.memory_space<vmem>> -> memref<128xi32, #tpu.memory_space<vmem>>
        %dma_wait3A_1547 = arith.constant 0 : i32
        %dma_wait3A_1548 = tpu.memref_slice %arg10[%dma_wait3A_1547] : memref<100352xf32, #tpu.memory_space<vmem_shared>> -> memref<100352xf32, #tpu.memory_space<vmem_shared>>
        tpu.wait_indirect_dma semaphore(%arg15 : memref<!tpu.dma_semaphore, #tpu.memory_space<semaphore_mem>>) src(%dma_wait3A_1543 : memref<128xf32, #tpu.memory_space<vmem>>) dst(%dma_wait3A_1548 : memref<100352xf32, #tpu.memory_space<vmem_shared>>)
        %dma_wait3A_1549 = arith.constant 0 : i32
        %dma_wait3A_1550 = arith.constant 1 : i32
        %dma_wait3A_1551 = arith.constant 0 : i32
        %dma_wait3A_1552 = tpu.memref_slice %arg7[%dma_wait3A_1549, %dma_wait3A_1550, %dma_wait3A_1551] : memref<3x16x128xi32, #tpu.memory_space<vmem>> -> memref<1x1x128xi32, #tpu.memory_space<vmem>>
        %dma_wait3A_1553 = tpu.memref_squeeze %dma_wait3A_1552 : memref<1x1x128xi32, #tpu.memory_space<vmem>> -> memref<128xi32, #tpu.memory_space<vmem>>
        %dma_wait3A_1554 = arith.constant 0 : i32
        %dma_wait3A_1555 = tpu.memref_slice %arg11[%dma_wait3A_1554] : memref<100352xf32, #tpu.memory_space<vmem_shared>> -> memref<100352xf32, #tpu.memory_space<vmem_shared>>
        tpu.wait_indirect_dma semaphore(%arg15 : memref<!tpu.dma_semaphore, #tpu.memory_space<semaphore_mem>>) src(%arg8 : memref<128xf32, #tpu.memory_space<vmem>>) dst(%dma_wait3A_1555 : memref<100352xf32, #tpu.memory_space<vmem_shared>>)
        %dma_wait3A_1556 = arith.constant 0 : i32
        %dma_wait3A_1557 = arith.constant 2 : i32
        %dma_wait3A_1558 = arith.constant 0 : i32
        %dma_wait3A_1559 = arith.constant 2 : i32
        %dma_wait3A_1560 = arith.constant 0 : i32
        %dma_wait3A_1561 = tpu.memref_slice %arg6[%dma_wait3A_1556, %dma_wait3A_1557, %dma_wait3A_1560] : memref<3x16x128xf32, #tpu.memory_space<vmem>> -> memref<1x1x128xf32, #tpu.memory_space<vmem>>
        %dma_wait3A_1562 = tpu.memref_squeeze %dma_wait3A_1561 : memref<1x1x128xf32, #tpu.memory_space<vmem>> -> memref<128xf32, #tpu.memory_space<vmem>>
        %dma_wait3A_1563 = arith.constant 0 : i32
        %dma_wait3A_1564 = tpu.memref_slice %arg7[%dma_wait3A_1558, %dma_wait3A_1559, %dma_wait3A_1563] : memref<3x16x128xi32, #tpu.memory_space<vmem>> -> memref<1x1x128xi32, #tpu.memory_space<vmem>>
        %dma_wait3A_1565 = tpu.memref_squeeze %dma_wait3A_1564 : memref<1x1x128xi32, #tpu.memory_space<vmem>> -> memref<128xi32, #tpu.memory_space<vmem>>
        %dma_wait3A_1566 = arith.constant 0 : i32
        %dma_wait3A_1567 = tpu.memref_slice %arg10[%dma_wait3A_1566] : memref<100352xf32, #tpu.memory_space<vmem_shared>> -> memref<100352xf32, #tpu.memory_space<vmem_shared>>
        tpu.wait_indirect_dma semaphore(%arg15 : memref<!tpu.dma_semaphore, #tpu.memory_space<semaphore_mem>>) src(%dma_wait3A_1562 : memref<128xf32, #tpu.memory_space<vmem>>) dst(%dma_wait3A_1567 : memref<100352xf32, #tpu.memory_space<vmem_shared>>)
        %dma_wait3A_1568 = arith.constant 0 : i32
        %dma_wait3A_1569 = arith.constant 2 : i32
        %dma_wait3A_1570 = arith.constant 0 : i32
        %dma_wait3A_1571 = tpu.memref_slice %arg7[%dma_wait3A_1568, %dma_wait3A_1569, %dma_wait3A_1570] : memref<3x16x128xi32, #tpu.memory_space<vmem>> -> memref<1x1x128xi32, #tpu.memory_space<vmem>>
        %dma_wait3A_1572 = tpu.memref_squeeze %dma_wait3A_1571 : memref<1x1x128xi32, #tpu.memory_space<vmem>> -> memref<128xi32, #tpu.memory_space<vmem>>
        %dma_wait3A_1573 = arith.constant 0 : i32
        %dma_wait3A_1574 = tpu.memref_slice %arg11[%dma_wait3A_1573] : memref<100352xf32, #tpu.memory_space<vmem_shared>> -> memref<100352xf32, #tpu.memory_space<vmem_shared>>
        tpu.wait_indirect_dma semaphore(%arg15 : memref<!tpu.dma_semaphore, #tpu.memory_space<semaphore_mem>>) src(%arg8 : memref<128xf32, #tpu.memory_space<vmem>>) dst(%dma_wait3A_1574 : memref<100352xf32, #tpu.memory_space<vmem_shared>>)
        %dma_wait3A_1575 = arith.constant 0 : i32
        %dma_wait3A_1576 = arith.constant 3 : i32
        %dma_wait3A_1577 = arith.constant 0 : i32
        %dma_wait3A_1578 = arith.constant 3 : i32
        %dma_wait3A_1579 = arith.constant 0 : i32
        %dma_wait3A_1580 = tpu.memref_slice %arg6[%dma_wait3A_1575, %dma_wait3A_1576, %dma_wait3A_1579] : memref<3x16x128xf32, #tpu.memory_space<vmem>> -> memref<1x1x128xf32, #tpu.memory_space<vmem>>
        %dma_wait3A_1581 = tpu.memref_squeeze %dma_wait3A_1580 : memref<1x1x128xf32, #tpu.memory_space<vmem>> -> memref<128xf32, #tpu.memory_space<vmem>>
        %dma_wait3A_1582 = arith.constant 0 : i32
        %dma_wait3A_1583 = tpu.memref_slice %arg7[%dma_wait3A_1577, %dma_wait3A_1578, %dma_wait3A_1582] : memref<3x16x128xi32, #tpu.memory_space<vmem>> -> memref<1x1x128xi32, #tpu.memory_space<vmem>>
        %dma_wait3A_1584 = tpu.memref_squeeze %dma_wait3A_1583 : memref<1x1x128xi32, #tpu.memory_space<vmem>> -> memref<128xi32, #tpu.memory_space<vmem>>
        %dma_wait3A_1585 = arith.constant 0 : i32
        %dma_wait3A_1586 = tpu.memref_slice %arg10[%dma_wait3A_1585] : memref<100352xf32, #tpu.memory_space<vmem_shared>> -> memref<100352xf32, #tpu.memory_space<vmem_shared>>
        tpu.wait_indirect_dma semaphore(%arg15 : memref<!tpu.dma_semaphore, #tpu.memory_space<semaphore_mem>>) src(%dma_wait3A_1581 : memref<128xf32, #tpu.memory_space<vmem>>) dst(%dma_wait3A_1586 : memref<100352xf32, #tpu.memory_space<vmem_shared>>)
        %dma_wait3A_1587 = arith.constant 0 : i32
        %dma_wait3A_1588 = arith.constant 3 : i32
        %dma_wait3A_1589 = arith.constant 0 : i32
        %dma_wait3A_1590 = tpu.memref_slice %arg7[%dma_wait3A_1587, %dma_wait3A_1588, %dma_wait3A_1589] : memref<3x16x128xi32, #tpu.memory_space<vmem>> -> memref<1x1x128xi32, #tpu.memory_space<vmem>>
        %dma_wait3A_1591 = tpu.memref_squeeze %dma_wait3A_1590 : memref<1x1x128xi32, #tpu.memory_space<vmem>> -> memref<128xi32, #tpu.memory_space<vmem>>
        %dma_wait3A_1592 = arith.constant 0 : i32
        %dma_wait3A_1593 = tpu.memref_slice %arg11[%dma_wait3A_1592] : memref<100352xf32, #tpu.memory_space<vmem_shared>> -> memref<100352xf32, #tpu.memory_space<vmem_shared>>
        tpu.wait_indirect_dma semaphore(%arg15 : memref<!tpu.dma_semaphore, #tpu.memory_space<semaphore_mem>>) src(%arg8 : memref<128xf32, #tpu.memory_space<vmem>>) dst(%dma_wait3A_1593 : memref<100352xf32, #tpu.memory_space<vmem_shared>>)
        %dma_wait3A_1594 = arith.constant 0 : i32
        %dma_wait3A_1595 = arith.constant 4 : i32
        %dma_wait3A_1596 = arith.constant 0 : i32
        %dma_wait3A_1597 = arith.constant 4 : i32
        %dma_wait3A_1598 = arith.constant 0 : i32
        %dma_wait3A_1599 = tpu.memref_slice %arg6[%dma_wait3A_1594, %dma_wait3A_1595, %dma_wait3A_1598] : memref<3x16x128xf32, #tpu.memory_space<vmem>> -> memref<1x1x128xf32, #tpu.memory_space<vmem>>
        %dma_wait3A_1600 = tpu.memref_squeeze %dma_wait3A_1599 : memref<1x1x128xf32, #tpu.memory_space<vmem>> -> memref<128xf32, #tpu.memory_space<vmem>>
        %dma_wait3A_1601 = arith.constant 0 : i32
        %dma_wait3A_1602 = tpu.memref_slice %arg7[%dma_wait3A_1596, %dma_wait3A_1597, %dma_wait3A_1601] : memref<3x16x128xi32, #tpu.memory_space<vmem>> -> memref<1x1x128xi32, #tpu.memory_space<vmem>>
        %dma_wait3A_1603 = tpu.memref_squeeze %dma_wait3A_1602 : memref<1x1x128xi32, #tpu.memory_space<vmem>> -> memref<128xi32, #tpu.memory_space<vmem>>
        %dma_wait3A_1604 = arith.constant 0 : i32
        %dma_wait3A_1605 = tpu.memref_slice %arg10[%dma_wait3A_1604] : memref<100352xf32, #tpu.memory_space<vmem_shared>> -> memref<100352xf32, #tpu.memory_space<vmem_shared>>
        tpu.wait_indirect_dma semaphore(%arg15 : memref<!tpu.dma_semaphore, #tpu.memory_space<semaphore_mem>>) src(%dma_wait3A_1600 : memref<128xf32, #tpu.memory_space<vmem>>) dst(%dma_wait3A_1605 : memref<100352xf32, #tpu.memory_space<vmem_shared>>)
        %dma_wait3A_1606 = arith.constant 0 : i32
        %dma_wait3A_1607 = arith.constant 4 : i32
        %dma_wait3A_1608 = arith.constant 0 : i32
        %dma_wait3A_1609 = tpu.memref_slice %arg7[%dma_wait3A_1606, %dma_wait3A_1607, %dma_wait3A_1608] : memref<3x16x128xi32, #tpu.memory_space<vmem>> -> memref<1x1x128xi32, #tpu.memory_space<vmem>>
        %dma_wait3A_1610 = tpu.memref_squeeze %dma_wait3A_1609 : memref<1x1x128xi32, #tpu.memory_space<vmem>> -> memref<128xi32, #tpu.memory_space<vmem>>
        %dma_wait3A_1611 = arith.constant 0 : i32
        %dma_wait3A_1612 = tpu.memref_slice %arg11[%dma_wait3A_1611] : memref<100352xf32, #tpu.memory_space<vmem_shared>> -> memref<100352xf32, #tpu.memory_space<vmem_shared>>
        tpu.wait_indirect_dma semaphore(%arg15 : memref<!tpu.dma_semaphore, #tpu.memory_space<semaphore_mem>>) src(%arg8 : memref<128xf32, #tpu.memory_space<vmem>>) dst(%dma_wait3A_1612 : memref<100352xf32, #tpu.memory_space<vmem_shared>>)
        %dma_wait3A_1613 = arith.constant 0 : i32
        %dma_wait3A_1614 = arith.constant 5 : i32
        %dma_wait3A_1615 = arith.constant 0 : i32
        %dma_wait3A_1616 = arith.constant 5 : i32
        %dma_wait3A_1617 = arith.constant 0 : i32
        %dma_wait3A_1618 = tpu.memref_slice %arg6[%dma_wait3A_1613, %dma_wait3A_1614, %dma_wait3A_1617] : memref<3x16x128xf32, #tpu.memory_space<vmem>> -> memref<1x1x128xf32, #tpu.memory_space<vmem>>
        %dma_wait3A_1619 = tpu.memref_squeeze %dma_wait3A_1618 : memref<1x1x128xf32, #tpu.memory_space<vmem>> -> memref<128xf32, #tpu.memory_space<vmem>>
        %dma_wait3A_1620 = arith.constant 0 : i32
        %dma_wait3A_1621 = tpu.memref_slice %arg7[%dma_wait3A_1615, %dma_wait3A_1616, %dma_wait3A_1620] : memref<3x16x128xi32, #tpu.memory_space<vmem>> -> memref<1x1x128xi32, #tpu.memory_space<vmem>>
        %dma_wait3A_1622 = tpu.memref_squeeze %dma_wait3A_1621 : memref<1x1x128xi32, #tpu.memory_space<vmem>> -> memref<128xi32, #tpu.memory_space<vmem>>
        %dma_wait3A_1623 = arith.constant 0 : i32
        %dma_wait3A_1624 = tpu.memref_slice %arg10[%dma_wait3A_1623] : memref<100352xf32, #tpu.memory_space<vmem_shared>> -> memref<100352xf32, #tpu.memory_space<vmem_shared>>
        tpu.wait_indirect_dma semaphore(%arg15 : memref<!tpu.dma_semaphore, #tpu.memory_space<semaphore_mem>>) src(%dma_wait3A_1619 : memref<128xf32, #tpu.memory_space<vmem>>) dst(%dma_wait3A_1624 : memref<100352xf32, #tpu.memory_space<vmem_shared>>)
        %dma_wait3A_1625 = arith.constant 0 : i32
        %dma_wait3A_1626 = arith.constant 5 : i32
        %dma_wait3A_1627 = arith.constant 0 : i32
        %dma_wait3A_1628 = tpu.memref_slice %arg7[%dma_wait3A_1625, %dma_wait3A_1626, %dma_wait3A_1627] : memref<3x16x128xi32, #tpu.memory_space<vmem>> -> memref<1x1x128xi32, #tpu.memory_space<vmem>>
        %dma_wait3A_1629 = tpu.memref_squeeze %dma_wait3A_1628 : memref<1x1x128xi32, #tpu.memory_space<vmem>> -> memref<128xi32, #tpu.memory_space<vmem>>
        %dma_wait3A_1630 = arith.constant 0 : i32
        %dma_wait3A_1631 = tpu.memref_slice %arg11[%dma_wait3A_1630] : memref<100352xf32, #tpu.memory_space<vmem_shared>> -> memref<100352xf32, #tpu.memory_space<vmem_shared>>
        tpu.wait_indirect_dma semaphore(%arg15 : memref<!tpu.dma_semaphore, #tpu.memory_space<semaphore_mem>>) src(%arg8 : memref<128xf32, #tpu.memory_space<vmem>>) dst(%dma_wait3A_1631 : memref<100352xf32, #tpu.memory_space<vmem_shared>>)
        %dma_wait3A_1632 = arith.constant 0 : i32
        %dma_wait3A_1633 = arith.constant 6 : i32
        %dma_wait3A_1634 = arith.constant 0 : i32
        %dma_wait3A_1635 = arith.constant 6 : i32
        %dma_wait3A_1636 = arith.constant 0 : i32
        %dma_wait3A_1637 = tpu.memref_slice %arg6[%dma_wait3A_1632, %dma_wait3A_1633, %dma_wait3A_1636] : memref<3x16x128xf32, #tpu.memory_space<vmem>> -> memref<1x1x128xf32, #tpu.memory_space<vmem>>
        %dma_wait3A_1638 = tpu.memref_squeeze %dma_wait3A_1637 : memref<1x1x128xf32, #tpu.memory_space<vmem>> -> memref<128xf32, #tpu.memory_space<vmem>>
        %dma_wait3A_1639 = arith.constant 0 : i32
        %dma_wait3A_1640 = tpu.memref_slice %arg7[%dma_wait3A_1634, %dma_wait3A_1635, %dma_wait3A_1639] : memref<3x16x128xi32, #tpu.memory_space<vmem>> -> memref<1x1x128xi32, #tpu.memory_space<vmem>>
        %dma_wait3A_1641 = tpu.memref_squeeze %dma_wait3A_1640 : memref<1x1x128xi32, #tpu.memory_space<vmem>> -> memref<128xi32, #tpu.memory_space<vmem>>
        %dma_wait3A_1642 = arith.constant 0 : i32
        %dma_wait3A_1643 = tpu.memref_slice %arg10[%dma_wait3A_1642] : memref<100352xf32, #tpu.memory_space<vmem_shared>> -> memref<100352xf32, #tpu.memory_space<vmem_shared>>
        tpu.wait_indirect_dma semaphore(%arg15 : memref<!tpu.dma_semaphore, #tpu.memory_space<semaphore_mem>>) src(%dma_wait3A_1638 : memref<128xf32, #tpu.memory_space<vmem>>) dst(%dma_wait3A_1643 : memref<100352xf32, #tpu.memory_space<vmem_shared>>)
        %dma_wait3A_1644 = arith.constant 0 : i32
        %dma_wait3A_1645 = arith.constant 6 : i32
        %dma_wait3A_1646 = arith.constant 0 : i32
        %dma_wait3A_1647 = tpu.memref_slice %arg7[%dma_wait3A_1644, %dma_wait3A_1645, %dma_wait3A_1646] : memref<3x16x128xi32, #tpu.memory_space<vmem>> -> memref<1x1x128xi32, #tpu.memory_space<vmem>>
        %dma_wait3A_1648 = tpu.memref_squeeze %dma_wait3A_1647 : memref<1x1x128xi32, #tpu.memory_space<vmem>> -> memref<128xi32, #tpu.memory_space<vmem>>
        %dma_wait3A_1649 = arith.constant 0 : i32
        %dma_wait3A_1650 = tpu.memref_slice %arg11[%dma_wait3A_1649] : memref<100352xf32, #tpu.memory_space<vmem_shared>> -> memref<100352xf32, #tpu.memory_space<vmem_shared>>
        tpu.wait_indirect_dma semaphore(%arg15 : memref<!tpu.dma_semaphore, #tpu.memory_space<semaphore_mem>>) src(%arg8 : memref<128xf32, #tpu.memory_space<vmem>>) dst(%dma_wait3A_1650 : memref<100352xf32, #tpu.memory_space<vmem_shared>>)
        %dma_wait3A_1651 = arith.constant 0 : i32
        %dma_wait3A_1652 = arith.constant 7 : i32
        %dma_wait3A_1653 = arith.constant 0 : i32
        %dma_wait3A_1654 = arith.constant 7 : i32
        %dma_wait3A_1655 = arith.constant 0 : i32
        %dma_wait3A_1656 = tpu.memref_slice %arg6[%dma_wait3A_1651, %dma_wait3A_1652, %dma_wait3A_1655] : memref<3x16x128xf32, #tpu.memory_space<vmem>> -> memref<1x1x128xf32, #tpu.memory_space<vmem>>
        %dma_wait3A_1657 = tpu.memref_squeeze %dma_wait3A_1656 : memref<1x1x128xf32, #tpu.memory_space<vmem>> -> memref<128xf32, #tpu.memory_space<vmem>>
        %dma_wait3A_1658 = arith.constant 0 : i32
        %dma_wait3A_1659 = tpu.memref_slice %arg7[%dma_wait3A_1653, %dma_wait3A_1654, %dma_wait3A_1658] : memref<3x16x128xi32, #tpu.memory_space<vmem>> -> memref<1x1x128xi32, #tpu.memory_space<vmem>>
        %dma_wait3A_1660 = tpu.memref_squeeze %dma_wait3A_1659 : memref<1x1x128xi32, #tpu.memory_space<vmem>> -> memref<128xi32, #tpu.memory_space<vmem>>
        %dma_wait3A_1661 = arith.constant 0 : i32
        %dma_wait3A_1662 = tpu.memref_slice %arg10[%dma_wait3A_1661] : memref<100352xf32, #tpu.memory_space<vmem_shared>> -> memref<100352xf32, #tpu.memory_space<vmem_shared>>
        tpu.wait_indirect_dma semaphore(%arg15 : memref<!tpu.dma_semaphore, #tpu.memory_space<semaphore_mem>>) src(%dma_wait3A_1657 : memref<128xf32, #tpu.memory_space<vmem>>) dst(%dma_wait3A_1662 : memref<100352xf32, #tpu.memory_space<vmem_shared>>)
        %dma_wait3A_1663 = arith.constant 0 : i32
        %dma_wait3A_1664 = arith.constant 7 : i32
        %dma_wait3A_1665 = arith.constant 0 : i32
        %dma_wait3A_1666 = tpu.memref_slice %arg7[%dma_wait3A_1663, %dma_wait3A_1664, %dma_wait3A_1665] : memref<3x16x128xi32, #tpu.memory_space<vmem>> -> memref<1x1x128xi32, #tpu.memory_space<vmem>>
        %dma_wait3A_1667 = tpu.memref_squeeze %dma_wait3A_1666 : memref<1x1x128xi32, #tpu.memory_space<vmem>> -> memref<128xi32, #tpu.memory_space<vmem>>
        %dma_wait3A_1668 = arith.constant 0 : i32
        %dma_wait3A_1669 = tpu.memref_slice %arg11[%dma_wait3A_1668] : memref<100352xf32, #tpu.memory_space<vmem_shared>> -> memref<100352xf32, #tpu.memory_space<vmem_shared>>
        tpu.wait_indirect_dma semaphore(%arg15 : memref<!tpu.dma_semaphore, #tpu.memory_space<semaphore_mem>>) src(%arg8 : memref<128xf32, #tpu.memory_space<vmem>>) dst(%dma_wait3A_1669 : memref<100352xf32, #tpu.memory_space<vmem_shared>>)
        %dma_wait3A_1670 = arith.constant 0 : i32
        %dma_wait3A_1671 = arith.constant 8 : i32
        %dma_wait3A_1672 = arith.constant 0 : i32
        %dma_wait3A_1673 = arith.constant 8 : i32
        %dma_wait3A_1674 = arith.constant 0 : i32
        %dma_wait3A_1675 = tpu.memref_slice %arg6[%dma_wait3A_1670, %dma_wait3A_1671, %dma_wait3A_1674] : memref<3x16x128xf32, #tpu.memory_space<vmem>> -> memref<1x1x128xf32, #tpu.memory_space<vmem>>
        %dma_wait3A_1676 = tpu.memref_squeeze %dma_wait3A_1675 : memref<1x1x128xf32, #tpu.memory_space<vmem>> -> memref<128xf32, #tpu.memory_space<vmem>>
        %dma_wait3A_1677 = arith.constant 0 : i32
        %dma_wait3A_1678 = tpu.memref_slice %arg7[%dma_wait3A_1672, %dma_wait3A_1673, %dma_wait3A_1677] : memref<3x16x128xi32, #tpu.memory_space<vmem>> -> memref<1x1x128xi32, #tpu.memory_space<vmem>>
        %dma_wait3A_1679 = tpu.memref_squeeze %dma_wait3A_1678 : memref<1x1x128xi32, #tpu.memory_space<vmem>> -> memref<128xi32, #tpu.memory_space<vmem>>
        %dma_wait3A_1680 = arith.constant 0 : i32
        %dma_wait3A_1681 = tpu.memref_slice %arg10[%dma_wait3A_1680] : memref<100352xf32, #tpu.memory_space<vmem_shared>> -> memref<100352xf32, #tpu.memory_space<vmem_shared>>
        tpu.wait_indirect_dma semaphore(%arg15 : memref<!tpu.dma_semaphore, #tpu.memory_space<semaphore_mem>>) src(%dma_wait3A_1676 : memref<128xf32, #tpu.memory_space<vmem>>) dst(%dma_wait3A_1681 : memref<100352xf32, #tpu.memory_space<vmem_shared>>)
        %dma_wait3A_1682 = arith.constant 0 : i32
        %dma_wait3A_1683 = arith.constant 8 : i32
        %dma_wait3A_1684 = arith.constant 0 : i32
        %dma_wait3A_1685 = tpu.memref_slice %arg7[%dma_wait3A_1682, %dma_wait3A_1683, %dma_wait3A_1684] : memref<3x16x128xi32, #tpu.memory_space<vmem>> -> memref<1x1x128xi32, #tpu.memory_space<vmem>>
        %dma_wait3A_1686 = tpu.memref_squeeze %dma_wait3A_1685 : memref<1x1x128xi32, #tpu.memory_space<vmem>> -> memref<128xi32, #tpu.memory_space<vmem>>
        %dma_wait3A_1687 = arith.constant 0 : i32
        %dma_wait3A_1688 = tpu.memref_slice %arg11[%dma_wait3A_1687] : memref<100352xf32, #tpu.memory_space<vmem_shared>> -> memref<100352xf32, #tpu.memory_space<vmem_shared>>
        tpu.wait_indirect_dma semaphore(%arg15 : memref<!tpu.dma_semaphore, #tpu.memory_space<semaphore_mem>>) src(%arg8 : memref<128xf32, #tpu.memory_space<vmem>>) dst(%dma_wait3A_1688 : memref<100352xf32, #tpu.memory_space<vmem_shared>>)
        %dma_wait3A_1689 = arith.constant 0 : i32
        %dma_wait3A_1690 = arith.constant 9 : i32
        %dma_wait3A_1691 = arith.constant 0 : i32
        %dma_wait3A_1692 = arith.constant 9 : i32
        %dma_wait3A_1693 = arith.constant 0 : i32
        %dma_wait3A_1694 = tpu.memref_slice %arg6[%dma_wait3A_1689, %dma_wait3A_1690, %dma_wait3A_1693] : memref<3x16x128xf32, #tpu.memory_space<vmem>> -> memref<1x1x128xf32, #tpu.memory_space<vmem>>
        %dma_wait3A_1695 = tpu.memref_squeeze %dma_wait3A_1694 : memref<1x1x128xf32, #tpu.memory_space<vmem>> -> memref<128xf32, #tpu.memory_space<vmem>>
        %dma_wait3A_1696 = arith.constant 0 : i32
        %dma_wait3A_1697 = tpu.memref_slice %arg7[%dma_wait3A_1691, %dma_wait3A_1692, %dma_wait3A_1696] : memref<3x16x128xi32, #tpu.memory_space<vmem>> -> memref<1x1x128xi32, #tpu.memory_space<vmem>>
        %dma_wait3A_1698 = tpu.memref_squeeze %dma_wait3A_1697 : memref<1x1x128xi32, #tpu.memory_space<vmem>> -> memref<128xi32, #tpu.memory_space<vmem>>
        %dma_wait3A_1699 = arith.constant 0 : i32
        %dma_wait3A_1700 = tpu.memref_slice %arg10[%dma_wait3A_1699] : memref<100352xf32, #tpu.memory_space<vmem_shared>> -> memref<100352xf32, #tpu.memory_space<vmem_shared>>
        tpu.wait_indirect_dma semaphore(%arg15 : memref<!tpu.dma_semaphore, #tpu.memory_space<semaphore_mem>>) src(%dma_wait3A_1695 : memref<128xf32, #tpu.memory_space<vmem>>) dst(%dma_wait3A_1700 : memref<100352xf32, #tpu.memory_space<vmem_shared>>)
        %dma_wait3A_1701 = arith.constant 0 : i32
        %dma_wait3A_1702 = arith.constant 9 : i32
        %dma_wait3A_1703 = arith.constant 0 : i32
        %dma_wait3A_1704 = tpu.memref_slice %arg7[%dma_wait3A_1701, %dma_wait3A_1702, %dma_wait3A_1703] : memref<3x16x128xi32, #tpu.memory_space<vmem>> -> memref<1x1x128xi32, #tpu.memory_space<vmem>>
        %dma_wait3A_1705 = tpu.memref_squeeze %dma_wait3A_1704 : memref<1x1x128xi32, #tpu.memory_space<vmem>> -> memref<128xi32, #tpu.memory_space<vmem>>
        %dma_wait3A_1706 = arith.constant 0 : i32
        %dma_wait3A_1707 = tpu.memref_slice %arg11[%dma_wait3A_1706] : memref<100352xf32, #tpu.memory_space<vmem_shared>> -> memref<100352xf32, #tpu.memory_space<vmem_shared>>
        tpu.wait_indirect_dma semaphore(%arg15 : memref<!tpu.dma_semaphore, #tpu.memory_space<semaphore_mem>>) src(%arg8 : memref<128xf32, #tpu.memory_space<vmem>>) dst(%dma_wait3A_1707 : memref<100352xf32, #tpu.memory_space<vmem_shared>>)
        %dma_wait3A_1708 = arith.constant 0 : i32
        %dma_wait3A_1709 = arith.constant 10 : i32
        %dma_wait3A_1710 = arith.constant 0 : i32
        %dma_wait3A_1711 = arith.constant 10 : i32
        %dma_wait3A_1712 = arith.constant 0 : i32
        %dma_wait3A_1713 = tpu.memref_slice %arg6[%dma_wait3A_1708, %dma_wait3A_1709, %dma_wait3A_1712] : memref<3x16x128xf32, #tpu.memory_space<vmem>> -> memref<1x1x128xf32, #tpu.memory_space<vmem>>
        %dma_wait3A_1714 = tpu.memref_squeeze %dma_wait3A_1713 : memref<1x1x128xf32, #tpu.memory_space<vmem>> -> memref<128xf32, #tpu.memory_space<vmem>>
        %dma_wait3A_1715 = arith.constant 0 : i32
        %dma_wait3A_1716 = tpu.memref_slice %arg7[%dma_wait3A_1710, %dma_wait3A_1711, %dma_wait3A_1715] : memref<3x16x128xi32, #tpu.memory_space<vmem>> -> memref<1x1x128xi32, #tpu.memory_space<vmem>>
        %dma_wait3A_1717 = tpu.memref_squeeze %dma_wait3A_1716 : memref<1x1x128xi32, #tpu.memory_space<vmem>> -> memref<128xi32, #tpu.memory_space<vmem>>
        %dma_wait3A_1718 = arith.constant 0 : i32
        %dma_wait3A_1719 = tpu.memref_slice %arg10[%dma_wait3A_1718] : memref<100352xf32, #tpu.memory_space<vmem_shared>> -> memref<100352xf32, #tpu.memory_space<vmem_shared>>
        tpu.wait_indirect_dma semaphore(%arg15 : memref<!tpu.dma_semaphore, #tpu.memory_space<semaphore_mem>>) src(%dma_wait3A_1714 : memref<128xf32, #tpu.memory_space<vmem>>) dst(%dma_wait3A_1719 : memref<100352xf32, #tpu.memory_space<vmem_shared>>)
        %dma_wait3A_1720 = arith.constant 0 : i32
        %dma_wait3A_1721 = arith.constant 10 : i32
        %dma_wait3A_1722 = arith.constant 0 : i32
        %dma_wait3A_1723 = tpu.memref_slice %arg7[%dma_wait3A_1720, %dma_wait3A_1721, %dma_wait3A_1722] : memref<3x16x128xi32, #tpu.memory_space<vmem>> -> memref<1x1x128xi32, #tpu.memory_space<vmem>>
        %dma_wait3A_1724 = tpu.memref_squeeze %dma_wait3A_1723 : memref<1x1x128xi32, #tpu.memory_space<vmem>> -> memref<128xi32, #tpu.memory_space<vmem>>
        %dma_wait3A_1725 = arith.constant 0 : i32
        %dma_wait3A_1726 = tpu.memref_slice %arg11[%dma_wait3A_1725] : memref<100352xf32, #tpu.memory_space<vmem_shared>> -> memref<100352xf32, #tpu.memory_space<vmem_shared>>
        tpu.wait_indirect_dma semaphore(%arg15 : memref<!tpu.dma_semaphore, #tpu.memory_space<semaphore_mem>>) src(%arg8 : memref<128xf32, #tpu.memory_space<vmem>>) dst(%dma_wait3A_1726 : memref<100352xf32, #tpu.memory_space<vmem_shared>>)
        %dma_wait3A_1727 = arith.constant 0 : i32
        %dma_wait3A_1728 = arith.constant 11 : i32
        %dma_wait3A_1729 = arith.constant 0 : i32
        %dma_wait3A_1730 = arith.constant 11 : i32
        %dma_wait3A_1731 = arith.constant 0 : i32
        %dma_wait3A_1732 = tpu.memref_slice %arg6[%dma_wait3A_1727, %dma_wait3A_1728, %dma_wait3A_1731] : memref<3x16x128xf32, #tpu.memory_space<vmem>> -> memref<1x1x128xf32, #tpu.memory_space<vmem>>
        %dma_wait3A_1733 = tpu.memref_squeeze %dma_wait3A_1732 : memref<1x1x128xf32, #tpu.memory_space<vmem>> -> memref<128xf32, #tpu.memory_space<vmem>>
        %dma_wait3A_1734 = arith.constant 0 : i32
        %dma_wait3A_1735 = tpu.memref_slice %arg7[%dma_wait3A_1729, %dma_wait3A_1730, %dma_wait3A_1734] : memref<3x16x128xi32, #tpu.memory_space<vmem>> -> memref<1x1x128xi32, #tpu.memory_space<vmem>>
        %dma_wait3A_1736 = tpu.memref_squeeze %dma_wait3A_1735 : memref<1x1x128xi32, #tpu.memory_space<vmem>> -> memref<128xi32, #tpu.memory_space<vmem>>
        %dma_wait3A_1737 = arith.constant 0 : i32
        %dma_wait3A_1738 = tpu.memref_slice %arg10[%dma_wait3A_1737] : memref<100352xf32, #tpu.memory_space<vmem_shared>> -> memref<100352xf32, #tpu.memory_space<vmem_shared>>
        tpu.wait_indirect_dma semaphore(%arg15 : memref<!tpu.dma_semaphore, #tpu.memory_space<semaphore_mem>>) src(%dma_wait3A_1733 : memref<128xf32, #tpu.memory_space<vmem>>) dst(%dma_wait3A_1738 : memref<100352xf32, #tpu.memory_space<vmem_shared>>)
        %dma_wait3A_1739 = arith.constant 0 : i32
        %dma_wait3A_1740 = arith.constant 11 : i32
        %dma_wait3A_1741 = arith.constant 0 : i32
        %dma_wait3A_1742 = tpu.memref_slice %arg7[%dma_wait3A_1739, %dma_wait3A_1740, %dma_wait3A_1741] : memref<3x16x128xi32, #tpu.memory_space<vmem>> -> memref<1x1x128xi32, #tpu.memory_space<vmem>>
        %dma_wait3A_1743 = tpu.memref_squeeze %dma_wait3A_1742 : memref<1x1x128xi32, #tpu.memory_space<vmem>> -> memref<128xi32, #tpu.memory_space<vmem>>
        %dma_wait3A_1744 = arith.constant 0 : i32
        %dma_wait3A_1745 = tpu.memref_slice %arg11[%dma_wait3A_1744] : memref<100352xf32, #tpu.memory_space<vmem_shared>> -> memref<100352xf32, #tpu.memory_space<vmem_shared>>
        tpu.wait_indirect_dma semaphore(%arg15 : memref<!tpu.dma_semaphore, #tpu.memory_space<semaphore_mem>>) src(%arg8 : memref<128xf32, #tpu.memory_space<vmem>>) dst(%dma_wait3A_1745 : memref<100352xf32, #tpu.memory_space<vmem_shared>>)
        %dma_wait3A_1746 = arith.constant 0 : i32
        %dma_wait3A_1747 = arith.constant 12 : i32
        %dma_wait3A_1748 = arith.constant 0 : i32
        %dma_wait3A_1749 = arith.constant 12 : i32
        %dma_wait3A_1750 = arith.constant 0 : i32
        %dma_wait3A_1751 = tpu.memref_slice %arg6[%dma_wait3A_1746, %dma_wait3A_1747, %dma_wait3A_1750] : memref<3x16x128xf32, #tpu.memory_space<vmem>> -> memref<1x1x128xf32, #tpu.memory_space<vmem>>
        %dma_wait3A_1752 = tpu.memref_squeeze %dma_wait3A_1751 : memref<1x1x128xf32, #tpu.memory_space<vmem>> -> memref<128xf32, #tpu.memory_space<vmem>>
        %dma_wait3A_1753 = arith.constant 0 : i32
        %dma_wait3A_1754 = tpu.memref_slice %arg7[%dma_wait3A_1748, %dma_wait3A_1749, %dma_wait3A_1753] : memref<3x16x128xi32, #tpu.memory_space<vmem>> -> memref<1x1x128xi32, #tpu.memory_space<vmem>>
        %dma_wait3A_1755 = tpu.memref_squeeze %dma_wait3A_1754 : memref<1x1x128xi32, #tpu.memory_space<vmem>> -> memref<128xi32, #tpu.memory_space<vmem>>
        %dma_wait3A_1756 = arith.constant 0 : i32
        %dma_wait3A_1757 = tpu.memref_slice %arg10[%dma_wait3A_1756] : memref<100352xf32, #tpu.memory_space<vmem_shared>> -> memref<100352xf32, #tpu.memory_space<vmem_shared>>
        tpu.wait_indirect_dma semaphore(%arg15 : memref<!tpu.dma_semaphore, #tpu.memory_space<semaphore_mem>>) src(%dma_wait3A_1752 : memref<128xf32, #tpu.memory_space<vmem>>) dst(%dma_wait3A_1757 : memref<100352xf32, #tpu.memory_space<vmem_shared>>)
        %dma_wait3A_1758 = arith.constant 0 : i32
        %dma_wait3A_1759 = arith.constant 12 : i32
        %dma_wait3A_1760 = arith.constant 0 : i32
        %dma_wait3A_1761 = tpu.memref_slice %arg7[%dma_wait3A_1758, %dma_wait3A_1759, %dma_wait3A_1760] : memref<3x16x128xi32, #tpu.memory_space<vmem>> -> memref<1x1x128xi32, #tpu.memory_space<vmem>>
        %dma_wait3A_1762 = tpu.memref_squeeze %dma_wait3A_1761 : memref<1x1x128xi32, #tpu.memory_space<vmem>> -> memref<128xi32, #tpu.memory_space<vmem>>
        %dma_wait3A_1763 = arith.constant 0 : i32
        %dma_wait3A_1764 = tpu.memref_slice %arg11[%dma_wait3A_1763] : memref<100352xf32, #tpu.memory_space<vmem_shared>> -> memref<100352xf32, #tpu.memory_space<vmem_shared>>
        tpu.wait_indirect_dma semaphore(%arg15 : memref<!tpu.dma_semaphore, #tpu.memory_space<semaphore_mem>>) src(%arg8 : memref<128xf32, #tpu.memory_space<vmem>>) dst(%dma_wait3A_1764 : memref<100352xf32, #tpu.memory_space<vmem_shared>>)
        %dma_wait3A_1765 = arith.constant 0 : i32
        %dma_wait3A_1766 = arith.constant 13 : i32
        %dma_wait3A_1767 = arith.constant 0 : i32
        %dma_wait3A_1768 = arith.constant 13 : i32
        %dma_wait3A_1769 = arith.constant 0 : i32
        %dma_wait3A_1770 = tpu.memref_slice %arg6[%dma_wait3A_1765, %dma_wait3A_1766, %dma_wait3A_1769] : memref<3x16x128xf32, #tpu.memory_space<vmem>> -> memref<1x1x128xf32, #tpu.memory_space<vmem>>
        %dma_wait3A_1771 = tpu.memref_squeeze %dma_wait3A_1770 : memref<1x1x128xf32, #tpu.memory_space<vmem>> -> memref<128xf32, #tpu.memory_space<vmem>>
        %dma_wait3A_1772 = arith.constant 0 : i32
        %dma_wait3A_1773 = tpu.memref_slice %arg7[%dma_wait3A_1767, %dma_wait3A_1768, %dma_wait3A_1772] : memref<3x16x128xi32, #tpu.memory_space<vmem>> -> memref<1x1x128xi32, #tpu.memory_space<vmem>>
        %dma_wait3A_1774 = tpu.memref_squeeze %dma_wait3A_1773 : memref<1x1x128xi32, #tpu.memory_space<vmem>> -> memref<128xi32, #tpu.memory_space<vmem>>
        %dma_wait3A_1775 = arith.constant 0 : i32
        %dma_wait3A_1776 = tpu.memref_slice %arg10[%dma_wait3A_1775] : memref<100352xf32, #tpu.memory_space<vmem_shared>> -> memref<100352xf32, #tpu.memory_space<vmem_shared>>
        tpu.wait_indirect_dma semaphore(%arg15 : memref<!tpu.dma_semaphore, #tpu.memory_space<semaphore_mem>>) src(%dma_wait3A_1771 : memref<128xf32, #tpu.memory_space<vmem>>) dst(%dma_wait3A_1776 : memref<100352xf32, #tpu.memory_space<vmem_shared>>)
        %dma_wait3A_1777 = arith.constant 0 : i32
        %dma_wait3A_1778 = arith.constant 13 : i32
        %dma_wait3A_1779 = arith.constant 0 : i32
        %dma_wait3A_1780 = tpu.memref_slice %arg7[%dma_wait3A_1777, %dma_wait3A_1778, %dma_wait3A_1779] : memref<3x16x128xi32, #tpu.memory_space<vmem>> -> memref<1x1x128xi32, #tpu.memory_space<vmem>>
        %dma_wait3A_1781 = tpu.memref_squeeze %dma_wait3A_1780 : memref<1x1x128xi32, #tpu.memory_space<vmem>> -> memref<128xi32, #tpu.memory_space<vmem>>
        %dma_wait3A_1782 = arith.constant 0 : i32
        %dma_wait3A_1783 = tpu.memref_slice %arg11[%dma_wait3A_1782] : memref<100352xf32, #tpu.memory_space<vmem_shared>> -> memref<100352xf32, #tpu.memory_space<vmem_shared>>
        tpu.wait_indirect_dma semaphore(%arg15 : memref<!tpu.dma_semaphore, #tpu.memory_space<semaphore_mem>>) src(%arg8 : memref<128xf32, #tpu.memory_space<vmem>>) dst(%dma_wait3A_1783 : memref<100352xf32, #tpu.memory_space<vmem_shared>>)
        %dma_wait3A_1784 = arith.constant 0 : i32
        %dma_wait3A_1785 = arith.constant 14 : i32
        %dma_wait3A_1786 = arith.constant 0 : i32
        %dma_wait3A_1787 = arith.constant 14 : i32
        %dma_wait3A_1788 = arith.constant 0 : i32
        %dma_wait3A_1789 = tpu.memref_slice %arg6[%dma_wait3A_1784, %dma_wait3A_1785, %dma_wait3A_1788] : memref<3x16x128xf32, #tpu.memory_space<vmem>> -> memref<1x1x128xf32, #tpu.memory_space<vmem>>
        %dma_wait3A_1790 = tpu.memref_squeeze %dma_wait3A_1789 : memref<1x1x128xf32, #tpu.memory_space<vmem>> -> memref<128xf32, #tpu.memory_space<vmem>>
        %dma_wait3A_1791 = arith.constant 0 : i32
        %dma_wait3A_1792 = tpu.memref_slice %arg7[%dma_wait3A_1786, %dma_wait3A_1787, %dma_wait3A_1791] : memref<3x16x128xi32, #tpu.memory_space<vmem>> -> memref<1x1x128xi32, #tpu.memory_space<vmem>>
        %dma_wait3A_1793 = tpu.memref_squeeze %dma_wait3A_1792 : memref<1x1x128xi32, #tpu.memory_space<vmem>> -> memref<128xi32, #tpu.memory_space<vmem>>
        %dma_wait3A_1794 = arith.constant 0 : i32
        %dma_wait3A_1795 = tpu.memref_slice %arg10[%dma_wait3A_1794] : memref<100352xf32, #tpu.memory_space<vmem_shared>> -> memref<100352xf32, #tpu.memory_space<vmem_shared>>
        tpu.wait_indirect_dma semaphore(%arg15 : memref<!tpu.dma_semaphore, #tpu.memory_space<semaphore_mem>>) src(%dma_wait3A_1790 : memref<128xf32, #tpu.memory_space<vmem>>) dst(%dma_wait3A_1795 : memref<100352xf32, #tpu.memory_space<vmem_shared>>)
        %dma_wait3A_1796 = arith.constant 0 : i32
        %dma_wait3A_1797 = arith.constant 14 : i32
        %dma_wait3A_1798 = arith.constant 0 : i32
        %dma_wait3A_1799 = tpu.memref_slice %arg7[%dma_wait3A_1796, %dma_wait3A_1797, %dma_wait3A_1798] : memref<3x16x128xi32, #tpu.memory_space<vmem>> -> memref<1x1x128xi32, #tpu.memory_space<vmem>>
        %dma_wait3A_1800 = tpu.memref_squeeze %dma_wait3A_1799 : memref<1x1x128xi32, #tpu.memory_space<vmem>> -> memref<128xi32, #tpu.memory_space<vmem>>
        %dma_wait3A_1801 = arith.constant 0 : i32
        %dma_wait3A_1802 = tpu.memref_slice %arg11[%dma_wait3A_1801] : memref<100352xf32, #tpu.memory_space<vmem_shared>> -> memref<100352xf32, #tpu.memory_space<vmem_shared>>
        tpu.wait_indirect_dma semaphore(%arg15 : memref<!tpu.dma_semaphore, #tpu.memory_space<semaphore_mem>>) src(%arg8 : memref<128xf32, #tpu.memory_space<vmem>>) dst(%dma_wait3A_1802 : memref<100352xf32, #tpu.memory_space<vmem_shared>>)
        %dma_wait3A_1803 = arith.constant 0 : i32
        %dma_wait3A_1804 = arith.constant 15 : i32
        %dma_wait3A_1805 = arith.constant 0 : i32
        %dma_wait3A_1806 = arith.constant 15 : i32
        %dma_wait3A_1807 = arith.constant 0 : i32
        %dma_wait3A_1808 = tpu.memref_slice %arg6[%dma_wait3A_1803, %dma_wait3A_1804, %dma_wait3A_1807] : memref<3x16x128xf32, #tpu.memory_space<vmem>> -> memref<1x1x128xf32, #tpu.memory_space<vmem>>
        %dma_wait3A_1809 = tpu.memref_squeeze %dma_wait3A_1808 : memref<1x1x128xf32, #tpu.memory_space<vmem>> -> memref<128xf32, #tpu.memory_space<vmem>>
        %dma_wait3A_1810 = arith.constant 0 : i32
        %dma_wait3A_1811 = tpu.memref_slice %arg7[%dma_wait3A_1805, %dma_wait3A_1806, %dma_wait3A_1810] : memref<3x16x128xi32, #tpu.memory_space<vmem>> -> memref<1x1x128xi32, #tpu.memory_space<vmem>>
        %dma_wait3A_1812 = tpu.memref_squeeze %dma_wait3A_1811 : memref<1x1x128xi32, #tpu.memory_space<vmem>> -> memref<128xi32, #tpu.memory_space<vmem>>
        %dma_wait3A_1813 = arith.constant 0 : i32
        %dma_wait3A_1814 = tpu.memref_slice %arg10[%dma_wait3A_1813] : memref<100352xf32, #tpu.memory_space<vmem_shared>> -> memref<100352xf32, #tpu.memory_space<vmem_shared>>
        tpu.wait_indirect_dma semaphore(%arg15 : memref<!tpu.dma_semaphore, #tpu.memory_space<semaphore_mem>>) src(%dma_wait3A_1809 : memref<128xf32, #tpu.memory_space<vmem>>) dst(%dma_wait3A_1814 : memref<100352xf32, #tpu.memory_space<vmem_shared>>)
        %dma_wait3A_1815 = arith.constant 0 : i32
        %dma_wait3A_1816 = arith.constant 15 : i32
        %dma_wait3A_1817 = arith.constant 0 : i32
        %dma_wait3A_1818 = tpu.memref_slice %arg7[%dma_wait3A_1815, %dma_wait3A_1816, %dma_wait3A_1817] : memref<3x16x128xi32, #tpu.memory_space<vmem>> -> memref<1x1x128xi32, #tpu.memory_space<vmem>>
        %dma_wait3A_1819 = tpu.memref_squeeze %dma_wait3A_1818 : memref<1x1x128xi32, #tpu.memory_space<vmem>> -> memref<128xi32, #tpu.memory_space<vmem>>
        %dma_wait3A_1820 = arith.constant 0 : i32
        %dma_wait3A_1821 = tpu.memref_slice %arg11[%dma_wait3A_1820] : memref<100352xf32, #tpu.memory_space<vmem_shared>> -> memref<100352xf32, #tpu.memory_space<vmem_shared>>
        tpu.wait_indirect_dma semaphore(%arg15 : memref<!tpu.dma_semaphore, #tpu.memory_space<semaphore_mem>>) src(%arg8 : memref<128xf32, #tpu.memory_space<vmem>>) dst(%dma_wait3A_1821 : memref<100352xf32, #tpu.memory_space<vmem_shared>>)
      } else {
      }
      %ge3A_1155 = arith.constant 1 : i32
      %ge3A_1156 = arith.cmpi sge, %add3A_815, %ge3A_1155 : i32
      %add3A_1157 = arith.constant 2 : i32
      %add3A_1158 = arith.addi %add3A_815, %add3A_1157 : i32
      %lt3A_1159 = arith.constant 99 : i32
      %lt3A_1160 = arith.cmpi slt, %add3A_1158, %lt3A_1159 : i32
      %and3A_1161 = arith.andi %ge3A_1156, %lt3A_1160 : i1
      %convert_element_type3A_1162 = arith.extui %and3A_1161 : i1 to i32
      %cond3A_1163 = arith.constant 0 : i32
      %cond3A_1164 = arith.cmpi ne, %convert_element_type3A_1162, %cond3A_1163 : i32
      scf.if %cond3A_1164 {
        %add3A_1518 = arith.constant 2 : i32
        %add3A_1519 = arith.addi %add3A_815, %add3A_1518 : i32
        %mul3A_1520 = arith.constant 16 : i32
        %mul3A_1521 = arith.muli %add3A_1519, %mul3A_1520 : i32
        %add3A_1522 = arith.addi %mul3A_67, %mul3A_1521 : i32
        %dma_start3A_1523 = arith.constant 0 : i32
        %dma_start3A_1524 = arith.constant 0 : i32
        %dma_start3A_1525 = arith.constant 0 : i32
        %dma_start3A_1526 = tpu.memref_slice %arg6[%dma_start3A_1523, %dma_start3A_1524, %dma_start3A_1525] : memref<3x16x128xf32, #tpu.memory_space<vmem>> -> memref<1x16x128xf32, #tpu.memory_space<vmem>>
        %dma_start3A_1527 = tpu.memref_squeeze %dma_start3A_1526 : memref<1x16x128xf32, #tpu.memory_space<vmem>> -> memref<16x128xf32, #tpu.memory_space<vmem>>
        %dma_start3A_1528 = arith.constant 0 : i32
        %dma_start3A_1529 = tpu.memref_slice %arg2[%add3A_1522, %dma_start3A_1528] : memref<50688x128xf32, #tpu.memory_space<hbm>> -> memref<16x128xf32, #tpu.memory_space<hbm>>
        %dma_start3A_1530 = arith.constant 0 : i32
        %dma_start3A_1531 = arith.constant 0 : i32
        %dma_start3A_1532 = tpu.memref_slice %arg6[%dma_start3A_1523, %dma_start3A_1530, %dma_start3A_1531] : memref<3x16x128xf32, #tpu.memory_space<vmem>> -> memref<1x16x128xf32, #tpu.memory_space<vmem>>
        %dma_start3A_1533 = tpu.memref_squeeze %dma_start3A_1532 : memref<1x16x128xf32, #tpu.memory_space<vmem>> -> memref<16x128xf32, #tpu.memory_space<vmem>>
        %dma_start3A_1534 = arith.constant 0 : i32
        %dma_start3A_1535 = tpu.memref_slice %arg2[%add3A_1522, %dma_start3A_1534] : memref<50688x128xf32, #tpu.memory_space<hbm>> -> memref<16x128xf32, #tpu.memory_space<hbm>>
        tpu.enqueue_dma source(%dma_start3A_1535 : memref<16x128xf32, #tpu.memory_space<hbm>>) target(%dma_start3A_1533 : memref<16x128xf32, #tpu.memory_space<vmem>>) target_semaphore(%arg12 : memref<!tpu.dma_semaphore, #tpu.memory_space<semaphore_mem>>)
        %dma_start3A_1536 = arith.constant 0 : i32
        %dma_start3A_1537 = arith.constant 0 : i32
        %dma_start3A_1538 = arith.constant 0 : i32
        %dma_start3A_1539 = tpu.memref_slice %arg7[%dma_start3A_1536, %dma_start3A_1537, %dma_start3A_1538] : memref<3x16x128xi32, #tpu.memory_space<vmem>> -> memref<1x16x128xi32, #tpu.memory_space<vmem>>
        %dma_start3A_1540 = tpu.memref_squeeze %dma_start3A_1539 : memref<1x16x128xi32, #tpu.memory_space<vmem>> -> memref<16x128xi32, #tpu.memory_space<vmem>>
        %dma_start3A_1541 = arith.constant 0 : i32
        %dma_start3A_1542 = tpu.memref_slice %arg3[%add3A_1522, %dma_start3A_1541] : memref<50688x128xi32, #tpu.memory_space<hbm>> -> memref<16x128xi32, #tpu.memory_space<hbm>>
        %dma_start3A_1543 = arith.constant 0 : i32
        %dma_start3A_1544 = arith.constant 0 : i32
        %dma_start3A_1545 = tpu.memref_slice %arg7[%dma_start3A_1536, %dma_start3A_1543, %dma_start3A_1544] : memref<3x16x128xi32, #tpu.memory_space<vmem>> -> memref<1x16x128xi32, #tpu.memory_space<vmem>>
        %dma_start3A_1546 = tpu.memref_squeeze %dma_start3A_1545 : memref<1x16x128xi32, #tpu.memory_space<vmem>> -> memref<16x128xi32, #tpu.memory_space<vmem>>
        %dma_start3A_1547 = arith.constant 0 : i32
        %dma_start3A_1548 = tpu.memref_slice %arg3[%add3A_1522, %dma_start3A_1547] : memref<50688x128xi32, #tpu.memory_space<hbm>> -> memref<16x128xi32, #tpu.memory_space<hbm>>
        tpu.enqueue_dma source(%dma_start3A_1548 : memref<16x128xi32, #tpu.memory_space<hbm>>) target(%dma_start3A_1546 : memref<16x128xi32, #tpu.memory_space<vmem>>) target_semaphore(%arg12 : memref<!tpu.dma_semaphore, #tpu.memory_space<semaphore_mem>>)
      } else {
      }
      %mul3A_1165 = arith.constant 3 : i32
      %mul3A_1166 = arith.muli %scan3A_463, %mul3A_1165 : i32
      %add3A_1167 = arith.constant 2 : i32
      %add3A_1168 = arith.addi %mul3A_1166, %add3A_1167 : i32
      %dma_wait3A_1169 = arith.constant 2 : i32
      %dma_wait3A_1170 = arith.constant 0 : i32
      %dma_wait3A_1171 = arith.constant 0 : i32
      %dma_wait3A_1172 = tpu.memref_slice %arg6[%dma_wait3A_1169, %dma_wait3A_1170, %dma_wait3A_1171] : memref<3x16x128xf32, #tpu.memory_space<vmem>> -> memref<1x16x128xf32, #tpu.memory_space<vmem>>
      %dma_wait3A_1173 = tpu.memref_squeeze %dma_wait3A_1172 : memref<1x16x128xf32, #tpu.memory_space<vmem>> -> memref<16x128xf32, #tpu.memory_space<vmem>>
      %dma_wait3A_1174 = arith.constant 0 : i32
      %dma_wait3A_1175 = arith.constant 0 : i32
      %dma_wait3A_1176 = tpu.memref_slice %arg2[%dma_wait3A_1174, %dma_wait3A_1175] : memref<50688x128xf32, #tpu.memory_space<hbm>> -> memref<16x128xf32, #tpu.memory_space<hbm>>
      %dma_wait3A_1177 = arith.constant 0 : i32
      %dma_wait3A_1178 = arith.constant 0 : i32
      %dma_wait3A_1179 = tpu.memref_slice %arg6[%dma_wait3A_1169, %dma_wait3A_1177, %dma_wait3A_1178] : memref<3x16x128xf32, #tpu.memory_space<vmem>> -> memref<1x16x128xf32, #tpu.memory_space<vmem>>
      %dma_wait3A_1180 = tpu.memref_squeeze %dma_wait3A_1179 : memref<1x16x128xf32, #tpu.memory_space<vmem>> -> memref<16x128xf32, #tpu.memory_space<vmem>>
      %dma_wait3A_1181 = arith.constant 0 : i32
      %dma_wait3A_1182 = arith.constant 0 : i32
      %dma_wait3A_1183 = tpu.memref_slice %arg2[%dma_wait3A_1181, %dma_wait3A_1182] : memref<50688x128xf32, #tpu.memory_space<hbm>> -> memref<16x128xf32, #tpu.memory_space<hbm>>
      tpu.wait_dma2 semaphore(%arg14 : memref<!tpu.dma_semaphore, #tpu.memory_space<semaphore_mem>>) src(%dma_wait3A_1183 : memref<16x128xf32, #tpu.memory_space<hbm>>) dst(%dma_wait3A_1180 : memref<16x128xf32, #tpu.memory_space<vmem>>)
      %dma_wait3A_1184 = arith.constant 2 : i32
      %dma_wait3A_1185 = arith.constant 0 : i32
      %dma_wait3A_1186 = arith.constant 0 : i32
      %dma_wait3A_1187 = tpu.memref_slice %arg7[%dma_wait3A_1184, %dma_wait3A_1185, %dma_wait3A_1186] : memref<3x16x128xi32, #tpu.memory_space<vmem>> -> memref<1x16x128xi32, #tpu.memory_space<vmem>>
      %dma_wait3A_1188 = tpu.memref_squeeze %dma_wait3A_1187 : memref<1x16x128xi32, #tpu.memory_space<vmem>> -> memref<16x128xi32, #tpu.memory_space<vmem>>
      %dma_wait3A_1189 = arith.constant 0 : i32
      %dma_wait3A_1190 = arith.constant 0 : i32
      %dma_wait3A_1191 = tpu.memref_slice %arg3[%dma_wait3A_1189, %dma_wait3A_1190] : memref<50688x128xi32, #tpu.memory_space<hbm>> -> memref<16x128xi32, #tpu.memory_space<hbm>>
      %dma_wait3A_1192 = arith.constant 0 : i32
      %dma_wait3A_1193 = arith.constant 0 : i32
      %dma_wait3A_1194 = tpu.memref_slice %arg7[%dma_wait3A_1184, %dma_wait3A_1192, %dma_wait3A_1193] : memref<3x16x128xi32, #tpu.memory_space<vmem>> -> memref<1x16x128xi32, #tpu.memory_space<vmem>>
      %dma_wait3A_1195 = tpu.memref_squeeze %dma_wait3A_1194 : memref<1x16x128xi32, #tpu.memory_space<vmem>> -> memref<16x128xi32, #tpu.memory_space<vmem>>
      %dma_wait3A_1196 = arith.constant 0 : i32
      %dma_wait3A_1197 = arith.constant 0 : i32
      %dma_wait3A_1198 = tpu.memref_slice %arg3[%dma_wait3A_1196, %dma_wait3A_1197] : memref<50688x128xi32, #tpu.memory_space<hbm>> -> memref<16x128xi32, #tpu.memory_space<hbm>>
      tpu.wait_dma2 semaphore(%arg14 : memref<!tpu.dma_semaphore, #tpu.memory_space<semaphore_mem>>) src(%dma_wait3A_1198 : memref<16x128xi32, #tpu.memory_space<hbm>>) dst(%dma_wait3A_1195 : memref<16x128xi32, #tpu.memory_space<vmem>>)
      %dma_start3A_1199 = arith.constant 2 : i32
      %dma_start3A_1200 = arith.constant 0 : i32
      %dma_start3A_1201 = arith.constant 2 : i32
      %dma_start3A_1202 = arith.constant 0 : i32
      %dma_start3A_1203 = arith.constant 0 : i32
      %dma_start3A_1204 = tpu.memref_slice %arg6[%dma_start3A_1199, %dma_start3A_1200, %dma_start3A_1203] : memref<3x16x128xf32, #tpu.memory_space<vmem>> -> memref<1x1x128xf32, #tpu.memory_space<vmem>>
      %dma_start3A_1205 = tpu.memref_squeeze %dma_start3A_1204 : memref<1x1x128xf32, #tpu.memory_space<vmem>> -> memref<128xf32, #tpu.memory_space<vmem>>
      %dma_start3A_1206 = arith.constant 0 : i32
      %dma_start3A_1207 = tpu.memref_slice %arg7[%dma_start3A_1201, %dma_start3A_1202, %dma_start3A_1206] : memref<3x16x128xi32, #tpu.memory_space<vmem>> -> memref<1x1x128xi32, #tpu.memory_space<vmem>>
      %dma_start3A_1208 = tpu.memref_squeeze %dma_start3A_1207 : memref<1x1x128xi32, #tpu.memory_space<vmem>> -> memref<128xi32, #tpu.memory_space<vmem>>
      %dma_start3A_1209 = arith.constant 0 : i32
      %dma_start3A_1210 = tpu.memref_slice %arg10[%dma_start3A_1209] : memref<100352xf32, #tpu.memory_space<vmem_shared>> -> memref<100352xf32, #tpu.memory_space<vmem_shared>>
      tpu.enqueue_indirect_dma source(%dma_start3A_1205 : memref<128xf32, #tpu.memory_space<vmem>>) target(%dma_start3A_1210 : memref<100352xf32, #tpu.memory_space<vmem_shared>>) offsets(%dma_start3A_1208 : memref<128xi32, #tpu.memory_space<vmem>>) semaphore(%arg17 : memref<!tpu.dma_semaphore, #tpu.memory_space<semaphore_mem>>) {add = true}
      %dma_start3A_1211 = arith.constant 2 : i32
      %dma_start3A_1212 = arith.constant 0 : i32
      %dma_start3A_1213 = arith.constant 0 : i32
      %dma_start3A_1214 = tpu.memref_slice %arg7[%dma_start3A_1211, %dma_start3A_1212, %dma_start3A_1213] : memref<3x16x128xi32, #tpu.memory_space<vmem>> -> memref<1x1x128xi32, #tpu.memory_space<vmem>>
      %dma_start3A_1215 = tpu.memref_squeeze %dma_start3A_1214 : memref<1x1x128xi32, #tpu.memory_space<vmem>> -> memref<128xi32, #tpu.memory_space<vmem>>
      %dma_start3A_1216 = arith.constant 0 : i32
      %dma_start3A_1217 = tpu.memref_slice %arg11[%dma_start3A_1216] : memref<100352xf32, #tpu.memory_space<vmem_shared>> -> memref<100352xf32, #tpu.memory_space<vmem_shared>>
      tpu.enqueue_indirect_dma source(%arg8 : memref<128xf32, #tpu.memory_space<vmem>>) target(%dma_start3A_1217 : memref<100352xf32, #tpu.memory_space<vmem_shared>>) offsets(%dma_start3A_1215 : memref<128xi32, #tpu.memory_space<vmem>>) semaphore(%arg17 : memref<!tpu.dma_semaphore, #tpu.memory_space<semaphore_mem>>) {add = true}
      %dma_start3A_1218 = arith.constant 2 : i32
      %dma_start3A_1219 = arith.constant 1 : i32
      %dma_start3A_1220 = arith.constant 2 : i32
      %dma_start3A_1221 = arith.constant 1 : i32
      %dma_start3A_1222 = arith.constant 0 : i32
      %dma_start3A_1223 = tpu.memref_slice %arg6[%dma_start3A_1218, %dma_start3A_1219, %dma_start3A_1222] : memref<3x16x128xf32, #tpu.memory_space<vmem>> -> memref<1x1x128xf32, #tpu.memory_space<vmem>>
      %dma_start3A_1224 = tpu.memref_squeeze %dma_start3A_1223 : memref<1x1x128xf32, #tpu.memory_space<vmem>> -> memref<128xf32, #tpu.memory_space<vmem>>
      %dma_start3A_1225 = arith.constant 0 : i32
      %dma_start3A_1226 = tpu.memref_slice %arg7[%dma_start3A_1220, %dma_start3A_1221, %dma_start3A_1225] : memref<3x16x128xi32, #tpu.memory_space<vmem>> -> memref<1x1x128xi32, #tpu.memory_space<vmem>>
      %dma_start3A_1227 = tpu.memref_squeeze %dma_start3A_1226 : memref<1x1x128xi32, #tpu.memory_space<vmem>> -> memref<128xi32, #tpu.memory_space<vmem>>
      %dma_start3A_1228 = arith.constant 0 : i32
      %dma_start3A_1229 = tpu.memref_slice %arg10[%dma_start3A_1228] : memref<100352xf32, #tpu.memory_space<vmem_shared>> -> memref<100352xf32, #tpu.memory_space<vmem_shared>>
      tpu.enqueue_indirect_dma source(%dma_start3A_1224 : memref<128xf32, #tpu.memory_space<vmem>>) target(%dma_start3A_1229 : memref<100352xf32, #tpu.memory_space<vmem_shared>>) offsets(%dma_start3A_1227 : memref<128xi32, #tpu.memory_space<vmem>>) semaphore(%arg17 : memref<!tpu.dma_semaphore, #tpu.memory_space<semaphore_mem>>) {add = true}
      %dma_start3A_1230 = arith.constant 2 : i32
      %dma_start3A_1231 = arith.constant 1 : i32
      %dma_start3A_1232 = arith.constant 0 : i32
      %dma_start3A_1233 = tpu.memref_slice %arg7[%dma_start3A_1230, %dma_start3A_1231, %dma_start3A_1232] : memref<3x16x128xi32, #tpu.memory_space<vmem>> -> memref<1x1x128xi32, #tpu.memory_space<vmem>>
      %dma_start3A_1234 = tpu.memref_squeeze %dma_start3A_1233 : memref<1x1x128xi32, #tpu.memory_space<vmem>> -> memref<128xi32, #tpu.memory_space<vmem>>
      %dma_start3A_1235 = arith.constant 0 : i32
      %dma_start3A_1236 = tpu.memref_slice %arg11[%dma_start3A_1235] : memref<100352xf32, #tpu.memory_space<vmem_shared>> -> memref<100352xf32, #tpu.memory_space<vmem_shared>>
      tpu.enqueue_indirect_dma source(%arg8 : memref<128xf32, #tpu.memory_space<vmem>>) target(%dma_start3A_1236 : memref<100352xf32, #tpu.memory_space<vmem_shared>>) offsets(%dma_start3A_1234 : memref<128xi32, #tpu.memory_space<vmem>>) semaphore(%arg17 : memref<!tpu.dma_semaphore, #tpu.memory_space<semaphore_mem>>) {add = true}
      %dma_start3A_1237 = arith.constant 2 : i32
      %dma_start3A_1238 = arith.constant 2 : i32
      %dma_start3A_1239 = arith.constant 2 : i32
      %dma_start3A_1240 = arith.constant 2 : i32
      %dma_start3A_1241 = arith.constant 0 : i32
      %dma_start3A_1242 = tpu.memref_slice %arg6[%dma_start3A_1237, %dma_start3A_1238, %dma_start3A_1241] : memref<3x16x128xf32, #tpu.memory_space<vmem>> -> memref<1x1x128xf32, #tpu.memory_space<vmem>>
      %dma_start3A_1243 = tpu.memref_squeeze %dma_start3A_1242 : memref<1x1x128xf32, #tpu.memory_space<vmem>> -> memref<128xf32, #tpu.memory_space<vmem>>
      %dma_start3A_1244 = arith.constant 0 : i32
      %dma_start3A_1245 = tpu.memref_slice %arg7[%dma_start3A_1239, %dma_start3A_1240, %dma_start3A_1244] : memref<3x16x128xi32, #tpu.memory_space<vmem>> -> memref<1x1x128xi32, #tpu.memory_space<vmem>>
      %dma_start3A_1246 = tpu.memref_squeeze %dma_start3A_1245 : memref<1x1x128xi32, #tpu.memory_space<vmem>> -> memref<128xi32, #tpu.memory_space<vmem>>
      %dma_start3A_1247 = arith.constant 0 : i32
      %dma_start3A_1248 = tpu.memref_slice %arg10[%dma_start3A_1247] : memref<100352xf32, #tpu.memory_space<vmem_shared>> -> memref<100352xf32, #tpu.memory_space<vmem_shared>>
      tpu.enqueue_indirect_dma source(%dma_start3A_1243 : memref<128xf32, #tpu.memory_space<vmem>>) target(%dma_start3A_1248 : memref<100352xf32, #tpu.memory_space<vmem_shared>>) offsets(%dma_start3A_1246 : memref<128xi32, #tpu.memory_space<vmem>>) semaphore(%arg17 : memref<!tpu.dma_semaphore, #tpu.memory_space<semaphore_mem>>) {add = true}
      %dma_start3A_1249 = arith.constant 2 : i32
      %dma_start3A_1250 = arith.constant 2 : i32
      %dma_start3A_1251 = arith.constant 0 : i32
      %dma_start3A_1252 = tpu.memref_slice %arg7[%dma_start3A_1249, %dma_start3A_1250, %dma_start3A_1251] : memref<3x16x128xi32, #tpu.memory_space<vmem>> -> memref<1x1x128xi32, #tpu.memory_space<vmem>>
      %dma_start3A_1253 = tpu.memref_squeeze %dma_start3A_1252 : memref<1x1x128xi32, #tpu.memory_space<vmem>> -> memref<128xi32, #tpu.memory_space<vmem>>
      %dma_start3A_1254 = arith.constant 0 : i32
      %dma_start3A_1255 = tpu.memref_slice %arg11[%dma_start3A_1254] : memref<100352xf32, #tpu.memory_space<vmem_shared>> -> memref<100352xf32, #tpu.memory_space<vmem_shared>>
      tpu.enqueue_indirect_dma source(%arg8 : memref<128xf32, #tpu.memory_space<vmem>>) target(%dma_start3A_1255 : memref<100352xf32, #tpu.memory_space<vmem_shared>>) offsets(%dma_start3A_1253 : memref<128xi32, #tpu.memory_space<vmem>>) semaphore(%arg17 : memref<!tpu.dma_semaphore, #tpu.memory_space<semaphore_mem>>) {add = true}
      %dma_start3A_1256 = arith.constant 2 : i32
      %dma_start3A_1257 = arith.constant 3 : i32
      %dma_start3A_1258 = arith.constant 2 : i32
      %dma_start3A_1259 = arith.constant 3 : i32
      %dma_start3A_1260 = arith.constant 0 : i32
      %dma_start3A_1261 = tpu.memref_slice %arg6[%dma_start3A_1256, %dma_start3A_1257, %dma_start3A_1260] : memref<3x16x128xf32, #tpu.memory_space<vmem>> -> memref<1x1x128xf32, #tpu.memory_space<vmem>>
      %dma_start3A_1262 = tpu.memref_squeeze %dma_start3A_1261 : memref<1x1x128xf32, #tpu.memory_space<vmem>> -> memref<128xf32, #tpu.memory_space<vmem>>
      %dma_start3A_1263 = arith.constant 0 : i32
      %dma_start3A_1264 = tpu.memref_slice %arg7[%dma_start3A_1258, %dma_start3A_1259, %dma_start3A_1263] : memref<3x16x128xi32, #tpu.memory_space<vmem>> -> memref<1x1x128xi32, #tpu.memory_space<vmem>>
      %dma_start3A_1265 = tpu.memref_squeeze %dma_start3A_1264 : memref<1x1x128xi32, #tpu.memory_space<vmem>> -> memref<128xi32, #tpu.memory_space<vmem>>
      %dma_start3A_1266 = arith.constant 0 : i32
      %dma_start3A_1267 = tpu.memref_slice %arg10[%dma_start3A_1266] : memref<100352xf32, #tpu.memory_space<vmem_shared>> -> memref<100352xf32, #tpu.memory_space<vmem_shared>>
      tpu.enqueue_indirect_dma source(%dma_start3A_1262 : memref<128xf32, #tpu.memory_space<vmem>>) target(%dma_start3A_1267 : memref<100352xf32, #tpu.memory_space<vmem_shared>>) offsets(%dma_start3A_1265 : memref<128xi32, #tpu.memory_space<vmem>>) semaphore(%arg17 : memref<!tpu.dma_semaphore, #tpu.memory_space<semaphore_mem>>) {add = true}
      %dma_start3A_1268 = arith.constant 2 : i32
      %dma_start3A_1269 = arith.constant 3 : i32
      %dma_start3A_1270 = arith.constant 0 : i32
      %dma_start3A_1271 = tpu.memref_slice %arg7[%dma_start3A_1268, %dma_start3A_1269, %dma_start3A_1270] : memref<3x16x128xi32, #tpu.memory_space<vmem>> -> memref<1x1x128xi32, #tpu.memory_space<vmem>>
      %dma_start3A_1272 = tpu.memref_squeeze %dma_start3A_1271 : memref<1x1x128xi32, #tpu.memory_space<vmem>> -> memref<128xi32, #tpu.memory_space<vmem>>
      %dma_start3A_1273 = arith.constant 0 : i32
      %dma_start3A_1274 = tpu.memref_slice %arg11[%dma_start3A_1273] : memref<100352xf32, #tpu.memory_space<vmem_shared>> -> memref<100352xf32, #tpu.memory_space<vmem_shared>>
      tpu.enqueue_indirect_dma source(%arg8 : memref<128xf32, #tpu.memory_space<vmem>>) target(%dma_start3A_1274 : memref<100352xf32, #tpu.memory_space<vmem_shared>>) offsets(%dma_start3A_1272 : memref<128xi32, #tpu.memory_space<vmem>>) semaphore(%arg17 : memref<!tpu.dma_semaphore, #tpu.memory_space<semaphore_mem>>) {add = true}
      %dma_start3A_1275 = arith.constant 2 : i32
      %dma_start3A_1276 = arith.constant 4 : i32
      %dma_start3A_1277 = arith.constant 2 : i32
      %dma_start3A_1278 = arith.constant 4 : i32
      %dma_start3A_1279 = arith.constant 0 : i32
      %dma_start3A_1280 = tpu.memref_slice %arg6[%dma_start3A_1275, %dma_start3A_1276, %dma_start3A_1279] : memref<3x16x128xf32, #tpu.memory_space<vmem>> -> memref<1x1x128xf32, #tpu.memory_space<vmem>>
      %dma_start3A_1281 = tpu.memref_squeeze %dma_start3A_1280 : memref<1x1x128xf32, #tpu.memory_space<vmem>> -> memref<128xf32, #tpu.memory_space<vmem>>
      %dma_start3A_1282 = arith.constant 0 : i32
      %dma_start3A_1283 = tpu.memref_slice %arg7[%dma_start3A_1277, %dma_start3A_1278, %dma_start3A_1282] : memref<3x16x128xi32, #tpu.memory_space<vmem>> -> memref<1x1x128xi32, #tpu.memory_space<vmem>>
      %dma_start3A_1284 = tpu.memref_squeeze %dma_start3A_1283 : memref<1x1x128xi32, #tpu.memory_space<vmem>> -> memref<128xi32, #tpu.memory_space<vmem>>
      %dma_start3A_1285 = arith.constant 0 : i32
      %dma_start3A_1286 = tpu.memref_slice %arg10[%dma_start3A_1285] : memref<100352xf32, #tpu.memory_space<vmem_shared>> -> memref<100352xf32, #tpu.memory_space<vmem_shared>>
      tpu.enqueue_indirect_dma source(%dma_start3A_1281 : memref<128xf32, #tpu.memory_space<vmem>>) target(%dma_start3A_1286 : memref<100352xf32, #tpu.memory_space<vmem_shared>>) offsets(%dma_start3A_1284 : memref<128xi32, #tpu.memory_space<vmem>>) semaphore(%arg17 : memref<!tpu.dma_semaphore, #tpu.memory_space<semaphore_mem>>) {add = true}
      %dma_start3A_1287 = arith.constant 2 : i32
      %dma_start3A_1288 = arith.constant 4 : i32
      %dma_start3A_1289 = arith.constant 0 : i32
      %dma_start3A_1290 = tpu.memref_slice %arg7[%dma_start3A_1287, %dma_start3A_1288, %dma_start3A_1289] : memref<3x16x128xi32, #tpu.memory_space<vmem>> -> memref<1x1x128xi32, #tpu.memory_space<vmem>>
      %dma_start3A_1291 = tpu.memref_squeeze %dma_start3A_1290 : memref<1x1x128xi32, #tpu.memory_space<vmem>> -> memref<128xi32, #tpu.memory_space<vmem>>
      %dma_start3A_1292 = arith.constant 0 : i32
      %dma_start3A_1293 = tpu.memref_slice %arg11[%dma_start3A_1292] : memref<100352xf32, #tpu.memory_space<vmem_shared>> -> memref<100352xf32, #tpu.memory_space<vmem_shared>>
      tpu.enqueue_indirect_dma source(%arg8 : memref<128xf32, #tpu.memory_space<vmem>>) target(%dma_start3A_1293 : memref<100352xf32, #tpu.memory_space<vmem_shared>>) offsets(%dma_start3A_1291 : memref<128xi32, #tpu.memory_space<vmem>>) semaphore(%arg17 : memref<!tpu.dma_semaphore, #tpu.memory_space<semaphore_mem>>) {add = true}
      %dma_start3A_1294 = arith.constant 2 : i32
      %dma_start3A_1295 = arith.constant 5 : i32
      %dma_start3A_1296 = arith.constant 2 : i32
      %dma_start3A_1297 = arith.constant 5 : i32
      %dma_start3A_1298 = arith.constant 0 : i32
      %dma_start3A_1299 = tpu.memref_slice %arg6[%dma_start3A_1294, %dma_start3A_1295, %dma_start3A_1298] : memref<3x16x128xf32, #tpu.memory_space<vmem>> -> memref<1x1x128xf32, #tpu.memory_space<vmem>>
      %dma_start3A_1300 = tpu.memref_squeeze %dma_start3A_1299 : memref<1x1x128xf32, #tpu.memory_space<vmem>> -> memref<128xf32, #tpu.memory_space<vmem>>
      %dma_start3A_1301 = arith.constant 0 : i32
      %dma_start3A_1302 = tpu.memref_slice %arg7[%dma_start3A_1296, %dma_start3A_1297, %dma_start3A_1301] : memref<3x16x128xi32, #tpu.memory_space<vmem>> -> memref<1x1x128xi32, #tpu.memory_space<vmem>>
      %dma_start3A_1303 = tpu.memref_squeeze %dma_start3A_1302 : memref<1x1x128xi32, #tpu.memory_space<vmem>> -> memref<128xi32, #tpu.memory_space<vmem>>
      %dma_start3A_1304 = arith.constant 0 : i32
      %dma_start3A_1305 = tpu.memref_slice %arg10[%dma_start3A_1304] : memref<100352xf32, #tpu.memory_space<vmem_shared>> -> memref<100352xf32, #tpu.memory_space<vmem_shared>>
      tpu.enqueue_indirect_dma source(%dma_start3A_1300 : memref<128xf32, #tpu.memory_space<vmem>>) target(%dma_start3A_1305 : memref<100352xf32, #tpu.memory_space<vmem_shared>>) offsets(%dma_start3A_1303 : memref<128xi32, #tpu.memory_space<vmem>>) semaphore(%arg17 : memref<!tpu.dma_semaphore, #tpu.memory_space<semaphore_mem>>) {add = true}
      %dma_start3A_1306 = arith.constant 2 : i32
      %dma_start3A_1307 = arith.constant 5 : i32
      %dma_start3A_1308 = arith.constant 0 : i32
      %dma_start3A_1309 = tpu.memref_slice %arg7[%dma_start3A_1306, %dma_start3A_1307, %dma_start3A_1308] : memref<3x16x128xi32, #tpu.memory_space<vmem>> -> memref<1x1x128xi32, #tpu.memory_space<vmem>>
      %dma_start3A_1310 = tpu.memref_squeeze %dma_start3A_1309 : memref<1x1x128xi32, #tpu.memory_space<vmem>> -> memref<128xi32, #tpu.memory_space<vmem>>
      %dma_start3A_1311 = arith.constant 0 : i32
      %dma_start3A_1312 = tpu.memref_slice %arg11[%dma_start3A_1311] : memref<100352xf32, #tpu.memory_space<vmem_shared>> -> memref<100352xf32, #tpu.memory_space<vmem_shared>>
      tpu.enqueue_indirect_dma source(%arg8 : memref<128xf32, #tpu.memory_space<vmem>>) target(%dma_start3A_1312 : memref<100352xf32, #tpu.memory_space<vmem_shared>>) offsets(%dma_start3A_1310 : memref<128xi32, #tpu.memory_space<vmem>>) semaphore(%arg17 : memref<!tpu.dma_semaphore, #tpu.memory_space<semaphore_mem>>) {add = true}
      %dma_start3A_1313 = arith.constant 2 : i32
      %dma_start3A_1314 = arith.constant 6 : i32
      %dma_start3A_1315 = arith.constant 2 : i32
      %dma_start3A_1316 = arith.constant 6 : i32
      %dma_start3A_1317 = arith.constant 0 : i32
      %dma_start3A_1318 = tpu.memref_slice %arg6[%dma_start3A_1313, %dma_start3A_1314, %dma_start3A_1317] : memref<3x16x128xf32, #tpu.memory_space<vmem>> -> memref<1x1x128xf32, #tpu.memory_space<vmem>>
      %dma_start3A_1319 = tpu.memref_squeeze %dma_start3A_1318 : memref<1x1x128xf32, #tpu.memory_space<vmem>> -> memref<128xf32, #tpu.memory_space<vmem>>
      %dma_start3A_1320 = arith.constant 0 : i32
      %dma_start3A_1321 = tpu.memref_slice %arg7[%dma_start3A_1315, %dma_start3A_1316, %dma_start3A_1320] : memref<3x16x128xi32, #tpu.memory_space<vmem>> -> memref<1x1x128xi32, #tpu.memory_space<vmem>>
      %dma_start3A_1322 = tpu.memref_squeeze %dma_start3A_1321 : memref<1x1x128xi32, #tpu.memory_space<vmem>> -> memref<128xi32, #tpu.memory_space<vmem>>
      %dma_start3A_1323 = arith.constant 0 : i32
      %dma_start3A_1324 = tpu.memref_slice %arg10[%dma_start3A_1323] : memref<100352xf32, #tpu.memory_space<vmem_shared>> -> memref<100352xf32, #tpu.memory_space<vmem_shared>>
      tpu.enqueue_indirect_dma source(%dma_start3A_1319 : memref<128xf32, #tpu.memory_space<vmem>>) target(%dma_start3A_1324 : memref<100352xf32, #tpu.memory_space<vmem_shared>>) offsets(%dma_start3A_1322 : memref<128xi32, #tpu.memory_space<vmem>>) semaphore(%arg17 : memref<!tpu.dma_semaphore, #tpu.memory_space<semaphore_mem>>) {add = true}
      %dma_start3A_1325 = arith.constant 2 : i32
      %dma_start3A_1326 = arith.constant 6 : i32
      %dma_start3A_1327 = arith.constant 0 : i32
      %dma_start3A_1328 = tpu.memref_slice %arg7[%dma_start3A_1325, %dma_start3A_1326, %dma_start3A_1327] : memref<3x16x128xi32, #tpu.memory_space<vmem>> -> memref<1x1x128xi32, #tpu.memory_space<vmem>>
      %dma_start3A_1329 = tpu.memref_squeeze %dma_start3A_1328 : memref<1x1x128xi32, #tpu.memory_space<vmem>> -> memref<128xi32, #tpu.memory_space<vmem>>
      %dma_start3A_1330 = arith.constant 0 : i32
      %dma_start3A_1331 = tpu.memref_slice %arg11[%dma_start3A_1330] : memref<100352xf32, #tpu.memory_space<vmem_shared>> -> memref<100352xf32, #tpu.memory_space<vmem_shared>>
      tpu.enqueue_indirect_dma source(%arg8 : memref<128xf32, #tpu.memory_space<vmem>>) target(%dma_start3A_1331 : memref<100352xf32, #tpu.memory_space<vmem_shared>>) offsets(%dma_start3A_1329 : memref<128xi32, #tpu.memory_space<vmem>>) semaphore(%arg17 : memref<!tpu.dma_semaphore, #tpu.memory_space<semaphore_mem>>) {add = true}
      %dma_start3A_1332 = arith.constant 2 : i32
      %dma_start3A_1333 = arith.constant 7 : i32
      %dma_start3A_1334 = arith.constant 2 : i32
      %dma_start3A_1335 = arith.constant 7 : i32
      %dma_start3A_1336 = arith.constant 0 : i32
      %dma_start3A_1337 = tpu.memref_slice %arg6[%dma_start3A_1332, %dma_start3A_1333, %dma_start3A_1336] : memref<3x16x128xf32, #tpu.memory_space<vmem>> -> memref<1x1x128xf32, #tpu.memory_space<vmem>>
      %dma_start3A_1338 = tpu.memref_squeeze %dma_start3A_1337 : memref<1x1x128xf32, #tpu.memory_space<vmem>> -> memref<128xf32, #tpu.memory_space<vmem>>
      %dma_start3A_1339 = arith.constant 0 : i32
      %dma_start3A_1340 = tpu.memref_slice %arg7[%dma_start3A_1334, %dma_start3A_1335, %dma_start3A_1339] : memref<3x16x128xi32, #tpu.memory_space<vmem>> -> memref<1x1x128xi32, #tpu.memory_space<vmem>>
      %dma_start3A_1341 = tpu.memref_squeeze %dma_start3A_1340 : memref<1x1x128xi32, #tpu.memory_space<vmem>> -> memref<128xi32, #tpu.memory_space<vmem>>
      %dma_start3A_1342 = arith.constant 0 : i32
      %dma_start3A_1343 = tpu.memref_slice %arg10[%dma_start3A_1342] : memref<100352xf32, #tpu.memory_space<vmem_shared>> -> memref<100352xf32, #tpu.memory_space<vmem_shared>>
      tpu.enqueue_indirect_dma source(%dma_start3A_1338 : memref<128xf32, #tpu.memory_space<vmem>>) target(%dma_start3A_1343 : memref<100352xf32, #tpu.memory_space<vmem_shared>>) offsets(%dma_start3A_1341 : memref<128xi32, #tpu.memory_space<vmem>>) semaphore(%arg17 : memref<!tpu.dma_semaphore, #tpu.memory_space<semaphore_mem>>) {add = true}
      %dma_start3A_1344 = arith.constant 2 : i32
      %dma_start3A_1345 = arith.constant 7 : i32
      %dma_start3A_1346 = arith.constant 0 : i32
      %dma_start3A_1347 = tpu.memref_slice %arg7[%dma_start3A_1344, %dma_start3A_1345, %dma_start3A_1346] : memref<3x16x128xi32, #tpu.memory_space<vmem>> -> memref<1x1x128xi32, #tpu.memory_space<vmem>>
      %dma_start3A_1348 = tpu.memref_squeeze %dma_start3A_1347 : memref<1x1x128xi32, #tpu.memory_space<vmem>> -> memref<128xi32, #tpu.memory_space<vmem>>
      %dma_start3A_1349 = arith.constant 0 : i32
      %dma_start3A_1350 = tpu.memref_slice %arg11[%dma_start3A_1349] : memref<100352xf32, #tpu.memory_space<vmem_shared>> -> memref<100352xf32, #tpu.memory_space<vmem_shared>>
      tpu.enqueue_indirect_dma source(%arg8 : memref<128xf32, #tpu.memory_space<vmem>>) target(%dma_start3A_1350 : memref<100352xf32, #tpu.memory_space<vmem_shared>>) offsets(%dma_start3A_1348 : memref<128xi32, #tpu.memory_space<vmem>>) semaphore(%arg17 : memref<!tpu.dma_semaphore, #tpu.memory_space<semaphore_mem>>) {add = true}
      %dma_start3A_1351 = arith.constant 2 : i32
      %dma_start3A_1352 = arith.constant 8 : i32
      %dma_start3A_1353 = arith.constant 2 : i32
      %dma_start3A_1354 = arith.constant 8 : i32
      %dma_start3A_1355 = arith.constant 0 : i32
      %dma_start3A_1356 = tpu.memref_slice %arg6[%dma_start3A_1351, %dma_start3A_1352, %dma_start3A_1355] : memref<3x16x128xf32, #tpu.memory_space<vmem>> -> memref<1x1x128xf32, #tpu.memory_space<vmem>>
      %dma_start3A_1357 = tpu.memref_squeeze %dma_start3A_1356 : memref<1x1x128xf32, #tpu.memory_space<vmem>> -> memref<128xf32, #tpu.memory_space<vmem>>
      %dma_start3A_1358 = arith.constant 0 : i32
      %dma_start3A_1359 = tpu.memref_slice %arg7[%dma_start3A_1353, %dma_start3A_1354, %dma_start3A_1358] : memref<3x16x128xi32, #tpu.memory_space<vmem>> -> memref<1x1x128xi32, #tpu.memory_space<vmem>>
      %dma_start3A_1360 = tpu.memref_squeeze %dma_start3A_1359 : memref<1x1x128xi32, #tpu.memory_space<vmem>> -> memref<128xi32, #tpu.memory_space<vmem>>
      %dma_start3A_1361 = arith.constant 0 : i32
      %dma_start3A_1362 = tpu.memref_slice %arg10[%dma_start3A_1361] : memref<100352xf32, #tpu.memory_space<vmem_shared>> -> memref<100352xf32, #tpu.memory_space<vmem_shared>>
      tpu.enqueue_indirect_dma source(%dma_start3A_1357 : memref<128xf32, #tpu.memory_space<vmem>>) target(%dma_start3A_1362 : memref<100352xf32, #tpu.memory_space<vmem_shared>>) offsets(%dma_start3A_1360 : memref<128xi32, #tpu.memory_space<vmem>>) semaphore(%arg17 : memref<!tpu.dma_semaphore, #tpu.memory_space<semaphore_mem>>) {add = true}
      %dma_start3A_1363 = arith.constant 2 : i32
      %dma_start3A_1364 = arith.constant 8 : i32
      %dma_start3A_1365 = arith.constant 0 : i32
      %dma_start3A_1366 = tpu.memref_slice %arg7[%dma_start3A_1363, %dma_start3A_1364, %dma_start3A_1365] : memref<3x16x128xi32, #tpu.memory_space<vmem>> -> memref<1x1x128xi32, #tpu.memory_space<vmem>>
      %dma_start3A_1367 = tpu.memref_squeeze %dma_start3A_1366 : memref<1x1x128xi32, #tpu.memory_space<vmem>> -> memref<128xi32, #tpu.memory_space<vmem>>
      %dma_start3A_1368 = arith.constant 0 : i32
      %dma_start3A_1369 = tpu.memref_slice %arg11[%dma_start3A_1368] : memref<100352xf32, #tpu.memory_space<vmem_shared>> -> memref<100352xf32, #tpu.memory_space<vmem_shared>>
      tpu.enqueue_indirect_dma source(%arg8 : memref<128xf32, #tpu.memory_space<vmem>>) target(%dma_start3A_1369 : memref<100352xf32, #tpu.memory_space<vmem_shared>>) offsets(%dma_start3A_1367 : memref<128xi32, #tpu.memory_space<vmem>>) semaphore(%arg17 : memref<!tpu.dma_semaphore, #tpu.memory_space<semaphore_mem>>) {add = true}
      %dma_start3A_1370 = arith.constant 2 : i32
      %dma_start3A_1371 = arith.constant 9 : i32
      %dma_start3A_1372 = arith.constant 2 : i32
      %dma_start3A_1373 = arith.constant 9 : i32
      %dma_start3A_1374 = arith.constant 0 : i32
      %dma_start3A_1375 = tpu.memref_slice %arg6[%dma_start3A_1370, %dma_start3A_1371, %dma_start3A_1374] : memref<3x16x128xf32, #tpu.memory_space<vmem>> -> memref<1x1x128xf32, #tpu.memory_space<vmem>>
      %dma_start3A_1376 = tpu.memref_squeeze %dma_start3A_1375 : memref<1x1x128xf32, #tpu.memory_space<vmem>> -> memref<128xf32, #tpu.memory_space<vmem>>
      %dma_start3A_1377 = arith.constant 0 : i32
      %dma_start3A_1378 = tpu.memref_slice %arg7[%dma_start3A_1372, %dma_start3A_1373, %dma_start3A_1377] : memref<3x16x128xi32, #tpu.memory_space<vmem>> -> memref<1x1x128xi32, #tpu.memory_space<vmem>>
      %dma_start3A_1379 = tpu.memref_squeeze %dma_start3A_1378 : memref<1x1x128xi32, #tpu.memory_space<vmem>> -> memref<128xi32, #tpu.memory_space<vmem>>
      %dma_start3A_1380 = arith.constant 0 : i32
      %dma_start3A_1381 = tpu.memref_slice %arg10[%dma_start3A_1380] : memref<100352xf32, #tpu.memory_space<vmem_shared>> -> memref<100352xf32, #tpu.memory_space<vmem_shared>>
      tpu.enqueue_indirect_dma source(%dma_start3A_1376 : memref<128xf32, #tpu.memory_space<vmem>>) target(%dma_start3A_1381 : memref<100352xf32, #tpu.memory_space<vmem_shared>>) offsets(%dma_start3A_1379 : memref<128xi32, #tpu.memory_space<vmem>>) semaphore(%arg17 : memref<!tpu.dma_semaphore, #tpu.memory_space<semaphore_mem>>) {add = true}
      %dma_start3A_1382 = arith.constant 2 : i32
      %dma_start3A_1383 = arith.constant 9 : i32
      %dma_start3A_1384 = arith.constant 0 : i32
      %dma_start3A_1385 = tpu.memref_slice %arg7[%dma_start3A_1382, %dma_start3A_1383, %dma_start3A_1384] : memref<3x16x128xi32, #tpu.memory_space<vmem>> -> memref<1x1x128xi32, #tpu.memory_space<vmem>>
      %dma_start3A_1386 = tpu.memref_squeeze %dma_start3A_1385 : memref<1x1x128xi32, #tpu.memory_space<vmem>> -> memref<128xi32, #tpu.memory_space<vmem>>
      %dma_start3A_1387 = arith.constant 0 : i32
      %dma_start3A_1388 = tpu.memref_slice %arg11[%dma_start3A_1387] : memref<100352xf32, #tpu.memory_space<vmem_shared>> -> memref<100352xf32, #tpu.memory_space<vmem_shared>>
      tpu.enqueue_indirect_dma source(%arg8 : memref<128xf32, #tpu.memory_space<vmem>>) target(%dma_start3A_1388 : memref<100352xf32, #tpu.memory_space<vmem_shared>>) offsets(%dma_start3A_1386 : memref<128xi32, #tpu.memory_space<vmem>>) semaphore(%arg17 : memref<!tpu.dma_semaphore, #tpu.memory_space<semaphore_mem>>) {add = true}
      %dma_start3A_1389 = arith.constant 2 : i32
      %dma_start3A_1390 = arith.constant 10 : i32
      %dma_start3A_1391 = arith.constant 2 : i32
      %dma_start3A_1392 = arith.constant 10 : i32
      %dma_start3A_1393 = arith.constant 0 : i32
      %dma_start3A_1394 = tpu.memref_slice %arg6[%dma_start3A_1389, %dma_start3A_1390, %dma_start3A_1393] : memref<3x16x128xf32, #tpu.memory_space<vmem>> -> memref<1x1x128xf32, #tpu.memory_space<vmem>>
      %dma_start3A_1395 = tpu.memref_squeeze %dma_start3A_1394 : memref<1x1x128xf32, #tpu.memory_space<vmem>> -> memref<128xf32, #tpu.memory_space<vmem>>
      %dma_start3A_1396 = arith.constant 0 : i32
      %dma_start3A_1397 = tpu.memref_slice %arg7[%dma_start3A_1391, %dma_start3A_1392, %dma_start3A_1396] : memref<3x16x128xi32, #tpu.memory_space<vmem>> -> memref<1x1x128xi32, #tpu.memory_space<vmem>>
      %dma_start3A_1398 = tpu.memref_squeeze %dma_start3A_1397 : memref<1x1x128xi32, #tpu.memory_space<vmem>> -> memref<128xi32, #tpu.memory_space<vmem>>
      %dma_start3A_1399 = arith.constant 0 : i32
      %dma_start3A_1400 = tpu.memref_slice %arg10[%dma_start3A_1399] : memref<100352xf32, #tpu.memory_space<vmem_shared>> -> memref<100352xf32, #tpu.memory_space<vmem_shared>>
      tpu.enqueue_indirect_dma source(%dma_start3A_1395 : memref<128xf32, #tpu.memory_space<vmem>>) target(%dma_start3A_1400 : memref<100352xf32, #tpu.memory_space<vmem_shared>>) offsets(%dma_start3A_1398 : memref<128xi32, #tpu.memory_space<vmem>>) semaphore(%arg17 : memref<!tpu.dma_semaphore, #tpu.memory_space<semaphore_mem>>) {add = true}
      %dma_start3A_1401 = arith.constant 2 : i32
      %dma_start3A_1402 = arith.constant 10 : i32
      %dma_start3A_1403 = arith.constant 0 : i32
      %dma_start3A_1404 = tpu.memref_slice %arg7[%dma_start3A_1401, %dma_start3A_1402, %dma_start3A_1403] : memref<3x16x128xi32, #tpu.memory_space<vmem>> -> memref<1x1x128xi32, #tpu.memory_space<vmem>>
      %dma_start3A_1405 = tpu.memref_squeeze %dma_start3A_1404 : memref<1x1x128xi32, #tpu.memory_space<vmem>> -> memref<128xi32, #tpu.memory_space<vmem>>
      %dma_start3A_1406 = arith.constant 0 : i32
      %dma_start3A_1407 = tpu.memref_slice %arg11[%dma_start3A_1406] : memref<100352xf32, #tpu.memory_space<vmem_shared>> -> memref<100352xf32, #tpu.memory_space<vmem_shared>>
      tpu.enqueue_indirect_dma source(%arg8 : memref<128xf32, #tpu.memory_space<vmem>>) target(%dma_start3A_1407 : memref<100352xf32, #tpu.memory_space<vmem_shared>>) offsets(%dma_start3A_1405 : memref<128xi32, #tpu.memory_space<vmem>>) semaphore(%arg17 : memref<!tpu.dma_semaphore, #tpu.memory_space<semaphore_mem>>) {add = true}
      %dma_start3A_1408 = arith.constant 2 : i32
      %dma_start3A_1409 = arith.constant 11 : i32
      %dma_start3A_1410 = arith.constant 2 : i32
      %dma_start3A_1411 = arith.constant 11 : i32
      %dma_start3A_1412 = arith.constant 0 : i32
      %dma_start3A_1413 = tpu.memref_slice %arg6[%dma_start3A_1408, %dma_start3A_1409, %dma_start3A_1412] : memref<3x16x128xf32, #tpu.memory_space<vmem>> -> memref<1x1x128xf32, #tpu.memory_space<vmem>>
      %dma_start3A_1414 = tpu.memref_squeeze %dma_start3A_1413 : memref<1x1x128xf32, #tpu.memory_space<vmem>> -> memref<128xf32, #tpu.memory_space<vmem>>
      %dma_start3A_1415 = arith.constant 0 : i32
      %dma_start3A_1416 = tpu.memref_slice %arg7[%dma_start3A_1410, %dma_start3A_1411, %dma_start3A_1415] : memref<3x16x128xi32, #tpu.memory_space<vmem>> -> memref<1x1x128xi32, #tpu.memory_space<vmem>>
      %dma_start3A_1417 = tpu.memref_squeeze %dma_start3A_1416 : memref<1x1x128xi32, #tpu.memory_space<vmem>> -> memref<128xi32, #tpu.memory_space<vmem>>
      %dma_start3A_1418 = arith.constant 0 : i32
      %dma_start3A_1419 = tpu.memref_slice %arg10[%dma_start3A_1418] : memref<100352xf32, #tpu.memory_space<vmem_shared>> -> memref<100352xf32, #tpu.memory_space<vmem_shared>>
      tpu.enqueue_indirect_dma source(%dma_start3A_1414 : memref<128xf32, #tpu.memory_space<vmem>>) target(%dma_start3A_1419 : memref<100352xf32, #tpu.memory_space<vmem_shared>>) offsets(%dma_start3A_1417 : memref<128xi32, #tpu.memory_space<vmem>>) semaphore(%arg17 : memref<!tpu.dma_semaphore, #tpu.memory_space<semaphore_mem>>) {add = true}
      %dma_start3A_1420 = arith.constant 2 : i32
      %dma_start3A_1421 = arith.constant 11 : i32
      %dma_start3A_1422 = arith.constant 0 : i32
      %dma_start3A_1423 = tpu.memref_slice %arg7[%dma_start3A_1420, %dma_start3A_1421, %dma_start3A_1422] : memref<3x16x128xi32, #tpu.memory_space<vmem>> -> memref<1x1x128xi32, #tpu.memory_space<vmem>>
      %dma_start3A_1424 = tpu.memref_squeeze %dma_start3A_1423 : memref<1x1x128xi32, #tpu.memory_space<vmem>> -> memref<128xi32, #tpu.memory_space<vmem>>
      %dma_start3A_1425 = arith.constant 0 : i32
      %dma_start3A_1426 = tpu.memref_slice %arg11[%dma_start3A_1425] : memref<100352xf32, #tpu.memory_space<vmem_shared>> -> memref<100352xf32, #tpu.memory_space<vmem_shared>>
      tpu.enqueue_indirect_dma source(%arg8 : memref<128xf32, #tpu.memory_space<vmem>>) target(%dma_start3A_1426 : memref<100352xf32, #tpu.memory_space<vmem_shared>>) offsets(%dma_start3A_1424 : memref<128xi32, #tpu.memory_space<vmem>>) semaphore(%arg17 : memref<!tpu.dma_semaphore, #tpu.memory_space<semaphore_mem>>) {add = true}
      %dma_start3A_1427 = arith.constant 2 : i32
      %dma_start3A_1428 = arith.constant 12 : i32
      %dma_start3A_1429 = arith.constant 2 : i32
      %dma_start3A_1430 = arith.constant 12 : i32
      %dma_start3A_1431 = arith.constant 0 : i32
      %dma_start3A_1432 = tpu.memref_slice %arg6[%dma_start3A_1427, %dma_start3A_1428, %dma_start3A_1431] : memref<3x16x128xf32, #tpu.memory_space<vmem>> -> memref<1x1x128xf32, #tpu.memory_space<vmem>>
      %dma_start3A_1433 = tpu.memref_squeeze %dma_start3A_1432 : memref<1x1x128xf32, #tpu.memory_space<vmem>> -> memref<128xf32, #tpu.memory_space<vmem>>
      %dma_start3A_1434 = arith.constant 0 : i32
      %dma_start3A_1435 = tpu.memref_slice %arg7[%dma_start3A_1429, %dma_start3A_1430, %dma_start3A_1434] : memref<3x16x128xi32, #tpu.memory_space<vmem>> -> memref<1x1x128xi32, #tpu.memory_space<vmem>>
      %dma_start3A_1436 = tpu.memref_squeeze %dma_start3A_1435 : memref<1x1x128xi32, #tpu.memory_space<vmem>> -> memref<128xi32, #tpu.memory_space<vmem>>
      %dma_start3A_1437 = arith.constant 0 : i32
      %dma_start3A_1438 = tpu.memref_slice %arg10[%dma_start3A_1437] : memref<100352xf32, #tpu.memory_space<vmem_shared>> -> memref<100352xf32, #tpu.memory_space<vmem_shared>>
      tpu.enqueue_indirect_dma source(%dma_start3A_1433 : memref<128xf32, #tpu.memory_space<vmem>>) target(%dma_start3A_1438 : memref<100352xf32, #tpu.memory_space<vmem_shared>>) offsets(%dma_start3A_1436 : memref<128xi32, #tpu.memory_space<vmem>>) semaphore(%arg17 : memref<!tpu.dma_semaphore, #tpu.memory_space<semaphore_mem>>) {add = true}
      %dma_start3A_1439 = arith.constant 2 : i32
      %dma_start3A_1440 = arith.constant 12 : i32
      %dma_start3A_1441 = arith.constant 0 : i32
      %dma_start3A_1442 = tpu.memref_slice %arg7[%dma_start3A_1439, %dma_start3A_1440, %dma_start3A_1441] : memref<3x16x128xi32, #tpu.memory_space<vmem>> -> memref<1x1x128xi32, #tpu.memory_space<vmem>>
      %dma_start3A_1443 = tpu.memref_squeeze %dma_start3A_1442 : memref<1x1x128xi32, #tpu.memory_space<vmem>> -> memref<128xi32, #tpu.memory_space<vmem>>
      %dma_start3A_1444 = arith.constant 0 : i32
      %dma_start3A_1445 = tpu.memref_slice %arg11[%dma_start3A_1444] : memref<100352xf32, #tpu.memory_space<vmem_shared>> -> memref<100352xf32, #tpu.memory_space<vmem_shared>>
      tpu.enqueue_indirect_dma source(%arg8 : memref<128xf32, #tpu.memory_space<vmem>>) target(%dma_start3A_1445 : memref<100352xf32, #tpu.memory_space<vmem_shared>>) offsets(%dma_start3A_1443 : memref<128xi32, #tpu.memory_space<vmem>>) semaphore(%arg17 : memref<!tpu.dma_semaphore, #tpu.memory_space<semaphore_mem>>) {add = true}
      %dma_start3A_1446 = arith.constant 2 : i32
      %dma_start3A_1447 = arith.constant 13 : i32
      %dma_start3A_1448 = arith.constant 2 : i32
      %dma_start3A_1449 = arith.constant 13 : i32
      %dma_start3A_1450 = arith.constant 0 : i32
      %dma_start3A_1451 = tpu.memref_slice %arg6[%dma_start3A_1446, %dma_start3A_1447, %dma_start3A_1450] : memref<3x16x128xf32, #tpu.memory_space<vmem>> -> memref<1x1x128xf32, #tpu.memory_space<vmem>>
      %dma_start3A_1452 = tpu.memref_squeeze %dma_start3A_1451 : memref<1x1x128xf32, #tpu.memory_space<vmem>> -> memref<128xf32, #tpu.memory_space<vmem>>
      %dma_start3A_1453 = arith.constant 0 : i32
      %dma_start3A_1454 = tpu.memref_slice %arg7[%dma_start3A_1448, %dma_start3A_1449, %dma_start3A_1453] : memref<3x16x128xi32, #tpu.memory_space<vmem>> -> memref<1x1x128xi32, #tpu.memory_space<vmem>>
      %dma_start3A_1455 = tpu.memref_squeeze %dma_start3A_1454 : memref<1x1x128xi32, #tpu.memory_space<vmem>> -> memref<128xi32, #tpu.memory_space<vmem>>
      %dma_start3A_1456 = arith.constant 0 : i32
      %dma_start3A_1457 = tpu.memref_slice %arg10[%dma_start3A_1456] : memref<100352xf32, #tpu.memory_space<vmem_shared>> -> memref<100352xf32, #tpu.memory_space<vmem_shared>>
      tpu.enqueue_indirect_dma source(%dma_start3A_1452 : memref<128xf32, #tpu.memory_space<vmem>>) target(%dma_start3A_1457 : memref<100352xf32, #tpu.memory_space<vmem_shared>>) offsets(%dma_start3A_1455 : memref<128xi32, #tpu.memory_space<vmem>>) semaphore(%arg17 : memref<!tpu.dma_semaphore, #tpu.memory_space<semaphore_mem>>) {add = true}
      %dma_start3A_1458 = arith.constant 2 : i32
      %dma_start3A_1459 = arith.constant 13 : i32
      %dma_start3A_1460 = arith.constant 0 : i32
      %dma_start3A_1461 = tpu.memref_slice %arg7[%dma_start3A_1458, %dma_start3A_1459, %dma_start3A_1460] : memref<3x16x128xi32, #tpu.memory_space<vmem>> -> memref<1x1x128xi32, #tpu.memory_space<vmem>>
      %dma_start3A_1462 = tpu.memref_squeeze %dma_start3A_1461 : memref<1x1x128xi32, #tpu.memory_space<vmem>> -> memref<128xi32, #tpu.memory_space<vmem>>
      %dma_start3A_1463 = arith.constant 0 : i32
      %dma_start3A_1464 = tpu.memref_slice %arg11[%dma_start3A_1463] : memref<100352xf32, #tpu.memory_space<vmem_shared>> -> memref<100352xf32, #tpu.memory_space<vmem_shared>>
      tpu.enqueue_indirect_dma source(%arg8 : memref<128xf32, #tpu.memory_space<vmem>>) target(%dma_start3A_1464 : memref<100352xf32, #tpu.memory_space<vmem_shared>>) offsets(%dma_start3A_1462 : memref<128xi32, #tpu.memory_space<vmem>>) semaphore(%arg17 : memref<!tpu.dma_semaphore, #tpu.memory_space<semaphore_mem>>) {add = true}
      %dma_start3A_1465 = arith.constant 2 : i32
      %dma_start3A_1466 = arith.constant 14 : i32
      %dma_start3A_1467 = arith.constant 2 : i32
      %dma_start3A_1468 = arith.constant 14 : i32
      %dma_start3A_1469 = arith.constant 0 : i32
      %dma_start3A_1470 = tpu.memref_slice %arg6[%dma_start3A_1465, %dma_start3A_1466, %dma_start3A_1469] : memref<3x16x128xf32, #tpu.memory_space<vmem>> -> memref<1x1x128xf32, #tpu.memory_space<vmem>>
      %dma_start3A_1471 = tpu.memref_squeeze %dma_start3A_1470 : memref<1x1x128xf32, #tpu.memory_space<vmem>> -> memref<128xf32, #tpu.memory_space<vmem>>
      %dma_start3A_1472 = arith.constant 0 : i32
      %dma_start3A_1473 = tpu.memref_slice %arg7[%dma_start3A_1467, %dma_start3A_1468, %dma_start3A_1472] : memref<3x16x128xi32, #tpu.memory_space<vmem>> -> memref<1x1x128xi32, #tpu.memory_space<vmem>>
      %dma_start3A_1474 = tpu.memref_squeeze %dma_start3A_1473 : memref<1x1x128xi32, #tpu.memory_space<vmem>> -> memref<128xi32, #tpu.memory_space<vmem>>
      %dma_start3A_1475 = arith.constant 0 : i32
      %dma_start3A_1476 = tpu.memref_slice %arg10[%dma_start3A_1475] : memref<100352xf32, #tpu.memory_space<vmem_shared>> -> memref<100352xf32, #tpu.memory_space<vmem_shared>>
      tpu.enqueue_indirect_dma source(%dma_start3A_1471 : memref<128xf32, #tpu.memory_space<vmem>>) target(%dma_start3A_1476 : memref<100352xf32, #tpu.memory_space<vmem_shared>>) offsets(%dma_start3A_1474 : memref<128xi32, #tpu.memory_space<vmem>>) semaphore(%arg17 : memref<!tpu.dma_semaphore, #tpu.memory_space<semaphore_mem>>) {add = true}
      %dma_start3A_1477 = arith.constant 2 : i32
      %dma_start3A_1478 = arith.constant 14 : i32
      %dma_start3A_1479 = arith.constant 0 : i32
      %dma_start3A_1480 = tpu.memref_slice %arg7[%dma_start3A_1477, %dma_start3A_1478, %dma_start3A_1479] : memref<3x16x128xi32, #tpu.memory_space<vmem>> -> memref<1x1x128xi32, #tpu.memory_space<vmem>>
      %dma_start3A_1481 = tpu.memref_squeeze %dma_start3A_1480 : memref<1x1x128xi32, #tpu.memory_space<vmem>> -> memref<128xi32, #tpu.memory_space<vmem>>
      %dma_start3A_1482 = arith.constant 0 : i32
      %dma_start3A_1483 = tpu.memref_slice %arg11[%dma_start3A_1482] : memref<100352xf32, #tpu.memory_space<vmem_shared>> -> memref<100352xf32, #tpu.memory_space<vmem_shared>>
      tpu.enqueue_indirect_dma source(%arg8 : memref<128xf32, #tpu.memory_space<vmem>>) target(%dma_start3A_1483 : memref<100352xf32, #tpu.memory_space<vmem_shared>>) offsets(%dma_start3A_1481 : memref<128xi32, #tpu.memory_space<vmem>>) semaphore(%arg17 : memref<!tpu.dma_semaphore, #tpu.memory_space<semaphore_mem>>) {add = true}
      %dma_start3A_1484 = arith.constant 2 : i32
      %dma_start3A_1485 = arith.constant 15 : i32
      %dma_start3A_1486 = arith.constant 2 : i32
      %dma_start3A_1487 = arith.constant 15 : i32
      %dma_start3A_1488 = arith.constant 0 : i32
      %dma_start3A_1489 = tpu.memref_slice %arg6[%dma_start3A_1484, %dma_start3A_1485, %dma_start3A_1488] : memref<3x16x128xf32, #tpu.memory_space<vmem>> -> memref<1x1x128xf32, #tpu.memory_space<vmem>>
      %dma_start3A_1490 = tpu.memref_squeeze %dma_start3A_1489 : memref<1x1x128xf32, #tpu.memory_space<vmem>> -> memref<128xf32, #tpu.memory_space<vmem>>
      %dma_start3A_1491 = arith.constant 0 : i32
      %dma_start3A_1492 = tpu.memref_slice %arg7[%dma_start3A_1486, %dma_start3A_1487, %dma_start3A_1491] : memref<3x16x128xi32, #tpu.memory_space<vmem>> -> memref<1x1x128xi32, #tpu.memory_space<vmem>>
      %dma_start3A_1493 = tpu.memref_squeeze %dma_start3A_1492 : memref<1x1x128xi32, #tpu.memory_space<vmem>> -> memref<128xi32, #tpu.memory_space<vmem>>
      %dma_start3A_1494 = arith.constant 0 : i32
      %dma_start3A_1495 = tpu.memref_slice %arg10[%dma_start3A_1494] : memref<100352xf32, #tpu.memory_space<vmem_shared>> -> memref<100352xf32, #tpu.memory_space<vmem_shared>>
      tpu.enqueue_indirect_dma source(%dma_start3A_1490 : memref<128xf32, #tpu.memory_space<vmem>>) target(%dma_start3A_1495 : memref<100352xf32, #tpu.memory_space<vmem_shared>>) offsets(%dma_start3A_1493 : memref<128xi32, #tpu.memory_space<vmem>>) semaphore(%arg17 : memref<!tpu.dma_semaphore, #tpu.memory_space<semaphore_mem>>) {add = true}
      %dma_start3A_1496 = arith.constant 2 : i32
      %dma_start3A_1497 = arith.constant 15 : i32
      %dma_start3A_1498 = arith.constant 0 : i32
      %dma_start3A_1499 = tpu.memref_slice %arg7[%dma_start3A_1496, %dma_start3A_1497, %dma_start3A_1498] : memref<3x16x128xi32, #tpu.memory_space<vmem>> -> memref<1x1x128xi32, #tpu.memory_space<vmem>>
      %dma_start3A_1500 = tpu.memref_squeeze %dma_start3A_1499 : memref<1x1x128xi32, #tpu.memory_space<vmem>> -> memref<128xi32, #tpu.memory_space<vmem>>
      %dma_start3A_1501 = arith.constant 0 : i32
      %dma_start3A_1502 = tpu.memref_slice %arg11[%dma_start3A_1501] : memref<100352xf32, #tpu.memory_space<vmem_shared>> -> memref<100352xf32, #tpu.memory_space<vmem_shared>>
      tpu.enqueue_indirect_dma source(%arg8 : memref<128xf32, #tpu.memory_space<vmem>>) target(%dma_start3A_1502 : memref<100352xf32, #tpu.memory_space<vmem_shared>>) offsets(%dma_start3A_1500 : memref<128xi32, #tpu.memory_space<vmem>>) semaphore(%arg17 : memref<!tpu.dma_semaphore, #tpu.memory_space<semaphore_mem>>) {add = true}
      %ge3A_1503 = arith.constant 1 : i32
      %ge3A_1504 = arith.cmpi sge, %add3A_1168, %ge3A_1503 : i32
      %convert_element_type3A_1505 = arith.extui %ge3A_1504 : i1 to i32
      %cond3A_1506 = arith.constant 0 : i32
      %cond3A_1507 = arith.cmpi ne, %convert_element_type3A_1505, %cond3A_1506 : i32
      scf.if %cond3A_1507 {
        %dma_wait3A_1518 = arith.constant 1 : i32
        %dma_wait3A_1519 = arith.constant 0 : i32
        %dma_wait3A_1520 = arith.constant 1 : i32
        %dma_wait3A_1521 = arith.constant 0 : i32
        %dma_wait3A_1522 = arith.constant 0 : i32
        %dma_wait3A_1523 = tpu.memref_slice %arg6[%dma_wait3A_1518, %dma_wait3A_1519, %dma_wait3A_1522] : memref<3x16x128xf32, #tpu.memory_space<vmem>> -> memref<1x1x128xf32, #tpu.memory_space<vmem>>
        %dma_wait3A_1524 = tpu.memref_squeeze %dma_wait3A_1523 : memref<1x1x128xf32, #tpu.memory_space<vmem>> -> memref<128xf32, #tpu.memory_space<vmem>>
        %dma_wait3A_1525 = arith.constant 0 : i32
        %dma_wait3A_1526 = tpu.memref_slice %arg7[%dma_wait3A_1520, %dma_wait3A_1521, %dma_wait3A_1525] : memref<3x16x128xi32, #tpu.memory_space<vmem>> -> memref<1x1x128xi32, #tpu.memory_space<vmem>>
        %dma_wait3A_1527 = tpu.memref_squeeze %dma_wait3A_1526 : memref<1x1x128xi32, #tpu.memory_space<vmem>> -> memref<128xi32, #tpu.memory_space<vmem>>
        %dma_wait3A_1528 = arith.constant 0 : i32
        %dma_wait3A_1529 = tpu.memref_slice %arg10[%dma_wait3A_1528] : memref<100352xf32, #tpu.memory_space<vmem_shared>> -> memref<100352xf32, #tpu.memory_space<vmem_shared>>
        tpu.wait_indirect_dma semaphore(%arg16 : memref<!tpu.dma_semaphore, #tpu.memory_space<semaphore_mem>>) src(%dma_wait3A_1524 : memref<128xf32, #tpu.memory_space<vmem>>) dst(%dma_wait3A_1529 : memref<100352xf32, #tpu.memory_space<vmem_shared>>)
        %dma_wait3A_1530 = arith.constant 1 : i32
        %dma_wait3A_1531 = arith.constant 0 : i32
        %dma_wait3A_1532 = arith.constant 0 : i32
        %dma_wait3A_1533 = tpu.memref_slice %arg7[%dma_wait3A_1530, %dma_wait3A_1531, %dma_wait3A_1532] : memref<3x16x128xi32, #tpu.memory_space<vmem>> -> memref<1x1x128xi32, #tpu.memory_space<vmem>>
        %dma_wait3A_1534 = tpu.memref_squeeze %dma_wait3A_1533 : memref<1x1x128xi32, #tpu.memory_space<vmem>> -> memref<128xi32, #tpu.memory_space<vmem>>
        %dma_wait3A_1535 = arith.constant 0 : i32
        %dma_wait3A_1536 = tpu.memref_slice %arg11[%dma_wait3A_1535] : memref<100352xf32, #tpu.memory_space<vmem_shared>> -> memref<100352xf32, #tpu.memory_space<vmem_shared>>
        tpu.wait_indirect_dma semaphore(%arg16 : memref<!tpu.dma_semaphore, #tpu.memory_space<semaphore_mem>>) src(%arg8 : memref<128xf32, #tpu.memory_space<vmem>>) dst(%dma_wait3A_1536 : memref<100352xf32, #tpu.memory_space<vmem_shared>>)
        %dma_wait3A_1537 = arith.constant 1 : i32
        %dma_wait3A_1538 = arith.constant 1 : i32
        %dma_wait3A_1539 = arith.constant 1 : i32
        %dma_wait3A_1540 = arith.constant 1 : i32
        %dma_wait3A_1541 = arith.constant 0 : i32
        %dma_wait3A_1542 = tpu.memref_slice %arg6[%dma_wait3A_1537, %dma_wait3A_1538, %dma_wait3A_1541] : memref<3x16x128xf32, #tpu.memory_space<vmem>> -> memref<1x1x128xf32, #tpu.memory_space<vmem>>
        %dma_wait3A_1543 = tpu.memref_squeeze %dma_wait3A_1542 : memref<1x1x128xf32, #tpu.memory_space<vmem>> -> memref<128xf32, #tpu.memory_space<vmem>>
        %dma_wait3A_1544 = arith.constant 0 : i32
        %dma_wait3A_1545 = tpu.memref_slice %arg7[%dma_wait3A_1539, %dma_wait3A_1540, %dma_wait3A_1544] : memref<3x16x128xi32, #tpu.memory_space<vmem>> -> memref<1x1x128xi32, #tpu.memory_space<vmem>>
        %dma_wait3A_1546 = tpu.memref_squeeze %dma_wait3A_1545 : memref<1x1x128xi32, #tpu.memory_space<vmem>> -> memref<128xi32, #tpu.memory_space<vmem>>
        %dma_wait3A_1547 = arith.constant 0 : i32
        %dma_wait3A_1548 = tpu.memref_slice %arg10[%dma_wait3A_1547] : memref<100352xf32, #tpu.memory_space<vmem_shared>> -> memref<100352xf32, #tpu.memory_space<vmem_shared>>
        tpu.wait_indirect_dma semaphore(%arg16 : memref<!tpu.dma_semaphore, #tpu.memory_space<semaphore_mem>>) src(%dma_wait3A_1543 : memref<128xf32, #tpu.memory_space<vmem>>) dst(%dma_wait3A_1548 : memref<100352xf32, #tpu.memory_space<vmem_shared>>)
        %dma_wait3A_1549 = arith.constant 1 : i32
        %dma_wait3A_1550 = arith.constant 1 : i32
        %dma_wait3A_1551 = arith.constant 0 : i32
        %dma_wait3A_1552 = tpu.memref_slice %arg7[%dma_wait3A_1549, %dma_wait3A_1550, %dma_wait3A_1551] : memref<3x16x128xi32, #tpu.memory_space<vmem>> -> memref<1x1x128xi32, #tpu.memory_space<vmem>>
        %dma_wait3A_1553 = tpu.memref_squeeze %dma_wait3A_1552 : memref<1x1x128xi32, #tpu.memory_space<vmem>> -> memref<128xi32, #tpu.memory_space<vmem>>
        %dma_wait3A_1554 = arith.constant 0 : i32
        %dma_wait3A_1555 = tpu.memref_slice %arg11[%dma_wait3A_1554] : memref<100352xf32, #tpu.memory_space<vmem_shared>> -> memref<100352xf32, #tpu.memory_space<vmem_shared>>
        tpu.wait_indirect_dma semaphore(%arg16 : memref<!tpu.dma_semaphore, #tpu.memory_space<semaphore_mem>>) src(%arg8 : memref<128xf32, #tpu.memory_space<vmem>>) dst(%dma_wait3A_1555 : memref<100352xf32, #tpu.memory_space<vmem_shared>>)
        %dma_wait3A_1556 = arith.constant 1 : i32
        %dma_wait3A_1557 = arith.constant 2 : i32
        %dma_wait3A_1558 = arith.constant 1 : i32
        %dma_wait3A_1559 = arith.constant 2 : i32
        %dma_wait3A_1560 = arith.constant 0 : i32
        %dma_wait3A_1561 = tpu.memref_slice %arg6[%dma_wait3A_1556, %dma_wait3A_1557, %dma_wait3A_1560] : memref<3x16x128xf32, #tpu.memory_space<vmem>> -> memref<1x1x128xf32, #tpu.memory_space<vmem>>
        %dma_wait3A_1562 = tpu.memref_squeeze %dma_wait3A_1561 : memref<1x1x128xf32, #tpu.memory_space<vmem>> -> memref<128xf32, #tpu.memory_space<vmem>>
        %dma_wait3A_1563 = arith.constant 0 : i32
        %dma_wait3A_1564 = tpu.memref_slice %arg7[%dma_wait3A_1558, %dma_wait3A_1559, %dma_wait3A_1563] : memref<3x16x128xi32, #tpu.memory_space<vmem>> -> memref<1x1x128xi32, #tpu.memory_space<vmem>>
        %dma_wait3A_1565 = tpu.memref_squeeze %dma_wait3A_1564 : memref<1x1x128xi32, #tpu.memory_space<vmem>> -> memref<128xi32, #tpu.memory_space<vmem>>
        %dma_wait3A_1566 = arith.constant 0 : i32
        %dma_wait3A_1567 = tpu.memref_slice %arg10[%dma_wait3A_1566] : memref<100352xf32, #tpu.memory_space<vmem_shared>> -> memref<100352xf32, #tpu.memory_space<vmem_shared>>
        tpu.wait_indirect_dma semaphore(%arg16 : memref<!tpu.dma_semaphore, #tpu.memory_space<semaphore_mem>>) src(%dma_wait3A_1562 : memref<128xf32, #tpu.memory_space<vmem>>) dst(%dma_wait3A_1567 : memref<100352xf32, #tpu.memory_space<vmem_shared>>)
        %dma_wait3A_1568 = arith.constant 1 : i32
        %dma_wait3A_1569 = arith.constant 2 : i32
        %dma_wait3A_1570 = arith.constant 0 : i32
        %dma_wait3A_1571 = tpu.memref_slice %arg7[%dma_wait3A_1568, %dma_wait3A_1569, %dma_wait3A_1570] : memref<3x16x128xi32, #tpu.memory_space<vmem>> -> memref<1x1x128xi32, #tpu.memory_space<vmem>>
        %dma_wait3A_1572 = tpu.memref_squeeze %dma_wait3A_1571 : memref<1x1x128xi32, #tpu.memory_space<vmem>> -> memref<128xi32, #tpu.memory_space<vmem>>
        %dma_wait3A_1573 = arith.constant 0 : i32
        %dma_wait3A_1574 = tpu.memref_slice %arg11[%dma_wait3A_1573] : memref<100352xf32, #tpu.memory_space<vmem_shared>> -> memref<100352xf32, #tpu.memory_space<vmem_shared>>
        tpu.wait_indirect_dma semaphore(%arg16 : memref<!tpu.dma_semaphore, #tpu.memory_space<semaphore_mem>>) src(%arg8 : memref<128xf32, #tpu.memory_space<vmem>>) dst(%dma_wait3A_1574 : memref<100352xf32, #tpu.memory_space<vmem_shared>>)
        %dma_wait3A_1575 = arith.constant 1 : i32
        %dma_wait3A_1576 = arith.constant 3 : i32
        %dma_wait3A_1577 = arith.constant 1 : i32
        %dma_wait3A_1578 = arith.constant 3 : i32
        %dma_wait3A_1579 = arith.constant 0 : i32
        %dma_wait3A_1580 = tpu.memref_slice %arg6[%dma_wait3A_1575, %dma_wait3A_1576, %dma_wait3A_1579] : memref<3x16x128xf32, #tpu.memory_space<vmem>> -> memref<1x1x128xf32, #tpu.memory_space<vmem>>
        %dma_wait3A_1581 = tpu.memref_squeeze %dma_wait3A_1580 : memref<1x1x128xf32, #tpu.memory_space<vmem>> -> memref<128xf32, #tpu.memory_space<vmem>>
        %dma_wait3A_1582 = arith.constant 0 : i32
        %dma_wait3A_1583 = tpu.memref_slice %arg7[%dma_wait3A_1577, %dma_wait3A_1578, %dma_wait3A_1582] : memref<3x16x128xi32, #tpu.memory_space<vmem>> -> memref<1x1x128xi32, #tpu.memory_space<vmem>>
        %dma_wait3A_1584 = tpu.memref_squeeze %dma_wait3A_1583 : memref<1x1x128xi32, #tpu.memory_space<vmem>> -> memref<128xi32, #tpu.memory_space<vmem>>
        %dma_wait3A_1585 = arith.constant 0 : i32
        %dma_wait3A_1586 = tpu.memref_slice %arg10[%dma_wait3A_1585] : memref<100352xf32, #tpu.memory_space<vmem_shared>> -> memref<100352xf32, #tpu.memory_space<vmem_shared>>
        tpu.wait_indirect_dma semaphore(%arg16 : memref<!tpu.dma_semaphore, #tpu.memory_space<semaphore_mem>>) src(%dma_wait3A_1581 : memref<128xf32, #tpu.memory_space<vmem>>) dst(%dma_wait3A_1586 : memref<100352xf32, #tpu.memory_space<vmem_shared>>)
        %dma_wait3A_1587 = arith.constant 1 : i32
        %dma_wait3A_1588 = arith.constant 3 : i32
        %dma_wait3A_1589 = arith.constant 0 : i32
        %dma_wait3A_1590 = tpu.memref_slice %arg7[%dma_wait3A_1587, %dma_wait3A_1588, %dma_wait3A_1589] : memref<3x16x128xi32, #tpu.memory_space<vmem>> -> memref<1x1x128xi32, #tpu.memory_space<vmem>>
        %dma_wait3A_1591 = tpu.memref_squeeze %dma_wait3A_1590 : memref<1x1x128xi32, #tpu.memory_space<vmem>> -> memref<128xi32, #tpu.memory_space<vmem>>
        %dma_wait3A_1592 = arith.constant 0 : i32
        %dma_wait3A_1593 = tpu.memref_slice %arg11[%dma_wait3A_1592] : memref<100352xf32, #tpu.memory_space<vmem_shared>> -> memref<100352xf32, #tpu.memory_space<vmem_shared>>
        tpu.wait_indirect_dma semaphore(%arg16 : memref<!tpu.dma_semaphore, #tpu.memory_space<semaphore_mem>>) src(%arg8 : memref<128xf32, #tpu.memory_space<vmem>>) dst(%dma_wait3A_1593 : memref<100352xf32, #tpu.memory_space<vmem_shared>>)
        %dma_wait3A_1594 = arith.constant 1 : i32
        %dma_wait3A_1595 = arith.constant 4 : i32
        %dma_wait3A_1596 = arith.constant 1 : i32
        %dma_wait3A_1597 = arith.constant 4 : i32
        %dma_wait3A_1598 = arith.constant 0 : i32
        %dma_wait3A_1599 = tpu.memref_slice %arg6[%dma_wait3A_1594, %dma_wait3A_1595, %dma_wait3A_1598] : memref<3x16x128xf32, #tpu.memory_space<vmem>> -> memref<1x1x128xf32, #tpu.memory_space<vmem>>
        %dma_wait3A_1600 = tpu.memref_squeeze %dma_wait3A_1599 : memref<1x1x128xf32, #tpu.memory_space<vmem>> -> memref<128xf32, #tpu.memory_space<vmem>>
        %dma_wait3A_1601 = arith.constant 0 : i32
        %dma_wait3A_1602 = tpu.memref_slice %arg7[%dma_wait3A_1596, %dma_wait3A_1597, %dma_wait3A_1601] : memref<3x16x128xi32, #tpu.memory_space<vmem>> -> memref<1x1x128xi32, #tpu.memory_space<vmem>>
        %dma_wait3A_1603 = tpu.memref_squeeze %dma_wait3A_1602 : memref<1x1x128xi32, #tpu.memory_space<vmem>> -> memref<128xi32, #tpu.memory_space<vmem>>
        %dma_wait3A_1604 = arith.constant 0 : i32
        %dma_wait3A_1605 = tpu.memref_slice %arg10[%dma_wait3A_1604] : memref<100352xf32, #tpu.memory_space<vmem_shared>> -> memref<100352xf32, #tpu.memory_space<vmem_shared>>
        tpu.wait_indirect_dma semaphore(%arg16 : memref<!tpu.dma_semaphore, #tpu.memory_space<semaphore_mem>>) src(%dma_wait3A_1600 : memref<128xf32, #tpu.memory_space<vmem>>) dst(%dma_wait3A_1605 : memref<100352xf32, #tpu.memory_space<vmem_shared>>)
        %dma_wait3A_1606 = arith.constant 1 : i32
        %dma_wait3A_1607 = arith.constant 4 : i32
        %dma_wait3A_1608 = arith.constant 0 : i32
        %dma_wait3A_1609 = tpu.memref_slice %arg7[%dma_wait3A_1606, %dma_wait3A_1607, %dma_wait3A_1608] : memref<3x16x128xi32, #tpu.memory_space<vmem>> -> memref<1x1x128xi32, #tpu.memory_space<vmem>>
        %dma_wait3A_1610 = tpu.memref_squeeze %dma_wait3A_1609 : memref<1x1x128xi32, #tpu.memory_space<vmem>> -> memref<128xi32, #tpu.memory_space<vmem>>
        %dma_wait3A_1611 = arith.constant 0 : i32
        %dma_wait3A_1612 = tpu.memref_slice %arg11[%dma_wait3A_1611] : memref<100352xf32, #tpu.memory_space<vmem_shared>> -> memref<100352xf32, #tpu.memory_space<vmem_shared>>
        tpu.wait_indirect_dma semaphore(%arg16 : memref<!tpu.dma_semaphore, #tpu.memory_space<semaphore_mem>>) src(%arg8 : memref<128xf32, #tpu.memory_space<vmem>>) dst(%dma_wait3A_1612 : memref<100352xf32, #tpu.memory_space<vmem_shared>>)
        %dma_wait3A_1613 = arith.constant 1 : i32
        %dma_wait3A_1614 = arith.constant 5 : i32
        %dma_wait3A_1615 = arith.constant 1 : i32
        %dma_wait3A_1616 = arith.constant 5 : i32
        %dma_wait3A_1617 = arith.constant 0 : i32
        %dma_wait3A_1618 = tpu.memref_slice %arg6[%dma_wait3A_1613, %dma_wait3A_1614, %dma_wait3A_1617] : memref<3x16x128xf32, #tpu.memory_space<vmem>> -> memref<1x1x128xf32, #tpu.memory_space<vmem>>
        %dma_wait3A_1619 = tpu.memref_squeeze %dma_wait3A_1618 : memref<1x1x128xf32, #tpu.memory_space<vmem>> -> memref<128xf32, #tpu.memory_space<vmem>>
        %dma_wait3A_1620 = arith.constant 0 : i32
        %dma_wait3A_1621 = tpu.memref_slice %arg7[%dma_wait3A_1615, %dma_wait3A_1616, %dma_wait3A_1620] : memref<3x16x128xi32, #tpu.memory_space<vmem>> -> memref<1x1x128xi32, #tpu.memory_space<vmem>>
        %dma_wait3A_1622 = tpu.memref_squeeze %dma_wait3A_1621 : memref<1x1x128xi32, #tpu.memory_space<vmem>> -> memref<128xi32, #tpu.memory_space<vmem>>
        %dma_wait3A_1623 = arith.constant 0 : i32
        %dma_wait3A_1624 = tpu.memref_slice %arg10[%dma_wait3A_1623] : memref<100352xf32, #tpu.memory_space<vmem_shared>> -> memref<100352xf32, #tpu.memory_space<vmem_shared>>
        tpu.wait_indirect_dma semaphore(%arg16 : memref<!tpu.dma_semaphore, #tpu.memory_space<semaphore_mem>>) src(%dma_wait3A_1619 : memref<128xf32, #tpu.memory_space<vmem>>) dst(%dma_wait3A_1624 : memref<100352xf32, #tpu.memory_space<vmem_shared>>)
        %dma_wait3A_1625 = arith.constant 1 : i32
        %dma_wait3A_1626 = arith.constant 5 : i32
        %dma_wait3A_1627 = arith.constant 0 : i32
        %dma_wait3A_1628 = tpu.memref_slice %arg7[%dma_wait3A_1625, %dma_wait3A_1626, %dma_wait3A_1627] : memref<3x16x128xi32, #tpu.memory_space<vmem>> -> memref<1x1x128xi32, #tpu.memory_space<vmem>>
        %dma_wait3A_1629 = tpu.memref_squeeze %dma_wait3A_1628 : memref<1x1x128xi32, #tpu.memory_space<vmem>> -> memref<128xi32, #tpu.memory_space<vmem>>
        %dma_wait3A_1630 = arith.constant 0 : i32
        %dma_wait3A_1631 = tpu.memref_slice %arg11[%dma_wait3A_1630] : memref<100352xf32, #tpu.memory_space<vmem_shared>> -> memref<100352xf32, #tpu.memory_space<vmem_shared>>
        tpu.wait_indirect_dma semaphore(%arg16 : memref<!tpu.dma_semaphore, #tpu.memory_space<semaphore_mem>>) src(%arg8 : memref<128xf32, #tpu.memory_space<vmem>>) dst(%dma_wait3A_1631 : memref<100352xf32, #tpu.memory_space<vmem_shared>>)
        %dma_wait3A_1632 = arith.constant 1 : i32
        %dma_wait3A_1633 = arith.constant 6 : i32
        %dma_wait3A_1634 = arith.constant 1 : i32
        %dma_wait3A_1635 = arith.constant 6 : i32
        %dma_wait3A_1636 = arith.constant 0 : i32
        %dma_wait3A_1637 = tpu.memref_slice %arg6[%dma_wait3A_1632, %dma_wait3A_1633, %dma_wait3A_1636] : memref<3x16x128xf32, #tpu.memory_space<vmem>> -> memref<1x1x128xf32, #tpu.memory_space<vmem>>
        %dma_wait3A_1638 = tpu.memref_squeeze %dma_wait3A_1637 : memref<1x1x128xf32, #tpu.memory_space<vmem>> -> memref<128xf32, #tpu.memory_space<vmem>>
        %dma_wait3A_1639 = arith.constant 0 : i32
        %dma_wait3A_1640 = tpu.memref_slice %arg7[%dma_wait3A_1634, %dma_wait3A_1635, %dma_wait3A_1639] : memref<3x16x128xi32, #tpu.memory_space<vmem>> -> memref<1x1x128xi32, #tpu.memory_space<vmem>>
        %dma_wait3A_1641 = tpu.memref_squeeze %dma_wait3A_1640 : memref<1x1x128xi32, #tpu.memory_space<vmem>> -> memref<128xi32, #tpu.memory_space<vmem>>
        %dma_wait3A_1642 = arith.constant 0 : i32
        %dma_wait3A_1643 = tpu.memref_slice %arg10[%dma_wait3A_1642] : memref<100352xf32, #tpu.memory_space<vmem_shared>> -> memref<100352xf32, #tpu.memory_space<vmem_shared>>
        tpu.wait_indirect_dma semaphore(%arg16 : memref<!tpu.dma_semaphore, #tpu.memory_space<semaphore_mem>>) src(%dma_wait3A_1638 : memref<128xf32, #tpu.memory_space<vmem>>) dst(%dma_wait3A_1643 : memref<100352xf32, #tpu.memory_space<vmem_shared>>)
        %dma_wait3A_1644 = arith.constant 1 : i32
        %dma_wait3A_1645 = arith.constant 6 : i32
        %dma_wait3A_1646 = arith.constant 0 : i32
        %dma_wait3A_1647 = tpu.memref_slice %arg7[%dma_wait3A_1644, %dma_wait3A_1645, %dma_wait3A_1646] : memref<3x16x128xi32, #tpu.memory_space<vmem>> -> memref<1x1x128xi32, #tpu.memory_space<vmem>>
        %dma_wait3A_1648 = tpu.memref_squeeze %dma_wait3A_1647 : memref<1x1x128xi32, #tpu.memory_space<vmem>> -> memref<128xi32, #tpu.memory_space<vmem>>
        %dma_wait3A_1649 = arith.constant 0 : i32
        %dma_wait3A_1650 = tpu.memref_slice %arg11[%dma_wait3A_1649] : memref<100352xf32, #tpu.memory_space<vmem_shared>> -> memref<100352xf32, #tpu.memory_space<vmem_shared>>
        tpu.wait_indirect_dma semaphore(%arg16 : memref<!tpu.dma_semaphore, #tpu.memory_space<semaphore_mem>>) src(%arg8 : memref<128xf32, #tpu.memory_space<vmem>>) dst(%dma_wait3A_1650 : memref<100352xf32, #tpu.memory_space<vmem_shared>>)
        %dma_wait3A_1651 = arith.constant 1 : i32
        %dma_wait3A_1652 = arith.constant 7 : i32
        %dma_wait3A_1653 = arith.constant 1 : i32
        %dma_wait3A_1654 = arith.constant 7 : i32
        %dma_wait3A_1655 = arith.constant 0 : i32
        %dma_wait3A_1656 = tpu.memref_slice %arg6[%dma_wait3A_1651, %dma_wait3A_1652, %dma_wait3A_1655] : memref<3x16x128xf32, #tpu.memory_space<vmem>> -> memref<1x1x128xf32, #tpu.memory_space<vmem>>
        %dma_wait3A_1657 = tpu.memref_squeeze %dma_wait3A_1656 : memref<1x1x128xf32, #tpu.memory_space<vmem>> -> memref<128xf32, #tpu.memory_space<vmem>>
        %dma_wait3A_1658 = arith.constant 0 : i32
        %dma_wait3A_1659 = tpu.memref_slice %arg7[%dma_wait3A_1653, %dma_wait3A_1654, %dma_wait3A_1658] : memref<3x16x128xi32, #tpu.memory_space<vmem>> -> memref<1x1x128xi32, #tpu.memory_space<vmem>>
        %dma_wait3A_1660 = tpu.memref_squeeze %dma_wait3A_1659 : memref<1x1x128xi32, #tpu.memory_space<vmem>> -> memref<128xi32, #tpu.memory_space<vmem>>
        %dma_wait3A_1661 = arith.constant 0 : i32
        %dma_wait3A_1662 = tpu.memref_slice %arg10[%dma_wait3A_1661] : memref<100352xf32, #tpu.memory_space<vmem_shared>> -> memref<100352xf32, #tpu.memory_space<vmem_shared>>
        tpu.wait_indirect_dma semaphore(%arg16 : memref<!tpu.dma_semaphore, #tpu.memory_space<semaphore_mem>>) src(%dma_wait3A_1657 : memref<128xf32, #tpu.memory_space<vmem>>) dst(%dma_wait3A_1662 : memref<100352xf32, #tpu.memory_space<vmem_shared>>)
        %dma_wait3A_1663 = arith.constant 1 : i32
        %dma_wait3A_1664 = arith.constant 7 : i32
        %dma_wait3A_1665 = arith.constant 0 : i32
        %dma_wait3A_1666 = tpu.memref_slice %arg7[%dma_wait3A_1663, %dma_wait3A_1664, %dma_wait3A_1665] : memref<3x16x128xi32, #tpu.memory_space<vmem>> -> memref<1x1x128xi32, #tpu.memory_space<vmem>>
        %dma_wait3A_1667 = tpu.memref_squeeze %dma_wait3A_1666 : memref<1x1x128xi32, #tpu.memory_space<vmem>> -> memref<128xi32, #tpu.memory_space<vmem>>
        %dma_wait3A_1668 = arith.constant 0 : i32
        %dma_wait3A_1669 = tpu.memref_slice %arg11[%dma_wait3A_1668] : memref<100352xf32, #tpu.memory_space<vmem_shared>> -> memref<100352xf32, #tpu.memory_space<vmem_shared>>
        tpu.wait_indirect_dma semaphore(%arg16 : memref<!tpu.dma_semaphore, #tpu.memory_space<semaphore_mem>>) src(%arg8 : memref<128xf32, #tpu.memory_space<vmem>>) dst(%dma_wait3A_1669 : memref<100352xf32, #tpu.memory_space<vmem_shared>>)
        %dma_wait3A_1670 = arith.constant 1 : i32
        %dma_wait3A_1671 = arith.constant 8 : i32
        %dma_wait3A_1672 = arith.constant 1 : i32
        %dma_wait3A_1673 = arith.constant 8 : i32
        %dma_wait3A_1674 = arith.constant 0 : i32
        %dma_wait3A_1675 = tpu.memref_slice %arg6[%dma_wait3A_1670, %dma_wait3A_1671, %dma_wait3A_1674] : memref<3x16x128xf32, #tpu.memory_space<vmem>> -> memref<1x1x128xf32, #tpu.memory_space<vmem>>
        %dma_wait3A_1676 = tpu.memref_squeeze %dma_wait3A_1675 : memref<1x1x128xf32, #tpu.memory_space<vmem>> -> memref<128xf32, #tpu.memory_space<vmem>>
        %dma_wait3A_1677 = arith.constant 0 : i32
        %dma_wait3A_1678 = tpu.memref_slice %arg7[%dma_wait3A_1672, %dma_wait3A_1673, %dma_wait3A_1677] : memref<3x16x128xi32, #tpu.memory_space<vmem>> -> memref<1x1x128xi32, #tpu.memory_space<vmem>>
        %dma_wait3A_1679 = tpu.memref_squeeze %dma_wait3A_1678 : memref<1x1x128xi32, #tpu.memory_space<vmem>> -> memref<128xi32, #tpu.memory_space<vmem>>
        %dma_wait3A_1680 = arith.constant 0 : i32
        %dma_wait3A_1681 = tpu.memref_slice %arg10[%dma_wait3A_1680] : memref<100352xf32, #tpu.memory_space<vmem_shared>> -> memref<100352xf32, #tpu.memory_space<vmem_shared>>
        tpu.wait_indirect_dma semaphore(%arg16 : memref<!tpu.dma_semaphore, #tpu.memory_space<semaphore_mem>>) src(%dma_wait3A_1676 : memref<128xf32, #tpu.memory_space<vmem>>) dst(%dma_wait3A_1681 : memref<100352xf32, #tpu.memory_space<vmem_shared>>)
        %dma_wait3A_1682 = arith.constant 1 : i32
        %dma_wait3A_1683 = arith.constant 8 : i32
        %dma_wait3A_1684 = arith.constant 0 : i32
        %dma_wait3A_1685 = tpu.memref_slice %arg7[%dma_wait3A_1682, %dma_wait3A_1683, %dma_wait3A_1684] : memref<3x16x128xi32, #tpu.memory_space<vmem>> -> memref<1x1x128xi32, #tpu.memory_space<vmem>>
        %dma_wait3A_1686 = tpu.memref_squeeze %dma_wait3A_1685 : memref<1x1x128xi32, #tpu.memory_space<vmem>> -> memref<128xi32, #tpu.memory_space<vmem>>
        %dma_wait3A_1687 = arith.constant 0 : i32
        %dma_wait3A_1688 = tpu.memref_slice %arg11[%dma_wait3A_1687] : memref<100352xf32, #tpu.memory_space<vmem_shared>> -> memref<100352xf32, #tpu.memory_space<vmem_shared>>
        tpu.wait_indirect_dma semaphore(%arg16 : memref<!tpu.dma_semaphore, #tpu.memory_space<semaphore_mem>>) src(%arg8 : memref<128xf32, #tpu.memory_space<vmem>>) dst(%dma_wait3A_1688 : memref<100352xf32, #tpu.memory_space<vmem_shared>>)
        %dma_wait3A_1689 = arith.constant 1 : i32
        %dma_wait3A_1690 = arith.constant 9 : i32
        %dma_wait3A_1691 = arith.constant 1 : i32
        %dma_wait3A_1692 = arith.constant 9 : i32
        %dma_wait3A_1693 = arith.constant 0 : i32
        %dma_wait3A_1694 = tpu.memref_slice %arg6[%dma_wait3A_1689, %dma_wait3A_1690, %dma_wait3A_1693] : memref<3x16x128xf32, #tpu.memory_space<vmem>> -> memref<1x1x128xf32, #tpu.memory_space<vmem>>
        %dma_wait3A_1695 = tpu.memref_squeeze %dma_wait3A_1694 : memref<1x1x128xf32, #tpu.memory_space<vmem>> -> memref<128xf32, #tpu.memory_space<vmem>>
        %dma_wait3A_1696 = arith.constant 0 : i32
        %dma_wait3A_1697 = tpu.memref_slice %arg7[%dma_wait3A_1691, %dma_wait3A_1692, %dma_wait3A_1696] : memref<3x16x128xi32, #tpu.memory_space<vmem>> -> memref<1x1x128xi32, #tpu.memory_space<vmem>>
        %dma_wait3A_1698 = tpu.memref_squeeze %dma_wait3A_1697 : memref<1x1x128xi32, #tpu.memory_space<vmem>> -> memref<128xi32, #tpu.memory_space<vmem>>
        %dma_wait3A_1699 = arith.constant 0 : i32
        %dma_wait3A_1700 = tpu.memref_slice %arg10[%dma_wait3A_1699] : memref<100352xf32, #tpu.memory_space<vmem_shared>> -> memref<100352xf32, #tpu.memory_space<vmem_shared>>
        tpu.wait_indirect_dma semaphore(%arg16 : memref<!tpu.dma_semaphore, #tpu.memory_space<semaphore_mem>>) src(%dma_wait3A_1695 : memref<128xf32, #tpu.memory_space<vmem>>) dst(%dma_wait3A_1700 : memref<100352xf32, #tpu.memory_space<vmem_shared>>)
        %dma_wait3A_1701 = arith.constant 1 : i32
        %dma_wait3A_1702 = arith.constant 9 : i32
        %dma_wait3A_1703 = arith.constant 0 : i32
        %dma_wait3A_1704 = tpu.memref_slice %arg7[%dma_wait3A_1701, %dma_wait3A_1702, %dma_wait3A_1703] : memref<3x16x128xi32, #tpu.memory_space<vmem>> -> memref<1x1x128xi32, #tpu.memory_space<vmem>>
        %dma_wait3A_1705 = tpu.memref_squeeze %dma_wait3A_1704 : memref<1x1x128xi32, #tpu.memory_space<vmem>> -> memref<128xi32, #tpu.memory_space<vmem>>
        %dma_wait3A_1706 = arith.constant 0 : i32
        %dma_wait3A_1707 = tpu.memref_slice %arg11[%dma_wait3A_1706] : memref<100352xf32, #tpu.memory_space<vmem_shared>> -> memref<100352xf32, #tpu.memory_space<vmem_shared>>
        tpu.wait_indirect_dma semaphore(%arg16 : memref<!tpu.dma_semaphore, #tpu.memory_space<semaphore_mem>>) src(%arg8 : memref<128xf32, #tpu.memory_space<vmem>>) dst(%dma_wait3A_1707 : memref<100352xf32, #tpu.memory_space<vmem_shared>>)
        %dma_wait3A_1708 = arith.constant 1 : i32
        %dma_wait3A_1709 = arith.constant 10 : i32
        %dma_wait3A_1710 = arith.constant 1 : i32
        %dma_wait3A_1711 = arith.constant 10 : i32
        %dma_wait3A_1712 = arith.constant 0 : i32
        %dma_wait3A_1713 = tpu.memref_slice %arg6[%dma_wait3A_1708, %dma_wait3A_1709, %dma_wait3A_1712] : memref<3x16x128xf32, #tpu.memory_space<vmem>> -> memref<1x1x128xf32, #tpu.memory_space<vmem>>
        %dma_wait3A_1714 = tpu.memref_squeeze %dma_wait3A_1713 : memref<1x1x128xf32, #tpu.memory_space<vmem>> -> memref<128xf32, #tpu.memory_space<vmem>>
        %dma_wait3A_1715 = arith.constant 0 : i32
        %dma_wait3A_1716 = tpu.memref_slice %arg7[%dma_wait3A_1710, %dma_wait3A_1711, %dma_wait3A_1715] : memref<3x16x128xi32, #tpu.memory_space<vmem>> -> memref<1x1x128xi32, #tpu.memory_space<vmem>>
        %dma_wait3A_1717 = tpu.memref_squeeze %dma_wait3A_1716 : memref<1x1x128xi32, #tpu.memory_space<vmem>> -> memref<128xi32, #tpu.memory_space<vmem>>
        %dma_wait3A_1718 = arith.constant 0 : i32
        %dma_wait3A_1719 = tpu.memref_slice %arg10[%dma_wait3A_1718] : memref<100352xf32, #tpu.memory_space<vmem_shared>> -> memref<100352xf32, #tpu.memory_space<vmem_shared>>
        tpu.wait_indirect_dma semaphore(%arg16 : memref<!tpu.dma_semaphore, #tpu.memory_space<semaphore_mem>>) src(%dma_wait3A_1714 : memref<128xf32, #tpu.memory_space<vmem>>) dst(%dma_wait3A_1719 : memref<100352xf32, #tpu.memory_space<vmem_shared>>)
        %dma_wait3A_1720 = arith.constant 1 : i32
        %dma_wait3A_1721 = arith.constant 10 : i32
        %dma_wait3A_1722 = arith.constant 0 : i32
        %dma_wait3A_1723 = tpu.memref_slice %arg7[%dma_wait3A_1720, %dma_wait3A_1721, %dma_wait3A_1722] : memref<3x16x128xi32, #tpu.memory_space<vmem>> -> memref<1x1x128xi32, #tpu.memory_space<vmem>>
        %dma_wait3A_1724 = tpu.memref_squeeze %dma_wait3A_1723 : memref<1x1x128xi32, #tpu.memory_space<vmem>> -> memref<128xi32, #tpu.memory_space<vmem>>
        %dma_wait3A_1725 = arith.constant 0 : i32
        %dma_wait3A_1726 = tpu.memref_slice %arg11[%dma_wait3A_1725] : memref<100352xf32, #tpu.memory_space<vmem_shared>> -> memref<100352xf32, #tpu.memory_space<vmem_shared>>
        tpu.wait_indirect_dma semaphore(%arg16 : memref<!tpu.dma_semaphore, #tpu.memory_space<semaphore_mem>>) src(%arg8 : memref<128xf32, #tpu.memory_space<vmem>>) dst(%dma_wait3A_1726 : memref<100352xf32, #tpu.memory_space<vmem_shared>>)
        %dma_wait3A_1727 = arith.constant 1 : i32
        %dma_wait3A_1728 = arith.constant 11 : i32
        %dma_wait3A_1729 = arith.constant 1 : i32
        %dma_wait3A_1730 = arith.constant 11 : i32
        %dma_wait3A_1731 = arith.constant 0 : i32
        %dma_wait3A_1732 = tpu.memref_slice %arg6[%dma_wait3A_1727, %dma_wait3A_1728, %dma_wait3A_1731] : memref<3x16x128xf32, #tpu.memory_space<vmem>> -> memref<1x1x128xf32, #tpu.memory_space<vmem>>
        %dma_wait3A_1733 = tpu.memref_squeeze %dma_wait3A_1732 : memref<1x1x128xf32, #tpu.memory_space<vmem>> -> memref<128xf32, #tpu.memory_space<vmem>>
        %dma_wait3A_1734 = arith.constant 0 : i32
        %dma_wait3A_1735 = tpu.memref_slice %arg7[%dma_wait3A_1729, %dma_wait3A_1730, %dma_wait3A_1734] : memref<3x16x128xi32, #tpu.memory_space<vmem>> -> memref<1x1x128xi32, #tpu.memory_space<vmem>>
        %dma_wait3A_1736 = tpu.memref_squeeze %dma_wait3A_1735 : memref<1x1x128xi32, #tpu.memory_space<vmem>> -> memref<128xi32, #tpu.memory_space<vmem>>
        %dma_wait3A_1737 = arith.constant 0 : i32
        %dma_wait3A_1738 = tpu.memref_slice %arg10[%dma_wait3A_1737] : memref<100352xf32, #tpu.memory_space<vmem_shared>> -> memref<100352xf32, #tpu.memory_space<vmem_shared>>
        tpu.wait_indirect_dma semaphore(%arg16 : memref<!tpu.dma_semaphore, #tpu.memory_space<semaphore_mem>>) src(%dma_wait3A_1733 : memref<128xf32, #tpu.memory_space<vmem>>) dst(%dma_wait3A_1738 : memref<100352xf32, #tpu.memory_space<vmem_shared>>)
        %dma_wait3A_1739 = arith.constant 1 : i32
        %dma_wait3A_1740 = arith.constant 11 : i32
        %dma_wait3A_1741 = arith.constant 0 : i32
        %dma_wait3A_1742 = tpu.memref_slice %arg7[%dma_wait3A_1739, %dma_wait3A_1740, %dma_wait3A_1741] : memref<3x16x128xi32, #tpu.memory_space<vmem>> -> memref<1x1x128xi32, #tpu.memory_space<vmem>>
        %dma_wait3A_1743 = tpu.memref_squeeze %dma_wait3A_1742 : memref<1x1x128xi32, #tpu.memory_space<vmem>> -> memref<128xi32, #tpu.memory_space<vmem>>
        %dma_wait3A_1744 = arith.constant 0 : i32
        %dma_wait3A_1745 = tpu.memref_slice %arg11[%dma_wait3A_1744] : memref<100352xf32, #tpu.memory_space<vmem_shared>> -> memref<100352xf32, #tpu.memory_space<vmem_shared>>
        tpu.wait_indirect_dma semaphore(%arg16 : memref<!tpu.dma_semaphore, #tpu.memory_space<semaphore_mem>>) src(%arg8 : memref<128xf32, #tpu.memory_space<vmem>>) dst(%dma_wait3A_1745 : memref<100352xf32, #tpu.memory_space<vmem_shared>>)
        %dma_wait3A_1746 = arith.constant 1 : i32
        %dma_wait3A_1747 = arith.constant 12 : i32
        %dma_wait3A_1748 = arith.constant 1 : i32
        %dma_wait3A_1749 = arith.constant 12 : i32
        %dma_wait3A_1750 = arith.constant 0 : i32
        %dma_wait3A_1751 = tpu.memref_slice %arg6[%dma_wait3A_1746, %dma_wait3A_1747, %dma_wait3A_1750] : memref<3x16x128xf32, #tpu.memory_space<vmem>> -> memref<1x1x128xf32, #tpu.memory_space<vmem>>
        %dma_wait3A_1752 = tpu.memref_squeeze %dma_wait3A_1751 : memref<1x1x128xf32, #tpu.memory_space<vmem>> -> memref<128xf32, #tpu.memory_space<vmem>>
        %dma_wait3A_1753 = arith.constant 0 : i32
        %dma_wait3A_1754 = tpu.memref_slice %arg7[%dma_wait3A_1748, %dma_wait3A_1749, %dma_wait3A_1753] : memref<3x16x128xi32, #tpu.memory_space<vmem>> -> memref<1x1x128xi32, #tpu.memory_space<vmem>>
        %dma_wait3A_1755 = tpu.memref_squeeze %dma_wait3A_1754 : memref<1x1x128xi32, #tpu.memory_space<vmem>> -> memref<128xi32, #tpu.memory_space<vmem>>
        %dma_wait3A_1756 = arith.constant 0 : i32
        %dma_wait3A_1757 = tpu.memref_slice %arg10[%dma_wait3A_1756] : memref<100352xf32, #tpu.memory_space<vmem_shared>> -> memref<100352xf32, #tpu.memory_space<vmem_shared>>
        tpu.wait_indirect_dma semaphore(%arg16 : memref<!tpu.dma_semaphore, #tpu.memory_space<semaphore_mem>>) src(%dma_wait3A_1752 : memref<128xf32, #tpu.memory_space<vmem>>) dst(%dma_wait3A_1757 : memref<100352xf32, #tpu.memory_space<vmem_shared>>)
        %dma_wait3A_1758 = arith.constant 1 : i32
        %dma_wait3A_1759 = arith.constant 12 : i32
        %dma_wait3A_1760 = arith.constant 0 : i32
        %dma_wait3A_1761 = tpu.memref_slice %arg7[%dma_wait3A_1758, %dma_wait3A_1759, %dma_wait3A_1760] : memref<3x16x128xi32, #tpu.memory_space<vmem>> -> memref<1x1x128xi32, #tpu.memory_space<vmem>>
        %dma_wait3A_1762 = tpu.memref_squeeze %dma_wait3A_1761 : memref<1x1x128xi32, #tpu.memory_space<vmem>> -> memref<128xi32, #tpu.memory_space<vmem>>
        %dma_wait3A_1763 = arith.constant 0 : i32
        %dma_wait3A_1764 = tpu.memref_slice %arg11[%dma_wait3A_1763] : memref<100352xf32, #tpu.memory_space<vmem_shared>> -> memref<100352xf32, #tpu.memory_space<vmem_shared>>
        tpu.wait_indirect_dma semaphore(%arg16 : memref<!tpu.dma_semaphore, #tpu.memory_space<semaphore_mem>>) src(%arg8 : memref<128xf32, #tpu.memory_space<vmem>>) dst(%dma_wait3A_1764 : memref<100352xf32, #tpu.memory_space<vmem_shared>>)
        %dma_wait3A_1765 = arith.constant 1 : i32
        %dma_wait3A_1766 = arith.constant 13 : i32
        %dma_wait3A_1767 = arith.constant 1 : i32
        %dma_wait3A_1768 = arith.constant 13 : i32
        %dma_wait3A_1769 = arith.constant 0 : i32
        %dma_wait3A_1770 = tpu.memref_slice %arg6[%dma_wait3A_1765, %dma_wait3A_1766, %dma_wait3A_1769] : memref<3x16x128xf32, #tpu.memory_space<vmem>> -> memref<1x1x128xf32, #tpu.memory_space<vmem>>
        %dma_wait3A_1771 = tpu.memref_squeeze %dma_wait3A_1770 : memref<1x1x128xf32, #tpu.memory_space<vmem>> -> memref<128xf32, #tpu.memory_space<vmem>>
        %dma_wait3A_1772 = arith.constant 0 : i32
        %dma_wait3A_1773 = tpu.memref_slice %arg7[%dma_wait3A_1767, %dma_wait3A_1768, %dma_wait3A_1772] : memref<3x16x128xi32, #tpu.memory_space<vmem>> -> memref<1x1x128xi32, #tpu.memory_space<vmem>>
        %dma_wait3A_1774 = tpu.memref_squeeze %dma_wait3A_1773 : memref<1x1x128xi32, #tpu.memory_space<vmem>> -> memref<128xi32, #tpu.memory_space<vmem>>
        %dma_wait3A_1775 = arith.constant 0 : i32
        %dma_wait3A_1776 = tpu.memref_slice %arg10[%dma_wait3A_1775] : memref<100352xf32, #tpu.memory_space<vmem_shared>> -> memref<100352xf32, #tpu.memory_space<vmem_shared>>
        tpu.wait_indirect_dma semaphore(%arg16 : memref<!tpu.dma_semaphore, #tpu.memory_space<semaphore_mem>>) src(%dma_wait3A_1771 : memref<128xf32, #tpu.memory_space<vmem>>) dst(%dma_wait3A_1776 : memref<100352xf32, #tpu.memory_space<vmem_shared>>)
        %dma_wait3A_1777 = arith.constant 1 : i32
        %dma_wait3A_1778 = arith.constant 13 : i32
        %dma_wait3A_1779 = arith.constant 0 : i32
        %dma_wait3A_1780 = tpu.memref_slice %arg7[%dma_wait3A_1777, %dma_wait3A_1778, %dma_wait3A_1779] : memref<3x16x128xi32, #tpu.memory_space<vmem>> -> memref<1x1x128xi32, #tpu.memory_space<vmem>>
        %dma_wait3A_1781 = tpu.memref_squeeze %dma_wait3A_1780 : memref<1x1x128xi32, #tpu.memory_space<vmem>> -> memref<128xi32, #tpu.memory_space<vmem>>
        %dma_wait3A_1782 = arith.constant 0 : i32
        %dma_wait3A_1783 = tpu.memref_slice %arg11[%dma_wait3A_1782] : memref<100352xf32, #tpu.memory_space<vmem_shared>> -> memref<100352xf32, #tpu.memory_space<vmem_shared>>
        tpu.wait_indirect_dma semaphore(%arg16 : memref<!tpu.dma_semaphore, #tpu.memory_space<semaphore_mem>>) src(%arg8 : memref<128xf32, #tpu.memory_space<vmem>>) dst(%dma_wait3A_1783 : memref<100352xf32, #tpu.memory_space<vmem_shared>>)
        %dma_wait3A_1784 = arith.constant 1 : i32
        %dma_wait3A_1785 = arith.constant 14 : i32
        %dma_wait3A_1786 = arith.constant 1 : i32
        %dma_wait3A_1787 = arith.constant 14 : i32
        %dma_wait3A_1788 = arith.constant 0 : i32
        %dma_wait3A_1789 = tpu.memref_slice %arg6[%dma_wait3A_1784, %dma_wait3A_1785, %dma_wait3A_1788] : memref<3x16x128xf32, #tpu.memory_space<vmem>> -> memref<1x1x128xf32, #tpu.memory_space<vmem>>
        %dma_wait3A_1790 = tpu.memref_squeeze %dma_wait3A_1789 : memref<1x1x128xf32, #tpu.memory_space<vmem>> -> memref<128xf32, #tpu.memory_space<vmem>>
        %dma_wait3A_1791 = arith.constant 0 : i32
        %dma_wait3A_1792 = tpu.memref_slice %arg7[%dma_wait3A_1786, %dma_wait3A_1787, %dma_wait3A_1791] : memref<3x16x128xi32, #tpu.memory_space<vmem>> -> memref<1x1x128xi32, #tpu.memory_space<vmem>>
        %dma_wait3A_1793 = tpu.memref_squeeze %dma_wait3A_1792 : memref<1x1x128xi32, #tpu.memory_space<vmem>> -> memref<128xi32, #tpu.memory_space<vmem>>
        %dma_wait3A_1794 = arith.constant 0 : i32
        %dma_wait3A_1795 = tpu.memref_slice %arg10[%dma_wait3A_1794] : memref<100352xf32, #tpu.memory_space<vmem_shared>> -> memref<100352xf32, #tpu.memory_space<vmem_shared>>
        tpu.wait_indirect_dma semaphore(%arg16 : memref<!tpu.dma_semaphore, #tpu.memory_space<semaphore_mem>>) src(%dma_wait3A_1790 : memref<128xf32, #tpu.memory_space<vmem>>) dst(%dma_wait3A_1795 : memref<100352xf32, #tpu.memory_space<vmem_shared>>)
        %dma_wait3A_1796 = arith.constant 1 : i32
        %dma_wait3A_1797 = arith.constant 14 : i32
        %dma_wait3A_1798 = arith.constant 0 : i32
        %dma_wait3A_1799 = tpu.memref_slice %arg7[%dma_wait3A_1796, %dma_wait3A_1797, %dma_wait3A_1798] : memref<3x16x128xi32, #tpu.memory_space<vmem>> -> memref<1x1x128xi32, #tpu.memory_space<vmem>>
        %dma_wait3A_1800 = tpu.memref_squeeze %dma_wait3A_1799 : memref<1x1x128xi32, #tpu.memory_space<vmem>> -> memref<128xi32, #tpu.memory_space<vmem>>
        %dma_wait3A_1801 = arith.constant 0 : i32
        %dma_wait3A_1802 = tpu.memref_slice %arg11[%dma_wait3A_1801] : memref<100352xf32, #tpu.memory_space<vmem_shared>> -> memref<100352xf32, #tpu.memory_space<vmem_shared>>
        tpu.wait_indirect_dma semaphore(%arg16 : memref<!tpu.dma_semaphore, #tpu.memory_space<semaphore_mem>>) src(%arg8 : memref<128xf32, #tpu.memory_space<vmem>>) dst(%dma_wait3A_1802 : memref<100352xf32, #tpu.memory_space<vmem_shared>>)
        %dma_wait3A_1803 = arith.constant 1 : i32
        %dma_wait3A_1804 = arith.constant 15 : i32
        %dma_wait3A_1805 = arith.constant 1 : i32
        %dma_wait3A_1806 = arith.constant 15 : i32
        %dma_wait3A_1807 = arith.constant 0 : i32
        %dma_wait3A_1808 = tpu.memref_slice %arg6[%dma_wait3A_1803, %dma_wait3A_1804, %dma_wait3A_1807] : memref<3x16x128xf32, #tpu.memory_space<vmem>> -> memref<1x1x128xf32, #tpu.memory_space<vmem>>
        %dma_wait3A_1809 = tpu.memref_squeeze %dma_wait3A_1808 : memref<1x1x128xf32, #tpu.memory_space<vmem>> -> memref<128xf32, #tpu.memory_space<vmem>>
        %dma_wait3A_1810 = arith.constant 0 : i32
        %dma_wait3A_1811 = tpu.memref_slice %arg7[%dma_wait3A_1805, %dma_wait3A_1806, %dma_wait3A_1810] : memref<3x16x128xi32, #tpu.memory_space<vmem>> -> memref<1x1x128xi32, #tpu.memory_space<vmem>>
        %dma_wait3A_1812 = tpu.memref_squeeze %dma_wait3A_1811 : memref<1x1x128xi32, #tpu.memory_space<vmem>> -> memref<128xi32, #tpu.memory_space<vmem>>
        %dma_wait3A_1813 = arith.constant 0 : i32
        %dma_wait3A_1814 = tpu.memref_slice %arg10[%dma_wait3A_1813] : memref<100352xf32, #tpu.memory_space<vmem_shared>> -> memref<100352xf32, #tpu.memory_space<vmem_shared>>
        tpu.wait_indirect_dma semaphore(%arg16 : memref<!tpu.dma_semaphore, #tpu.memory_space<semaphore_mem>>) src(%dma_wait3A_1809 : memref<128xf32, #tpu.memory_space<vmem>>) dst(%dma_wait3A_1814 : memref<100352xf32, #tpu.memory_space<vmem_shared>>)
        %dma_wait3A_1815 = arith.constant 1 : i32
        %dma_wait3A_1816 = arith.constant 15 : i32
        %dma_wait3A_1817 = arith.constant 0 : i32
        %dma_wait3A_1818 = tpu.memref_slice %arg7[%dma_wait3A_1815, %dma_wait3A_1816, %dma_wait3A_1817] : memref<3x16x128xi32, #tpu.memory_space<vmem>> -> memref<1x1x128xi32, #tpu.memory_space<vmem>>
        %dma_wait3A_1819 = tpu.memref_squeeze %dma_wait3A_1818 : memref<1x1x128xi32, #tpu.memory_space<vmem>> -> memref<128xi32, #tpu.memory_space<vmem>>
        %dma_wait3A_1820 = arith.constant 0 : i32
        %dma_wait3A_1821 = tpu.memref_slice %arg11[%dma_wait3A_1820] : memref<100352xf32, #tpu.memory_space<vmem_shared>> -> memref<100352xf32, #tpu.memory_space<vmem_shared>>
        tpu.wait_indirect_dma semaphore(%arg16 : memref<!tpu.dma_semaphore, #tpu.memory_space<semaphore_mem>>) src(%arg8 : memref<128xf32, #tpu.memory_space<vmem>>) dst(%dma_wait3A_1821 : memref<100352xf32, #tpu.memory_space<vmem_shared>>)
      } else {
      }
      %ge3A_1508 = arith.constant 1 : i32
      %ge3A_1509 = arith.cmpi sge, %add3A_1168, %ge3A_1508 : i32
      %add3A_1510 = arith.constant 2 : i32
      %add3A_1511 = arith.addi %add3A_1168, %add3A_1510 : i32
      %lt3A_1512 = arith.constant 99 : i32
      %lt3A_1513 = arith.cmpi slt, %add3A_1511, %lt3A_1512 : i32
      %and3A_1514 = arith.andi %ge3A_1509, %lt3A_1513 : i1
      %convert_element_type3A_1515 = arith.extui %and3A_1514 : i1 to i32
      %cond3A_1516 = arith.constant 0 : i32
      %cond3A_1517 = arith.cmpi ne, %convert_element_type3A_1515, %cond3A_1516 : i32
      scf.if %cond3A_1517 {
        %add3A_1518 = arith.constant 2 : i32
        %add3A_1519 = arith.addi %add3A_1168, %add3A_1518 : i32
        %mul3A_1520 = arith.constant 16 : i32
        %mul3A_1521 = arith.muli %add3A_1519, %mul3A_1520 : i32
        %add3A_1522 = arith.addi %mul3A_67, %mul3A_1521 : i32
        %dma_start3A_1523 = arith.constant 1 : i32
        %dma_start3A_1524 = arith.constant 0 : i32
        %dma_start3A_1525 = arith.constant 0 : i32
        %dma_start3A_1526 = tpu.memref_slice %arg6[%dma_start3A_1523, %dma_start3A_1524, %dma_start3A_1525] : memref<3x16x128xf32, #tpu.memory_space<vmem>> -> memref<1x16x128xf32, #tpu.memory_space<vmem>>
        %dma_start3A_1527 = tpu.memref_squeeze %dma_start3A_1526 : memref<1x16x128xf32, #tpu.memory_space<vmem>> -> memref<16x128xf32, #tpu.memory_space<vmem>>
        %dma_start3A_1528 = arith.constant 0 : i32
        %dma_start3A_1529 = tpu.memref_slice %arg2[%add3A_1522, %dma_start3A_1528] : memref<50688x128xf32, #tpu.memory_space<hbm>> -> memref<16x128xf32, #tpu.memory_space<hbm>>
        %dma_start3A_1530 = arith.constant 0 : i32
        %dma_start3A_1531 = arith.constant 0 : i32
        %dma_start3A_1532 = tpu.memref_slice %arg6[%dma_start3A_1523, %dma_start3A_1530, %dma_start3A_1531] : memref<3x16x128xf32, #tpu.memory_space<vmem>> -> memref<1x16x128xf32, #tpu.memory_space<vmem>>
        %dma_start3A_1533 = tpu.memref_squeeze %dma_start3A_1532 : memref<1x16x128xf32, #tpu.memory_space<vmem>> -> memref<16x128xf32, #tpu.memory_space<vmem>>
        %dma_start3A_1534 = arith.constant 0 : i32
        %dma_start3A_1535 = tpu.memref_slice %arg2[%add3A_1522, %dma_start3A_1534] : memref<50688x128xf32, #tpu.memory_space<hbm>> -> memref<16x128xf32, #tpu.memory_space<hbm>>
        tpu.enqueue_dma source(%dma_start3A_1535 : memref<16x128xf32, #tpu.memory_space<hbm>>) target(%dma_start3A_1533 : memref<16x128xf32, #tpu.memory_space<vmem>>) target_semaphore(%arg13 : memref<!tpu.dma_semaphore, #tpu.memory_space<semaphore_mem>>)
        %dma_start3A_1536 = arith.constant 1 : i32
        %dma_start3A_1537 = arith.constant 0 : i32
        %dma_start3A_1538 = arith.constant 0 : i32
        %dma_start3A_1539 = tpu.memref_slice %arg7[%dma_start3A_1536, %dma_start3A_1537, %dma_start3A_1538] : memref<3x16x128xi32, #tpu.memory_space<vmem>> -> memref<1x16x128xi32, #tpu.memory_space<vmem>>
        %dma_start3A_1540 = tpu.memref_squeeze %dma_start3A_1539 : memref<1x16x128xi32, #tpu.memory_space<vmem>> -> memref<16x128xi32, #tpu.memory_space<vmem>>
        %dma_start3A_1541 = arith.constant 0 : i32
        %dma_start3A_1542 = tpu.memref_slice %arg3[%add3A_1522, %dma_start3A_1541] : memref<50688x128xi32, #tpu.memory_space<hbm>> -> memref<16x128xi32, #tpu.memory_space<hbm>>
        %dma_start3A_1543 = arith.constant 0 : i32
        %dma_start3A_1544 = arith.constant 0 : i32
        %dma_start3A_1545 = tpu.memref_slice %arg7[%dma_start3A_1536, %dma_start3A_1543, %dma_start3A_1544] : memref<3x16x128xi32, #tpu.memory_space<vmem>> -> memref<1x16x128xi32, #tpu.memory_space<vmem>>
        %dma_start3A_1546 = tpu.memref_squeeze %dma_start3A_1545 : memref<1x16x128xi32, #tpu.memory_space<vmem>> -> memref<16x128xi32, #tpu.memory_space<vmem>>
        %dma_start3A_1547 = arith.constant 0 : i32
        %dma_start3A_1548 = tpu.memref_slice %arg3[%add3A_1522, %dma_start3A_1547] : memref<50688x128xi32, #tpu.memory_space<hbm>> -> memref<16x128xi32, #tpu.memory_space<hbm>>
        tpu.enqueue_dma source(%dma_start3A_1548 : memref<16x128xi32, #tpu.memory_space<hbm>>) target(%dma_start3A_1546 : memref<16x128xi32, #tpu.memory_space<vmem>>) target_semaphore(%arg13 : memref<!tpu.dma_semaphore, #tpu.memory_space<semaphore_mem>>)
      } else {
      }
    }
    %scan3A_156 = arith.constant 33 : i32
    %dma_wait3A = arith.constant 2 : i32
    %dma_wait3A_157 = arith.constant 0 : i32
    %dma_wait3A_158 = arith.constant 2 : i32
    %dma_wait3A_159 = arith.constant 0 : i32
    %dma_wait3A_160 = arith.constant 0 : i32
    %dma_wait3A_161 = tpu.memref_slice %arg6[%dma_wait3A, %dma_wait3A_157, %dma_wait3A_160] : memref<3x16x128xf32, #tpu.memory_space<vmem>> -> memref<1x1x128xf32, #tpu.memory_space<vmem>>
    %dma_wait3A_162 = tpu.memref_squeeze %dma_wait3A_161 : memref<1x1x128xf32, #tpu.memory_space<vmem>> -> memref<128xf32, #tpu.memory_space<vmem>>
    %dma_wait3A_163 = arith.constant 0 : i32
    %dma_wait3A_164 = tpu.memref_slice %arg7[%dma_wait3A_158, %dma_wait3A_159, %dma_wait3A_163] : memref<3x16x128xi32, #tpu.memory_space<vmem>> -> memref<1x1x128xi32, #tpu.memory_space<vmem>>
    %dma_wait3A_165 = tpu.memref_squeeze %dma_wait3A_164 : memref<1x1x128xi32, #tpu.memory_space<vmem>> -> memref<128xi32, #tpu.memory_space<vmem>>
    %dma_wait3A_166 = arith.constant 0 : i32
    %dma_wait3A_167 = tpu.memref_slice %arg10[%dma_wait3A_166] : memref<100352xf32, #tpu.memory_space<vmem_shared>> -> memref<100352xf32, #tpu.memory_space<vmem_shared>>
    tpu.wait_indirect_dma semaphore(%arg17 : memref<!tpu.dma_semaphore, #tpu.memory_space<semaphore_mem>>) src(%dma_wait3A_162 : memref<128xf32, #tpu.memory_space<vmem>>) dst(%dma_wait3A_167 : memref<100352xf32, #tpu.memory_space<vmem_shared>>)
    %dma_wait3A_168 = arith.constant 2 : i32
    %dma_wait3A_169 = arith.constant 0 : i32
    %dma_wait3A_170 = arith.constant 0 : i32
    %dma_wait3A_171 = tpu.memref_slice %arg7[%dma_wait3A_168, %dma_wait3A_169, %dma_wait3A_170] : memref<3x16x128xi32, #tpu.memory_space<vmem>> -> memref<1x1x128xi32, #tpu.memory_space<vmem>>
    %dma_wait3A_172 = tpu.memref_squeeze %dma_wait3A_171 : memref<1x1x128xi32, #tpu.memory_space<vmem>> -> memref<128xi32, #tpu.memory_space<vmem>>
    %dma_wait3A_173 = arith.constant 0 : i32
    %dma_wait3A_174 = tpu.memref_slice %arg11[%dma_wait3A_173] : memref<100352xf32, #tpu.memory_space<vmem_shared>> -> memref<100352xf32, #tpu.memory_space<vmem_shared>>
    tpu.wait_indirect_dma semaphore(%arg17 : memref<!tpu.dma_semaphore, #tpu.memory_space<semaphore_mem>>) src(%arg8 : memref<128xf32, #tpu.memory_space<vmem>>) dst(%dma_wait3A_174 : memref<100352xf32, #tpu.memory_space<vmem_shared>>)
    %dma_wait3A_175 = arith.constant 2 : i32
    %dma_wait3A_176 = arith.constant 1 : i32
    %dma_wait3A_177 = arith.constant 2 : i32
    %dma_wait3A_178 = arith.constant 1 : i32
    %dma_wait3A_179 = arith.constant 0 : i32
    %dma_wait3A_180 = tpu.memref_slice %arg6[%dma_wait3A_175, %dma_wait3A_176, %dma_wait3A_179] : memref<3x16x128xf32, #tpu.memory_space<vmem>> -> memref<1x1x128xf32, #tpu.memory_space<vmem>>
    %dma_wait3A_181 = tpu.memref_squeeze %dma_wait3A_180 : memref<1x1x128xf32, #tpu.memory_space<vmem>> -> memref<128xf32, #tpu.memory_space<vmem>>
    %dma_wait3A_182 = arith.constant 0 : i32
    %dma_wait3A_183 = tpu.memref_slice %arg7[%dma_wait3A_177, %dma_wait3A_178, %dma_wait3A_182] : memref<3x16x128xi32, #tpu.memory_space<vmem>> -> memref<1x1x128xi32, #tpu.memory_space<vmem>>
    %dma_wait3A_184 = tpu.memref_squeeze %dma_wait3A_183 : memref<1x1x128xi32, #tpu.memory_space<vmem>> -> memref<128xi32, #tpu.memory_space<vmem>>
    %dma_wait3A_185 = arith.constant 0 : i32
    %dma_wait3A_186 = tpu.memref_slice %arg10[%dma_wait3A_185] : memref<100352xf32, #tpu.memory_space<vmem_shared>> -> memref<100352xf32, #tpu.memory_space<vmem_shared>>
    tpu.wait_indirect_dma semaphore(%arg17 : memref<!tpu.dma_semaphore, #tpu.memory_space<semaphore_mem>>) src(%dma_wait3A_181 : memref<128xf32, #tpu.memory_space<vmem>>) dst(%dma_wait3A_186 : memref<100352xf32, #tpu.memory_space<vmem_shared>>)
    %dma_wait3A_187 = arith.constant 2 : i32
    %dma_wait3A_188 = arith.constant 1 : i32
    %dma_wait3A_189 = arith.constant 0 : i32
    %dma_wait3A_190 = tpu.memref_slice %arg7[%dma_wait3A_187, %dma_wait3A_188, %dma_wait3A_189] : memref<3x16x128xi32, #tpu.memory_space<vmem>> -> memref<1x1x128xi32, #tpu.memory_space<vmem>>
    %dma_wait3A_191 = tpu.memref_squeeze %dma_wait3A_190 : memref<1x1x128xi32, #tpu.memory_space<vmem>> -> memref<128xi32, #tpu.memory_space<vmem>>
    %dma_wait3A_192 = arith.constant 0 : i32
    %dma_wait3A_193 = tpu.memref_slice %arg11[%dma_wait3A_192] : memref<100352xf32, #tpu.memory_space<vmem_shared>> -> memref<100352xf32, #tpu.memory_space<vmem_shared>>
    tpu.wait_indirect_dma semaphore(%arg17 : memref<!tpu.dma_semaphore, #tpu.memory_space<semaphore_mem>>) src(%arg8 : memref<128xf32, #tpu.memory_space<vmem>>) dst(%dma_wait3A_193 : memref<100352xf32, #tpu.memory_space<vmem_shared>>)
    %dma_wait3A_194 = arith.constant 2 : i32
    %dma_wait3A_195 = arith.constant 2 : i32
    %dma_wait3A_196 = arith.constant 2 : i32
    %dma_wait3A_197 = arith.constant 2 : i32
    %dma_wait3A_198 = arith.constant 0 : i32
    %dma_wait3A_199 = tpu.memref_slice %arg6[%dma_wait3A_194, %dma_wait3A_195, %dma_wait3A_198] : memref<3x16x128xf32, #tpu.memory_space<vmem>> -> memref<1x1x128xf32, #tpu.memory_space<vmem>>
    %dma_wait3A_200 = tpu.memref_squeeze %dma_wait3A_199 : memref<1x1x128xf32, #tpu.memory_space<vmem>> -> memref<128xf32, #tpu.memory_space<vmem>>
    %dma_wait3A_201 = arith.constant 0 : i32
    %dma_wait3A_202 = tpu.memref_slice %arg7[%dma_wait3A_196, %dma_wait3A_197, %dma_wait3A_201] : memref<3x16x128xi32, #tpu.memory_space<vmem>> -> memref<1x1x128xi32, #tpu.memory_space<vmem>>
    %dma_wait3A_203 = tpu.memref_squeeze %dma_wait3A_202 : memref<1x1x128xi32, #tpu.memory_space<vmem>> -> memref<128xi32, #tpu.memory_space<vmem>>
    %dma_wait3A_204 = arith.constant 0 : i32
    %dma_wait3A_205 = tpu.memref_slice %arg10[%dma_wait3A_204] : memref<100352xf32, #tpu.memory_space<vmem_shared>> -> memref<100352xf32, #tpu.memory_space<vmem_shared>>
    tpu.wait_indirect_dma semaphore(%arg17 : memref<!tpu.dma_semaphore, #tpu.memory_space<semaphore_mem>>) src(%dma_wait3A_200 : memref<128xf32, #tpu.memory_space<vmem>>) dst(%dma_wait3A_205 : memref<100352xf32, #tpu.memory_space<vmem_shared>>)
    %dma_wait3A_206 = arith.constant 2 : i32
    %dma_wait3A_207 = arith.constant 2 : i32
    %dma_wait3A_208 = arith.constant 0 : i32
    %dma_wait3A_209 = tpu.memref_slice %arg7[%dma_wait3A_206, %dma_wait3A_207, %dma_wait3A_208] : memref<3x16x128xi32, #tpu.memory_space<vmem>> -> memref<1x1x128xi32, #tpu.memory_space<vmem>>
    %dma_wait3A_210 = tpu.memref_squeeze %dma_wait3A_209 : memref<1x1x128xi32, #tpu.memory_space<vmem>> -> memref<128xi32, #tpu.memory_space<vmem>>
    %dma_wait3A_211 = arith.constant 0 : i32
    %dma_wait3A_212 = tpu.memref_slice %arg11[%dma_wait3A_211] : memref<100352xf32, #tpu.memory_space<vmem_shared>> -> memref<100352xf32, #tpu.memory_space<vmem_shared>>
    tpu.wait_indirect_dma semaphore(%arg17 : memref<!tpu.dma_semaphore, #tpu.memory_space<semaphore_mem>>) src(%arg8 : memref<128xf32, #tpu.memory_space<vmem>>) dst(%dma_wait3A_212 : memref<100352xf32, #tpu.memory_space<vmem_shared>>)
    %dma_wait3A_213 = arith.constant 2 : i32
    %dma_wait3A_214 = arith.constant 3 : i32
    %dma_wait3A_215 = arith.constant 2 : i32
    %dma_wait3A_216 = arith.constant 3 : i32
    %dma_wait3A_217 = arith.constant 0 : i32
    %dma_wait3A_218 = tpu.memref_slice %arg6[%dma_wait3A_213, %dma_wait3A_214, %dma_wait3A_217] : memref<3x16x128xf32, #tpu.memory_space<vmem>> -> memref<1x1x128xf32, #tpu.memory_space<vmem>>
    %dma_wait3A_219 = tpu.memref_squeeze %dma_wait3A_218 : memref<1x1x128xf32, #tpu.memory_space<vmem>> -> memref<128xf32, #tpu.memory_space<vmem>>
    %dma_wait3A_220 = arith.constant 0 : i32
    %dma_wait3A_221 = tpu.memref_slice %arg7[%dma_wait3A_215, %dma_wait3A_216, %dma_wait3A_220] : memref<3x16x128xi32, #tpu.memory_space<vmem>> -> memref<1x1x128xi32, #tpu.memory_space<vmem>>
    %dma_wait3A_222 = tpu.memref_squeeze %dma_wait3A_221 : memref<1x1x128xi32, #tpu.memory_space<vmem>> -> memref<128xi32, #tpu.memory_space<vmem>>
    %dma_wait3A_223 = arith.constant 0 : i32
    %dma_wait3A_224 = tpu.memref_slice %arg10[%dma_wait3A_223] : memref<100352xf32, #tpu.memory_space<vmem_shared>> -> memref<100352xf32, #tpu.memory_space<vmem_shared>>
    tpu.wait_indirect_dma semaphore(%arg17 : memref<!tpu.dma_semaphore, #tpu.memory_space<semaphore_mem>>) src(%dma_wait3A_219 : memref<128xf32, #tpu.memory_space<vmem>>) dst(%dma_wait3A_224 : memref<100352xf32, #tpu.memory_space<vmem_shared>>)
    %dma_wait3A_225 = arith.constant 2 : i32
    %dma_wait3A_226 = arith.constant 3 : i32
    %dma_wait3A_227 = arith.constant 0 : i32
    %dma_wait3A_228 = tpu.memref_slice %arg7[%dma_wait3A_225, %dma_wait3A_226, %dma_wait3A_227] : memref<3x16x128xi32, #tpu.memory_space<vmem>> -> memref<1x1x128xi32, #tpu.memory_space<vmem>>
    %dma_wait3A_229 = tpu.memref_squeeze %dma_wait3A_228 : memref<1x1x128xi32, #tpu.memory_space<vmem>> -> memref<128xi32, #tpu.memory_space<vmem>>
    %dma_wait3A_230 = arith.constant 0 : i32
    %dma_wait3A_231 = tpu.memref_slice %arg11[%dma_wait3A_230] : memref<100352xf32, #tpu.memory_space<vmem_shared>> -> memref<100352xf32, #tpu.memory_space<vmem_shared>>
    tpu.wait_indirect_dma semaphore(%arg17 : memref<!tpu.dma_semaphore, #tpu.memory_space<semaphore_mem>>) src(%arg8 : memref<128xf32, #tpu.memory_space<vmem>>) dst(%dma_wait3A_231 : memref<100352xf32, #tpu.memory_space<vmem_shared>>)
    %dma_wait3A_232 = arith.constant 2 : i32
    %dma_wait3A_233 = arith.constant 4 : i32
    %dma_wait3A_234 = arith.constant 2 : i32
    %dma_wait3A_235 = arith.constant 4 : i32
    %dma_wait3A_236 = arith.constant 0 : i32
    %dma_wait3A_237 = tpu.memref_slice %arg6[%dma_wait3A_232, %dma_wait3A_233, %dma_wait3A_236] : memref<3x16x128xf32, #tpu.memory_space<vmem>> -> memref<1x1x128xf32, #tpu.memory_space<vmem>>
    %dma_wait3A_238 = tpu.memref_squeeze %dma_wait3A_237 : memref<1x1x128xf32, #tpu.memory_space<vmem>> -> memref<128xf32, #tpu.memory_space<vmem>>
    %dma_wait3A_239 = arith.constant 0 : i32
    %dma_wait3A_240 = tpu.memref_slice %arg7[%dma_wait3A_234, %dma_wait3A_235, %dma_wait3A_239] : memref<3x16x128xi32, #tpu.memory_space<vmem>> -> memref<1x1x128xi32, #tpu.memory_space<vmem>>
    %dma_wait3A_241 = tpu.memref_squeeze %dma_wait3A_240 : memref<1x1x128xi32, #tpu.memory_space<vmem>> -> memref<128xi32, #tpu.memory_space<vmem>>
    %dma_wait3A_242 = arith.constant 0 : i32
    %dma_wait3A_243 = tpu.memref_slice %arg10[%dma_wait3A_242] : memref<100352xf32, #tpu.memory_space<vmem_shared>> -> memref<100352xf32, #tpu.memory_space<vmem_shared>>
    tpu.wait_indirect_dma semaphore(%arg17 : memref<!tpu.dma_semaphore, #tpu.memory_space<semaphore_mem>>) src(%dma_wait3A_238 : memref<128xf32, #tpu.memory_space<vmem>>) dst(%dma_wait3A_243 : memref<100352xf32, #tpu.memory_space<vmem_shared>>)
    %dma_wait3A_244 = arith.constant 2 : i32
    %dma_wait3A_245 = arith.constant 4 : i32
    %dma_wait3A_246 = arith.constant 0 : i32
    %dma_wait3A_247 = tpu.memref_slice %arg7[%dma_wait3A_244, %dma_wait3A_245, %dma_wait3A_246] : memref<3x16x128xi32, #tpu.memory_space<vmem>> -> memref<1x1x128xi32, #tpu.memory_space<vmem>>
    %dma_wait3A_248 = tpu.memref_squeeze %dma_wait3A_247 : memref<1x1x128xi32, #tpu.memory_space<vmem>> -> memref<128xi32, #tpu.memory_space<vmem>>
    %dma_wait3A_249 = arith.constant 0 : i32
    %dma_wait3A_250 = tpu.memref_slice %arg11[%dma_wait3A_249] : memref<100352xf32, #tpu.memory_space<vmem_shared>> -> memref<100352xf32, #tpu.memory_space<vmem_shared>>
    tpu.wait_indirect_dma semaphore(%arg17 : memref<!tpu.dma_semaphore, #tpu.memory_space<semaphore_mem>>) src(%arg8 : memref<128xf32, #tpu.memory_space<vmem>>) dst(%dma_wait3A_250 : memref<100352xf32, #tpu.memory_space<vmem_shared>>)
    %dma_wait3A_251 = arith.constant 2 : i32
    %dma_wait3A_252 = arith.constant 5 : i32
    %dma_wait3A_253 = arith.constant 2 : i32
    %dma_wait3A_254 = arith.constant 5 : i32
    %dma_wait3A_255 = arith.constant 0 : i32
    %dma_wait3A_256 = tpu.memref_slice %arg6[%dma_wait3A_251, %dma_wait3A_252, %dma_wait3A_255] : memref<3x16x128xf32, #tpu.memory_space<vmem>> -> memref<1x1x128xf32, #tpu.memory_space<vmem>>
    %dma_wait3A_257 = tpu.memref_squeeze %dma_wait3A_256 : memref<1x1x128xf32, #tpu.memory_space<vmem>> -> memref<128xf32, #tpu.memory_space<vmem>>
    %dma_wait3A_258 = arith.constant 0 : i32
    %dma_wait3A_259 = tpu.memref_slice %arg7[%dma_wait3A_253, %dma_wait3A_254, %dma_wait3A_258] : memref<3x16x128xi32, #tpu.memory_space<vmem>> -> memref<1x1x128xi32, #tpu.memory_space<vmem>>
    %dma_wait3A_260 = tpu.memref_squeeze %dma_wait3A_259 : memref<1x1x128xi32, #tpu.memory_space<vmem>> -> memref<128xi32, #tpu.memory_space<vmem>>
    %dma_wait3A_261 = arith.constant 0 : i32
    %dma_wait3A_262 = tpu.memref_slice %arg10[%dma_wait3A_261] : memref<100352xf32, #tpu.memory_space<vmem_shared>> -> memref<100352xf32, #tpu.memory_space<vmem_shared>>
    tpu.wait_indirect_dma semaphore(%arg17 : memref<!tpu.dma_semaphore, #tpu.memory_space<semaphore_mem>>) src(%dma_wait3A_257 : memref<128xf32, #tpu.memory_space<vmem>>) dst(%dma_wait3A_262 : memref<100352xf32, #tpu.memory_space<vmem_shared>>)
    %dma_wait3A_263 = arith.constant 2 : i32
    %dma_wait3A_264 = arith.constant 5 : i32
    %dma_wait3A_265 = arith.constant 0 : i32
    %dma_wait3A_266 = tpu.memref_slice %arg7[%dma_wait3A_263, %dma_wait3A_264, %dma_wait3A_265] : memref<3x16x128xi32, #tpu.memory_space<vmem>> -> memref<1x1x128xi32, #tpu.memory_space<vmem>>
    %dma_wait3A_267 = tpu.memref_squeeze %dma_wait3A_266 : memref<1x1x128xi32, #tpu.memory_space<vmem>> -> memref<128xi32, #tpu.memory_space<vmem>>
    %dma_wait3A_268 = arith.constant 0 : i32
    %dma_wait3A_269 = tpu.memref_slice %arg11[%dma_wait3A_268] : memref<100352xf32, #tpu.memory_space<vmem_shared>> -> memref<100352xf32, #tpu.memory_space<vmem_shared>>
    tpu.wait_indirect_dma semaphore(%arg17 : memref<!tpu.dma_semaphore, #tpu.memory_space<semaphore_mem>>) src(%arg8 : memref<128xf32, #tpu.memory_space<vmem>>) dst(%dma_wait3A_269 : memref<100352xf32, #tpu.memory_space<vmem_shared>>)
    %dma_wait3A_270 = arith.constant 2 : i32
    %dma_wait3A_271 = arith.constant 6 : i32
    %dma_wait3A_272 = arith.constant 2 : i32
    %dma_wait3A_273 = arith.constant 6 : i32
    %dma_wait3A_274 = arith.constant 0 : i32
    %dma_wait3A_275 = tpu.memref_slice %arg6[%dma_wait3A_270, %dma_wait3A_271, %dma_wait3A_274] : memref<3x16x128xf32, #tpu.memory_space<vmem>> -> memref<1x1x128xf32, #tpu.memory_space<vmem>>
    %dma_wait3A_276 = tpu.memref_squeeze %dma_wait3A_275 : memref<1x1x128xf32, #tpu.memory_space<vmem>> -> memref<128xf32, #tpu.memory_space<vmem>>
    %dma_wait3A_277 = arith.constant 0 : i32
    %dma_wait3A_278 = tpu.memref_slice %arg7[%dma_wait3A_272, %dma_wait3A_273, %dma_wait3A_277] : memref<3x16x128xi32, #tpu.memory_space<vmem>> -> memref<1x1x128xi32, #tpu.memory_space<vmem>>
    %dma_wait3A_279 = tpu.memref_squeeze %dma_wait3A_278 : memref<1x1x128xi32, #tpu.memory_space<vmem>> -> memref<128xi32, #tpu.memory_space<vmem>>
    %dma_wait3A_280 = arith.constant 0 : i32
    %dma_wait3A_281 = tpu.memref_slice %arg10[%dma_wait3A_280] : memref<100352xf32, #tpu.memory_space<vmem_shared>> -> memref<100352xf32, #tpu.memory_space<vmem_shared>>
    tpu.wait_indirect_dma semaphore(%arg17 : memref<!tpu.dma_semaphore, #tpu.memory_space<semaphore_mem>>) src(%dma_wait3A_276 : memref<128xf32, #tpu.memory_space<vmem>>) dst(%dma_wait3A_281 : memref<100352xf32, #tpu.memory_space<vmem_shared>>)
    %dma_wait3A_282 = arith.constant 2 : i32
    %dma_wait3A_283 = arith.constant 6 : i32
    %dma_wait3A_284 = arith.constant 0 : i32
    %dma_wait3A_285 = tpu.memref_slice %arg7[%dma_wait3A_282, %dma_wait3A_283, %dma_wait3A_284] : memref<3x16x128xi32, #tpu.memory_space<vmem>> -> memref<1x1x128xi32, #tpu.memory_space<vmem>>
    %dma_wait3A_286 = tpu.memref_squeeze %dma_wait3A_285 : memref<1x1x128xi32, #tpu.memory_space<vmem>> -> memref<128xi32, #tpu.memory_space<vmem>>
    %dma_wait3A_287 = arith.constant 0 : i32
    %dma_wait3A_288 = tpu.memref_slice %arg11[%dma_wait3A_287] : memref<100352xf32, #tpu.memory_space<vmem_shared>> -> memref<100352xf32, #tpu.memory_space<vmem_shared>>
    tpu.wait_indirect_dma semaphore(%arg17 : memref<!tpu.dma_semaphore, #tpu.memory_space<semaphore_mem>>) src(%arg8 : memref<128xf32, #tpu.memory_space<vmem>>) dst(%dma_wait3A_288 : memref<100352xf32, #tpu.memory_space<vmem_shared>>)
    %dma_wait3A_289 = arith.constant 2 : i32
    %dma_wait3A_290 = arith.constant 7 : i32
    %dma_wait3A_291 = arith.constant 2 : i32
    %dma_wait3A_292 = arith.constant 7 : i32
    %dma_wait3A_293 = arith.constant 0 : i32
    %dma_wait3A_294 = tpu.memref_slice %arg6[%dma_wait3A_289, %dma_wait3A_290, %dma_wait3A_293] : memref<3x16x128xf32, #tpu.memory_space<vmem>> -> memref<1x1x128xf32, #tpu.memory_space<vmem>>
    %dma_wait3A_295 = tpu.memref_squeeze %dma_wait3A_294 : memref<1x1x128xf32, #tpu.memory_space<vmem>> -> memref<128xf32, #tpu.memory_space<vmem>>
    %dma_wait3A_296 = arith.constant 0 : i32
    %dma_wait3A_297 = tpu.memref_slice %arg7[%dma_wait3A_291, %dma_wait3A_292, %dma_wait3A_296] : memref<3x16x128xi32, #tpu.memory_space<vmem>> -> memref<1x1x128xi32, #tpu.memory_space<vmem>>
    %dma_wait3A_298 = tpu.memref_squeeze %dma_wait3A_297 : memref<1x1x128xi32, #tpu.memory_space<vmem>> -> memref<128xi32, #tpu.memory_space<vmem>>
    %dma_wait3A_299 = arith.constant 0 : i32
    %dma_wait3A_300 = tpu.memref_slice %arg10[%dma_wait3A_299] : memref<100352xf32, #tpu.memory_space<vmem_shared>> -> memref<100352xf32, #tpu.memory_space<vmem_shared>>
    tpu.wait_indirect_dma semaphore(%arg17 : memref<!tpu.dma_semaphore, #tpu.memory_space<semaphore_mem>>) src(%dma_wait3A_295 : memref<128xf32, #tpu.memory_space<vmem>>) dst(%dma_wait3A_300 : memref<100352xf32, #tpu.memory_space<vmem_shared>>)
    %dma_wait3A_301 = arith.constant 2 : i32
    %dma_wait3A_302 = arith.constant 7 : i32
    %dma_wait3A_303 = arith.constant 0 : i32
    %dma_wait3A_304 = tpu.memref_slice %arg7[%dma_wait3A_301, %dma_wait3A_302, %dma_wait3A_303] : memref<3x16x128xi32, #tpu.memory_space<vmem>> -> memref<1x1x128xi32, #tpu.memory_space<vmem>>
    %dma_wait3A_305 = tpu.memref_squeeze %dma_wait3A_304 : memref<1x1x128xi32, #tpu.memory_space<vmem>> -> memref<128xi32, #tpu.memory_space<vmem>>
    %dma_wait3A_306 = arith.constant 0 : i32
    %dma_wait3A_307 = tpu.memref_slice %arg11[%dma_wait3A_306] : memref<100352xf32, #tpu.memory_space<vmem_shared>> -> memref<100352xf32, #tpu.memory_space<vmem_shared>>
    tpu.wait_indirect_dma semaphore(%arg17 : memref<!tpu.dma_semaphore, #tpu.memory_space<semaphore_mem>>) src(%arg8 : memref<128xf32, #tpu.memory_space<vmem>>) dst(%dma_wait3A_307 : memref<100352xf32, #tpu.memory_space<vmem_shared>>)
    %dma_wait3A_308 = arith.constant 2 : i32
    %dma_wait3A_309 = arith.constant 8 : i32
    %dma_wait3A_310 = arith.constant 2 : i32
    %dma_wait3A_311 = arith.constant 8 : i32
    %dma_wait3A_312 = arith.constant 0 : i32
    %dma_wait3A_313 = tpu.memref_slice %arg6[%dma_wait3A_308, %dma_wait3A_309, %dma_wait3A_312] : memref<3x16x128xf32, #tpu.memory_space<vmem>> -> memref<1x1x128xf32, #tpu.memory_space<vmem>>
    %dma_wait3A_314 = tpu.memref_squeeze %dma_wait3A_313 : memref<1x1x128xf32, #tpu.memory_space<vmem>> -> memref<128xf32, #tpu.memory_space<vmem>>
    %dma_wait3A_315 = arith.constant 0 : i32
    %dma_wait3A_316 = tpu.memref_slice %arg7[%dma_wait3A_310, %dma_wait3A_311, %dma_wait3A_315] : memref<3x16x128xi32, #tpu.memory_space<vmem>> -> memref<1x1x128xi32, #tpu.memory_space<vmem>>
    %dma_wait3A_317 = tpu.memref_squeeze %dma_wait3A_316 : memref<1x1x128xi32, #tpu.memory_space<vmem>> -> memref<128xi32, #tpu.memory_space<vmem>>
    %dma_wait3A_318 = arith.constant 0 : i32
    %dma_wait3A_319 = tpu.memref_slice %arg10[%dma_wait3A_318] : memref<100352xf32, #tpu.memory_space<vmem_shared>> -> memref<100352xf32, #tpu.memory_space<vmem_shared>>
    tpu.wait_indirect_dma semaphore(%arg17 : memref<!tpu.dma_semaphore, #tpu.memory_space<semaphore_mem>>) src(%dma_wait3A_314 : memref<128xf32, #tpu.memory_space<vmem>>) dst(%dma_wait3A_319 : memref<100352xf32, #tpu.memory_space<vmem_shared>>)
    %dma_wait3A_320 = arith.constant 2 : i32
    %dma_wait3A_321 = arith.constant 8 : i32
    %dma_wait3A_322 = arith.constant 0 : i32
    %dma_wait3A_323 = tpu.memref_slice %arg7[%dma_wait3A_320, %dma_wait3A_321, %dma_wait3A_322] : memref<3x16x128xi32, #tpu.memory_space<vmem>> -> memref<1x1x128xi32, #tpu.memory_space<vmem>>
    %dma_wait3A_324 = tpu.memref_squeeze %dma_wait3A_323 : memref<1x1x128xi32, #tpu.memory_space<vmem>> -> memref<128xi32, #tpu.memory_space<vmem>>
    %dma_wait3A_325 = arith.constant 0 : i32
    %dma_wait3A_326 = tpu.memref_slice %arg11[%dma_wait3A_325] : memref<100352xf32, #tpu.memory_space<vmem_shared>> -> memref<100352xf32, #tpu.memory_space<vmem_shared>>
    tpu.wait_indirect_dma semaphore(%arg17 : memref<!tpu.dma_semaphore, #tpu.memory_space<semaphore_mem>>) src(%arg8 : memref<128xf32, #tpu.memory_space<vmem>>) dst(%dma_wait3A_326 : memref<100352xf32, #tpu.memory_space<vmem_shared>>)
    %dma_wait3A_327 = arith.constant 2 : i32
    %dma_wait3A_328 = arith.constant 9 : i32
    %dma_wait3A_329 = arith.constant 2 : i32
    %dma_wait3A_330 = arith.constant 9 : i32
    %dma_wait3A_331 = arith.constant 0 : i32
    %dma_wait3A_332 = tpu.memref_slice %arg6[%dma_wait3A_327, %dma_wait3A_328, %dma_wait3A_331] : memref<3x16x128xf32, #tpu.memory_space<vmem>> -> memref<1x1x128xf32, #tpu.memory_space<vmem>>
    %dma_wait3A_333 = tpu.memref_squeeze %dma_wait3A_332 : memref<1x1x128xf32, #tpu.memory_space<vmem>> -> memref<128xf32, #tpu.memory_space<vmem>>
    %dma_wait3A_334 = arith.constant 0 : i32
    %dma_wait3A_335 = tpu.memref_slice %arg7[%dma_wait3A_329, %dma_wait3A_330, %dma_wait3A_334] : memref<3x16x128xi32, #tpu.memory_space<vmem>> -> memref<1x1x128xi32, #tpu.memory_space<vmem>>
    %dma_wait3A_336 = tpu.memref_squeeze %dma_wait3A_335 : memref<1x1x128xi32, #tpu.memory_space<vmem>> -> memref<128xi32, #tpu.memory_space<vmem>>
    %dma_wait3A_337 = arith.constant 0 : i32
    %dma_wait3A_338 = tpu.memref_slice %arg10[%dma_wait3A_337] : memref<100352xf32, #tpu.memory_space<vmem_shared>> -> memref<100352xf32, #tpu.memory_space<vmem_shared>>
    tpu.wait_indirect_dma semaphore(%arg17 : memref<!tpu.dma_semaphore, #tpu.memory_space<semaphore_mem>>) src(%dma_wait3A_333 : memref<128xf32, #tpu.memory_space<vmem>>) dst(%dma_wait3A_338 : memref<100352xf32, #tpu.memory_space<vmem_shared>>)
    %dma_wait3A_339 = arith.constant 2 : i32
    %dma_wait3A_340 = arith.constant 9 : i32
    %dma_wait3A_341 = arith.constant 0 : i32
    %dma_wait3A_342 = tpu.memref_slice %arg7[%dma_wait3A_339, %dma_wait3A_340, %dma_wait3A_341] : memref<3x16x128xi32, #tpu.memory_space<vmem>> -> memref<1x1x128xi32, #tpu.memory_space<vmem>>
    %dma_wait3A_343 = tpu.memref_squeeze %dma_wait3A_342 : memref<1x1x128xi32, #tpu.memory_space<vmem>> -> memref<128xi32, #tpu.memory_space<vmem>>
    %dma_wait3A_344 = arith.constant 0 : i32
    %dma_wait3A_345 = tpu.memref_slice %arg11[%dma_wait3A_344] : memref<100352xf32, #tpu.memory_space<vmem_shared>> -> memref<100352xf32, #tpu.memory_space<vmem_shared>>
    tpu.wait_indirect_dma semaphore(%arg17 : memref<!tpu.dma_semaphore, #tpu.memory_space<semaphore_mem>>) src(%arg8 : memref<128xf32, #tpu.memory_space<vmem>>) dst(%dma_wait3A_345 : memref<100352xf32, #tpu.memory_space<vmem_shared>>)
    %dma_wait3A_346 = arith.constant 2 : i32
    %dma_wait3A_347 = arith.constant 10 : i32
    %dma_wait3A_348 = arith.constant 2 : i32
    %dma_wait3A_349 = arith.constant 10 : i32
    %dma_wait3A_350 = arith.constant 0 : i32
    %dma_wait3A_351 = tpu.memref_slice %arg6[%dma_wait3A_346, %dma_wait3A_347, %dma_wait3A_350] : memref<3x16x128xf32, #tpu.memory_space<vmem>> -> memref<1x1x128xf32, #tpu.memory_space<vmem>>
    %dma_wait3A_352 = tpu.memref_squeeze %dma_wait3A_351 : memref<1x1x128xf32, #tpu.memory_space<vmem>> -> memref<128xf32, #tpu.memory_space<vmem>>
    %dma_wait3A_353 = arith.constant 0 : i32
    %dma_wait3A_354 = tpu.memref_slice %arg7[%dma_wait3A_348, %dma_wait3A_349, %dma_wait3A_353] : memref<3x16x128xi32, #tpu.memory_space<vmem>> -> memref<1x1x128xi32, #tpu.memory_space<vmem>>
    %dma_wait3A_355 = tpu.memref_squeeze %dma_wait3A_354 : memref<1x1x128xi32, #tpu.memory_space<vmem>> -> memref<128xi32, #tpu.memory_space<vmem>>
    %dma_wait3A_356 = arith.constant 0 : i32
    %dma_wait3A_357 = tpu.memref_slice %arg10[%dma_wait3A_356] : memref<100352xf32, #tpu.memory_space<vmem_shared>> -> memref<100352xf32, #tpu.memory_space<vmem_shared>>
    tpu.wait_indirect_dma semaphore(%arg17 : memref<!tpu.dma_semaphore, #tpu.memory_space<semaphore_mem>>) src(%dma_wait3A_352 : memref<128xf32, #tpu.memory_space<vmem>>) dst(%dma_wait3A_357 : memref<100352xf32, #tpu.memory_space<vmem_shared>>)
    %dma_wait3A_358 = arith.constant 2 : i32
    %dma_wait3A_359 = arith.constant 10 : i32
    %dma_wait3A_360 = arith.constant 0 : i32
    %dma_wait3A_361 = tpu.memref_slice %arg7[%dma_wait3A_358, %dma_wait3A_359, %dma_wait3A_360] : memref<3x16x128xi32, #tpu.memory_space<vmem>> -> memref<1x1x128xi32, #tpu.memory_space<vmem>>
    %dma_wait3A_362 = tpu.memref_squeeze %dma_wait3A_361 : memref<1x1x128xi32, #tpu.memory_space<vmem>> -> memref<128xi32, #tpu.memory_space<vmem>>
    %dma_wait3A_363 = arith.constant 0 : i32
    %dma_wait3A_364 = tpu.memref_slice %arg11[%dma_wait3A_363] : memref<100352xf32, #tpu.memory_space<vmem_shared>> -> memref<100352xf32, #tpu.memory_space<vmem_shared>>
    tpu.wait_indirect_dma semaphore(%arg17 : memref<!tpu.dma_semaphore, #tpu.memory_space<semaphore_mem>>) src(%arg8 : memref<128xf32, #tpu.memory_space<vmem>>) dst(%dma_wait3A_364 : memref<100352xf32, #tpu.memory_space<vmem_shared>>)
    %dma_wait3A_365 = arith.constant 2 : i32
    %dma_wait3A_366 = arith.constant 11 : i32
    %dma_wait3A_367 = arith.constant 2 : i32
    %dma_wait3A_368 = arith.constant 11 : i32
    %dma_wait3A_369 = arith.constant 0 : i32
    %dma_wait3A_370 = tpu.memref_slice %arg6[%dma_wait3A_365, %dma_wait3A_366, %dma_wait3A_369] : memref<3x16x128xf32, #tpu.memory_space<vmem>> -> memref<1x1x128xf32, #tpu.memory_space<vmem>>
    %dma_wait3A_371 = tpu.memref_squeeze %dma_wait3A_370 : memref<1x1x128xf32, #tpu.memory_space<vmem>> -> memref<128xf32, #tpu.memory_space<vmem>>
    %dma_wait3A_372 = arith.constant 0 : i32
    %dma_wait3A_373 = tpu.memref_slice %arg7[%dma_wait3A_367, %dma_wait3A_368, %dma_wait3A_372] : memref<3x16x128xi32, #tpu.memory_space<vmem>> -> memref<1x1x128xi32, #tpu.memory_space<vmem>>
    %dma_wait3A_374 = tpu.memref_squeeze %dma_wait3A_373 : memref<1x1x128xi32, #tpu.memory_space<vmem>> -> memref<128xi32, #tpu.memory_space<vmem>>
    %dma_wait3A_375 = arith.constant 0 : i32
    %dma_wait3A_376 = tpu.memref_slice %arg10[%dma_wait3A_375] : memref<100352xf32, #tpu.memory_space<vmem_shared>> -> memref<100352xf32, #tpu.memory_space<vmem_shared>>
    tpu.wait_indirect_dma semaphore(%arg17 : memref<!tpu.dma_semaphore, #tpu.memory_space<semaphore_mem>>) src(%dma_wait3A_371 : memref<128xf32, #tpu.memory_space<vmem>>) dst(%dma_wait3A_376 : memref<100352xf32, #tpu.memory_space<vmem_shared>>)
    %dma_wait3A_377 = arith.constant 2 : i32
    %dma_wait3A_378 = arith.constant 11 : i32
    %dma_wait3A_379 = arith.constant 0 : i32
    %dma_wait3A_380 = tpu.memref_slice %arg7[%dma_wait3A_377, %dma_wait3A_378, %dma_wait3A_379] : memref<3x16x128xi32, #tpu.memory_space<vmem>> -> memref<1x1x128xi32, #tpu.memory_space<vmem>>
    %dma_wait3A_381 = tpu.memref_squeeze %dma_wait3A_380 : memref<1x1x128xi32, #tpu.memory_space<vmem>> -> memref<128xi32, #tpu.memory_space<vmem>>
    %dma_wait3A_382 = arith.constant 0 : i32
    %dma_wait3A_383 = tpu.memref_slice %arg11[%dma_wait3A_382] : memref<100352xf32, #tpu.memory_space<vmem_shared>> -> memref<100352xf32, #tpu.memory_space<vmem_shared>>
    tpu.wait_indirect_dma semaphore(%arg17 : memref<!tpu.dma_semaphore, #tpu.memory_space<semaphore_mem>>) src(%arg8 : memref<128xf32, #tpu.memory_space<vmem>>) dst(%dma_wait3A_383 : memref<100352xf32, #tpu.memory_space<vmem_shared>>)
    %dma_wait3A_384 = arith.constant 2 : i32
    %dma_wait3A_385 = arith.constant 12 : i32
    %dma_wait3A_386 = arith.constant 2 : i32
    %dma_wait3A_387 = arith.constant 12 : i32
    %dma_wait3A_388 = arith.constant 0 : i32
    %dma_wait3A_389 = tpu.memref_slice %arg6[%dma_wait3A_384, %dma_wait3A_385, %dma_wait3A_388] : memref<3x16x128xf32, #tpu.memory_space<vmem>> -> memref<1x1x128xf32, #tpu.memory_space<vmem>>
    %dma_wait3A_390 = tpu.memref_squeeze %dma_wait3A_389 : memref<1x1x128xf32, #tpu.memory_space<vmem>> -> memref<128xf32, #tpu.memory_space<vmem>>
    %dma_wait3A_391 = arith.constant 0 : i32
    %dma_wait3A_392 = tpu.memref_slice %arg7[%dma_wait3A_386, %dma_wait3A_387, %dma_wait3A_391] : memref<3x16x128xi32, #tpu.memory_space<vmem>> -> memref<1x1x128xi32, #tpu.memory_space<vmem>>
    %dma_wait3A_393 = tpu.memref_squeeze %dma_wait3A_392 : memref<1x1x128xi32, #tpu.memory_space<vmem>> -> memref<128xi32, #tpu.memory_space<vmem>>
    %dma_wait3A_394 = arith.constant 0 : i32
    %dma_wait3A_395 = tpu.memref_slice %arg10[%dma_wait3A_394] : memref<100352xf32, #tpu.memory_space<vmem_shared>> -> memref<100352xf32, #tpu.memory_space<vmem_shared>>
    tpu.wait_indirect_dma semaphore(%arg17 : memref<!tpu.dma_semaphore, #tpu.memory_space<semaphore_mem>>) src(%dma_wait3A_390 : memref<128xf32, #tpu.memory_space<vmem>>) dst(%dma_wait3A_395 : memref<100352xf32, #tpu.memory_space<vmem_shared>>)
    %dma_wait3A_396 = arith.constant 2 : i32
    %dma_wait3A_397 = arith.constant 12 : i32
    %dma_wait3A_398 = arith.constant 0 : i32
    %dma_wait3A_399 = tpu.memref_slice %arg7[%dma_wait3A_396, %dma_wait3A_397, %dma_wait3A_398] : memref<3x16x128xi32, #tpu.memory_space<vmem>> -> memref<1x1x128xi32, #tpu.memory_space<vmem>>
    %dma_wait3A_400 = tpu.memref_squeeze %dma_wait3A_399 : memref<1x1x128xi32, #tpu.memory_space<vmem>> -> memref<128xi32, #tpu.memory_space<vmem>>
    %dma_wait3A_401 = arith.constant 0 : i32
    %dma_wait3A_402 = tpu.memref_slice %arg11[%dma_wait3A_401] : memref<100352xf32, #tpu.memory_space<vmem_shared>> -> memref<100352xf32, #tpu.memory_space<vmem_shared>>
    tpu.wait_indirect_dma semaphore(%arg17 : memref<!tpu.dma_semaphore, #tpu.memory_space<semaphore_mem>>) src(%arg8 : memref<128xf32, #tpu.memory_space<vmem>>) dst(%dma_wait3A_402 : memref<100352xf32, #tpu.memory_space<vmem_shared>>)
    %dma_wait3A_403 = arith.constant 2 : i32
    %dma_wait3A_404 = arith.constant 13 : i32
    %dma_wait3A_405 = arith.constant 2 : i32
    %dma_wait3A_406 = arith.constant 13 : i32
    %dma_wait3A_407 = arith.constant 0 : i32
    %dma_wait3A_408 = tpu.memref_slice %arg6[%dma_wait3A_403, %dma_wait3A_404, %dma_wait3A_407] : memref<3x16x128xf32, #tpu.memory_space<vmem>> -> memref<1x1x128xf32, #tpu.memory_space<vmem>>
    %dma_wait3A_409 = tpu.memref_squeeze %dma_wait3A_408 : memref<1x1x128xf32, #tpu.memory_space<vmem>> -> memref<128xf32, #tpu.memory_space<vmem>>
    %dma_wait3A_410 = arith.constant 0 : i32
    %dma_wait3A_411 = tpu.memref_slice %arg7[%dma_wait3A_405, %dma_wait3A_406, %dma_wait3A_410] : memref<3x16x128xi32, #tpu.memory_space<vmem>> -> memref<1x1x128xi32, #tpu.memory_space<vmem>>
    %dma_wait3A_412 = tpu.memref_squeeze %dma_wait3A_411 : memref<1x1x128xi32, #tpu.memory_space<vmem>> -> memref<128xi32, #tpu.memory_space<vmem>>
    %dma_wait3A_413 = arith.constant 0 : i32
    %dma_wait3A_414 = tpu.memref_slice %arg10[%dma_wait3A_413] : memref<100352xf32, #tpu.memory_space<vmem_shared>> -> memref<100352xf32, #tpu.memory_space<vmem_shared>>
    tpu.wait_indirect_dma semaphore(%arg17 : memref<!tpu.dma_semaphore, #tpu.memory_space<semaphore_mem>>) src(%dma_wait3A_409 : memref<128xf32, #tpu.memory_space<vmem>>) dst(%dma_wait3A_414 : memref<100352xf32, #tpu.memory_space<vmem_shared>>)
    %dma_wait3A_415 = arith.constant 2 : i32
    %dma_wait3A_416 = arith.constant 13 : i32
    %dma_wait3A_417 = arith.constant 0 : i32
    %dma_wait3A_418 = tpu.memref_slice %arg7[%dma_wait3A_415, %dma_wait3A_416, %dma_wait3A_417] : memref<3x16x128xi32, #tpu.memory_space<vmem>> -> memref<1x1x128xi32, #tpu.memory_space<vmem>>
    %dma_wait3A_419 = tpu.memref_squeeze %dma_wait3A_418 : memref<1x1x128xi32, #tpu.memory_space<vmem>> -> memref<128xi32, #tpu.memory_space<vmem>>
    %dma_wait3A_420 = arith.constant 0 : i32
    %dma_wait3A_421 = tpu.memref_slice %arg11[%dma_wait3A_420] : memref<100352xf32, #tpu.memory_space<vmem_shared>> -> memref<100352xf32, #tpu.memory_space<vmem_shared>>
    tpu.wait_indirect_dma semaphore(%arg17 : memref<!tpu.dma_semaphore, #tpu.memory_space<semaphore_mem>>) src(%arg8 : memref<128xf32, #tpu.memory_space<vmem>>) dst(%dma_wait3A_421 : memref<100352xf32, #tpu.memory_space<vmem_shared>>)
    %dma_wait3A_422 = arith.constant 2 : i32
    %dma_wait3A_423 = arith.constant 14 : i32
    %dma_wait3A_424 = arith.constant 2 : i32
    %dma_wait3A_425 = arith.constant 14 : i32
    %dma_wait3A_426 = arith.constant 0 : i32
    %dma_wait3A_427 = tpu.memref_slice %arg6[%dma_wait3A_422, %dma_wait3A_423, %dma_wait3A_426] : memref<3x16x128xf32, #tpu.memory_space<vmem>> -> memref<1x1x128xf32, #tpu.memory_space<vmem>>
    %dma_wait3A_428 = tpu.memref_squeeze %dma_wait3A_427 : memref<1x1x128xf32, #tpu.memory_space<vmem>> -> memref<128xf32, #tpu.memory_space<vmem>>
    %dma_wait3A_429 = arith.constant 0 : i32
    %dma_wait3A_430 = tpu.memref_slice %arg7[%dma_wait3A_424, %dma_wait3A_425, %dma_wait3A_429] : memref<3x16x128xi32, #tpu.memory_space<vmem>> -> memref<1x1x128xi32, #tpu.memory_space<vmem>>
    %dma_wait3A_431 = tpu.memref_squeeze %dma_wait3A_430 : memref<1x1x128xi32, #tpu.memory_space<vmem>> -> memref<128xi32, #tpu.memory_space<vmem>>
    %dma_wait3A_432 = arith.constant 0 : i32
    %dma_wait3A_433 = tpu.memref_slice %arg10[%dma_wait3A_432] : memref<100352xf32, #tpu.memory_space<vmem_shared>> -> memref<100352xf32, #tpu.memory_space<vmem_shared>>
    tpu.wait_indirect_dma semaphore(%arg17 : memref<!tpu.dma_semaphore, #tpu.memory_space<semaphore_mem>>) src(%dma_wait3A_428 : memref<128xf32, #tpu.memory_space<vmem>>) dst(%dma_wait3A_433 : memref<100352xf32, #tpu.memory_space<vmem_shared>>)
    %dma_wait3A_434 = arith.constant 2 : i32
    %dma_wait3A_435 = arith.constant 14 : i32
    %dma_wait3A_436 = arith.constant 0 : i32
    %dma_wait3A_437 = tpu.memref_slice %arg7[%dma_wait3A_434, %dma_wait3A_435, %dma_wait3A_436] : memref<3x16x128xi32, #tpu.memory_space<vmem>> -> memref<1x1x128xi32, #tpu.memory_space<vmem>>
    %dma_wait3A_438 = tpu.memref_squeeze %dma_wait3A_437 : memref<1x1x128xi32, #tpu.memory_space<vmem>> -> memref<128xi32, #tpu.memory_space<vmem>>
    %dma_wait3A_439 = arith.constant 0 : i32
    %dma_wait3A_440 = tpu.memref_slice %arg11[%dma_wait3A_439] : memref<100352xf32, #tpu.memory_space<vmem_shared>> -> memref<100352xf32, #tpu.memory_space<vmem_shared>>
    tpu.wait_indirect_dma semaphore(%arg17 : memref<!tpu.dma_semaphore, #tpu.memory_space<semaphore_mem>>) src(%arg8 : memref<128xf32, #tpu.memory_space<vmem>>) dst(%dma_wait3A_440 : memref<100352xf32, #tpu.memory_space<vmem_shared>>)
    %dma_wait3A_441 = arith.constant 2 : i32
    %dma_wait3A_442 = arith.constant 15 : i32
    %dma_wait3A_443 = arith.constant 2 : i32
    %dma_wait3A_444 = arith.constant 15 : i32
    %dma_wait3A_445 = arith.constant 0 : i32
    %dma_wait3A_446 = tpu.memref_slice %arg6[%dma_wait3A_441, %dma_wait3A_442, %dma_wait3A_445] : memref<3x16x128xf32, #tpu.memory_space<vmem>> -> memref<1x1x128xf32, #tpu.memory_space<vmem>>
    %dma_wait3A_447 = tpu.memref_squeeze %dma_wait3A_446 : memref<1x1x128xf32, #tpu.memory_space<vmem>> -> memref<128xf32, #tpu.memory_space<vmem>>
    %dma_wait3A_448 = arith.constant 0 : i32
    %dma_wait3A_449 = tpu.memref_slice %arg7[%dma_wait3A_443, %dma_wait3A_444, %dma_wait3A_448] : memref<3x16x128xi32, #tpu.memory_space<vmem>> -> memref<1x1x128xi32, #tpu.memory_space<vmem>>
    %dma_wait3A_450 = tpu.memref_squeeze %dma_wait3A_449 : memref<1x1x128xi32, #tpu.memory_space<vmem>> -> memref<128xi32, #tpu.memory_space<vmem>>
    %dma_wait3A_451 = arith.constant 0 : i32
    %dma_wait3A_452 = tpu.memref_slice %arg10[%dma_wait3A_451] : memref<100352xf32, #tpu.memory_space<vmem_shared>> -> memref<100352xf32, #tpu.memory_space<vmem_shared>>
    tpu.wait_indirect_dma semaphore(%arg17 : memref<!tpu.dma_semaphore, #tpu.memory_space<semaphore_mem>>) src(%dma_wait3A_447 : memref<128xf32, #tpu.memory_space<vmem>>) dst(%dma_wait3A_452 : memref<100352xf32, #tpu.memory_space<vmem_shared>>)
    %dma_wait3A_453 = arith.constant 2 : i32
    %dma_wait3A_454 = arith.constant 15 : i32
    %dma_wait3A_455 = arith.constant 0 : i32
    %dma_wait3A_456 = tpu.memref_slice %arg7[%dma_wait3A_453, %dma_wait3A_454, %dma_wait3A_455] : memref<3x16x128xi32, #tpu.memory_space<vmem>> -> memref<1x1x128xi32, #tpu.memory_space<vmem>>
    %dma_wait3A_457 = tpu.memref_squeeze %dma_wait3A_456 : memref<1x1x128xi32, #tpu.memory_space<vmem>> -> memref<128xi32, #tpu.memory_space<vmem>>
    %dma_wait3A_458 = arith.constant 0 : i32
    %dma_wait3A_459 = tpu.memref_slice %arg11[%dma_wait3A_458] : memref<100352xf32, #tpu.memory_space<vmem_shared>> -> memref<100352xf32, #tpu.memory_space<vmem_shared>>
    tpu.wait_indirect_dma semaphore(%arg17 : memref<!tpu.dma_semaphore, #tpu.memory_space<semaphore_mem>>) src(%arg8 : memref<128xf32, #tpu.memory_space<vmem>>) dst(%dma_wait3A_459 : memref<100352xf32, #tpu.memory_space<vmem_shared>>)
    %barrier3A_460 = arith.constant 0 : index
    tpu.barrier barrier_id(%barrier3A_460)
    %mul3A_461 = arith.constant 6272 : i32
    %mul3A_462 = arith.muli %arg1, %mul3A_461 : i32
    "tpu.region"() ({
      %run_scoped3A = tpu.sem_alloc : memref<!tpu.dma_semaphore, #tpu.memory_space<semaphore_mem>>
      %dma_start3A_463 = tpu.memref_slice %arg4[%arg0, %mul3A_462] : memref<2x100352xf32, #tpu.memory_space<hbm>> -> memref<1x6272xf32, #tpu.memory_space<hbm>>
      %dma_start3A_464 = tpu.memref_squeeze %dma_start3A_463 : memref<1x6272xf32, #tpu.memory_space<hbm>> -> memref<6272xf32, #tpu.memory_space<hbm>>
      %dma_start3A_465 = tpu.memref_slice %arg10[%mul3A_462] : memref<100352xf32, #tpu.memory_space<vmem_shared>> -> memref<6272xf32, #tpu.memory_space<vmem_shared>>
      tpu.enqueue_dma source(%dma_start3A_465 : memref<6272xf32, #tpu.memory_space<vmem_shared>>) target(%dma_start3A_464 : memref<6272xf32, #tpu.memory_space<hbm>>) target_semaphore(%run_scoped3A : memref<!tpu.dma_semaphore, #tpu.memory_space<semaphore_mem>>)
      %dma_wait3A_466 = tpu.memref_slice %arg4[%arg0, %mul3A_462] : memref<2x100352xf32, #tpu.memory_space<hbm>> -> memref<1x6272xf32, #tpu.memory_space<hbm>>
      %dma_wait3A_467 = tpu.memref_squeeze %dma_wait3A_466 : memref<1x6272xf32, #tpu.memory_space<hbm>> -> memref<6272xf32, #tpu.memory_space<hbm>>
      %dma_wait3A_468 = tpu.memref_slice %arg10[%mul3A_462] : memref<100352xf32, #tpu.memory_space<vmem_shared>> -> memref<6272xf32, #tpu.memory_space<vmem_shared>>
      tpu.wait_dma2 semaphore(%run_scoped3A : memref<!tpu.dma_semaphore, #tpu.memory_space<semaphore_mem>>) src(%dma_wait3A_468 : memref<6272xf32, #tpu.memory_space<vmem_shared>>) dst(%dma_wait3A_467 : memref<6272xf32, #tpu.memory_space<hbm>>)
      tpu.yield
    }) : () -> ()
    "tpu.region"() ({
      %run_scoped3A = tpu.sem_alloc : memref<!tpu.dma_semaphore, #tpu.memory_space<semaphore_mem>>
      %dma_start3A_463 = tpu.memref_slice %arg5[%arg0, %mul3A_462] : memref<2x100352xf32, #tpu.memory_space<hbm>> -> memref<1x6272xf32, #tpu.memory_space<hbm>>
      %dma_start3A_464 = tpu.memref_squeeze %dma_start3A_463 : memref<1x6272xf32, #tpu.memory_space<hbm>> -> memref<6272xf32, #tpu.memory_space<hbm>>
      %dma_start3A_465 = tpu.memref_slice %arg11[%mul3A_462] : memref<100352xf32, #tpu.memory_space<vmem_shared>> -> memref<6272xf32, #tpu.memory_space<vmem_shared>>
      tpu.enqueue_dma source(%dma_start3A_465 : memref<6272xf32, #tpu.memory_space<vmem_shared>>) target(%dma_start3A_464 : memref<6272xf32, #tpu.memory_space<hbm>>) target_semaphore(%run_scoped3A : memref<!tpu.dma_semaphore, #tpu.memory_space<semaphore_mem>>)
      %dma_wait3A_466 = tpu.memref_slice %arg5[%arg0, %mul3A_462] : memref<2x100352xf32, #tpu.memory_space<hbm>> -> memref<1x6272xf32, #tpu.memory_space<hbm>>
      %dma_wait3A_467 = tpu.memref_squeeze %dma_wait3A_466 : memref<1x6272xf32, #tpu.memory_space<hbm>> -> memref<6272xf32, #tpu.memory_space<hbm>>
      %dma_wait3A_468 = tpu.memref_slice %arg11[%mul3A_462] : memref<100352xf32, #tpu.memory_space<vmem_shared>> -> memref<6272xf32, #tpu.memory_space<vmem_shared>>
      tpu.wait_dma2 semaphore(%run_scoped3A : memref<!tpu.dma_semaphore, #tpu.memory_space<semaphore_mem>>) src(%dma_wait3A_468 : memref<6272xf32, #tpu.memory_space<vmem_shared>>) dst(%dma_wait3A_467 : memref<6272xf32, #tpu.memory_space<hbm>>)
      tpu.yield
    }) : () -> ()
    return
  }
}

module attributes {stable_mosaic.version = 14 : i64} {
  func.func @_tc_finalize(%arg0: memref<2x784x128xf32, #tpu.memory_space<vmem>>, %arg1: memref<2x784x128xf32, #tpu.memory_space<vmem>>, %arg2: memref<784x128xf32, #tpu.memory_space<vmem>>) attributes {dimension_semantics = [], scalar_prefetch = 0 : i64, scratch_operands = 0 : i64, tpu.core_type = #tpu.core_type<tc>} {
    %get3A = arith.constant 0 : index
    %get3A_0 = arith.constant 0 : index
    %get3A_1 = arith.constant 0 : index
    %get3A_2 = vector.load %arg0[%get3A, %get3A_0, %get3A_1] : memref<2x784x128xf32, #tpu.memory_space<vmem>>, vector<1x784x128xf32>
    %get3A_3 = vector.shape_cast %get3A_2 : vector<1x784x128xf32> to vector<784x128xf32>
    %get3A_4 = arith.constant 1 : index
    %get3A_5 = arith.constant 0 : index
    %get3A_6 = arith.constant 0 : index
    %get3A_7 = vector.load %arg0[%get3A_4, %get3A_5, %get3A_6] : memref<2x784x128xf32, #tpu.memory_space<vmem>>, vector<1x784x128xf32>
    %get3A_8 = vector.shape_cast %get3A_7 : vector<1x784x128xf32> to vector<784x128xf32>
    %add3A = arith.addf %get3A_3, %get3A_8 : vector<784x128xf32>
    %get3A_9 = arith.constant 0 : index
    %get3A_10 = arith.constant 0 : index
    %get3A_11 = arith.constant 0 : index
    %get3A_12 = vector.load %arg1[%get3A_9, %get3A_10, %get3A_11] : memref<2x784x128xf32, #tpu.memory_space<vmem>>, vector<1x784x128xf32>
    %get3A_13 = vector.shape_cast %get3A_12 : vector<1x784x128xf32> to vector<784x128xf32>
    %get3A_14 = arith.constant 1 : index
    %get3A_15 = arith.constant 0 : index
    %get3A_16 = arith.constant 0 : index
    %get3A_17 = vector.load %arg1[%get3A_14, %get3A_15, %get3A_16] : memref<2x784x128xf32, #tpu.memory_space<vmem>>, vector<1x784x128xf32>
    %get3A_18 = vector.shape_cast %get3A_17 : vector<1x784x128xf32> to vector<784x128xf32>
    %add3A_19 = arith.addf %get3A_13, %get3A_18 : vector<784x128xf32>
    %max3A = arith.constant 1.000000e+00 : f32
    %max3A_20 = vector.broadcast %max3A : f32 to vector<784x128xf32>
    %max3A_21 = arith.maximumf %add3A_19, %max3A_20 : vector<784x128xf32>
    %div3A = arith.divf %add3A, %max3A_21 : vector<784x128xf32>
    %swap3A = arith.constant 0 : index
    %swap3A_22 = arith.constant 0 : index
    %swap3A_23 = vector.load %arg2[%swap3A, %swap3A_22] : memref<784x128xf32, #tpu.memory_space<vmem>>, vector<784x128xf32>
    tpu.vector_store %arg2[%swap3A, %swap3A_22], %div3A {strides = array<i32>} : memref<784x128xf32, #tpu.memory_space<vmem>>, vector<784x128xf32>,
    return
  }
}

</mosaic_0001>

<sc_bundles>
// kernel: kernel.4.cloned.1.call-start
scs
__scs_entry_jumppad:
0x0: {  	(pc) =	sbr.rel $0x88, $3  }
0x1: {  	(tag) =	ssettag $0x0;
	lr =	simm.s32 $0x1  }
0x2: {  	[smem:$0x3F9F] =	sst lr;
	_ =	strace $0xD0000000  }
0x3: {  	_ = 	snop  }
0x4: {  	_ = 	snop  }
0x5: {  	_ = 	snop  }
0x6: {  	_ = 	snop  }
0x7: {  	_ = 	snop  }
__scs_overlays_trampoline_lowered:
0x8: {  	[smem:$0x3FAE] =	sst s0  }
0x9: {  	[smem:$0x3FAF] =	sst s1  }
0xa: {  	[smem:$0x3FB0] =	sst s2  }
0xb: {  	[smem:$0x3FB1] =	sst s3  }
0xc: {  	[smem:$0x3FB2] =	sst s4  }
0xd: {  	[smem:$0x3FB3] =	sst s5  }
0xe: {  	[smem:$0x3FB4] =	sst s6  }
0xf: {  	[smem:$0x3FB5] =	sst s7  }
0x10: {  	[smem:$0x3FB6] =	sst s8  }
0x11: {  	[smem:$0x3FB7] =	sst s9;
	s0 =	simm.s32 @!p0 $0x0  }
0x12: {  	s1 =	sld [smem:$0x3F9D];
	s0 =	simm.s32 @p0 $0x1  }
0x13: {  	[smem:$0x3FB8] =	sst s0;
	s0 =	simm.s32 @!p1 $0x0  }
0x14: {  	s2 =	sld [smem:$0x3F9C];
	s0 =	simm.s32 @p1 $0x1  }
0x15: {  	[smem:$0x3FB9] =	sst s0;
	s0 =	simm.s32 @!p2 $0x0  }
0x16: {  	s3 =	sld [smem:$0x3FDB];
	s0 =	simm.s32 @p2 $0x1  }
0x17: {  	s4 =	simm.s32 $0x1BF5;
	[smem:$0x3FBB] =	sst s0  }
0x18: {  	s0 =	sld [smem:$0x3F9E];
	_ =	swait.ge [sflag:s4], $0x0  }
0x19: {  	s7 =	sld [smem:$0x3F9F]  }
0x1a: {  	s8 =	sadd.s32 $0xFFFFE003, lr  }
0x1b: {  	s9 =	sadd.s32 $0xFFFFFEF7, lr;
	s5 =	simm.s32 $0xFFFFFFFF;
	p2 =	slt.u32 s8, $0xFFFFF086  }
0x1c: {  	p1 =	slt.u32 s9, $0xF7A;
	s5 =	simm.s32 @!p2 $0x0  }
0x1d: {  	s5 =	simm.s32 @p1 $0x1;
	p0 =	seq.s32 s7, s2  }
0x1e: {  	s7 =	smul.u32 @!p0 $0xF7A, s2;
	p2 =	seq.s32 @!p0 s5, $0x0  }
0x1f: {  	s9 =	smul.u32 $0xF7A, s1;
	s8 =	simm.s32 @!p0 $0x1BF5;
	p2 =	por !p2, p0  }
0x20: {  	[sflag:s8] =	ssyncset.s32 @!p0 $0xFFFFF086;
	s6 =	sadd.s32 @!p0 s3, s7;
	s7 =	simm.s32 @!p0 $0x108  }
0x21: {  	s3 =	sadd.s32 s3, s9;
	s6 =	sadd.s32 @!p0 $0x88, s6;
	s7 =	simm.s32 @p2 $0x1082  }
0x22: {  	[simem:s7], [sflag:s8] =	dma.local @!p0 [hbm:s6], $0xF7A  }
0x23: {  	s9 =	sor.u32 $0xD0000000, s2;
	s6 =	simm.s32 $0x108;
	_ =	swait.ge @!p0 [sflag:s8], $0x0  }
0x24: {  	s3 =	sadd.s32 $0x88, s3;
	s6 =	simm.s32 @!p1 $0x1082;
	[sflag:s4] =	ssyncset.s32 $0xFFFFF086  }
0x25: {  	[simem:s6], [sflag:s4] =	dma.local [hbm:s3], $0xF7A  }
0x26: {  	[smem:$0x3F9F] =	sst s1;
	(tag) =	ssettag s2;
	_ =	strace s9  }
0x27: {  	s1 =	sld [smem:$0x3FAF]  }
0x28: {  	s2 =	sld [smem:$0x3FB0]  }
0x29: {  	s4 =	sld [smem:$0x3FB2]  }
0x2a: {  	p0 =	seq.s32 s5, $0x0;
	s5 =	sld [smem:$0x3FB3]  }
0x2b: {  	s6 =	sld [smem:$0x3FB4]  }
0x2c: {  	s7 =	sld [smem:$0x3FB5]  }
0x2d: {  	s3 =	simm.s32 $0x108;
	s8 =	sld [smem:$0x3FB6]  }
0x2e: {  	s3 =	simm.s32 @!p0 $0x1082;
	s9 =	sld [smem:$0x3FB7]  }
0x2f: {  	lr =	sadd.s32 s0, s3;
	s0 =	sld [smem:$0x3FAE]  }
0x30: {  	s3 =	sld [smem:$0x3FB1]  }
0x31: {  	[smem:$0x3FBA] =	sst s10  }
0x32: {  	s10 =	sld [smem:$0x3FB8];
	_ =	sdelay $0x3  }
0x33: {  	p0 =	seq.s32 s10, $0x1;
	s10 =	sld [smem:$0x3FBA];
	_ =	sdelay $0x3  }
0x34: {  	[smem:$0x3FBA] =	sst s10  }
0x35: {  	s10 =	sld [smem:$0x3FB9];
	_ =	sdelay $0x3  }
0x36: {  	p1 =	seq.s32 s10, $0x1;
	s10 =	sld [smem:$0x3FBA];
	_ =	sdelay $0x3  }
0x37: {  	[smem:$0x3FBA] =	sst s10  }
0x38: {  	s10 =	sld [smem:$0x3FBB]  }
0x39: {  	_ = 	snop;
	(pc) =	sbr.ind lr, $3  }
0x3a: {  	_ = 	snop  }
0x3b: {  	_ = 	snop  }
0x3c: {  	p2 =	seq.s32 s10, $0x1;
	s10 =	sld [smem:$0x3FBA]  }
0x3d: {  	_ =	shalt  }
0x3e: {  	_ =	shalt  }
0x3f: {  	_ =	shalt  }
0x40: {  	_ =	shalt  }
0x41: {  	_ =	shalt  }
0x42: {  	_ =	shalt  }
0x43: {  	_ =	shalt  }
0x44: {  	_ =	shalt  }
0x45: {  	_ =	shalt  }
0x46: {  	_ =	shalt  }
0x47: {  	_ =	shalt  }
0x48: {  	_ =	shalt  }
0x49: {  	_ =	shalt  }
0x4a: {  	_ =	shalt  }
0x4b: {  	_ =	shalt  }
0x4c: {  	_ =	shalt  }
0x4d: {  	_ =	shalt  }
0x4e: {  	_ =	shalt  }
0x4f: {  	_ =	shalt  }
0x50: {  	_ =	shalt  }
0x51: {  	_ =	shalt  }
0x52: {  	_ =	shalt  }
0x53: {  	_ =	shalt  }
0x54: {  	_ =	shalt  }
0x55: {  	_ =	shalt  }
0x56: {  	_ =	shalt  }
0x57: {  	_ =	shalt  }
0x58: {  	_ =	shalt  }
0x59: {  	_ =	shalt  }
0x5a: {  	_ =	shalt  }
0x5b: {  	_ =	shalt  }
0x5c: {  	_ =	shalt  }
0x5d: {  	_ =	shalt  }
0x5e: {  	_ =	shalt  }
0x5f: {  	_ =	shalt  }
0x60: {  	_ =	shalt  }
0x61: {  	_ =	shalt  }
0x62: {  	_ =	shalt  }
0x63: {  	_ =	shalt  }
0x64: {  	_ =	shalt  }
0x65: {  	_ =	shalt  }
0x66: {  	_ =	shalt  }
0x67: {  	_ =	shalt  }
0x68: {  	_ =	shalt  }
0x69: {  	_ =	shalt  }
0x6a: {  	_ =	shalt  }
0x6b: {  	_ =	shalt  }
0x6c: {  	_ =	shalt  }
0x6d: {  	_ =	shalt  }
0x6e: {  	_ =	shalt  }
0x6f: {  	_ =	shalt  }
0x70: {  	_ =	shalt  }
0x71: {  	_ =	shalt  }
0x72: {  	_ =	shalt  }
0x73: {  	_ =	shalt  }
0x74: {  	_ =	shalt  }
0x75: {  	_ =	shalt  }
0x76: {  	_ =	shalt  }
0x77: {  	_ =	shalt  }
0x78: {  	_ =	shalt  }
0x79: {  	_ =	shalt  }
0x7a: {  	_ =	shalt  }
0x7b: {  	_ =	shalt  }
0x7c: {  	_ =	shalt  }
0x7d: {  	_ =	shalt  }
0x7e: {  	_ =	shalt  }
0x7f: {  	_ =	shalt  }
0x80: {  	_ =	shalt  }
0x81: {  	_ =	shalt  }
0x82: {  	_ =	shalt  }
0x83: {  	_ =	shalt  }
0x84: {  	_ =	shalt  }
0x85: {  	_ =	shalt  }
0x86: {  	_ =	shalt  }
0x87: {  	_ =	shalt  }
.Lfunc_end0:
.L_simem_size_0:
called_computation_lowered:
.L_overlay_start_0:
0x88: {  	s2 =	sld [smem:$0x3FD9]  }
0x89: {  	s3 =	sld [smem:$0x3FFE];
	_ =	sdelay $0x1  }
0x8a: {  	s1 =	srdreg.scid  }
0x8b: {  	s0 =	sand.u32 $0x1, s1  }
0x8c: {  	s16 =	sshll.u32 s0, $0xA;
	s2 =	sadd.s32 s3, s2  }
0x8d: {  	s2 =	sadd.s32 s2, s16  }
0x8e: {  	[smem:$0x3FC6] =	sst s2  }
0x8f: {  	_ = 	snop  }
0x90: {  	(tm) =	ssettm $0x1  }
0x91: {  	s17 =	sld [smem:$0x3FFB];
	_ =	sdelay $0x3  }
0x92: {  	_ =	strace s17  }
0x93: {  	s2 =	sld [smem:$0x3FFC];
	_ =	sdelay $0x3  }
0x94: {  	_ =	strace s2  }
0x95: {  	s2 =	sld [smem:$0x3FFD];
	_ =	sdelay $0x3  }
0x96: {  	_ =	strace s2  }
0x97: {  	_ =	strace $0x8FFFFFFF  }
0x98: {  	s18 =	sld [smem:$0x3FDB];
	_ =	sdelay $0x1  }
0x99: {  	s19 =	simm.s32 $_scs_section_size  }
0x9a: {  	s4 =	simm.s32 $_size__tile_overlayer_lowered;
	s5 =	simm.s32 $_tile_overlayer_lowered  }
0x9b: {  	s22 =	simm.s32 $0x1BFF;
	s21 =	sshll.u32 s5, $0x1;
	s2 =	sadd.s32 s19, s18  }
0x9c: {  	s6 =	simm.s32 $0x0;
	s20 =	sshll.u32 s4, $0x1;
	s4 =	sadd.s32 s21, s2  }
0x9d: {  	[timem:s6], [sflag:s22] =	dma.local [hbm:s4], s20  }
0x9e: {  	_ =	swait.ge [sflag:s22], s20  }
0x9f: {  	s3 =	ssub.s32 $0x0, s20;
	[sflag:s22] =	ssyncset.done $0x0  }
0xa0: {  	[sflag:s22] =	ssyncadd.s32 s3;
	_ =	sdelay $0x1  }
0xa1: {  	s23 =	simm.s32 $0x1B8B  }
0xa2: {  	_ =	swait.ge [sflag:s23], $0x1  }
0xa3: {  	[sflag:s23] =	ssyncset.done $0x0  }
0xa4: {  	s25 =	simm.s32 $0x1B8E;
	s24 =	sld [smem:$0x3FFE];
	[sflag:s23] =	ssyncadd.s32 $0xFFFFFFFF  }
0xa5: {  	s26 =	simm.s32 $execute0_lowered;
	[smem:$0x3FD2] =	sst s25  }
0xa6: {  	s4 =	sshll.u32 s26, $0x1;
	_ =	strace $0x80000046;
	[dreg:$0x1] =	wrdreg $0xFFFFFFFF  }
0xa7: {  	s28 =	simm.s32 $_size_execute0_lowered;
	s2 =	sadd.s32 s2, s4;
	[dreg:$0x0] =	wrdreg $0x0  }
0xa8: {  	s4 =	sshll.u32 s28, $0x1;
	[dreg:$0x2] =	wrdreg s2  }
0xa9: {  	[dreg:$0x3] =	wrdreg s4  }
0xaa: {  	[dreg:$0x4] =	wrdreg $0xC0  }
0xab: {  	_ =	task [dreg:s6], $0x5FFFF  }
0xac: {  	[dreg:$0x1] =	wrdreg $0xFFFFFFFF  }
0xad: {  	[dreg:$0x0] =	wrdreg $0x60  }
0xae: {  	[dreg:$0x2] =	wrdreg s24  }
0xaf: {  	[dreg:$0x3] =	wrdreg $0x49000  }
0xb0: {  	[dreg:$0x4] =	wrdreg $0x61800  }
0xb1: {  	[dreg:$0x5] =	wrdreg $0x9  }
0xb2: {  	_ =	task.clear_ibuf [dreg:s6], $0x6FFFF;
	_ =	strace $0x90000046  }
0xb3: {  	s29 =	simm.s32 $0x9;
	_ =	strace $0x80000048  }
0xb4: {  	_ =	swait.ge [sflag:s29], $0x1  }
0xb5: {  	[sflag:s29] =	ssyncadd.s32 $0xFFFFFFFF  }
0xb6: {  	_ =	strace $0x90000048  }
0xb7: {  	_ =	sfence  }
0xb8: {  	s30 =	sld [smem:$0x0];
	_ =	sdelay $0x2  }
0xb9: {  	s31 =	sshll.u32 s1, $0xD;
	s1 =	sshrl.u32 s1, $0x2  }
0xba: {  	s3 =	sand.u32 $0x4000, s31;
	s1 =	sadd.s32 s1, s30  }
0xbb: {  	s0 =	sor.u32 s3, s0;
	s1 =	sshll.u32 s1, $0x11  }
0xbc: {  	s0 =	sor.u32 s1, s0  }
0xbd: {  	s0 =	sadd.s32 $0x8F2B, s0  }
0xbe: {  	[sflag:s0] =	ssyncadd.remote.s32 $0x1  }
0xbf: {  	_ =	sfence.sel $0xFFFF  }
0xc0: {  	[dreg:$0x0] =	wrdreg $0xFFFFFFFF;
	(pc) =	sbr.abs _section_cstart, $3  }
0xc1: {  	[dreg:$0x1] =	wrdreg $0xFFFFFFFF  }
0xc2: {  	_ =	task.clear_ibuf [dreg:s6], $0x2FFFF;
	_ =	strace $0x9FFFFFFF  }
0xc3: {  	(tm) =	ssettm $0x7FFFFFFF  }
tec
execute0_lowered:
.L_overlay_start_1:
0x0: {  	(tag) =	ssettag $0x1  }
0x1: {  	s0 =	rddreg [dreg:$0x0]  }
0x2: {  	s2 =	rddreg [dreg:$0x1]  }
0x3: {  	s3 =	rddreg [dreg:$0x2]  }
0x4: {  	s1 =	srdreg.scid;
	s10 =	stileid.u32  }
0x5: {  	s4 =	simm.s32 $0x0;
	s28 =	simm.s32 $0x2000;
	s30 =	simm.s32 $0x2800  }
0x6: {  	s31 =	simm.s32 $0x1;
	s29 =	simm.s32 $0x2B00;
	s1 =	sand.u32 $0x1, s1  }
0x7: {  	s5 =	smul.u32 $0x3100, s10;
	[smem:$0x7FF] =	sst s4;
	s11 =	sadd.s32 $0x2600, s0  }
0x8: {  	s12 =	sadd.s32 $0xC8600, s0;
	s21 =	sshll.u32 s10, $0x1;
	s8 =	smul.u32 $0x1880, s10  }
0x9: {  	s26 =	smul.u32 $0x63000, s10;
	_ =	strace $0x80000047;
	[dreg:$0x5] =	wrdreg s12  }
0xa: {  	s6 =	sshll.u32 s1, $0x7;
	s7 =	ssub.s32 $0x2, s1;
	[dreg:$0x4] =	wrdreg s11  }
0xb: {  	s5 =	sor.u32 s6, s5;
	s6 =	sor.u32 s1, s21;
	s22 =	sshrl.u32 s7, $0x1  }
0xc: {  	s23 =	sadd.s32 s8, s2;
	s24 =	sadd.s32 s8, s3;
	s1 =	smul.u32 $0x31800, s1  }
0xd: {  	s8 =	simm.s32 $0x0;
	s9 =	smul.u32 $0x31800, s6;
	[dreg:$0x6] =	wrdreg s23  }
0xe: {  	s5 =	sshrl.u32 s5, $0x3;
	s6 =	smul.u32 $0x6300, s6;
	[dreg:$0x7] =	wrdreg s24  }
0xf: {  	s0 =	sadd.s32 s5, s0;
	s5 =	ssub.s32 s7, s22;
	s1 =	sadd.s32 s1, s26  }
0x10: {  	s25 =	sshrl.u32 s9, $0x3;
	s10 =	sadd.s32 s11, s6;
	s6 =	sadd.s32 s12, s6  }
0x11: {  	s18 =	sadd.s32 $0x18E600, s0;
	s19 =	sadd.s32 $0x2000, s1;
	[dreg:$0x8] =	wrdreg s10  }
0x12: {  	s0 =	sadd.s32 $0x194800, s0;
	s21 =	sadd.s32 $0x1000, s1;
	[dreg:$0x9] =	wrdreg s6  }
0x13: {  	s5 =	smax.u32 s5, $0x1;
	s24 =	sadd.s32 $0x1800, s1;
	[dreg:$0xe] =	wrdreg s18  }
0x14: {  	s1 =	simm.s32 $0x3000;
	s9 =	simm.s32 $0x2E00;
	[dreg:$0xf] =	wrdreg s0  }
0x15: {  	s13 =	sadd.s32 $0x100, s25;
	s15 =	sadd.s32 $0x200, s25;
	[dreg:$0x10] =	wrdreg s5  }
0x16: {  	s20 =	sshrl.u32 s19, $0x3;
	s23 =	sshrl.u32 s21, $0x3;
	[dreg:$0x13] =	wrdreg s24  }
0x17: {  	s24 =	simm.s32 $0x1000;
	s21 =	simm.s32 $0x2A80;
	s14 =	sadd.s32 s11, s13  }
0x18: {  	s5 =	simm.s32 $0x2B80;
	s16 =	sadd.s32 s12, s13;
	[dreg:$0xa] =	wrdreg s14  }
0x19: {  	s18 =	simm.s32 $0x2C80;
	s17 =	sadd.s32 s11, s15;
	[dreg:$0xb] =	wrdreg s16  }
0x1a: {  	s19 =	simm.s32 $0x2D00;
	s6 =	sadd.s32 s12, s15;
	[dreg:$0xc] =	wrdreg s17  }
0x1b: {  	s10 =	simm.s32 $0x2E80;
	s22 =	sadd.s32 s20, s12;
	[dreg:$0xd] =	wrdreg s6  }
0x1c: {  	s0 =	sadd.s32 s20, s11;
	s25 =	sadd.s32 s23, s12;
	[dreg:$0x11] =	wrdreg s22  }
.Ltmp0:
0x1d: {  	s26 =	sadd.s32 s23, s11;
	[dreg:$0x12] =	wrdreg s0;
	(pc) =	sbr.rel .LBB2_1-.Ltmp0, $4  }
0x1e: {  	s13 =	simm.s32 $0x4;
	s12 =	simm.s32 $0x2F00;
	[dreg:$0x14] =	wrdreg s25  }
0x1f: {  	s23 =	simm.s32 $0x6;
	[dreg:$0x15] =	wrdreg s26;
	s0 =	simm.s32 $0x80  }
0x20: {  	s22 =	simm.s32 $0x2;
	s16 =	simm.s32 $0x3;
	s6 =	simm.s32 $0x2C00  }
0x21: {  	v0 =	vimm.f32 $1.000000000e+00;
	v1 =	vimm.f32 $0.0e+00;
	s26 =	simm.s32 $0x2D80;
	s25 =	simm.s32 $0x2F80;
	s14 =	simm.s32 $0x5  }
.LBB2_8:
0x22: {  	_ =	swait.ge [sflag:s23], $0x80  }
0x23: {  	[sflag:s23] =	ssyncset.done $0x0  }
0x24: {  	[sflag:s23] =	ssyncadd.s32 $0xFFFFFF80  }
0x25: {  	_ =	swait.ge [sflag:s23], $0x80  }
0x26: {  	[sflag:s23] =	ssyncset.done $0x0  }
0x27: {  	[sflag:s23] =	ssyncadd.s32 $0xFFFFFF80  }
0x28: {  	_ =	swait.ge [sflag:s23], $0x80  }
0x29: {  	[sflag:s23] =	ssyncset.done $0x0  }
0x2a: {  	[sflag:s23] =	ssyncadd.s32 $0xFFFFFF80  }
0x2b: {  	_ =	swait.ge [sflag:s23], $0x80  }
0x2c: {  	[sflag:s23] =	ssyncset.done $0x0  }
0x2d: {  	[sflag:s23] =	ssyncadd.s32 $0xFFFFFF80  }
0x2e: {  	_ =	swait.ge [sflag:s23], $0x80  }
0x2f: {  	[sflag:s23] =	ssyncset.done $0x0  }
0x30: {  	[sflag:s23] =	ssyncadd.s32 $0xFFFFFF80  }
0x31: {  	_ =	swait.ge [sflag:s23], $0x80  }
0x32: {  	[sflag:s23] =	ssyncset.done $0x0  }
0x33: {  	[sflag:s23] =	ssyncadd.s32 $0xFFFFFF80  }
0x34: {  	_ =	swait.ge [sflag:s23], $0x80  }
0x35: {  	[sflag:s23] =	ssyncset.done $0x0  }
0x36: {  	[sflag:s23] =	ssyncadd.s32 $0xFFFFFF80  }
0x37: {  	_ =	swait.ge [sflag:s23], $0x80  }
0x38: {  	[sflag:s23] =	ssyncset.done $0x0  }
0x39: {  	[sflag:s23] =	ssyncadd.s32 $0xFFFFFF80  }
0x3a: {  	_ =	swait.ge [sflag:s23], $0x80  }
0x3b: {  	[sflag:s23] =	ssyncset.done $0x0  }
0x3c: {  	[sflag:s23] =	ssyncadd.s32 $0xFFFFFF80  }
0x3d: {  	_ =	swait.ge [sflag:s23], $0x80  }
0x3e: {  	[sflag:s23] =	ssyncset.done $0x0  }
0x3f: {  	[sflag:s23] =	ssyncadd.s32 $0xFFFFFF80  }
0x40: {  	_ =	swait.ge [sflag:s23], $0x80  }
0x41: {  	[sflag:s23] =	ssyncset.done $0x0  }
0x42: {  	[sflag:s23] =	ssyncadd.s32 $0xFFFFFF80  }
0x43: {  	_ =	swait.ge [sflag:s23], $0x80  }
0x44: {  	[sflag:s23] =	ssyncset.done $0x0  }
0x45: {  	[sflag:s23] =	ssyncadd.s32 $0xFFFFFF80  }
0x46: {  	_ =	swait.ge [sflag:s23], $0x80  }
0x47: {  	[sflag:s23] =	ssyncset.done $0x0  }
0x48: {  	[sflag:s23] =	ssyncadd.s32 $0xFFFFFF80  }
0x49: {  	_ =	swait.ge [sflag:s23], $0x80  }
0x4a: {  	[sflag:s23] =	ssyncset.done $0x0  }
0x4b: {  	[sflag:s23] =	ssyncadd.s32 $0xFFFFFF80  }
0x4c: {  	_ =	swait.ge [sflag:s23], $0x80  }
0x4d: {  	[sflag:s23] =	ssyncset.done $0x0  }
0x4e: {  	[sflag:s23] =	ssyncadd.s32 $0xFFFFFF80  }
0x4f: {  	_ =	swait.ge [sflag:s23], $0x80  }
0x50: {  	[sflag:s23] =	ssyncset.done $0x0  }
0x51: {  	[sflag:s23] =	ssyncadd.s32 $0xFFFFFF80  }
0x52: {  	_ =	swait.ge [sflag:s23], $0x80  }
0x53: {  	[sflag:s23] =	ssyncset.done $0x0  }
0x54: {  	[sflag:s23] =	ssyncadd.s32 $0xFFFFFF80  }
0x55: {  	_ =	swait.ge [sflag:s23], $0x80  }
0x56: {  	[sflag:s23] =	ssyncset.done $0x0  }
0x57: {  	[sflag:s23] =	ssyncadd.s32 $0xFFFFFF80  }
0x58: {  	_ =	swait.ge [sflag:s23], $0x80  }
0x59: {  	[sflag:s23] =	ssyncset.done $0x0  }
0x5a: {  	[sflag:s23] =	ssyncadd.s32 $0xFFFFFF80  }
0x5b: {  	_ =	swait.ge [sflag:s23], $0x80  }
0x5c: {  	[sflag:s23] =	ssyncset.done $0x0  }
0x5d: {  	[sflag:s23] =	ssyncadd.s32 $0xFFFFFF80  }
0x5e: {  	_ =	swait.ge [sflag:s23], $0x80  }
0x5f: {  	[sflag:s23] =	ssyncset.done $0x0  }
0x60: {  	[sflag:s23] =	ssyncadd.s32 $0xFFFFFF80  }
0x61: {  	_ =	swait.ge [sflag:s23], $0x80  }
0x62: {  	[sflag:s23] =	ssyncset.done $0x0  }
0x63: {  	[sflag:s23] =	ssyncadd.s32 $0xFFFFFF80  }
0x64: {  	_ =	swait.ge [sflag:s23], $0x80  }
0x65: {  	[sflag:s23] =	ssyncset.done $0x0  }
0x66: {  	[sflag:s23] =	ssyncadd.s32 $0xFFFFFF80  }
0x67: {  	_ =	swait.ge [sflag:s23], $0x80  }
0x68: {  	[sflag:s23] =	ssyncset.done $0x0  }
0x69: {  	[sflag:s23] =	ssyncadd.s32 $0xFFFFFF80  }
0x6a: {  	_ =	swait.ge [sflag:s23], $0x80  }
0x6b: {  	[sflag:s23] =	ssyncset.done $0x0  }
0x6c: {  	[sflag:s23] =	ssyncadd.s32 $0xFFFFFF80  }
0x6d: {  	_ =	swait.ge [sflag:s23], $0x80  }
0x6e: {  	[sflag:s23] =	ssyncset.done $0x0  }
0x6f: {  	[sflag:s23] =	ssyncadd.s32 $0xFFFFFF80  }
0x70: {  	_ =	swait.ge [sflag:s23], $0x80  }
0x71: {  	[sflag:s23] =	ssyncset.done $0x0  }
0x72: {  	[sflag:s23] =	ssyncadd.s32 $0xFFFFFF80  }
0x73: {  	_ =	swait.ge [sflag:s23], $0x80  }
0x74: {  	[sflag:s23] =	ssyncset.done $0x0  }
0x75: {  	[sflag:s23] =	ssyncadd.s32 $0xFFFFFF80  }
0x76: {  	_ =	swait.ge [sflag:s23], $0x80  }
0x77: {  	[sflag:s23] =	ssyncset.done $0x0  }
0x78: {  	[sflag:s23] =	ssyncadd.s32 $0xFFFFFF80  }
0x79: {  	_ =	swait.ge [sflag:s23], $0x80  }
0x7a: {  	[sflag:s23] =	ssyncset.done $0x0  }
0x7b: {  	[sflag:s23] =	ssyncadd.s32 $0xFFFFFF80  }
0x7c: {  	_ =	swait.ge [sflag:s23], $0x80  }
0x7d: {  	[sflag:s23] =	ssyncset.done $0x0  }
0x7e: {  	[sflag:s23] =	ssyncadd.s32 $0xFFFFFF80  }
0x7f: {  	_ =	swait.ge [sflag:s23], $0x80  }
0x80: {  	[sflag:s23] =	ssyncset.done $0x0  }
0x81: {  	s7 =	stileid.u32;
	[sflag:s23] =	ssyncadd.s32 $0xFFFFFF80  }
0x82: {  	s11 =	simm.s32 $0x20;
	s20 =	simm.s32 $0x10;
	[bflag:$0x0] =	sbarrier.arrive $0xFFFF  }
0x83: {  	s17 =	simm.s32 $0x7;
	s7 =	sshll.u32 s7, $0x6;
	s8 =	rddreg [dreg:$0x6]  }
0x84: {  	s7 =	sor.u32 $0x1C07, s7;
	s15 =	rddreg [dreg:$0xe];
	s8 =	sshrl.u32 s8, $0x3  }
0x85: {  	[hbm:s15@s11], [sflag:s7] =	dma.strided [spmem:s8@s20], $0x310, s31, $0x10   }
0x86: {  	_ =	swait.ge [sflag:s17], $0x310  }
0x87: {  	[sflag:s17] =	ssyncset.done $0x0;
	s15 =	rddreg [dreg:$0x7]  }
0x88: {  	[sflag:s17] =	ssyncadd.s32 $0xFFFFFCF0;
	s8 =	sshrl.u32 s15, $0x3;
	s15 =	rddreg [dreg:$0xf]  }
0x89: {  	[hbm:s15@s11], [sflag:s7] =	dma.strided [spmem:s8@s20], $0x310, s31, $0x10   }
0x8a: {  	_ =	swait.ge [sflag:s17], $0x310  }
0x8b: {  	s15 =	rddreg [dreg:$0x16]  }
0x8c: {  	s20 =	rddreg [dreg:$0x10];
	s8 =	sadd.s32 $0x1, s15  }
0x8d: {  	p0 =	sne.s32 s8, s20  }
.Ltmp1:
0x8e: {  	_ = 	snop;
	(pc) =	sbr.rel @!p0 .LBB2_9-.Ltmp1, $3  }
0x8f: {  	_ =	sdelay $0x1  }
0x90: {  	[sflag:s17] =	ssyncset.done $0x0  }
0x91: {  	[sflag:s17] =	ssyncadd.s32 $0xFFFFFCF0  }
.LBB2_1:
0x92: {  	[tilespmem:$0x3000] =	vst v0  }
0x93: {  	[tilespmem:$0x3010] =	vst v0  }
0x94: {  	[tilespmem:$0x3020] =	vst v0  }
0x95: {  	[tilespmem:$0x3030] =	vst v0  }
0x96: {  	[tilespmem:$0x3040] =	vst v0  }
0x97: {  	[tilespmem:$0x3050] =	vst v0  }
0x98: {  	[tilespmem:$0x3060] =	vst v0  }
0x99: {  	[dreg:$0x16] =	wrdreg s8;
	[tilespmem:$0x3070] =	vst v0;
	s7 =	simm.s32 $0x40;
	s17 =	simm.s32 $0x0  }
.LBB2_2:
0x9a: {  	p0 =	sne.s32 s7, $0x61C0;
	[tilespmem:s17+$0x3080] =	vst v1;
	s17 =	smov.u32 s7;
	s7 =	sadd.s32 $0x40, s7  }
.Ltmp2:
0x9b: {  	(pc) =	sbr.rel @p0 .LBB2_2-.Ltmp2, $2  }
0x9c: {  	_ =	sdelay $0x2  }
0x9d: {  	s17 =	sshra.s32 s17, $0x2  }
0x9e: {  	[tilespmem:s17+$0x3080] =	vst v1;
	s7 =	rddreg [dreg:$0x6];
	s8 =	simm.s32 $0x3080;
	s15 =	simm.s32 $0x7  }
0x9f: {  	[spmem:s7] =	stream.linear.scatter [tilespmem:s8], [sflag:$0x7], $0x1880, $0x38;
	[tilespmem:$0x7A00] =	vst v63  }
0xa0: {  	_ =	swait.ge [sflag:s15], $0x1880  }
0xa1: {  	[sflag:s15] =	ssyncset.done $0x0  }
0xa2: {  	s20 =	rddreg [dreg:$0x7];
	[sflag:s15] =	ssyncadd.s32 $0xFFFFE780  }
0xa3: {  	[spmem:s20] =	stream.linear.scatter [tilespmem:s8], [sflag:$0x7], $0x1880, $0x38;
	[tilespmem:$0x7A00] =	vst v63  }
0xa4: {  	_ =	swait.ge [sflag:s15], $0x1880  }
0xa5: {  	[sflag:s15] =	ssyncset.done $0x0  }
0xa6: {  	[sflag:s15] =	ssyncadd.s32 $0xFFFFE780  }
0xa7: {  	[bflag:$0x0] =	sbarrier.arrive $0xFFFF  }
0xa8: {  	s11 =	rddreg [dreg:$0x8]  }
0xa9: {  	s17 =	simm.s32 $0x0;
	s15 =	rddreg [dreg:$0x9]  }
0xaa: {  	[tilespmem:s17], [sflag:$0x1] =	stream.linear.gather [hbm4b:s11+s17], $0x800, $0x38;
	[tilespmem:$0x7A00] =	vst v63  }
0xab: {  	s20 =	simm.s32 $0x1800;
	s8 =	rddreg [dreg:$0xa]  }
0xac: {  	[tilespmem:s20], [sflag:$0x1] =	stream.linear.gather [hbm4b:s15+s17], $0x800, $0x38;
	[tilespmem:$0x7A00] =	vst v63  }
0xad: {  	s7 =	rddreg [dreg:$0x13];
	s15 =	simm.s32 $0x800  }
0xae: {  	[tilespmem:s15], [sflag:$0x2] =	stream.linear.gather [hbm4b:s8+s17], $0x800, $0x38;
	[tilespmem:$0x7A00] =	vst v63  }
0xaf: {  	s11 =	rddreg [dreg:$0xb]  }
0xb0: {  	[tilespmem:s28], [sflag:$0x2] =	stream.linear.gather [hbm4b:s11+s17], $0x800, $0x38;
	[tilespmem:$0x7A00] =	vst v63  }
0xb1: {  	s20 =	rddreg [dreg:$0xc]  }
0xb2: {  	[tilespmem:s24], [sflag:$0x3] =	stream.linear.gather [hbm4b:s20+s17], $0x800, $0x38;
	[tilespmem:$0x7A00] =	vst v63  }
0xb3: {  	s24 =	rddreg [dreg:$0xd]  }
0xb4: {  	[tilespmem:s30], [sflag:$0x3] =	stream.linear.gather [hbm4b:s24+s17], $0x800, $0x38;
	[tilespmem:$0x7A00] =	vst v63  }
.LBB2_4:
0xb5: {  	_ =	swait.ge [sflag:s31], $0x800  }
0xb6: {  	[sflag:s31] =	ssyncset.done $0x0  }
0xb7: {  	[sflag:s31] =	ssyncadd.s32 $0xFFFFF800  }
0xb8: {  	_ =	swait.ge [sflag:s31], $0x800  }
0xb9: {  	[sflag:s31] =	ssyncset.done $0x0  }
0xba: {  	s8 =	simm.s32 $0x1800;
	[sflag:s31] =	ssyncadd.s32 $0xFFFFF800  }
0xbb: {  	[spmem:s2] =	stream.indirect.scatter.add.f32 [tilespmem:s4], [sflag:$0x4], $0x1, s8, s0, $0xb8;
	[tilespmem:$0x7A00] =	vst v63  }
0xbc: {  	_ = 	snop  }
0xbd: {  	[spmem:s3] =	stream.indirect.scatter.add.f32 [tilespmem:s1], [sflag:$0x4], $0x1, s8, s0, $0xb8;
	[tilespmem:$0x7A00] =	vst v63  }
0xbe: {  	s20 =	simm.s32 $0x1880  }
0xbf: {  	[spmem:s2] =	stream.indirect.scatter.add.f32 [tilespmem:s0], [sflag:$0x4], $0x1, s20, s0, $0xb8;
	[tilespmem:$0x7A00] =	vst v63  }
0xc0: {  	_ = 	snop  }
0xc1: {  	[spmem:s3] =	stream.indirect.scatter.add.f32 [tilespmem:s1], [sflag:$0x4], $0x1, s20, s0, $0xb8;
	[tilespmem:$0x7A00] =	vst v63  }
0xc2: {  	s24 =	simm.s32 $0x1900;
	s11 =	simm.s32 $0x100  }
0xc3: {  	[spmem:s2] =	stream.indirect.scatter.add.f32 [tilespmem:s11], [sflag:$0x4], $0x1, s24, s0, $0xb8;
	[tilespmem:$0x7A00] =	vst v63  }
0xc4: {  	_ = 	snop  }
0xc5: {  	[spmem:s3] =	stream.indirect.scatter.add.f32 [tilespmem:s1], [sflag:$0x4], $0x1, s24, s0, $0xb8;
	[tilespmem:$0x7A00] =	vst v63  }
0xc6: {  	s20 =	simm.s32 $0x1980;
	s24 =	simm.s32 $0x180  }
0xc7: {  	[spmem:s2] =	stream.indirect.scatter.add.f32 [tilespmem:s24], [sflag:$0x4], $0x1, s20, s0, $0xb8;
	[tilespmem:$0x7A00] =	vst v63  }
0xc8: {  	_ = 	snop  }
0xc9: {  	[spmem:s3] =	stream.indirect.scatter.add.f32 [tilespmem:s1], [sflag:$0x4], $0x1, s20, s0, $0xb8;
	[tilespmem:$0x7A00] =	vst v63  }
0xca: {  	s24 =	simm.s32 $0x200;
	s20 =	simm.s32 $0x1A00  }
0xcb: {  	[spmem:s2] =	stream.indirect.scatter.add.f32 [tilespmem:s24], [sflag:$0x4], $0x1, s20, s0, $0xb8;
	[tilespmem:$0x7A00] =	vst v63  }
0xcc: {  	_ = 	snop  }
0xcd: {  	[spmem:s3] =	stream.indirect.scatter.add.f32 [tilespmem:s1], [sflag:$0x4], $0x1, s20, s0, $0xb8;
	[tilespmem:$0x7A00] =	vst v63  }
0xce: {  	s24 =	simm.s32 $0x280;
	s20 =	simm.s32 $0x1A80  }
0xcf: {  	[spmem:s2] =	stream.indirect.scatter.add.f32 [tilespmem:s24], [sflag:$0x4], $0x1, s20, s0, $0xb8;
	[tilespmem:$0x7A00] =	vst v63  }
0xd0: {  	_ = 	snop  }
0xd1: {  	[spmem:s3] =	stream.indirect.scatter.add.f32 [tilespmem:s1], [sflag:$0x4], $0x1, s20, s0, $0xb8;
	[tilespmem:$0x7A00] =	vst v63  }
0xd2: {  	s24 =	simm.s32 $0x300;
	s20 =	simm.s32 $0x1B00  }
0xd3: {  	[spmem:s2] =	stream.indirect.scatter.add.f32 [tilespmem:s24], [sflag:$0x4], $0x1, s20, s0, $0xb8;
	[tilespmem:$0x7A00] =	vst v63  }
0xd4: {  	_ = 	snop  }
0xd5: {  	[spmem:s3] =	stream.indirect.scatter.add.f32 [tilespmem:s1], [sflag:$0x4], $0x1, s20, s0, $0xb8;
	[tilespmem:$0x7A00] =	vst v63  }
0xd6: {  	s24 =	simm.s32 $0x380;
	s20 =	simm.s32 $0x1B80  }
0xd7: {  	[spmem:s2] =	stream.indirect.scatter.add.f32 [tilespmem:s24], [sflag:$0x4], $0x1, s20, s0, $0xb8;
	[tilespmem:$0x7A00] =	vst v63  }
0xd8: {  	_ = 	snop  }
0xd9: {  	[spmem:s3] =	stream.indirect.scatter.add.f32 [tilespmem:s1], [sflag:$0x4], $0x1, s20, s0, $0xb8;
	[tilespmem:$0x7A00] =	vst v63  }
0xda: {  	s24 =	simm.s32 $0x400;
	s20 =	simm.s32 $0x1C00  }
0xdb: {  	[spmem:s2] =	stream.indirect.scatter.add.f32 [tilespmem:s24], [sflag:$0x4], $0x1, s20, s0, $0xb8;
	[tilespmem:$0x7A00] =	vst v63  }
0xdc: {  	_ = 	snop  }
0xdd: {  	[spmem:s3] =	stream.indirect.scatter.add.f32 [tilespmem:s1], [sflag:$0x4], $0x1, s20, s0, $0xb8;
	[tilespmem:$0x7A00] =	vst v63  }
0xde: {  	s24 =	simm.s32 $0x480;
	s20 =	simm.s32 $0x1C80  }
0xdf: {  	[spmem:s2] =	stream.indirect.scatter.add.f32 [tilespmem:s24], [sflag:$0x4], $0x1, s20, s0, $0xb8;
	[tilespmem:$0x7A00] =	vst v63  }
0xe0: {  	_ = 	snop  }
0xe1: {  	[spmem:s3] =	stream.indirect.scatter.add.f32 [tilespmem:s1], [sflag:$0x4], $0x1, s20, s0, $0xb8;
	[tilespmem:$0x7A00] =	vst v63  }
0xe2: {  	s24 =	simm.s32 $0x500;
	s20 =	simm.s32 $0x1D00  }
0xe3: {  	[spmem:s2] =	stream.indirect.scatter.add.f32 [tilespmem:s24], [sflag:$0x4], $0x1, s20, s0, $0xb8;
	[tilespmem:$0x7A00] =	vst v63  }
0xe4: {  	_ = 	snop  }
0xe5: {  	[spmem:s3] =	stream.indirect.scatter.add.f32 [tilespmem:s1], [sflag:$0x4], $0x1, s20, s0, $0xb8;
	[tilespmem:$0x7A00] =	vst v63  }
0xe6: {  	s24 =	simm.s32 $0x580;
	s20 =	simm.s32 $0x1D80  }
0xe7: {  	[spmem:s2] =	stream.indirect.scatter.add.f32 [tilespmem:s24], [sflag:$0x4], $0x1, s20, s0, $0xb8;
	[tilespmem:$0x7A00] =	vst v63  }
0xe8: {  	_ = 	snop  }
0xe9: {  	[spmem:s3] =	stream.indirect.scatter.add.f32 [tilespmem:s1], [sflag:$0x4], $0x1, s20, s0, $0xb8;
	[tilespmem:$0x7A00] =	vst v63  }
0xea: {  	s24 =	simm.s32 $0x600;
	s20 =	simm.s32 $0x1E00  }
0xeb: {  	[spmem:s2] =	stream.indirect.scatter.add.f32 [tilespmem:s24], [sflag:$0x4], $0x1, s20, s0, $0xb8;
	[tilespmem:$0x7A00] =	vst v63  }
0xec: {  	_ = 	snop  }
0xed: {  	[spmem:s3] =	stream.indirect.scatter.add.f32 [tilespmem:s1], [sflag:$0x4], $0x1, s20, s0, $0xb8;
	[tilespmem:$0x7A00] =	vst v63  }
0xee: {  	s24 =	simm.s32 $0x680;
	s20 =	simm.s32 $0x1E80  }
0xef: {  	[spmem:s2] =	stream.indirect.scatter.add.f32 [tilespmem:s24], [sflag:$0x4], $0x1, s20, s0, $0xb8;
	[tilespmem:$0x7A00] =	vst v63  }
0xf0: {  	_ = 	snop  }
0xf1: {  	[spmem:s3] =	stream.indirect.scatter.add.f32 [tilespmem:s1], [sflag:$0x4], $0x1, s20, s0, $0xb8;
	[tilespmem:$0x7A00] =	vst v63  }
0xf2: {  	s24 =	simm.s32 $0x700;
	s20 =	simm.s32 $0x1F00  }
0xf3: {  	[spmem:s2] =	stream.indirect.scatter.add.f32 [tilespmem:s24], [sflag:$0x4], $0x1, s20, s0, $0xb8;
	[tilespmem:$0x7A00] =	vst v63  }
0xf4: {  	p0 =	seq.s32 s17, $0x0  }
0xf5: {  	[spmem:s3] =	stream.indirect.scatter.add.f32 [tilespmem:s1], [sflag:$0x4], $0x1, s20, s0, $0xb8;
	[tilespmem:$0x7A00] =	vst v63  }
.Ltmp3:
0xf6: {  	s24 =	simm.s32 $0x780;
	s20 =	simm.s32 $0x1F80;
	(pc) =	sbr.rel @p0 .LBB2_6-.Ltmp3, $4  }
0xf7: {  	[spmem:s2] =	stream.indirect.scatter.add.f32 [tilespmem:s24], [sflag:$0x4], $0x1, s20, s0, $0xb8;
	[tilespmem:$0x7A00] =	vst v63  }
0xf8: {  	_ = 	snop  }
0xf9: {  	[spmem:s3] =	stream.indirect.scatter.add.f32 [tilespmem:s1], [sflag:$0x4], $0x1, s20, s0, $0xb8;
	[tilespmem:$0x7A00] =	vst v63  }
0xfa: {  	s20 =	simm.s32 $0x1000  }
0xfb: {  	_ =	swait.ge [sflag:s23], $0x80  }
0xfc: {  	[sflag:s23] =	ssyncset.done $0x0  }
0xfd: {  	[sflag:s23] =	ssyncadd.s32 $0xFFFFFF80  }
0xfe: {  	_ =	swait.ge [sflag:s23], $0x80  }
0xff: {  	[sflag:s23] =	ssyncset.done $0x0  }
0x100: {  	[sflag:s23] =	ssyncadd.s32 $0xFFFFFF80  }
0x101: {  	_ =	swait.ge [sflag:s23], $0x80  }
0x102: {  	[sflag:s23] =	ssyncset.done $0x0  }
0x103: {  	[sflag:s23] =	ssyncadd.s32 $0xFFFFFF80  }
0x104: {  	_ =	swait.ge [sflag:s23], $0x80  }
0x105: {  	[sflag:s23] =	ssyncset.done $0x0  }
0x106: {  	[sflag:s23] =	ssyncadd.s32 $0xFFFFFF80  }
0x107: {  	_ =	swait.ge [sflag:s23], $0x80  }
0x108: {  	[sflag:s23] =	ssyncset.done $0x0  }
0x109: {  	[sflag:s23] =	ssyncadd.s32 $0xFFFFFF80  }
0x10a: {  	_ =	swait.ge [sflag:s23], $0x80  }
0x10b: {  	[sflag:s23] =	ssyncset.done $0x0  }
0x10c: {  	[sflag:s23] =	ssyncadd.s32 $0xFFFFFF80  }
0x10d: {  	_ =	swait.ge [sflag:s23], $0x80  }
0x10e: {  	[sflag:s23] =	ssyncset.done $0x0  }
0x10f: {  	[sflag:s23] =	ssyncadd.s32 $0xFFFFFF80  }
0x110: {  	_ =	swait.ge [sflag:s23], $0x80  }
0x111: {  	[sflag:s23] =	ssyncset.done $0x0  }
0x112: {  	[sflag:s23] =	ssyncadd.s32 $0xFFFFFF80  }
0x113: {  	_ =	swait.ge [sflag:s23], $0x80  }
0x114: {  	[sflag:s23] =	ssyncset.done $0x0  }
0x115: {  	[sflag:s23] =	ssyncadd.s32 $0xFFFFFF80  }
0x116: {  	_ =	swait.ge [sflag:s23], $0x80  }
0x117: {  	[sflag:s23] =	ssyncset.done $0x0  }
0x118: {  	[sflag:s23] =	ssyncadd.s32 $0xFFFFFF80  }
0x119: {  	_ =	swait.ge [sflag:s23], $0x80  }
0x11a: {  	[sflag:s23] =	ssyncset.done $0x0  }
0x11b: {  	[sflag:s23] =	ssyncadd.s32 $0xFFFFFF80  }
0x11c: {  	_ =	swait.ge [sflag:s23], $0x80  }
0x11d: {  	[sflag:s23] =	ssyncset.done $0x0  }
0x11e: {  	[sflag:s23] =	ssyncadd.s32 $0xFFFFFF80  }
0x11f: {  	_ =	swait.ge [sflag:s23], $0x80  }
0x120: {  	[sflag:s23] =	ssyncset.done $0x0  }
0x121: {  	[sflag:s23] =	ssyncadd.s32 $0xFFFFFF80  }
0x122: {  	_ =	swait.ge [sflag:s23], $0x80  }
0x123: {  	[sflag:s23] =	ssyncset.done $0x0  }
0x124: {  	[sflag:s23] =	ssyncadd.s32 $0xFFFFFF80  }
0x125: {  	_ =	swait.ge [sflag:s23], $0x80  }
0x126: {  	[sflag:s23] =	ssyncset.done $0x0  }
0x127: {  	[sflag:s23] =	ssyncadd.s32 $0xFFFFFF80  }
0x128: {  	_ =	swait.ge [sflag:s23], $0x80  }
0x129: {  	[sflag:s23] =	ssyncset.done $0x0  }
0x12a: {  	[sflag:s23] =	ssyncadd.s32 $0xFFFFFF80  }
0x12b: {  	_ =	swait.ge [sflag:s23], $0x80  }
0x12c: {  	[sflag:s23] =	ssyncset.done $0x0  }
0x12d: {  	[sflag:s23] =	ssyncadd.s32 $0xFFFFFF80  }
0x12e: {  	_ =	swait.ge [sflag:s23], $0x80  }
0x12f: {  	[sflag:s23] =	ssyncset.done $0x0  }
0x130: {  	[sflag:s23] =	ssyncadd.s32 $0xFFFFFF80  }
0x131: {  	_ =	swait.ge [sflag:s23], $0x80  }
0x132: {  	[sflag:s23] =	ssyncset.done $0x0  }
0x133: {  	[sflag:s23] =	ssyncadd.s32 $0xFFFFFF80  }
0x134: {  	_ =	swait.ge [sflag:s23], $0x80  }
0x135: {  	[sflag:s23] =	ssyncset.done $0x0  }
0x136: {  	[sflag:s23] =	ssyncadd.s32 $0xFFFFFF80  }
0x137: {  	_ =	swait.ge [sflag:s23], $0x80  }
0x138: {  	[sflag:s23] =	ssyncset.done $0x0  }
0x139: {  	[sflag:s23] =	ssyncadd.s32 $0xFFFFFF80  }
0x13a: {  	_ =	swait.ge [sflag:s23], $0x80  }
0x13b: {  	[sflag:s23] =	ssyncset.done $0x0  }
0x13c: {  	[sflag:s23] =	ssyncadd.s32 $0xFFFFFF80  }
0x13d: {  	_ =	swait.ge [sflag:s23], $0x80  }
0x13e: {  	[sflag:s23] =	ssyncset.done $0x0  }
0x13f: {  	[sflag:s23] =	ssyncadd.s32 $0xFFFFFF80  }
0x140: {  	_ =	swait.ge [sflag:s23], $0x80  }
0x141: {  	[sflag:s23] =	ssyncset.done $0x0  }
0x142: {  	[sflag:s23] =	ssyncadd.s32 $0xFFFFFF80  }
0x143: {  	_ =	swait.ge [sflag:s23], $0x80  }
0x144: {  	[sflag:s23] =	ssyncset.done $0x0  }
0x145: {  	[sflag:s23] =	ssyncadd.s32 $0xFFFFFF80  }
0x146: {  	_ =	swait.ge [sflag:s23], $0x80  }
0x147: {  	[sflag:s23] =	ssyncset.done $0x0  }
0x148: {  	[sflag:s23] =	ssyncadd.s32 $0xFFFFFF80  }
0x149: {  	_ =	swait.ge [sflag:s23], $0x80  }
0x14a: {  	[sflag:s23] =	ssyncset.done $0x0  }
0x14b: {  	[sflag:s23] =	ssyncadd.s32 $0xFFFFFF80  }
0x14c: {  	_ =	swait.ge [sflag:s23], $0x80  }
0x14d: {  	[sflag:s23] =	ssyncset.done $0x0  }
0x14e: {  	[sflag:s23] =	ssyncadd.s32 $0xFFFFFF80  }
0x14f: {  	_ =	swait.ge [sflag:s23], $0x80  }
0x150: {  	[sflag:s23] =	ssyncset.done $0x0  }
0x151: {  	[sflag:s23] =	ssyncadd.s32 $0xFFFFFF80  }
0x152: {  	_ =	swait.ge [sflag:s23], $0x80  }
0x153: {  	[sflag:s23] =	ssyncset.done $0x0  }
0x154: {  	[sflag:s23] =	ssyncadd.s32 $0xFFFFFF80  }
0x155: {  	_ =	swait.ge [sflag:s23], $0x80  }
0x156: {  	[sflag:s23] =	ssyncset.done $0x0  }
0x157: {  	[sflag:s23] =	ssyncadd.s32 $0xFFFFFF80  }
0x158: {  	_ =	swait.ge [sflag:s23], $0x80  }
0x159: {  	[sflag:s23] =	ssyncset.done $0x0;
	s8 =	rddreg [dreg:$0x15]  }
0x15a: {  	[sflag:s23] =	ssyncadd.s32 $0xFFFFFF80;
	s24 =	sadd.s32 s17, s8  }
0x15b: {  	[tilespmem:s20], [sflag:$0x3] =	stream.linear.gather [hbm4b:s24+s4], $0x800, $0x38;
	[tilespmem:$0x7A00] =	vst v63  }
0x15c: {  	s24 =	rddreg [dreg:$0x14]  }
0x15d: {  	s11 =	sadd.s32 s17, s24  }
0x15e: {  	[tilespmem:s30], [sflag:$0x3] =	stream.linear.gather [hbm4b:s11+s4], $0x800, $0x38;
	[tilespmem:$0x7A00] =	vst v63  }
.LBB2_6:
0x15f: {  	_ =	swait.ge [sflag:s22], $0x800  }
0x160: {  	[sflag:s22] =	ssyncset.done $0x0  }
0x161: {  	[sflag:s22] =	ssyncadd.s32 $0xFFFFF800  }
0x162: {  	_ =	swait.ge [sflag:s22], $0x800  }
0x163: {  	[sflag:s22] =	ssyncset.done $0x0  }
0x164: {  	[sflag:s22] =	ssyncadd.s32 $0xFFFFF800  }
0x165: {  	[spmem:s2] =	stream.indirect.scatter.add.f32 [tilespmem:s15], [sflag:$0x5], $0x1, s28, s0, $0xb8;
	[tilespmem:$0x7A00] =	vst v63  }
0x166: {  	_ = 	snop  }
0x167: {  	[spmem:s3] =	stream.indirect.scatter.add.f32 [tilespmem:s1], [sflag:$0x5], $0x1, s28, s0, $0xb8;
	[tilespmem:$0x7A00] =	vst v63  }
0x168: {  	s8 =	simm.s32 $0x2080;
	s11 =	simm.s32 $0x880  }
0x169: {  	[spmem:s2] =	stream.indirect.scatter.add.f32 [tilespmem:s11], [sflag:$0x5], $0x1, s8, s0, $0xb8;
	[tilespmem:$0x7A00] =	vst v63  }
0x16a: {  	_ = 	snop  }
0x16b: {  	[spmem:s3] =	stream.indirect.scatter.add.f32 [tilespmem:s1], [sflag:$0x5], $0x1, s8, s0, $0xb8;
	[tilespmem:$0x7A00] =	vst v63  }
0x16c: {  	s24 =	simm.s32 $0x2100;
	s15 =	simm.s32 $0x900  }
0x16d: {  	[spmem:s2] =	stream.indirect.scatter.add.f32 [tilespmem:s15], [sflag:$0x5], $0x1, s24, s0, $0xb8;
	[tilespmem:$0x7A00] =	vst v63  }
0x16e: {  	_ = 	snop  }
0x16f: {  	[spmem:s3] =	stream.indirect.scatter.add.f32 [tilespmem:s1], [sflag:$0x5], $0x1, s24, s0, $0xb8;
	[tilespmem:$0x7A00] =	vst v63  }
0x170: {  	s15 =	simm.s32 $0x980;
	s24 =	simm.s32 $0x2180  }
0x171: {  	[spmem:s2] =	stream.indirect.scatter.add.f32 [tilespmem:s15], [sflag:$0x5], $0x1, s24, s0, $0xb8;
	[tilespmem:$0x7A00] =	vst v63  }
0x172: {  	_ = 	snop  }
0x173: {  	[spmem:s3] =	stream.indirect.scatter.add.f32 [tilespmem:s1], [sflag:$0x5], $0x1, s24, s0, $0xb8;
	[tilespmem:$0x7A00] =	vst v63  }
0x174: {  	s15 =	simm.s32 $0xA00;
	s24 =	simm.s32 $0x2200  }
0x175: {  	[spmem:s2] =	stream.indirect.scatter.add.f32 [tilespmem:s15], [sflag:$0x5], $0x1, s24, s0, $0xb8;
	[tilespmem:$0x7A00] =	vst v63  }
0x176: {  	_ = 	snop  }
0x177: {  	[spmem:s3] =	stream.indirect.scatter.add.f32 [tilespmem:s1], [sflag:$0x5], $0x1, s24, s0, $0xb8;
	[tilespmem:$0x7A00] =	vst v63  }
0x178: {  	s15 =	simm.s32 $0xA80;
	s24 =	simm.s32 $0x2280  }
0x179: {  	[spmem:s2] =	stream.indirect.scatter.add.f32 [tilespmem:s15], [sflag:$0x5], $0x1, s24, s0, $0xb8;
	[tilespmem:$0x7A00] =	vst v63  }
0x17a: {  	_ = 	snop  }
0x17b: {  	[spmem:s3] =	stream.indirect.scatter.add.f32 [tilespmem:s1], [sflag:$0x5], $0x1, s24, s0, $0xb8;
	[tilespmem:$0x7A00] =	vst v63  }
0x17c: {  	s15 =	simm.s32 $0xB00;
	s24 =	simm.s32 $0x2300  }
0x17d: {  	[spmem:s2] =	stream.indirect.scatter.add.f32 [tilespmem:s15], [sflag:$0x5], $0x1, s24, s0, $0xb8;
	[tilespmem:$0x7A00] =	vst v63  }
0x17e: {  	_ = 	snop  }
0x17f: {  	[spmem:s3] =	stream.indirect.scatter.add.f32 [tilespmem:s1], [sflag:$0x5], $0x1, s24, s0, $0xb8;
	[tilespmem:$0x7A00] =	vst v63  }
0x180: {  	s15 =	simm.s32 $0xB80;
	s24 =	simm.s32 $0x2380  }
0x181: {  	[spmem:s2] =	stream.indirect.scatter.add.f32 [tilespmem:s15], [sflag:$0x5], $0x1, s24, s0, $0xb8;
	[tilespmem:$0x7A00] =	vst v63  }
0x182: {  	_ = 	snop  }
0x183: {  	[spmem:s3] =	stream.indirect.scatter.add.f32 [tilespmem:s1], [sflag:$0x5], $0x1, s24, s0, $0xb8;
	[tilespmem:$0x7A00] =	vst v63  }
0x184: {  	s15 =	simm.s32 $0xC00;
	s24 =	simm.s32 $0x2400  }
0x185: {  	[spmem:s2] =	stream.indirect.scatter.add.f32 [tilespmem:s15], [sflag:$0x5], $0x1, s24, s0, $0xb8;
	[tilespmem:$0x7A00] =	vst v63  }
0x186: {  	_ = 	snop  }
0x187: {  	[spmem:s3] =	stream.indirect.scatter.add.f32 [tilespmem:s1], [sflag:$0x5], $0x1, s24, s0, $0xb8;
	[tilespmem:$0x7A00] =	vst v63  }
0x188: {  	s15 =	simm.s32 $0xC80;
	s24 =	simm.s32 $0x2480  }
0x189: {  	[spmem:s2] =	stream.indirect.scatter.add.f32 [tilespmem:s15], [sflag:$0x5], $0x1, s24, s0, $0xb8;
	[tilespmem:$0x7A00] =	vst v63  }
0x18a: {  	_ = 	snop  }
0x18b: {  	[spmem:s3] =	stream.indirect.scatter.add.f32 [tilespmem:s1], [sflag:$0x5], $0x1, s24, s0, $0xb8;
	[tilespmem:$0x7A00] =	vst v63  }
0x18c: {  	s15 =	simm.s32 $0xD00;
	s24 =	simm.s32 $0x2500  }
0x18d: {  	[spmem:s2] =	stream.indirect.scatter.add.f32 [tilespmem:s15], [sflag:$0x5], $0x1, s24, s0, $0xb8;
	[tilespmem:$0x7A00] =	vst v63  }
0x18e: {  	_ = 	snop  }
0x18f: {  	[spmem:s3] =	stream.indirect.scatter.add.f32 [tilespmem:s1], [sflag:$0x5], $0x1, s24, s0, $0xb8;
	[tilespmem:$0x7A00] =	vst v63  }
0x190: {  	s15 =	simm.s32 $0xD80;
	s24 =	simm.s32 $0x2580  }
0x191: {  	[spmem:s2] =	stream.indirect.scatter.add.f32 [tilespmem:s15], [sflag:$0x5], $0x1, s24, s0, $0xb8;
	[tilespmem:$0x7A00] =	vst v63  }
0x192: {  	_ = 	snop  }
0x193: {  	[spmem:s3] =	stream.indirect.scatter.add.f32 [tilespmem:s1], [sflag:$0x5], $0x1, s24, s0, $0xb8;
	[tilespmem:$0x7A00] =	vst v63  }
0x194: {  	s15 =	simm.s32 $0xE00;
	s24 =	simm.s32 $0x2600  }
0x195: {  	[spmem:s2] =	stream.indirect.scatter.add.f32 [tilespmem:s15], [sflag:$0x5], $0x1, s24, s0, $0xb8;
	[tilespmem:$0x7A00] =	vst v63  }
0x196: {  	_ = 	snop  }
0x197: {  	[spmem:s3] =	stream.indirect.scatter.add.f32 [tilespmem:s1], [sflag:$0x5], $0x1, s24, s0, $0xb8;
	[tilespmem:$0x7A00] =	vst v63  }
0x198: {  	s15 =	simm.s32 $0xE80;
	s24 =	simm.s32 $0x2680  }
0x199: {  	[spmem:s2] =	stream.indirect.scatter.add.f32 [tilespmem:s15], [sflag:$0x5], $0x1, s24, s0, $0xb8;
	[tilespmem:$0x7A00] =	vst v63  }
0x19a: {  	_ = 	snop  }
0x19b: {  	[spmem:s3] =	stream.indirect.scatter.add.f32 [tilespmem:s1], [sflag:$0x5], $0x1, s24, s0, $0xb8;
	[tilespmem:$0x7A00] =	vst v63  }
0x19c: {  	s15 =	simm.s32 $0xF00;
	s24 =	simm.s32 $0x2700  }
0x19d: {  	[spmem:s2] =	stream.indirect.scatter.add.f32 [tilespmem:s15], [sflag:$0x5], $0x1, s24, s0, $0xb8;
	[tilespmem:$0x7A00] =	vst v63  }
0x19e: {  	_ = 	snop  }
0x19f: {  	[spmem:s3] =	stream.indirect.scatter.add.f32 [tilespmem:s1], [sflag:$0x5], $0x1, s24, s0, $0xb8;
	[tilespmem:$0x7A00] =	vst v63  }
0x1a0: {  	s15 =	simm.s32 $0xF80;
	s24 =	simm.s32 $0x2780  }
0x1a1: {  	[spmem:s2] =	stream.indirect.scatter.add.f32 [tilespmem:s15], [sflag:$0x5], $0x1, s24, s0, $0xb8;
	[tilespmem:$0x7A00] =	vst v63  }
0x1a2: {  	_ = 	snop  }
0x1a3: {  	[spmem:s3] =	stream.indirect.scatter.add.f32 [tilespmem:s1], [sflag:$0x5], $0x1, s24, s0, $0xb8;
	[tilespmem:$0x7A00] =	vst v63  }
0x1a4: {  	_ =	swait.ge [sflag:s13], $0x80  }
0x1a5: {  	[sflag:s13] =	ssyncset.done $0x0  }
0x1a6: {  	[sflag:s13] =	ssyncadd.s32 $0xFFFFFF80  }
0x1a7: {  	_ =	swait.ge [sflag:s13], $0x80  }
0x1a8: {  	[sflag:s13] =	ssyncset.done $0x0  }
0x1a9: {  	[sflag:s13] =	ssyncadd.s32 $0xFFFFFF80  }
0x1aa: {  	_ =	swait.ge [sflag:s13], $0x80  }
0x1ab: {  	[sflag:s13] =	ssyncset.done $0x0  }
0x1ac: {  	[sflag:s13] =	ssyncadd.s32 $0xFFFFFF80  }
0x1ad: {  	_ =	swait.ge [sflag:s13], $0x80  }
0x1ae: {  	[sflag:s13] =	ssyncset.done $0x0  }
0x1af: {  	[sflag:s13] =	ssyncadd.s32 $0xFFFFFF80  }
0x1b0: {  	_ =	swait.ge [sflag:s13], $0x80  }
0x1b1: {  	[sflag:s13] =	ssyncset.done $0x0  }
0x1b2: {  	[sflag:s13] =	ssyncadd.s32 $0xFFFFFF80  }
0x1b3: {  	_ =	swait.ge [sflag:s13], $0x80  }
0x1b4: {  	[sflag:s13] =	ssyncset.done $0x0  }
0x1b5: {  	[sflag:s13] =	ssyncadd.s32 $0xFFFFFF80  }
0x1b6: {  	_ =	swait.ge [sflag:s13], $0x80  }
0x1b7: {  	[sflag:s13] =	ssyncset.done $0x0  }
0x1b8: {  	[sflag:s13] =	ssyncadd.s32 $0xFFFFFF80  }
0x1b9: {  	_ =	swait.ge [sflag:s13], $0x80  }
0x1ba: {  	[sflag:s13] =	ssyncset.done $0x0  }
0x1bb: {  	[sflag:s13] =	ssyncadd.s32 $0xFFFFFF80  }
0x1bc: {  	_ =	swait.ge [sflag:s13], $0x80  }
0x1bd: {  	[sflag:s13] =	ssyncset.done $0x0  }
0x1be: {  	[sflag:s13] =	ssyncadd.s32 $0xFFFFFF80  }
0x1bf: {  	_ =	swait.ge [sflag:s13], $0x80  }
0x1c0: {  	[sflag:s13] =	ssyncset.done $0x0  }
0x1c1: {  	[sflag:s13] =	ssyncadd.s32 $0xFFFFFF80  }
0x1c2: {  	_ =	swait.ge [sflag:s13], $0x80  }
0x1c3: {  	[sflag:s13] =	ssyncset.done $0x0  }
0x1c4: {  	[sflag:s13] =	ssyncadd.s32 $0xFFFFFF80  }
0x1c5: {  	_ =	swait.ge [sflag:s13], $0x80  }
0x1c6: {  	[sflag:s13] =	ssyncset.done $0x0  }
0x1c7: {  	[sflag:s13] =	ssyncadd.s32 $0xFFFFFF80  }
0x1c8: {  	_ =	swait.ge [sflag:s13], $0x80  }
0x1c9: {  	[sflag:s13] =	ssyncset.done $0x0  }
0x1ca: {  	[sflag:s13] =	ssyncadd.s32 $0xFFFFFF80  }
0x1cb: {  	_ =	swait.ge [sflag:s13], $0x80  }
0x1cc: {  	[sflag:s13] =	ssyncset.done $0x0  }
0x1cd: {  	[sflag:s13] =	ssyncadd.s32 $0xFFFFFF80  }
0x1ce: {  	_ =	swait.ge [sflag:s13], $0x80  }
0x1cf: {  	[sflag:s13] =	ssyncset.done $0x0  }
0x1d0: {  	[sflag:s13] =	ssyncadd.s32 $0xFFFFFF80  }
0x1d1: {  	_ =	swait.ge [sflag:s13], $0x80  }
0x1d2: {  	[sflag:s13] =	ssyncset.done $0x0  }
0x1d3: {  	[sflag:s13] =	ssyncadd.s32 $0xFFFFFF80  }
0x1d4: {  	_ =	swait.ge [sflag:s13], $0x80  }
0x1d5: {  	[sflag:s13] =	ssyncset.done $0x0  }
0x1d6: {  	[sflag:s13] =	ssyncadd.s32 $0xFFFFFF80  }
0x1d7: {  	_ =	swait.ge [sflag:s13], $0x80  }
0x1d8: {  	[sflag:s13] =	ssyncset.done $0x0  }
0x1d9: {  	[sflag:s13] =	ssyncadd.s32 $0xFFFFFF80  }
0x1da: {  	_ =	swait.ge [sflag:s13], $0x80  }
0x1db: {  	[sflag:s13] =	ssyncset.done $0x0  }
0x1dc: {  	[sflag:s13] =	ssyncadd.s32 $0xFFFFFF80  }
0x1dd: {  	_ =	swait.ge [sflag:s13], $0x80  }
0x1de: {  	[sflag:s13] =	ssyncset.done $0x0  }
0x1df: {  	[sflag:s13] =	ssyncadd.s32 $0xFFFFFF80  }
0x1e0: {  	_ =	swait.ge [sflag:s13], $0x80  }
0x1e1: {  	[sflag:s13] =	ssyncset.done $0x0  }
0x1e2: {  	[sflag:s13] =	ssyncadd.s32 $0xFFFFFF80  }
0x1e3: {  	_ =	swait.ge [sflag:s13], $0x80  }
0x1e4: {  	[sflag:s13] =	ssyncset.done $0x0  }
0x1e5: {  	[sflag:s13] =	ssyncadd.s32 $0xFFFFFF80  }
0x1e6: {  	_ =	swait.ge [sflag:s13], $0x80  }
0x1e7: {  	[sflag:s13] =	ssyncset.done $0x0  }
0x1e8: {  	[sflag:s13] =	ssyncadd.s32 $0xFFFFFF80  }
0x1e9: {  	_ =	swait.ge [sflag:s13], $0x80  }
0x1ea: {  	[sflag:s13] =	ssyncset.done $0x0  }
0x1eb: {  	[sflag:s13] =	ssyncadd.s32 $0xFFFFFF80  }
0x1ec: {  	_ =	swait.ge [sflag:s13], $0x80  }
0x1ed: {  	[sflag:s13] =	ssyncset.done $0x0  }
0x1ee: {  	[sflag:s13] =	ssyncadd.s32 $0xFFFFFF80  }
0x1ef: {  	_ =	swait.ge [sflag:s13], $0x80  }
0x1f0: {  	[sflag:s13] =	ssyncset.done $0x0  }
0x1f1: {  	[sflag:s13] =	ssyncadd.s32 $0xFFFFFF80  }
0x1f2: {  	_ =	swait.ge [sflag:s13], $0x80  }
0x1f3: {  	[sflag:s13] =	ssyncset.done $0x0  }
0x1f4: {  	[sflag:s13] =	ssyncadd.s32 $0xFFFFFF80  }
0x1f5: {  	_ =	swait.ge [sflag:s13], $0x80  }
0x1f6: {  	[sflag:s13] =	ssyncset.done $0x0  }
0x1f7: {  	[sflag:s13] =	ssyncadd.s32 $0xFFFFFF80  }
0x1f8: {  	_ =	swait.ge [sflag:s13], $0x80  }
0x1f9: {  	[sflag:s13] =	ssyncset.done $0x0  }
0x1fa: {  	[sflag:s13] =	ssyncadd.s32 $0xFFFFFF80  }
0x1fb: {  	_ =	swait.ge [sflag:s13], $0x80  }
0x1fc: {  	[sflag:s13] =	ssyncset.done $0x0  }
0x1fd: {  	[sflag:s13] =	ssyncadd.s32 $0xFFFFFF80  }
0x1fe: {  	_ =	swait.ge [sflag:s13], $0x80  }
0x1ff: {  	[sflag:s13] =	ssyncset.done $0x0  }
0x200: {  	[sflag:s13] =	ssyncadd.s32 $0xFFFFFF80  }
0x201: {  	p0 =	seq.s32 s17, $0x6000;
	_ =	swait.ge [sflag:s13], $0x80  }
0x202: {  	s24 =	sshrl.u32 @!p0 s7, $0x3;
	[sflag:s13] =	ssyncset.done $0x0;
	s8 =	rddreg [dreg:$0x4]  }
0x203: {  	s15 =	simm.s32 @!p0 $0x0;
	[sflag:s13] =	ssyncadd.s32 $0xFFFFFF80;
	s8 =	sadd.s32 @!p0 s8, s24  }
0x204: {  	[tilespmem:s15], [sflag:$0x1] =	stream.linear.gather @!p0 [hbm4b:s8+s15], $0x800, $0x38;
	[tilespmem:$0x7A00] =	vst v63  }
0x205: {  	s8 =	rddreg [dreg:$0x5]  }
0x206: {  	s8 =	sadd.s32 @!p0 s8, s24;
	s24 =	simm.s32 @!p0 $0x1800  }
0x207: {  	[tilespmem:s24], [sflag:$0x1] =	stream.linear.gather @!p0 [hbm4b:s8+s15], $0x800, $0x38;
	[tilespmem:$0x7A00] =	vst v63  }
0x208: {  	_ =	swait.ge [sflag:s16], $0x800  }
0x209: {  	[sflag:s16] =	ssyncset.done $0x0  }
0x20a: {  	[sflag:s16] =	ssyncadd.s32 $0xFFFFF800  }
0x20b: {  	_ =	swait.ge [sflag:s16], $0x800  }
0x20c: {  	[sflag:s16] =	ssyncset.done $0x0  }
0x20d: {  	[sflag:s16] =	ssyncadd.s32 $0xFFFFF800  }
0x20e: {  	[spmem:s2] =	stream.indirect.scatter.add.f32 [tilespmem:s20], [sflag:$0x6], $0x1, s30, s0, $0xb8;
	[tilespmem:$0x7A00] =	vst v63  }
0x20f: {  	_ = 	snop  }
0x210: {  	[spmem:s3] =	stream.indirect.scatter.add.f32 [tilespmem:s1], [sflag:$0x6], $0x1, s30, s0, $0xb8;
	[tilespmem:$0x7A00] =	vst v63  }
0x211: {  	s24 =	simm.s32 $0x1080;
	s20 =	simm.s32 $0x2880  }
0x212: {  	[spmem:s2] =	stream.indirect.scatter.add.f32 [tilespmem:s24], [sflag:$0x6], $0x1, s20, s0, $0xb8;
	[tilespmem:$0x7A00] =	vst v63  }
0x213: {  	_ = 	snop  }
0x214: {  	[spmem:s3] =	stream.indirect.scatter.add.f32 [tilespmem:s1], [sflag:$0x6], $0x1, s20, s0, $0xb8;
	[tilespmem:$0x7A00] =	vst v63  }
0x215: {  	s24 =	simm.s32 $0x1100;
	s20 =	simm.s32 $0x2900  }
0x216: {  	[spmem:s2] =	stream.indirect.scatter.add.f32 [tilespmem:s24], [sflag:$0x6], $0x1, s20, s0, $0xb8;
	[tilespmem:$0x7A00] =	vst v63  }
0x217: {  	_ = 	snop  }
0x218: {  	[spmem:s3] =	stream.indirect.scatter.add.f32 [tilespmem:s1], [sflag:$0x6], $0x1, s20, s0, $0xb8;
	[tilespmem:$0x7A00] =	vst v63  }
0x219: {  	s24 =	simm.s32 $0x1180;
	s20 =	simm.s32 $0x2980  }
0x21a: {  	[spmem:s2] =	stream.indirect.scatter.add.f32 [tilespmem:s24], [sflag:$0x6], $0x1, s20, s0, $0xb8;
	[tilespmem:$0x7A00] =	vst v63  }
0x21b: {  	_ = 	snop  }
0x21c: {  	[spmem:s3] =	stream.indirect.scatter.add.f32 [tilespmem:s1], [sflag:$0x6], $0x1, s20, s0, $0xb8;
	[tilespmem:$0x7A00] =	vst v63  }
0x21d: {  	s24 =	simm.s32 $0x1200;
	s20 =	simm.s32 $0x2A00  }
0x21e: {  	[spmem:s2] =	stream.indirect.scatter.add.f32 [tilespmem:s24], [sflag:$0x6], $0x1, s20, s0, $0xb8;
	[tilespmem:$0x7A00] =	vst v63  }
0x21f: {  	_ = 	snop  }
0x220: {  	[spmem:s3] =	stream.indirect.scatter.add.f32 [tilespmem:s1], [sflag:$0x6], $0x1, s20, s0, $0xb8;
	[tilespmem:$0x7A00] =	vst v63  }
0x221: {  	s20 =	simm.s32 $0x1280  }
0x222: {  	[spmem:s2] =	stream.indirect.scatter.add.f32 [tilespmem:s20], [sflag:$0x6], $0x1, s21, s0, $0xb8;
	[tilespmem:$0x7A00] =	vst v63  }
0x223: {  	_ = 	snop  }
0x224: {  	[spmem:s3] =	stream.indirect.scatter.add.f32 [tilespmem:s1], [sflag:$0x6], $0x1, s21, s0, $0xb8;
	[tilespmem:$0x7A00] =	vst v63  }
0x225: {  	s24 =	simm.s32 $0x1300  }
0x226: {  	[spmem:s2] =	stream.indirect.scatter.add.f32 [tilespmem:s24], [sflag:$0x6], $0x1, s29, s0, $0xb8;
	[tilespmem:$0x7A00] =	vst v63  }
0x227: {  	_ = 	snop  }
0x228: {  	[spmem:s3] =	stream.indirect.scatter.add.f32 [tilespmem:s1], [sflag:$0x6], $0x1, s29, s0, $0xb8;
	[tilespmem:$0x7A00] =	vst v63  }
0x229: {  	s15 =	simm.s32 $0x1380  }
0x22a: {  	[spmem:s2] =	stream.indirect.scatter.add.f32 [tilespmem:s15], [sflag:$0x6], $0x1, s5, s0, $0xb8;
	[tilespmem:$0x7A00] =	vst v63  }
0x22b: {  	_ = 	snop  }
0x22c: {  	[spmem:s3] =	stream.indirect.scatter.add.f32 [tilespmem:s1], [sflag:$0x6], $0x1, s5, s0, $0xb8;
	[tilespmem:$0x7A00] =	vst v63  }
0x22d: {  	s20 =	simm.s32 $0x1400  }
0x22e: {  	[spmem:s2] =	stream.indirect.scatter.add.f32 [tilespmem:s20], [sflag:$0x6], $0x1, s6, s0, $0xb8;
	[tilespmem:$0x7A00] =	vst v63  }
0x22f: {  	_ = 	snop  }
0x230: {  	[spmem:s3] =	stream.indirect.scatter.add.f32 [tilespmem:s1], [sflag:$0x6], $0x1, s6, s0, $0xb8;
	[tilespmem:$0x7A00] =	vst v63  }
0x231: {  	s24 =	simm.s32 $0x1480  }
0x232: {  	[spmem:s2] =	stream.indirect.scatter.add.f32 [tilespmem:s24], [sflag:$0x6], $0x1, s18, s0, $0xb8;
	[tilespmem:$0x7A00] =	vst v63  }
0x233: {  	_ = 	snop  }
0x234: {  	[spmem:s3] =	stream.indirect.scatter.add.f32 [tilespmem:s1], [sflag:$0x6], $0x1, s18, s0, $0xb8;
	[tilespmem:$0x7A00] =	vst v63  }
0x235: {  	s15 =	simm.s32 $0x1500  }
0x236: {  	[spmem:s2] =	stream.indirect.scatter.add.f32 [tilespmem:s15], [sflag:$0x6], $0x1, s19, s0, $0xb8;
	[tilespmem:$0x7A00] =	vst v63  }
0x237: {  	_ = 	snop  }
0x238: {  	[spmem:s3] =	stream.indirect.scatter.add.f32 [tilespmem:s1], [sflag:$0x6], $0x1, s19, s0, $0xb8;
	[tilespmem:$0x7A00] =	vst v63  }
0x239: {  	s20 =	simm.s32 $0x1580  }
0x23a: {  	[spmem:s2] =	stream.indirect.scatter.add.f32 [tilespmem:s20], [sflag:$0x6], $0x1, s26, s0, $0xb8;
	[tilespmem:$0x7A00] =	vst v63  }
0x23b: {  	_ = 	snop  }
0x23c: {  	[spmem:s3] =	stream.indirect.scatter.add.f32 [tilespmem:s1], [sflag:$0x6], $0x1, s26, s0, $0xb8;
	[tilespmem:$0x7A00] =	vst v63  }
0x23d: {  	s24 =	simm.s32 $0x1600  }
0x23e: {  	[spmem:s2] =	stream.indirect.scatter.add.f32 [tilespmem:s24], [sflag:$0x6], $0x1, s9, s0, $0xb8;
	[tilespmem:$0x7A00] =	vst v63  }
0x23f: {  	_ = 	snop  }
0x240: {  	[spmem:s3] =	stream.indirect.scatter.add.f32 [tilespmem:s1], [sflag:$0x6], $0x1, s9, s0, $0xb8;
	[tilespmem:$0x7A00] =	vst v63  }
0x241: {  	s15 =	simm.s32 $0x1680  }
0x242: {  	[spmem:s2] =	stream.indirect.scatter.add.f32 [tilespmem:s15], [sflag:$0x6], $0x1, s10, s0, $0xb8;
	[tilespmem:$0x7A00] =	vst v63  }
0x243: {  	_ = 	snop  }
0x244: {  	[spmem:s3] =	stream.indirect.scatter.add.f32 [tilespmem:s1], [sflag:$0x6], $0x1, s10, s0, $0xb8;
	[tilespmem:$0x7A00] =	vst v63  }
0x245: {  	s20 =	simm.s32 $0x1700  }
0x246: {  	[spmem:s2] =	stream.indirect.scatter.add.f32 [tilespmem:s20], [sflag:$0x6], $0x1, s12, s0, $0xb8;
	[tilespmem:$0x7A00] =	vst v63  }
0x247: {  	_ = 	snop  }
0x248: {  	[spmem:s3] =	stream.indirect.scatter.add.f32 [tilespmem:s1], [sflag:$0x6], $0x1, s12, s0, $0xb8;
	[tilespmem:$0x7A00] =	vst v63  }
0x249: {  	s24 =	simm.s32 $0x1780  }
0x24a: {  	[spmem:s2] =	stream.indirect.scatter.add.f32 [tilespmem:s24], [sflag:$0x6], $0x1, s25, s0, $0xb8;
	[tilespmem:$0x7A00] =	vst v63  }
0x24b: {  	_ = 	snop  }
0x24c: {  	[spmem:s3] =	stream.indirect.scatter.add.f32 [tilespmem:s1], [sflag:$0x6], $0x1, s25, s0, $0xb8;
	[tilespmem:$0x7A00] =	vst v63  }
0x24d: {  	_ =	swait.ge [sflag:s14], $0x80  }
0x24e: {  	[sflag:s14] =	ssyncset.done $0x0  }
0x24f: {  	[sflag:s14] =	ssyncadd.s32 $0xFFFFFF80  }
0x250: {  	_ =	swait.ge [sflag:s14], $0x80  }
0x251: {  	[sflag:s14] =	ssyncset.done $0x0  }
0x252: {  	[sflag:s14] =	ssyncadd.s32 $0xFFFFFF80  }
0x253: {  	_ =	swait.ge [sflag:s14], $0x80  }
0x254: {  	[sflag:s14] =	ssyncset.done $0x0  }
0x255: {  	[sflag:s14] =	ssyncadd.s32 $0xFFFFFF80  }
0x256: {  	_ =	swait.ge [sflag:s14], $0x80  }
0x257: {  	[sflag:s14] =	ssyncset.done $0x0  }
0x258: {  	[sflag:s14] =	ssyncadd.s32 $0xFFFFFF80  }
0x259: {  	_ =	swait.ge [sflag:s14], $0x80  }
0x25a: {  	[sflag:s14] =	ssyncset.done $0x0  }
0x25b: {  	[sflag:s14] =	ssyncadd.s32 $0xFFFFFF80  }
0x25c: {  	_ =	swait.ge [sflag:s14], $0x80  }
0x25d: {  	[sflag:s14] =	ssyncset.done $0x0  }
0x25e: {  	[sflag:s14] =	ssyncadd.s32 $0xFFFFFF80  }
0x25f: {  	_ =	swait.ge [sflag:s14], $0x80  }
0x260: {  	[sflag:s14] =	ssyncset.done $0x0  }
0x261: {  	[sflag:s14] =	ssyncadd.s32 $0xFFFFFF80  }
0x262: {  	_ =	swait.ge [sflag:s14], $0x80  }
0x263: {  	[sflag:s14] =	ssyncset.done $0x0  }
0x264: {  	[sflag:s14] =	ssyncadd.s32 $0xFFFFFF80  }
0x265: {  	_ =	swait.ge [sflag:s14], $0x80  }
0x266: {  	[sflag:s14] =	ssyncset.done $0x0  }
0x267: {  	[sflag:s14] =	ssyncadd.s32 $0xFFFFFF80  }
0x268: {  	_ =	swait.ge [sflag:s14], $0x80  }
0x269: {  	[sflag:s14] =	ssyncset.done $0x0  }
0x26a: {  	[sflag:s14] =	ssyncadd.s32 $0xFFFFFF80  }
0x26b: {  	_ =	swait.ge [sflag:s14], $0x80  }
0x26c: {  	[sflag:s14] =	ssyncset.done $0x0  }
0x26d: {  	[sflag:s14] =	ssyncadd.s32 $0xFFFFFF80  }
0x26e: {  	_ =	swait.ge [sflag:s14], $0x80  }
0x26f: {  	[sflag:s14] =	ssyncset.done $0x0  }
0x270: {  	[sflag:s14] =	ssyncadd.s32 $0xFFFFFF80  }
0x271: {  	_ =	swait.ge [sflag:s14], $0x80  }
0x272: {  	[sflag:s14] =	ssyncset.done $0x0  }
0x273: {  	[sflag:s14] =	ssyncadd.s32 $0xFFFFFF80  }
0x274: {  	_ =	swait.ge [sflag:s14], $0x80  }
0x275: {  	[sflag:s14] =	ssyncset.done $0x0  }
0x276: {  	[sflag:s14] =	ssyncadd.s32 $0xFFFFFF80  }
0x277: {  	_ =	swait.ge [sflag:s14], $0x80  }
0x278: {  	[sflag:s14] =	ssyncset.done $0x0  }
0x279: {  	[sflag:s14] =	ssyncadd.s32 $0xFFFFFF80  }
0x27a: {  	_ =	swait.ge [sflag:s14], $0x80  }
0x27b: {  	[sflag:s14] =	ssyncset.done $0x0  }
0x27c: {  	[sflag:s14] =	ssyncadd.s32 $0xFFFFFF80  }
0x27d: {  	_ =	swait.ge [sflag:s14], $0x80  }
0x27e: {  	[sflag:s14] =	ssyncset.done $0x0  }
0x27f: {  	[sflag:s14] =	ssyncadd.s32 $0xFFFFFF80  }
0x280: {  	_ =	swait.ge [sflag:s14], $0x80  }
0x281: {  	[sflag:s14] =	ssyncset.done $0x0  }
0x282: {  	[sflag:s14] =	ssyncadd.s32 $0xFFFFFF80  }
0x283: {  	_ =	swait.ge [sflag:s14], $0x80  }
0x284: {  	[sflag:s14] =	ssyncset.done $0x0  }
0x285: {  	[sflag:s14] =	ssyncadd.s32 $0xFFFFFF80  }
0x286: {  	_ =	swait.ge [sflag:s14], $0x80  }
0x287: {  	[sflag:s14] =	ssyncset.done $0x0  }
0x288: {  	[sflag:s14] =	ssyncadd.s32 $0xFFFFFF80  }
0x289: {  	_ =	swait.ge [sflag:s14], $0x80  }
0x28a: {  	[sflag:s14] =	ssyncset.done $0x0  }
0x28b: {  	[sflag:s14] =	ssyncadd.s32 $0xFFFFFF80  }
0x28c: {  	_ =	swait.ge [sflag:s14], $0x80  }
0x28d: {  	[sflag:s14] =	ssyncset.done $0x0  }
0x28e: {  	[sflag:s14] =	ssyncadd.s32 $0xFFFFFF80  }
0x28f: {  	_ =	swait.ge [sflag:s14], $0x80  }
0x290: {  	[sflag:s14] =	ssyncset.done $0x0  }
0x291: {  	[sflag:s14] =	ssyncadd.s32 $0xFFFFFF80  }
0x292: {  	_ =	swait.ge [sflag:s14], $0x80  }
0x293: {  	[sflag:s14] =	ssyncset.done $0x0  }
0x294: {  	[sflag:s14] =	ssyncadd.s32 $0xFFFFFF80  }
0x295: {  	_ =	swait.ge [sflag:s14], $0x80  }
0x296: {  	[sflag:s14] =	ssyncset.done $0x0  }
0x297: {  	[sflag:s14] =	ssyncadd.s32 $0xFFFFFF80  }
0x298: {  	_ =	swait.ge [sflag:s14], $0x80  }
0x299: {  	[sflag:s14] =	ssyncset.done $0x0  }
0x29a: {  	[sflag:s14] =	ssyncadd.s32 $0xFFFFFF80  }
0x29b: {  	_ =	swait.ge [sflag:s14], $0x80  }
0x29c: {  	[sflag:s14] =	ssyncset.done $0x0  }
0x29d: {  	[sflag:s14] =	ssyncadd.s32 $0xFFFFFF80  }
0x29e: {  	_ =	swait.ge [sflag:s14], $0x80  }
0x29f: {  	[sflag:s14] =	ssyncset.done $0x0  }
0x2a0: {  	[sflag:s14] =	ssyncadd.s32 $0xFFFFFF80  }
0x2a1: {  	_ =	swait.ge [sflag:s14], $0x80  }
0x2a2: {  	[sflag:s14] =	ssyncset.done $0x0  }
0x2a3: {  	[sflag:s14] =	ssyncadd.s32 $0xFFFFFF80  }
0x2a4: {  	_ =	swait.ge [sflag:s14], $0x80  }
0x2a5: {  	[sflag:s14] =	ssyncset.done $0x0  }
0x2a6: {  	[sflag:s14] =	ssyncadd.s32 $0xFFFFFF80  }
0x2a7: {  	_ =	swait.ge [sflag:s14], $0x80  }
.Ltmp4:
0x2a8: {  	[sflag:s14] =	ssyncset.done $0x0;
	(pc) =	sbr.rel @p0 .LBB2_8-.Ltmp4, $4  }
0x2a9: {  	[sflag:s14] =	ssyncadd.s32 $0xFFFFFF80  }
0x2aa: {  	_ =	swait.ge [sflag:s14], $0x80  }
0x2ab: {  	[sflag:s14] =	ssyncset.done $0x0  }
0x2ac: {  	s11 =	simm.s32 $0x800;
	s24 =	simm.s32 $0x1000;
	[sflag:s14] =	ssyncadd.s32 $0xFFFFFF80  }
.Ltmp5:
0x2ad: {  	s8 =	rddreg [dreg:$0x12];
	(pc) =	sbr.rel .LBB2_4-.Ltmp5, $4  }
0x2ae: {  	s24 =	rddreg [dreg:$0x11];
	s7 =	sadd.s32 $0x1800, s7;
	s8 =	sadd.s32 s17, s8  }
0x2af: {  	[tilespmem:s11], [sflag:$0x2] =	stream.linear.gather [hbm4b:s8+s4], $0x800, $0x38;
	[tilespmem:$0x7A00] =	vst v63  }
0x2b0: {  	s15 =	simm.s32 $0x800;
	s8 =	sadd.s32 s17, s24;
	s17 =	sadd.s32 $0x300, s17  }
0x2b1: {  	[tilespmem:s28], [sflag:$0x2] =	stream.linear.gather [hbm4b:s8+s4], $0x800, $0x38;
	[tilespmem:$0x7A00] =	vst v63  }
.LBB2_9:
0x2b2: {  	_ =	sfence.sel $0x180000  }
0x2b3: {  	[bflag:$0x0] =	sbarrier.arrive $0xFFFF  }
0x2b4: {  	_ =	strace $0x90000047  }
0x2b5: {  	s0 =	stileid.u32;
	[bflag:$0x2] =	sbarrier.arrive $0xFFFF  }
0x2b6: {  	p0 =	sne.s32 s0, $0x0;
	s0 =	rddreg [dreg:$0x3]  }
0x2b7: {  	s0 =	sadd.s32 @!p0 $0x100000, s0  }
0x2b8: {  	[sflag:s0] =	ssyncadd.tile.s32 @!p0 $0x1;
	_ =	shalt  }
.Lfunc_end2:
_tile_overlayer_lowered:
.L_overlay_start_2:
0x2b9: {  	(tag) =	ssettag $0x2  }
0x2ba: {  	s0 =	rddreg [dreg:$0x0];
	s2 =	stileid.u32  }
0x2bb: {  	s1 =	rddreg [dreg:$0x1];
	p0 =	sne.s32 s2, $0x0  }
0x2bc: {  	s3 =	rddreg [dreg:$0x2];
	[bflag:$0x3] =	sbarrier.arrive $0xFFFF;
	s2 =	simm.s32 @!p0 $0x1C07  }
0x2bd: {  	[timem:s3], [sflag:s2] =	dma.local @!p0 [hbm:s0], s1  }
0x2be: {  	s0 =	simm.s32 @!p0 $0x7  }
0x2bf: {  	_ =	swait.ge @!p0 [sflag:s0], s1  }
0x2c0: {  	s1 =	ssub.s32 @!p0 $0x0, s1;
	[sflag:s0] =	ssyncset.done @!p0 $0x0  }
0x2c1: {  	[sflag:s0] =	ssyncadd.s32 @!p0 s1  }
0x2c2: {  	[bflag:$0x3] =	sbarrier.arrive $0xFFFF  }
0x2c3: {  	_ =	shalt  }

</sc_bundles>
